<compile_context>
chip_gen: v7x
topology: tpu7x:2x2x1
jax: 0.10.2.dev20260603
libtpu: 0.0.44.dev20260713+nightly
codegen_flags: <defaults>
</compile_context>

<pallas_src>
import functools

import jax
import jax.numpy as jnp
from jax import lax
from jax.experimental import pallas as pl
from jax.experimental.pallas import tpu as pltpu
from jax.experimental.pallas import tpu_sc as plsc

NFE = 6400000
NCAND = 1000000
NSAMP = 200000
NSEG = 1024

NC, NS, L = 2, 16, 16
NW = NC * NS

UC = NCAND // 64
UW = UC // NW
CW = UW * 64
UC_EXTRA = UC - UW * NW
US = NSAMP // 64
SW = US // NW
SC_N = SW * 64
US_EXTRA = US - SW * NW

_mesh = plsc.VectorSubcoreMesh(
    core_axis_name="c", subcore_axis_name="s",
    num_cores=NC, num_subcores=NS)

_NEG_BIG = -3.0e38

_params = pltpu.CompilerParams(
    needs_layout_passes=False, use_tc_tiling_on_sc=False)


@functools.partial(
    pl.kernel,
    out_type=(
        jax.ShapeDtypeStruct((NCAND,), jnp.float32),
        jax.ShapeDtypeStruct((NC, NSEG), jnp.float32),
        jax.ShapeDtypeStruct((NC, L), jnp.float32),
    ),
    mesh=_mesh,
    compiler_params=_params,
    scratch_types=(
        pltpu.VMEM((CW,), jnp.int32),
        pltpu.VMEM((CW,), jnp.int32),
        pltpu.VMEM((CW,), jnp.float32),
        pltpu.VMEM((CW,), jnp.float32),
        pltpu.VMEM((64,), jnp.int32),
        pltpu.VMEM((64,), jnp.int32),
        pltpu.VMEM((64,), jnp.float32),
        pltpu.VMEM((64,), jnp.float32),
        pltpu.VMEM((L,), jnp.float32),
        pltpu.VMEM((L,), jnp.float32),
        pltpu.VMEM((NS, L), jnp.float32),
        pltpu.VMEM((NSEG,), jnp.float32),
        pltpu.VMEM_SHARED((NS, L), jnp.float32),
        pltpu.VMEM_SHARED((NSEG,), jnp.float32),
        pltpu.SemaphoreType.DMA,
        pltpu.SemaphoreType.DMA,
    ),
)
def _k12(eg_hbm, ei_hbm, u_hbm, logits_hbm,
         z_hbm, sums_hbm, scmax_hbm,
         ei_v, eg_v, lg_v, u_v, ex_ei, ex_eg, ex_lg, ex_u,
         pm_v, max_ref, maxbuf_v, zeros_v, sh_max, sh_sums, sem, sem2):
    cid = lax.axis_index("c")
    sid = lax.axis_index("s")
    wid = sid * NC + cid
    c0 = wid * CW
    max_ref[:] = jnp.full((L,), _NEG_BIG, jnp.float32)

    CH = CW // 2
    pltpu.sync_copy(ei_hbm.at[pl.ds(c0, CW)], ei_v)
    ga = pltpu.async_copy(
        logits_hbm.at[ei_v.at[pl.ds(0, CH)]], lg_v.at[pl.ds(0, CH)], sem)
    gb = pltpu.async_copy(
        logits_hbm.at[ei_v.at[pl.ds(CH, CH)]], lg_v.at[pl.ds(CH, CH)], sem2)
    pltpu.sync_copy(u_hbm.at[pl.ds(c0, CW)], u_v)
    pltpu.sync_copy(eg_hbm.at[pl.ds(c0, CW)], eg_v)

    for t in range(NSEG // L):
        zeros_v[pl.ds(t * L, L)] = jnp.zeros((L,), jnp.float32)

    @pl.when(sid == 0)
    def _init():
        pltpu.sync_copy(zeros_v, sh_sums)

    @pl.when(wid < UC_EXTRA)
    def _extra_z():
        e0 = (UW * NW + wid) * 64
        pltpu.sync_copy(ei_hbm.at[pl.ds(e0, 64)], ex_ei)
        pltpu.sync_copy(u_hbm.at[pl.ds(e0, 64)], ex_u)
        pltpu.sync_copy(eg_hbm.at[pl.ds(e0, 64)], ex_eg)
        pltpu.sync_copy(logits_hbm.at[ex_ei], ex_lg)
        for j in range(4):
            sl = pl.ds(j * L, L)
            zj = ex_lg[sl] + ex_u[sl]
            ex_lg[sl] = zj
            max_ref[:] = jnp.maximum(max_ref[:], zj)
        pltpu.sync_copy(ex_lg, z_hbm.at[pl.ds(e0, 64)])

    def zrow(r, mx):
        for cj in range(16):
            sl = pl.ds(r * 256 + cj * L, L)
            zj = lg_v[sl] + u_v[sl]
            lg_v[sl] = zj
            mx = jnp.maximum(mx, zj)
        return mx
    ga.wait()
    mx = lax.fori_loop(0, CH // 256, zrow, max_ref[:])
    gb.wait()
    mx = lax.fori_loop(CH // 256, CW // 256, zrow, mx)
    pm_v[:] = mx
    zw = pltpu.async_copy(lg_v, z_hbm.at[pl.ds(c0, CW)], sem)

    pltpu.sync_copy(pm_v, sh_max.at[sid])
    plsc.subcore_barrier()
    pltpu.sync_copy(sh_max, maxbuf_v)

    def mrow(r, acc):
        return jnp.maximum(acc, maxbuf_v[r, :])
    m16 = lax.fori_loop(0, NS, mrow, jnp.full((L,), _NEG_BIG, jnp.float32))
    m = jnp.max(m16)
    zw.wait()

    def erow(r, _):
        for cj in range(16):
            sl = pl.ds(r * 256 + cj * L, L)
            lg_v[sl] = jnp.exp(lg_v[sl] - m)
        return 0

    lax.fori_loop(0, CH // 256, erow, 0)
    sa = pltpu.async_copy(
        lg_v.at[pl.ds(0, CH)], sh_sums.at[eg_v.at[pl.ds(0, CH)]], sem,
        add=True)
    lax.fori_loop(CH // 256, CW // 256, erow, 0)
    sb = pltpu.async_copy(
        lg_v.at[pl.ds(CH, CH)], sh_sums.at[eg_v.at[pl.ds(CH, CH)]], sem2,
        add=True)
    sa.wait()
    sb.wait()

    @pl.when(wid < UC_EXTRA)
    def _extra_sum():
        for j in range(4):
            sl = pl.ds(j * L, L)
            ex_lg[sl] = jnp.exp(ex_lg[sl] - m)
        pltpu.sync_copy(ex_lg, sh_sums.at[ex_eg], add=True)

    plsc.subcore_barrier()

    @pl.when(sid == 0)
    def _out():
        pltpu.sync_copy(sh_sums, sums_hbm.at[cid])
        pm_v[:] = jnp.zeros((L,), jnp.float32) + m
        pltpu.sync_copy(pm_v, scmax_hbm.at[cid])


@functools.partial(
    pl.kernel,
    out_type=jax.ShapeDtypeStruct((NSAMP,), jnp.float32),
    mesh=_mesh,
    compiler_params=_params,
    scratch_types=(
        pltpu.VMEM((NC, L), jnp.float32),
        pltpu.VMEM((NC, NSEG), jnp.float32),
        pltpu.VMEM((NSEG,), jnp.float32),
        pltpu.VMEM((SC_N,), jnp.int32),
        pltpu.VMEM((SC_N,), jnp.float32),
        pltpu.VMEM((SC_N,), jnp.int32),
        pltpu.VMEM((SC_N,), jnp.float32),
        pltpu.VMEM((64,), jnp.int32),
        pltpu.VMEM((64,), jnp.float32),
        pltpu.VMEM((64,), jnp.int32),
        pltpu.VMEM((64,), jnp.float32),
        pltpu.SemaphoreType.DMA,
        pltpu.SemaphoreType.DMA,
    ),
)
def _k3(ca_hbm, zf_hbm, egf_hbm, scmax_hbm, sums_hbm, out_hbm,
        mx_v, su_v, stab_v, ca_v, zc_v, egc_v, o_v,
        ex_ca, ex_z, ex_eg, ex_o, sem, sem2):
    wid = lax.axis_index("s") * NC + lax.axis_index("c")
    s0 = wid * SC_N
    pltpu.sync_copy(ca_hbm.at[pl.ds(s0, SC_N)], ca_v)
    g1 = pltpu.async_copy(zf_hbm.at[ca_v], zc_v, sem)
    g2 = pltpu.async_copy(egf_hbm.at[ca_v], egc_v, sem2)

    pltpu.sync_copy(scmax_hbm, mx_v)
    m0 = jnp.max(mx_v[0, :])
    m1 = jnp.max(mx_v[1, :])
    m = jnp.maximum(m0, m1)
    f0 = jnp.exp(jnp.zeros((L,), jnp.float32) + (m0 - m))
    f1 = jnp.exp(jnp.zeros((L,), jnp.float32) + (m1 - m))
    pltpu.sync_copy(sums_hbm, su_v)
    for t in range(NSEG // L):
        sl = pl.ds(t * L, L)
        stab_v[sl] = su_v[0, sl] * f0 + su_v[1, sl] * f1

    g1.wait()
    g2.wait()

    def crow(r, _):
        for cj in range(4):
            sl = pl.ds(r * 64 + cj * L, L)
            s16 = plsc.load_gather(stab_v, [egc_v[sl]])
            y = jnp.exp(zc_v[sl] - m) / s16
            o_v[sl] = (1.0 - y) + y
        return 0
    lax.fori_loop(0, SW, crow, 0)
    pltpu.sync_copy(o_v, out_hbm.at[pl.ds(s0, SC_N)])

    @pl.when(wid < US_EXTRA)
    def _extra():
        e0 = (SW * NW + wid) * 64
        pltpu.sync_copy(ca_hbm.at[pl.ds(e0, 64)], ex_ca)
        pltpu.sync_copy(zf_hbm.at[ex_ca], ex_z)
        pltpu.sync_copy(egf_hbm.at[ex_ca], ex_eg)
        for j in range(4):
            sl = pl.ds(j * L, L)
            s16 = plsc.load_gather(stab_v, [ex_eg[sl]])
            y = jnp.exp(ex_z[sl] - m) / s16
            ex_o[sl] = (1.0 - y) + y
        pltpu.sync_copy(ex_o, out_hbm.at[pl.ds(e0, 64)])


def kernel(candidate_edges, loglog_u, sampled_edges, edges_logits):
    eg = candidate_edges[:, 0]
    ei = candidate_edges[:, 1]
    ca = sampled_edges[:, 5]
    z, sums, scmax = _k12(eg, ei, loglog_u, edges_logits)
    return _k3(ca, z, eg, scmax, sums)

# --- scband reference (transcript-rebuilt; emitter-appended) ---
"""Pipeline reference for scband-sampler-25323127177408 (READ-ONLY COPY).

The authoritative reference and input builder live on the scoring server;
editing this copy changes nothing except your own understanding.
"""

import jax, jax.numpy as jnp
import numpy as np

N_FULL_EDGES = 6400000
N_CAND = 1000000
N_SAMP = 200000
NUM_SEG = 1024


def setup_inputs(seed: int = 0) -> dict:
    key = jax.random.key(seed)
    k1, k2, k3, k4, k5, k6 = jax.random.split(key, 6)
    # candidate_edges columns: (eg_idx, edge_id, vi, vj, rel), sorted by eg_idx
    eg_idx = jnp.sort(jax.random.randint(k1, (N_CAND,), 0, NUM_SEG))
    edge_id = jax.random.randint(k2, (N_CAND,), 0, N_FULL_EDGES)
    vi = jax.random.randint(k3, (N_CAND,), 0, 100000)
    vj = jax.random.randint(k4, (N_CAND,), 0, 100000)
    rel = jax.random.randint(k5, (N_CAND,), 0, 32)
    candidate_edges = jnp.stack([eg_idx, edge_id, vi, vj, rel], axis=1).astype(jnp.int32)
    # gumbel noise: -log(-log(u))
    loglog_u = jax.random.gumbel(k6, (N_CAND,), dtype=jnp.float32)
    # sampled_edges columns: (eg_idx, edge_id, vi, vj, rel, ca_idx); ca_idx indexes candidate_edges
    ks = jax.random.split(jax.random.fold_in(key, 7), 6)
    ca_idx = jnp.sort(jax.random.randint(ks[5], (N_SAMP,), 0, N_CAND))
    sampled_edges = jnp.stack([
        jax.random.randint(ks[0], (N_SAMP,), 0, NUM_SEG),
        jax.random.randint(ks[1], (N_SAMP,), 0, N_FULL_EDGES),
        jax.random.randint(ks[2], (N_SAMP,), 0, 100000),
        jax.random.randint(ks[3], (N_SAMP,), 0, 100000),
        jax.random.randint(ks[4], (N_SAMP,), 0, 32),
        ca_idx,
    ], axis=1).astype(jnp.int32)
    # learned parameter: edges_logits (init zeros in module; small random for a non-degenerate check)
    edges_logits = jax.random.normal(jax.random.fold_in(key, 8), (N_FULL_EDGES,), dtype=jnp.float32) * 0.01
    return {
        "candidate_edges": candidate_edges,
        "loglog_u": loglog_u,
        "sampled_edges": sampled_edges,
        "edges_logits": edges_logits,
    }


def _sparse_softmax(logits, segment_ids, num_segments):
    logits_max = jax.ops.segment_max(logits, segment_ids, num_segments=num_segments)
    logits_diff = logits - logits_max[segment_ids]
    logits_exp = jnp.exp(logits_diff)
    logits_expsum = jax.ops.segment_sum(logits_exp, segment_ids, num_segments=num_segments)
    return logits_exp / logits_expsum[segment_ids]


def reference(candidate_edges, loglog_u, sampled_edges, edges_logits):
    # mode == 'by_eg', diff_control=None, hard=True
    segment_ids = candidate_edges[:, 0]
    edge_id = candidate_edges[:, 1]
    logits = jnp.take(edges_logits, edge_id, axis=0)
    ca_idx = sampled_edges[:, 5]
    y = logits + loglog_u
    y = _sparse_softmax(y, segment_ids, NUM_SEG)
    y = jnp.take(y, ca_idx, axis=0)
    y_hard = jnp.ones_like(y)
    y = jax.lax.stop_gradient(y_hard - y) + y
    return y

if __name__ == "__main__":
    import jax
    _d = setup_inputs()
    print(jax.jit(kernel)(*tuple(_d.values())))

</pallas_src>

<mosaic_0001>
#map = affine_map<(d0, d1) -> (0)>
#map1 = affine_map<(d0, d1) -> (0, 0)>
module attributes {stable_mosaic.version = 14 : i64} {
  func.func @_k12(%arg0: i32, %arg1: i32, %arg2: memref<1000000xi32, #tpu.memory_space<hbm>>, %arg3: memref<1000000xi32, #tpu.memory_space<hbm>>, %arg4: memref<1000000xf32, #tpu.memory_space<hbm>>, %arg5: memref<6400000xf32, #tpu.memory_space<hbm>>, %arg6: memref<1000000xf32, #tpu.memory_space<hbm>>, %arg7: memref<2x1024xf32, #tpu.memory_space<hbm>>, %arg8: memref<2x16xf32, #tpu.memory_space<hbm>>, %arg9: memref<31232xi32, #tpu.memory_space<vmem>>, %arg10: memref<31232xi32, #tpu.memory_space<vmem>>, %arg11: memref<31232xf32, #tpu.memory_space<vmem>>, %arg12: memref<31232xf32, #tpu.memory_space<vmem>>, %arg13: memref<64xi32, #tpu.memory_space<vmem>>, %arg14: memref<64xi32, #tpu.memory_space<vmem>>, %arg15: memref<64xf32, #tpu.memory_space<vmem>>, %arg16: memref<64xf32, #tpu.memory_space<vmem>>, %arg17: memref<16xf32, #tpu.memory_space<vmem>>, %arg18: memref<16xf32, #tpu.memory_space<vmem>>, %arg19: memref<16x16xf32, #tpu.memory_space<vmem>>, %arg20: memref<1024xf32, #tpu.memory_space<vmem>>, %arg21: memref<16x16xf32, #tpu.memory_space<vmem_shared>>, %arg22: memref<1024xf32, #tpu.memory_space<vmem_shared>>, %arg23: memref<!tpu.dma_semaphore, #tpu.memory_space<semaphore_mem>>, %arg24: memref<!tpu.dma_semaphore, #tpu.memory_space<semaphore_mem>>) attributes {dimension_semantics = [#tpu.dimension_semantics<core_parallel>, #tpu.dimension_semantics<subcore_parallel>], iteration_bounds = array<i64: 2, 16>, scalar_prefetch = 0 : i64, scratch_operands = 16 : i64, tpu.core_type = #tpu.core_type<sc_vector_subcore>, window_params = [{transform_indices = #map}, {transform_indices = #map}, {transform_indices = #map}, {transform_indices = #map}, {transform_indices = #map}, {transform_indices = #map1}, {transform_indices = #map1}]} {
    %mul3A = arith.constant 2 : i32
    %mul3A_0 = arith.muli %arg1, %mul3A : i32
    %add3A = arith.addi %mul3A_0, %arg0 : i32
    %mul3A_1 = arith.constant 31232 : i32
    %mul3A_2 = arith.muli %add3A, %mul3A_1 : i32
    %broadcast_in_dim3A = arith.constant -3.000000e+38 : f32
    %broadcast_in_dim3A_3 = vector.broadcast %broadcast_in_dim3A : f32 to vector<16xf32>
    %swap3A = arith.constant 0 : index
    %swap3A_4 = tpu.vector_load %arg18[%swap3A] {strides = array<i32>} : memref<16xf32, #tpu.memory_space<vmem>>, vector<16xf32>,
    tpu.vector_store %arg18[%swap3A], %broadcast_in_dim3A_3 {strides = array<i32>} : memref<16xf32, #tpu.memory_space<vmem>>, vector<16xf32>,
    "tpu.region"() ({
      %run_scoped3A = tpu.sem_alloc : memref<!tpu.dma_semaphore, #tpu.memory_space<semaphore_mem>>
      %dma_start3A_367 = tpu.memref_slice %arg3[%mul3A_2] : memref<1000000xi32, #tpu.memory_space<hbm>> -> memref<31232xi32, #tpu.memory_space<hbm>>
      %dma_start3A_368 = tpu.memref_slice %arg3[%mul3A_2] : memref<1000000xi32, #tpu.memory_space<hbm>> -> memref<31232xi32, #tpu.memory_space<hbm>>
      tpu.enqueue_dma source(%dma_start3A_368 : memref<31232xi32, #tpu.memory_space<hbm>>) target(%arg9 : memref<31232xi32, #tpu.memory_space<vmem>>) target_semaphore(%run_scoped3A : memref<!tpu.dma_semaphore, #tpu.memory_space<semaphore_mem>>)
      %dma_wait3A_369 = tpu.memref_slice %arg3[%mul3A_2] : memref<1000000xi32, #tpu.memory_space<hbm>> -> memref<31232xi32, #tpu.memory_space<hbm>>
      %dma_wait3A_370 = tpu.memref_slice %arg3[%mul3A_2] : memref<1000000xi32, #tpu.memory_space<hbm>> -> memref<31232xi32, #tpu.memory_space<hbm>>
      tpu.wait_dma2 semaphore(%run_scoped3A : memref<!tpu.dma_semaphore, #tpu.memory_space<semaphore_mem>>) src(%dma_wait3A_370 : memref<31232xi32, #tpu.memory_space<hbm>>) dst(%arg9 : memref<31232xi32, #tpu.memory_space<vmem>>)
      tpu.yield
    }) : () -> ()
    %dma_start3A = arith.constant 0 : i32
    %dma_start3A_5 = tpu.memref_slice %arg11[%dma_start3A] : memref<31232xf32, #tpu.memory_space<vmem>> -> memref<15616xf32, #tpu.memory_space<vmem>>
    %dma_start3A_6 = arith.constant 0 : i32
    %dma_start3A_7 = tpu.memref_slice %arg9[%dma_start3A_6] : memref<31232xi32, #tpu.memory_space<vmem>> -> memref<15616xi32, #tpu.memory_space<vmem>>
    %dma_start3A_8 = arith.constant 0 : i32
    %dma_start3A_9 = tpu.memref_slice %arg5[%dma_start3A_8] : memref<6400000xf32, #tpu.memory_space<hbm>> -> memref<6400000xf32, #tpu.memory_space<hbm>>
    tpu.enqueue_indirect_dma source(%dma_start3A_9 : memref<6400000xf32, #tpu.memory_space<hbm>>) target(%dma_start3A_5 : memref<15616xf32, #tpu.memory_space<vmem>>) offsets(%dma_start3A_7 : memref<15616xi32, #tpu.memory_space<vmem>>) semaphore(%arg23 : memref<!tpu.dma_semaphore, #tpu.memory_space<semaphore_mem>>)
    %dma_start3A_10 = arith.constant 15616 : i32
    %dma_start3A_11 = tpu.memref_slice %arg11[%dma_start3A_10] : memref<31232xf32, #tpu.memory_space<vmem>> -> memref<15616xf32, #tpu.memory_space<vmem>>
    %dma_start3A_12 = arith.constant 15616 : i32
    %dma_start3A_13 = tpu.memref_slice %arg9[%dma_start3A_12] : memref<31232xi32, #tpu.memory_space<vmem>> -> memref<15616xi32, #tpu.memory_space<vmem>>
    %dma_start3A_14 = arith.constant 0 : i32
    %dma_start3A_15 = tpu.memref_slice %arg5[%dma_start3A_14] : memref<6400000xf32, #tpu.memory_space<hbm>> -> memref<6400000xf32, #tpu.memory_space<hbm>>
    tpu.enqueue_indirect_dma source(%dma_start3A_15 : memref<6400000xf32, #tpu.memory_space<hbm>>) target(%dma_start3A_11 : memref<15616xf32, #tpu.memory_space<vmem>>) offsets(%dma_start3A_13 : memref<15616xi32, #tpu.memory_space<vmem>>) semaphore(%arg24 : memref<!tpu.dma_semaphore, #tpu.memory_space<semaphore_mem>>)
    "tpu.region"() ({
      %run_scoped3A = tpu.sem_alloc : memref<!tpu.dma_semaphore, #tpu.memory_space<semaphore_mem>>
      %dma_start3A_367 = tpu.memref_slice %arg4[%mul3A_2] : memref<1000000xf32, #tpu.memory_space<hbm>> -> memref<31232xf32, #tpu.memory_space<hbm>>
      %dma_start3A_368 = tpu.memref_slice %arg4[%mul3A_2] : memref<1000000xf32, #tpu.memory_space<hbm>> -> memref<31232xf32, #tpu.memory_space<hbm>>
      tpu.enqueue_dma source(%dma_start3A_368 : memref<31232xf32, #tpu.memory_space<hbm>>) target(%arg12 : memref<31232xf32, #tpu.memory_space<vmem>>) target_semaphore(%run_scoped3A : memref<!tpu.dma_semaphore, #tpu.memory_space<semaphore_mem>>)
      %dma_wait3A_369 = tpu.memref_slice %arg4[%mul3A_2] : memref<1000000xf32, #tpu.memory_space<hbm>> -> memref<31232xf32, #tpu.memory_space<hbm>>
      %dma_wait3A_370 = tpu.memref_slice %arg4[%mul3A_2] : memref<1000000xf32, #tpu.memory_space<hbm>> -> memref<31232xf32, #tpu.memory_space<hbm>>
      tpu.wait_dma2 semaphore(%run_scoped3A : memref<!tpu.dma_semaphore, #tpu.memory_space<semaphore_mem>>) src(%dma_wait3A_370 : memref<31232xf32, #tpu.memory_space<hbm>>) dst(%arg12 : memref<31232xf32, #tpu.memory_space<vmem>>)
      tpu.yield
    }) : () -> ()
    "tpu.region"() ({
      %run_scoped3A = tpu.sem_alloc : memref<!tpu.dma_semaphore, #tpu.memory_space<semaphore_mem>>
      %dma_start3A_367 = tpu.memref_slice %arg2[%mul3A_2] : memref<1000000xi32, #tpu.memory_space<hbm>> -> memref<31232xi32, #tpu.memory_space<hbm>>
      %dma_start3A_368 = tpu.memref_slice %arg2[%mul3A_2] : memref<1000000xi32, #tpu.memory_space<hbm>> -> memref<31232xi32, #tpu.memory_space<hbm>>
      tpu.enqueue_dma source(%dma_start3A_368 : memref<31232xi32, #tpu.memory_space<hbm>>) target(%arg10 : memref<31232xi32, #tpu.memory_space<vmem>>) target_semaphore(%run_scoped3A : memref<!tpu.dma_semaphore, #tpu.memory_space<semaphore_mem>>)
      %dma_wait3A_369 = tpu.memref_slice %arg2[%mul3A_2] : memref<1000000xi32, #tpu.memory_space<hbm>> -> memref<31232xi32, #tpu.memory_space<hbm>>
      %dma_wait3A_370 = tpu.memref_slice %arg2[%mul3A_2] : memref<1000000xi32, #tpu.memory_space<hbm>> -> memref<31232xi32, #tpu.memory_space<hbm>>
      tpu.wait_dma2 semaphore(%run_scoped3A : memref<!tpu.dma_semaphore, #tpu.memory_space<semaphore_mem>>) src(%dma_wait3A_370 : memref<31232xi32, #tpu.memory_space<hbm>>) dst(%arg10 : memref<31232xi32, #tpu.memory_space<vmem>>)
      tpu.yield
    }) : () -> ()
    %broadcast_in_dim3A_16 = arith.constant 0.000000e+00 : f32
    %broadcast_in_dim3A_17 = vector.broadcast %broadcast_in_dim3A_16 : f32 to vector<16xf32>
    %swap3A_18 = arith.constant 0 : index
    %swap3A_19 = tpu.vector_load %arg20[%swap3A_18] {strides = array<i32>} : memref<1024xf32, #tpu.memory_space<vmem>>, vector<16xf32>,
    tpu.vector_store %arg20[%swap3A_18], %broadcast_in_dim3A_17 {strides = array<i32>} : memref<1024xf32, #tpu.memory_space<vmem>>, vector<16xf32>,
    %broadcast_in_dim3A_20 = arith.constant 0.000000e+00 : f32
    %broadcast_in_dim3A_21 = vector.broadcast %broadcast_in_dim3A_20 : f32 to vector<16xf32>
    %swap3A_22 = arith.constant 16 : index
    %swap3A_23 = tpu.vector_load %arg20[%swap3A_22] {strides = array<i32>} : memref<1024xf32, #tpu.memory_space<vmem>>, vector<16xf32>,
    tpu.vector_store %arg20[%swap3A_22], %broadcast_in_dim3A_21 {strides = array<i32>} : memref<1024xf32, #tpu.memory_space<vmem>>, vector<16xf32>,
    %broadcast_in_dim3A_24 = arith.constant 0.000000e+00 : f32
    %broadcast_in_dim3A_25 = vector.broadcast %broadcast_in_dim3A_24 : f32 to vector<16xf32>
    %swap3A_26 = arith.constant 32 : index
    %swap3A_27 = tpu.vector_load %arg20[%swap3A_26] {strides = array<i32>} : memref<1024xf32, #tpu.memory_space<vmem>>, vector<16xf32>,
    tpu.vector_store %arg20[%swap3A_26], %broadcast_in_dim3A_25 {strides = array<i32>} : memref<1024xf32, #tpu.memory_space<vmem>>, vector<16xf32>,
    %broadcast_in_dim3A_28 = arith.constant 0.000000e+00 : f32
    %broadcast_in_dim3A_29 = vector.broadcast %broadcast_in_dim3A_28 : f32 to vector<16xf32>
    %swap3A_30 = arith.constant 48 : index
    %swap3A_31 = tpu.vector_load %arg20[%swap3A_30] {strides = array<i32>} : memref<1024xf32, #tpu.memory_space<vmem>>, vector<16xf32>,
    tpu.vector_store %arg20[%swap3A_30], %broadcast_in_dim3A_29 {strides = array<i32>} : memref<1024xf32, #tpu.memory_space<vmem>>, vector<16xf32>,
    %broadcast_in_dim3A_32 = arith.constant 0.000000e+00 : f32
    %broadcast_in_dim3A_33 = vector.broadcast %broadcast_in_dim3A_32 : f32 to vector<16xf32>
    %swap3A_34 = arith.constant 64 : index
    %swap3A_35 = tpu.vector_load %arg20[%swap3A_34] {strides = array<i32>} : memref<1024xf32, #tpu.memory_space<vmem>>, vector<16xf32>,
    tpu.vector_store %arg20[%swap3A_34], %broadcast_in_dim3A_33 {strides = array<i32>} : memref<1024xf32, #tpu.memory_space<vmem>>, vector<16xf32>,
    %broadcast_in_dim3A_36 = arith.constant 0.000000e+00 : f32
    %broadcast_in_dim3A_37 = vector.broadcast %broadcast_in_dim3A_36 : f32 to vector<16xf32>
    %swap3A_38 = arith.constant 80 : index
    %swap3A_39 = tpu.vector_load %arg20[%swap3A_38] {strides = array<i32>} : memref<1024xf32, #tpu.memory_space<vmem>>, vector<16xf32>,
    tpu.vector_store %arg20[%swap3A_38], %broadcast_in_dim3A_37 {strides = array<i32>} : memref<1024xf32, #tpu.memory_space<vmem>>, vector<16xf32>,
    %broadcast_in_dim3A_40 = arith.constant 0.000000e+00 : f32
    %broadcast_in_dim3A_41 = vector.broadcast %broadcast_in_dim3A_40 : f32 to vector<16xf32>
    %swap3A_42 = arith.constant 96 : index
    %swap3A_43 = tpu.vector_load %arg20[%swap3A_42] {strides = array<i32>} : memref<1024xf32, #tpu.memory_space<vmem>>, vector<16xf32>,
    tpu.vector_store %arg20[%swap3A_42], %broadcast_in_dim3A_41 {strides = array<i32>} : memref<1024xf32, #tpu.memory_space<vmem>>, vector<16xf32>,
    %broadcast_in_dim3A_44 = arith.constant 0.000000e+00 : f32
    %broadcast_in_dim3A_45 = vector.broadcast %broadcast_in_dim3A_44 : f32 to vector<16xf32>
    %swap3A_46 = arith.constant 112 : index
    %swap3A_47 = tpu.vector_load %arg20[%swap3A_46] {strides = array<i32>} : memref<1024xf32, #tpu.memory_space<vmem>>, vector<16xf32>,
    tpu.vector_store %arg20[%swap3A_46], %broadcast_in_dim3A_45 {strides = array<i32>} : memref<1024xf32, #tpu.memory_space<vmem>>, vector<16xf32>,
    %broadcast_in_dim3A_48 = arith.constant 0.000000e+00 : f32
    %broadcast_in_dim3A_49 = vector.broadcast %broadcast_in_dim3A_48 : f32 to vector<16xf32>
    %swap3A_50 = arith.constant 128 : index
    %swap3A_51 = tpu.vector_load %arg20[%swap3A_50] {strides = array<i32>} : memref<1024xf32, #tpu.memory_space<vmem>>, vector<16xf32>,
    tpu.vector_store %arg20[%swap3A_50], %broadcast_in_dim3A_49 {strides = array<i32>} : memref<1024xf32, #tpu.memory_space<vmem>>, vector<16xf32>,
    %broadcast_in_dim3A_52 = arith.constant 0.000000e+00 : f32
    %broadcast_in_dim3A_53 = vector.broadcast %broadcast_in_dim3A_52 : f32 to vector<16xf32>
    %swap3A_54 = arith.constant 144 : index
    %swap3A_55 = tpu.vector_load %arg20[%swap3A_54] {strides = array<i32>} : memref<1024xf32, #tpu.memory_space<vmem>>, vector<16xf32>,
    tpu.vector_store %arg20[%swap3A_54], %broadcast_in_dim3A_53 {strides = array<i32>} : memref<1024xf32, #tpu.memory_space<vmem>>, vector<16xf32>,
    %broadcast_in_dim3A_56 = arith.constant 0.000000e+00 : f32
    %broadcast_in_dim3A_57 = vector.broadcast %broadcast_in_dim3A_56 : f32 to vector<16xf32>
    %swap3A_58 = arith.constant 160 : index
    %swap3A_59 = tpu.vector_load %arg20[%swap3A_58] {strides = array<i32>} : memref<1024xf32, #tpu.memory_space<vmem>>, vector<16xf32>,
    tpu.vector_store %arg20[%swap3A_58], %broadcast_in_dim3A_57 {strides = array<i32>} : memref<1024xf32, #tpu.memory_space<vmem>>, vector<16xf32>,
    %broadcast_in_dim3A_60 = arith.constant 0.000000e+00 : f32
    %broadcast_in_dim3A_61 = vector.broadcast %broadcast_in_dim3A_60 : f32 to vector<16xf32>
    %swap3A_62 = arith.constant 176 : index
    %swap3A_63 = tpu.vector_load %arg20[%swap3A_62] {strides = array<i32>} : memref<1024xf32, #tpu.memory_space<vmem>>, vector<16xf32>,
    tpu.vector_store %arg20[%swap3A_62], %broadcast_in_dim3A_61 {strides = array<i32>} : memref<1024xf32, #tpu.memory_space<vmem>>, vector<16xf32>,
    %broadcast_in_dim3A_64 = arith.constant 0.000000e+00 : f32
    %broadcast_in_dim3A_65 = vector.broadcast %broadcast_in_dim3A_64 : f32 to vector<16xf32>
    %swap3A_66 = arith.constant 192 : index
    %swap3A_67 = tpu.vector_load %arg20[%swap3A_66] {strides = array<i32>} : memref<1024xf32, #tpu.memory_space<vmem>>, vector<16xf32>,
    tpu.vector_store %arg20[%swap3A_66], %broadcast_in_dim3A_65 {strides = array<i32>} : memref<1024xf32, #tpu.memory_space<vmem>>, vector<16xf32>,
    %broadcast_in_dim3A_68 = arith.constant 0.000000e+00 : f32
    %broadcast_in_dim3A_69 = vector.broadcast %broadcast_in_dim3A_68 : f32 to vector<16xf32>
    %swap3A_70 = arith.constant 208 : index
    %swap3A_71 = tpu.vector_load %arg20[%swap3A_70] {strides = array<i32>} : memref<1024xf32, #tpu.memory_space<vmem>>, vector<16xf32>,
    tpu.vector_store %arg20[%swap3A_70], %broadcast_in_dim3A_69 {strides = array<i32>} : memref<1024xf32, #tpu.memory_space<vmem>>, vector<16xf32>,
    %broadcast_in_dim3A_72 = arith.constant 0.000000e+00 : f32
    %broadcast_in_dim3A_73 = vector.broadcast %broadcast_in_dim3A_72 : f32 to vector<16xf32>
    %swap3A_74 = arith.constant 224 : index
    %swap3A_75 = tpu.vector_load %arg20[%swap3A_74] {strides = array<i32>} : memref<1024xf32, #tpu.memory_space<vmem>>, vector<16xf32>,
    tpu.vector_store %arg20[%swap3A_74], %broadcast_in_dim3A_73 {strides = array<i32>} : memref<1024xf32, #tpu.memory_space<vmem>>, vector<16xf32>,
    %broadcast_in_dim3A_76 = arith.constant 0.000000e+00 : f32
    %broadcast_in_dim3A_77 = vector.broadcast %broadcast_in_dim3A_76 : f32 to vector<16xf32>
    %swap3A_78 = arith.constant 240 : index
    %swap3A_79 = tpu.vector_load %arg20[%swap3A_78] {strides = array<i32>} : memref<1024xf32, #tpu.memory_space<vmem>>, vector<16xf32>,
    tpu.vector_store %arg20[%swap3A_78], %broadcast_in_dim3A_77 {strides = array<i32>} : memref<1024xf32, #tpu.memory_space<vmem>>, vector<16xf32>,
    %broadcast_in_dim3A_80 = arith.constant 0.000000e+00 : f32
    %broadcast_in_dim3A_81 = vector.broadcast %broadcast_in_dim3A_80 : f32 to vector<16xf32>
    %swap3A_82 = arith.constant 256 : index
    %swap3A_83 = tpu.vector_load %arg20[%swap3A_82] {strides = array<i32>} : memref<1024xf32, #tpu.memory_space<vmem>>, vector<16xf32>,
    tpu.vector_store %arg20[%swap3A_82], %broadcast_in_dim3A_81 {strides = array<i32>} : memref<1024xf32, #tpu.memory_space<vmem>>, vector<16xf32>,
    %broadcast_in_dim3A_84 = arith.constant 0.000000e+00 : f32
    %broadcast_in_dim3A_85 = vector.broadcast %broadcast_in_dim3A_84 : f32 to vector<16xf32>
    %swap3A_86 = arith.constant 272 : index
    %swap3A_87 = tpu.vector_load %arg20[%swap3A_86] {strides = array<i32>} : memref<1024xf32, #tpu.memory_space<vmem>>, vector<16xf32>,
    tpu.vector_store %arg20[%swap3A_86], %broadcast_in_dim3A_85 {strides = array<i32>} : memref<1024xf32, #tpu.memory_space<vmem>>, vector<16xf32>,
    %broadcast_in_dim3A_88 = arith.constant 0.000000e+00 : f32
    %broadcast_in_dim3A_89 = vector.broadcast %broadcast_in_dim3A_88 : f32 to vector<16xf32>
    %swap3A_90 = arith.constant 288 : index
    %swap3A_91 = tpu.vector_load %arg20[%swap3A_90] {strides = array<i32>} : memref<1024xf32, #tpu.memory_space<vmem>>, vector<16xf32>,
    tpu.vector_store %arg20[%swap3A_90], %broadcast_in_dim3A_89 {strides = array<i32>} : memref<1024xf32, #tpu.memory_space<vmem>>, vector<16xf32>,
    %broadcast_in_dim3A_92 = arith.constant 0.000000e+00 : f32
    %broadcast_in_dim3A_93 = vector.broadcast %broadcast_in_dim3A_92 : f32 to vector<16xf32>
    %swap3A_94 = arith.constant 304 : index
    %swap3A_95 = tpu.vector_load %arg20[%swap3A_94] {strides = array<i32>} : memref<1024xf32, #tpu.memory_space<vmem>>, vector<16xf32>,
    tpu.vector_store %arg20[%swap3A_94], %broadcast_in_dim3A_93 {strides = array<i32>} : memref<1024xf32, #tpu.memory_space<vmem>>, vector<16xf32>,
    %broadcast_in_dim3A_96 = arith.constant 0.000000e+00 : f32
    %broadcast_in_dim3A_97 = vector.broadcast %broadcast_in_dim3A_96 : f32 to vector<16xf32>
    %swap3A_98 = arith.constant 320 : index
    %swap3A_99 = tpu.vector_load %arg20[%swap3A_98] {strides = array<i32>} : memref<1024xf32, #tpu.memory_space<vmem>>, vector<16xf32>,
    tpu.vector_store %arg20[%swap3A_98], %broadcast_in_dim3A_97 {strides = array<i32>} : memref<1024xf32, #tpu.memory_space<vmem>>, vector<16xf32>,
    %broadcast_in_dim3A_100 = arith.constant 0.000000e+00 : f32
    %broadcast_in_dim3A_101 = vector.broadcast %broadcast_in_dim3A_100 : f32 to vector<16xf32>
    %swap3A_102 = arith.constant 336 : index
    %swap3A_103 = tpu.vector_load %arg20[%swap3A_102] {strides = array<i32>} : memref<1024xf32, #tpu.memory_space<vmem>>, vector<16xf32>,
    tpu.vector_store %arg20[%swap3A_102], %broadcast_in_dim3A_101 {strides = array<i32>} : memref<1024xf32, #tpu.memory_space<vmem>>, vector<16xf32>,
    %broadcast_in_dim3A_104 = arith.constant 0.000000e+00 : f32
    %broadcast_in_dim3A_105 = vector.broadcast %broadcast_in_dim3A_104 : f32 to vector<16xf32>
    %swap3A_106 = arith.constant 352 : index
    %swap3A_107 = tpu.vector_load %arg20[%swap3A_106] {strides = array<i32>} : memref<1024xf32, #tpu.memory_space<vmem>>, vector<16xf32>,
    tpu.vector_store %arg20[%swap3A_106], %broadcast_in_dim3A_105 {strides = array<i32>} : memref<1024xf32, #tpu.memory_space<vmem>>, vector<16xf32>,
    %broadcast_in_dim3A_108 = arith.constant 0.000000e+00 : f32
    %broadcast_in_dim3A_109 = vector.broadcast %broadcast_in_dim3A_108 : f32 to vector<16xf32>
    %swap3A_110 = arith.constant 368 : index
    %swap3A_111 = tpu.vector_load %arg20[%swap3A_110] {strides = array<i32>} : memref<1024xf32, #tpu.memory_space<vmem>>, vector<16xf32>,
    tpu.vector_store %arg20[%swap3A_110], %broadcast_in_dim3A_109 {strides = array<i32>} : memref<1024xf32, #tpu.memory_space<vmem>>, vector<16xf32>,
    %broadcast_in_dim3A_112 = arith.constant 0.000000e+00 : f32
    %broadcast_in_dim3A_113 = vector.broadcast %broadcast_in_dim3A_112 : f32 to vector<16xf32>
    %swap3A_114 = arith.constant 384 : index
    %swap3A_115 = tpu.vector_load %arg20[%swap3A_114] {strides = array<i32>} : memref<1024xf32, #tpu.memory_space<vmem>>, vector<16xf32>,
    tpu.vector_store %arg20[%swap3A_114], %broadcast_in_dim3A_113 {strides = array<i32>} : memref<1024xf32, #tpu.memory_space<vmem>>, vector<16xf32>,
    %broadcast_in_dim3A_116 = arith.constant 0.000000e+00 : f32
    %broadcast_in_dim3A_117 = vector.broadcast %broadcast_in_dim3A_116 : f32 to vector<16xf32>
    %swap3A_118 = arith.constant 400 : index
    %swap3A_119 = tpu.vector_load %arg20[%swap3A_118] {strides = array<i32>} : memref<1024xf32, #tpu.memory_space<vmem>>, vector<16xf32>,
    tpu.vector_store %arg20[%swap3A_118], %broadcast_in_dim3A_117 {strides = array<i32>} : memref<1024xf32, #tpu.memory_space<vmem>>, vector<16xf32>,
    %broadcast_in_dim3A_120 = arith.constant 0.000000e+00 : f32
    %broadcast_in_dim3A_121 = vector.broadcast %broadcast_in_dim3A_120 : f32 to vector<16xf32>
    %swap3A_122 = arith.constant 416 : index
    %swap3A_123 = tpu.vector_load %arg20[%swap3A_122] {strides = array<i32>} : memref<1024xf32, #tpu.memory_space<vmem>>, vector<16xf32>,
    tpu.vector_store %arg20[%swap3A_122], %broadcast_in_dim3A_121 {strides = array<i32>} : memref<1024xf32, #tpu.memory_space<vmem>>, vector<16xf32>,
    %broadcast_in_dim3A_124 = arith.constant 0.000000e+00 : f32
    %broadcast_in_dim3A_125 = vector.broadcast %broadcast_in_dim3A_124 : f32 to vector<16xf32>
    %swap3A_126 = arith.constant 432 : index
    %swap3A_127 = tpu.vector_load %arg20[%swap3A_126] {strides = array<i32>} : memref<1024xf32, #tpu.memory_space<vmem>>, vector<16xf32>,
    tpu.vector_store %arg20[%swap3A_126], %broadcast_in_dim3A_125 {strides = array<i32>} : memref<1024xf32, #tpu.memory_space<vmem>>, vector<16xf32>,
    %broadcast_in_dim3A_128 = arith.constant 0.000000e+00 : f32
    %broadcast_in_dim3A_129 = vector.broadcast %broadcast_in_dim3A_128 : f32 to vector<16xf32>
    %swap3A_130 = arith.constant 448 : index
    %swap3A_131 = tpu.vector_load %arg20[%swap3A_130] {strides = array<i32>} : memref<1024xf32, #tpu.memory_space<vmem>>, vector<16xf32>,
    tpu.vector_store %arg20[%swap3A_130], %broadcast_in_dim3A_129 {strides = array<i32>} : memref<1024xf32, #tpu.memory_space<vmem>>, vector<16xf32>,
    %broadcast_in_dim3A_132 = arith.constant 0.000000e+00 : f32
    %broadcast_in_dim3A_133 = vector.broadcast %broadcast_in_dim3A_132 : f32 to vector<16xf32>
    %swap3A_134 = arith.constant 464 : index
    %swap3A_135 = tpu.vector_load %arg20[%swap3A_134] {strides = array<i32>} : memref<1024xf32, #tpu.memory_space<vmem>>, vector<16xf32>,
    tpu.vector_store %arg20[%swap3A_134], %broadcast_in_dim3A_133 {strides = array<i32>} : memref<1024xf32, #tpu.memory_space<vmem>>, vector<16xf32>,
    %broadcast_in_dim3A_136 = arith.constant 0.000000e+00 : f32
    %broadcast_in_dim3A_137 = vector.broadcast %broadcast_in_dim3A_136 : f32 to vector<16xf32>
    %swap3A_138 = arith.constant 480 : index
    %swap3A_139 = tpu.vector_load %arg20[%swap3A_138] {strides = array<i32>} : memref<1024xf32, #tpu.memory_space<vmem>>, vector<16xf32>,
    tpu.vector_store %arg20[%swap3A_138], %broadcast_in_dim3A_137 {strides = array<i32>} : memref<1024xf32, #tpu.memory_space<vmem>>, vector<16xf32>,
    %broadcast_in_dim3A_140 = arith.constant 0.000000e+00 : f32
    %broadcast_in_dim3A_141 = vector.broadcast %broadcast_in_dim3A_140 : f32 to vector<16xf32>
    %swap3A_142 = arith.constant 496 : index
    %swap3A_143 = tpu.vector_load %arg20[%swap3A_142] {strides = array<i32>} : memref<1024xf32, #tpu.memory_space<vmem>>, vector<16xf32>,
    tpu.vector_store %arg20[%swap3A_142], %broadcast_in_dim3A_141 {strides = array<i32>} : memref<1024xf32, #tpu.memory_space<vmem>>, vector<16xf32>,
    %broadcast_in_dim3A_144 = arith.constant 0.000000e+00 : f32
    %broadcast_in_dim3A_145 = vector.broadcast %broadcast_in_dim3A_144 : f32 to vector<16xf32>
    %swap3A_146 = arith.constant 512 : index
    %swap3A_147 = tpu.vector_load %arg20[%swap3A_146] {strides = array<i32>} : memref<1024xf32, #tpu.memory_space<vmem>>, vector<16xf32>,
    tpu.vector_store %arg20[%swap3A_146], %broadcast_in_dim3A_145 {strides = array<i32>} : memref<1024xf32, #tpu.memory_space<vmem>>, vector<16xf32>,
    %broadcast_in_dim3A_148 = arith.constant 0.000000e+00 : f32
    %broadcast_in_dim3A_149 = vector.broadcast %broadcast_in_dim3A_148 : f32 to vector<16xf32>
    %swap3A_150 = arith.constant 528 : index
    %swap3A_151 = tpu.vector_load %arg20[%swap3A_150] {strides = array<i32>} : memref<1024xf32, #tpu.memory_space<vmem>>, vector<16xf32>,
    tpu.vector_store %arg20[%swap3A_150], %broadcast_in_dim3A_149 {strides = array<i32>} : memref<1024xf32, #tpu.memory_space<vmem>>, vector<16xf32>,
    %broadcast_in_dim3A_152 = arith.constant 0.000000e+00 : f32
    %broadcast_in_dim3A_153 = vector.broadcast %broadcast_in_dim3A_152 : f32 to vector<16xf32>
    %swap3A_154 = arith.constant 544 : index
    %swap3A_155 = tpu.vector_load %arg20[%swap3A_154] {strides = array<i32>} : memref<1024xf32, #tpu.memory_space<vmem>>, vector<16xf32>,
    tpu.vector_store %arg20[%swap3A_154], %broadcast_in_dim3A_153 {strides = array<i32>} : memref<1024xf32, #tpu.memory_space<vmem>>, vector<16xf32>,
    %broadcast_in_dim3A_156 = arith.constant 0.000000e+00 : f32
    %broadcast_in_dim3A_157 = vector.broadcast %broadcast_in_dim3A_156 : f32 to vector<16xf32>
    %swap3A_158 = arith.constant 560 : index
    %swap3A_159 = tpu.vector_load %arg20[%swap3A_158] {strides = array<i32>} : memref<1024xf32, #tpu.memory_space<vmem>>, vector<16xf32>,
    tpu.vector_store %arg20[%swap3A_158], %broadcast_in_dim3A_157 {strides = array<i32>} : memref<1024xf32, #tpu.memory_space<vmem>>, vector<16xf32>,
    %broadcast_in_dim3A_160 = arith.constant 0.000000e+00 : f32
    %broadcast_in_dim3A_161 = vector.broadcast %broadcast_in_dim3A_160 : f32 to vector<16xf32>
    %swap3A_162 = arith.constant 576 : index
    %swap3A_163 = tpu.vector_load %arg20[%swap3A_162] {strides = array<i32>} : memref<1024xf32, #tpu.memory_space<vmem>>, vector<16xf32>,
    tpu.vector_store %arg20[%swap3A_162], %broadcast_in_dim3A_161 {strides = array<i32>} : memref<1024xf32, #tpu.memory_space<vmem>>, vector<16xf32>,
    %broadcast_in_dim3A_164 = arith.constant 0.000000e+00 : f32
    %broadcast_in_dim3A_165 = vector.broadcast %broadcast_in_dim3A_164 : f32 to vector<16xf32>
    %swap3A_166 = arith.constant 592 : index
    %swap3A_167 = tpu.vector_load %arg20[%swap3A_166] {strides = array<i32>} : memref<1024xf32, #tpu.memory_space<vmem>>, vector<16xf32>,
    tpu.vector_store %arg20[%swap3A_166], %broadcast_in_dim3A_165 {strides = array<i32>} : memref<1024xf32, #tpu.memory_space<vmem>>, vector<16xf32>,
    %broadcast_in_dim3A_168 = arith.constant 0.000000e+00 : f32
    %broadcast_in_dim3A_169 = vector.broadcast %broadcast_in_dim3A_168 : f32 to vector<16xf32>
    %swap3A_170 = arith.constant 608 : index
    %swap3A_171 = tpu.vector_load %arg20[%swap3A_170] {strides = array<i32>} : memref<1024xf32, #tpu.memory_space<vmem>>, vector<16xf32>,
    tpu.vector_store %arg20[%swap3A_170], %broadcast_in_dim3A_169 {strides = array<i32>} : memref<1024xf32, #tpu.memory_space<vmem>>, vector<16xf32>,
    %broadcast_in_dim3A_172 = arith.constant 0.000000e+00 : f32
    %broadcast_in_dim3A_173 = vector.broadcast %broadcast_in_dim3A_172 : f32 to vector<16xf32>
    %swap3A_174 = arith.constant 624 : index
    %swap3A_175 = tpu.vector_load %arg20[%swap3A_174] {strides = array<i32>} : memref<1024xf32, #tpu.memory_space<vmem>>, vector<16xf32>,
    tpu.vector_store %arg20[%swap3A_174], %broadcast_in_dim3A_173 {strides = array<i32>} : memref<1024xf32, #tpu.memory_space<vmem>>, vector<16xf32>,
    %broadcast_in_dim3A_176 = arith.constant 0.000000e+00 : f32
    %broadcast_in_dim3A_177 = vector.broadcast %broadcast_in_dim3A_176 : f32 to vector<16xf32>
    %swap3A_178 = arith.constant 640 : index
    %swap3A_179 = tpu.vector_load %arg20[%swap3A_178] {strides = array<i32>} : memref<1024xf32, #tpu.memory_space<vmem>>, vector<16xf32>,
    tpu.vector_store %arg20[%swap3A_178], %broadcast_in_dim3A_177 {strides = array<i32>} : memref<1024xf32, #tpu.memory_space<vmem>>, vector<16xf32>,
    %broadcast_in_dim3A_180 = arith.constant 0.000000e+00 : f32
    %broadcast_in_dim3A_181 = vector.broadcast %broadcast_in_dim3A_180 : f32 to vector<16xf32>
    %swap3A_182 = arith.constant 656 : index
    %swap3A_183 = tpu.vector_load %arg20[%swap3A_182] {strides = array<i32>} : memref<1024xf32, #tpu.memory_space<vmem>>, vector<16xf32>,
    tpu.vector_store %arg20[%swap3A_182], %broadcast_in_dim3A_181 {strides = array<i32>} : memref<1024xf32, #tpu.memory_space<vmem>>, vector<16xf32>,
    %broadcast_in_dim3A_184 = arith.constant 0.000000e+00 : f32
    %broadcast_in_dim3A_185 = vector.broadcast %broadcast_in_dim3A_184 : f32 to vector<16xf32>
    %swap3A_186 = arith.constant 672 : index
    %swap3A_187 = tpu.vector_load %arg20[%swap3A_186] {strides = array<i32>} : memref<1024xf32, #tpu.memory_space<vmem>>, vector<16xf32>,
    tpu.vector_store %arg20[%swap3A_186], %broadcast_in_dim3A_185 {strides = array<i32>} : memref<1024xf32, #tpu.memory_space<vmem>>, vector<16xf32>,
    %broadcast_in_dim3A_188 = arith.constant 0.000000e+00 : f32
    %broadcast_in_dim3A_189 = vector.broadcast %broadcast_in_dim3A_188 : f32 to vector<16xf32>
    %swap3A_190 = arith.constant 688 : index
    %swap3A_191 = tpu.vector_load %arg20[%swap3A_190] {strides = array<i32>} : memref<1024xf32, #tpu.memory_space<vmem>>, vector<16xf32>,
    tpu.vector_store %arg20[%swap3A_190], %broadcast_in_dim3A_189 {strides = array<i32>} : memref<1024xf32, #tpu.memory_space<vmem>>, vector<16xf32>,
    %broadcast_in_dim3A_192 = arith.constant 0.000000e+00 : f32
    %broadcast_in_dim3A_193 = vector.broadcast %broadcast_in_dim3A_192 : f32 to vector<16xf32>
    %swap3A_194 = arith.constant 704 : index
    %swap3A_195 = tpu.vector_load %arg20[%swap3A_194] {strides = array<i32>} : memref<1024xf32, #tpu.memory_space<vmem>>, vector<16xf32>,
    tpu.vector_store %arg20[%swap3A_194], %broadcast_in_dim3A_193 {strides = array<i32>} : memref<1024xf32, #tpu.memory_space<vmem>>, vector<16xf32>,
    %broadcast_in_dim3A_196 = arith.constant 0.000000e+00 : f32
    %broadcast_in_dim3A_197 = vector.broadcast %broadcast_in_dim3A_196 : f32 to vector<16xf32>
    %swap3A_198 = arith.constant 720 : index
    %swap3A_199 = tpu.vector_load %arg20[%swap3A_198] {strides = array<i32>} : memref<1024xf32, #tpu.memory_space<vmem>>, vector<16xf32>,
    tpu.vector_store %arg20[%swap3A_198], %broadcast_in_dim3A_197 {strides = array<i32>} : memref<1024xf32, #tpu.memory_space<vmem>>, vector<16xf32>,
    %broadcast_in_dim3A_200 = arith.constant 0.000000e+00 : f32
    %broadcast_in_dim3A_201 = vector.broadcast %broadcast_in_dim3A_200 : f32 to vector<16xf32>
    %swap3A_202 = arith.constant 736 : index
    %swap3A_203 = tpu.vector_load %arg20[%swap3A_202] {strides = array<i32>} : memref<1024xf32, #tpu.memory_space<vmem>>, vector<16xf32>,
    tpu.vector_store %arg20[%swap3A_202], %broadcast_in_dim3A_201 {strides = array<i32>} : memref<1024xf32, #tpu.memory_space<vmem>>, vector<16xf32>,
    %broadcast_in_dim3A_204 = arith.constant 0.000000e+00 : f32
    %broadcast_in_dim3A_205 = vector.broadcast %broadcast_in_dim3A_204 : f32 to vector<16xf32>
    %swap3A_206 = arith.constant 752 : index
    %swap3A_207 = tpu.vector_load %arg20[%swap3A_206] {strides = array<i32>} : memref<1024xf32, #tpu.memory_space<vmem>>, vector<16xf32>,
    tpu.vector_store %arg20[%swap3A_206], %broadcast_in_dim3A_205 {strides = array<i32>} : memref<1024xf32, #tpu.memory_space<vmem>>, vector<16xf32>,
    %broadcast_in_dim3A_208 = arith.constant 0.000000e+00 : f32
    %broadcast_in_dim3A_209 = vector.broadcast %broadcast_in_dim3A_208 : f32 to vector<16xf32>
    %swap3A_210 = arith.constant 768 : index
    %swap3A_211 = tpu.vector_load %arg20[%swap3A_210] {strides = array<i32>} : memref<1024xf32, #tpu.memory_space<vmem>>, vector<16xf32>,
    tpu.vector_store %arg20[%swap3A_210], %broadcast_in_dim3A_209 {strides = array<i32>} : memref<1024xf32, #tpu.memory_space<vmem>>, vector<16xf32>,
    %broadcast_in_dim3A_212 = arith.constant 0.000000e+00 : f32
    %broadcast_in_dim3A_213 = vector.broadcast %broadcast_in_dim3A_212 : f32 to vector<16xf32>
    %swap3A_214 = arith.constant 784 : index
    %swap3A_215 = tpu.vector_load %arg20[%swap3A_214] {strides = array<i32>} : memref<1024xf32, #tpu.memory_space<vmem>>, vector<16xf32>,
    tpu.vector_store %arg20[%swap3A_214], %broadcast_in_dim3A_213 {strides = array<i32>} : memref<1024xf32, #tpu.memory_space<vmem>>, vector<16xf32>,
    %broadcast_in_dim3A_216 = arith.constant 0.000000e+00 : f32
    %broadcast_in_dim3A_217 = vector.broadcast %broadcast_in_dim3A_216 : f32 to vector<16xf32>
    %swap3A_218 = arith.constant 800 : index
    %swap3A_219 = tpu.vector_load %arg20[%swap3A_218] {strides = array<i32>} : memref<1024xf32, #tpu.memory_space<vmem>>, vector<16xf32>,
    tpu.vector_store %arg20[%swap3A_218], %broadcast_in_dim3A_217 {strides = array<i32>} : memref<1024xf32, #tpu.memory_space<vmem>>, vector<16xf32>,
    %broadcast_in_dim3A_220 = arith.constant 0.000000e+00 : f32
    %broadcast_in_dim3A_221 = vector.broadcast %broadcast_in_dim3A_220 : f32 to vector<16xf32>
    %swap3A_222 = arith.constant 816 : index
    %swap3A_223 = tpu.vector_load %arg20[%swap3A_222] {strides = array<i32>} : memref<1024xf32, #tpu.memory_space<vmem>>, vector<16xf32>,
    tpu.vector_store %arg20[%swap3A_222], %broadcast_in_dim3A_221 {strides = array<i32>} : memref<1024xf32, #tpu.memory_space<vmem>>, vector<16xf32>,
    %broadcast_in_dim3A_224 = arith.constant 0.000000e+00 : f32
    %broadcast_in_dim3A_225 = vector.broadcast %broadcast_in_dim3A_224 : f32 to vector<16xf32>
    %swap3A_226 = arith.constant 832 : index
    %swap3A_227 = tpu.vector_load %arg20[%swap3A_226] {strides = array<i32>} : memref<1024xf32, #tpu.memory_space<vmem>>, vector<16xf32>,
    tpu.vector_store %arg20[%swap3A_226], %broadcast_in_dim3A_225 {strides = array<i32>} : memref<1024xf32, #tpu.memory_space<vmem>>, vector<16xf32>,
    %broadcast_in_dim3A_228 = arith.constant 0.000000e+00 : f32
    %broadcast_in_dim3A_229 = vector.broadcast %broadcast_in_dim3A_228 : f32 to vector<16xf32>
    %swap3A_230 = arith.constant 848 : index
    %swap3A_231 = tpu.vector_load %arg20[%swap3A_230] {strides = array<i32>} : memref<1024xf32, #tpu.memory_space<vmem>>, vector<16xf32>,
    tpu.vector_store %arg20[%swap3A_230], %broadcast_in_dim3A_229 {strides = array<i32>} : memref<1024xf32, #tpu.memory_space<vmem>>, vector<16xf32>,
    %broadcast_in_dim3A_232 = arith.constant 0.000000e+00 : f32
    %broadcast_in_dim3A_233 = vector.broadcast %broadcast_in_dim3A_232 : f32 to vector<16xf32>
    %swap3A_234 = arith.constant 864 : index
    %swap3A_235 = tpu.vector_load %arg20[%swap3A_234] {strides = array<i32>} : memref<1024xf32, #tpu.memory_space<vmem>>, vector<16xf32>,
    tpu.vector_store %arg20[%swap3A_234], %broadcast_in_dim3A_233 {strides = array<i32>} : memref<1024xf32, #tpu.memory_space<vmem>>, vector<16xf32>,
    %broadcast_in_dim3A_236 = arith.constant 0.000000e+00 : f32
    %broadcast_in_dim3A_237 = vector.broadcast %broadcast_in_dim3A_236 : f32 to vector<16xf32>
    %swap3A_238 = arith.constant 880 : index
    %swap3A_239 = tpu.vector_load %arg20[%swap3A_238] {strides = array<i32>} : memref<1024xf32, #tpu.memory_space<vmem>>, vector<16xf32>,
    tpu.vector_store %arg20[%swap3A_238], %broadcast_in_dim3A_237 {strides = array<i32>} : memref<1024xf32, #tpu.memory_space<vmem>>, vector<16xf32>,
    %broadcast_in_dim3A_240 = arith.constant 0.000000e+00 : f32
    %broadcast_in_dim3A_241 = vector.broadcast %broadcast_in_dim3A_240 : f32 to vector<16xf32>
    %swap3A_242 = arith.constant 896 : index
    %swap3A_243 = tpu.vector_load %arg20[%swap3A_242] {strides = array<i32>} : memref<1024xf32, #tpu.memory_space<vmem>>, vector<16xf32>,
    tpu.vector_store %arg20[%swap3A_242], %broadcast_in_dim3A_241 {strides = array<i32>} : memref<1024xf32, #tpu.memory_space<vmem>>, vector<16xf32>,
    %broadcast_in_dim3A_244 = arith.constant 0.000000e+00 : f32
    %broadcast_in_dim3A_245 = vector.broadcast %broadcast_in_dim3A_244 : f32 to vector<16xf32>
    %swap3A_246 = arith.constant 912 : index
    %swap3A_247 = tpu.vector_load %arg20[%swap3A_246] {strides = array<i32>} : memref<1024xf32, #tpu.memory_space<vmem>>, vector<16xf32>,
    tpu.vector_store %arg20[%swap3A_246], %broadcast_in_dim3A_245 {strides = array<i32>} : memref<1024xf32, #tpu.memory_space<vmem>>, vector<16xf32>,
    %broadcast_in_dim3A_248 = arith.constant 0.000000e+00 : f32
    %broadcast_in_dim3A_249 = vector.broadcast %broadcast_in_dim3A_248 : f32 to vector<16xf32>
    %swap3A_250 = arith.constant 928 : index
    %swap3A_251 = tpu.vector_load %arg20[%swap3A_250] {strides = array<i32>} : memref<1024xf32, #tpu.memory_space<vmem>>, vector<16xf32>,
    tpu.vector_store %arg20[%swap3A_250], %broadcast_in_dim3A_249 {strides = array<i32>} : memref<1024xf32, #tpu.memory_space<vmem>>, vector<16xf32>,
    %broadcast_in_dim3A_252 = arith.constant 0.000000e+00 : f32
    %broadcast_in_dim3A_253 = vector.broadcast %broadcast_in_dim3A_252 : f32 to vector<16xf32>
    %swap3A_254 = arith.constant 944 : index
    %swap3A_255 = tpu.vector_load %arg20[%swap3A_254] {strides = array<i32>} : memref<1024xf32, #tpu.memory_space<vmem>>, vector<16xf32>,
    tpu.vector_store %arg20[%swap3A_254], %broadcast_in_dim3A_253 {strides = array<i32>} : memref<1024xf32, #tpu.memory_space<vmem>>, vector<16xf32>,
    %broadcast_in_dim3A_256 = arith.constant 0.000000e+00 : f32
    %broadcast_in_dim3A_257 = vector.broadcast %broadcast_in_dim3A_256 : f32 to vector<16xf32>
    %swap3A_258 = arith.constant 960 : index
    %swap3A_259 = tpu.vector_load %arg20[%swap3A_258] {strides = array<i32>} : memref<1024xf32, #tpu.memory_space<vmem>>, vector<16xf32>,
    tpu.vector_store %arg20[%swap3A_258], %broadcast_in_dim3A_257 {strides = array<i32>} : memref<1024xf32, #tpu.memory_space<vmem>>, vector<16xf32>,
    %broadcast_in_dim3A_260 = arith.constant 0.000000e+00 : f32
    %broadcast_in_dim3A_261 = vector.broadcast %broadcast_in_dim3A_260 : f32 to vector<16xf32>
    %swap3A_262 = arith.constant 976 : index
    %swap3A_263 = tpu.vector_load %arg20[%swap3A_262] {strides = array<i32>} : memref<1024xf32, #tpu.memory_space<vmem>>, vector<16xf32>,
    tpu.vector_store %arg20[%swap3A_262], %broadcast_in_dim3A_261 {strides = array<i32>} : memref<1024xf32, #tpu.memory_space<vmem>>, vector<16xf32>,
    %broadcast_in_dim3A_264 = arith.constant 0.000000e+00 : f32
    %broadcast_in_dim3A_265 = vector.broadcast %broadcast_in_dim3A_264 : f32 to vector<16xf32>
    %swap3A_266 = arith.constant 992 : index
    %swap3A_267 = tpu.vector_load %arg20[%swap3A_266] {strides = array<i32>} : memref<1024xf32, #tpu.memory_space<vmem>>, vector<16xf32>,
    tpu.vector_store %arg20[%swap3A_266], %broadcast_in_dim3A_265 {strides = array<i32>} : memref<1024xf32, #tpu.memory_space<vmem>>, vector<16xf32>,
    %broadcast_in_dim3A_268 = arith.constant 0.000000e+00 : f32
    %broadcast_in_dim3A_269 = vector.broadcast %broadcast_in_dim3A_268 : f32 to vector<16xf32>
    %swap3A_270 = arith.constant 1008 : index
    %swap3A_271 = tpu.vector_load %arg20[%swap3A_270] {strides = array<i32>} : memref<1024xf32, #tpu.memory_space<vmem>>, vector<16xf32>,
    tpu.vector_store %arg20[%swap3A_270], %broadcast_in_dim3A_269 {strides = array<i32>} : memref<1024xf32, #tpu.memory_space<vmem>>, vector<16xf32>,
    %eq3A = arith.constant 0 : i32
    %eq3A_272 = arith.cmpi eq, %arg1, %eq3A : i32
    %convert_element_type3A = arith.extui %eq3A_272 : i1 to i32
    %cond3A = arith.constant 0 : i32
    %cond3A_273 = arith.cmpi ne, %convert_element_type3A, %cond3A : i32
    scf.if %cond3A_273 {
      "tpu.region"() ({
        %run_scoped3A = tpu.sem_alloc : memref<!tpu.dma_semaphore, #tpu.memory_space<semaphore_mem>>
        tpu.enqueue_dma source(%arg20 : memref<1024xf32, #tpu.memory_space<vmem>>) target(%arg22 : memref<1024xf32, #tpu.memory_space<vmem_shared>>) target_semaphore(%run_scoped3A : memref<!tpu.dma_semaphore, #tpu.memory_space<semaphore_mem>>)
        tpu.wait_dma2 semaphore(%run_scoped3A : memref<!tpu.dma_semaphore, #tpu.memory_space<semaphore_mem>>) src(%arg20 : memref<1024xf32, #tpu.memory_space<vmem>>) dst(%arg22 : memref<1024xf32, #tpu.memory_space<vmem_shared>>)
        tpu.yield
      }) : () -> ()
    } else {
    }
    %lt3A = arith.constant 9 : i32
    %lt3A_274 = arith.cmpi slt, %add3A, %lt3A : i32
    %convert_element_type3A_275 = arith.extui %lt3A_274 : i1 to i32
    %cond3A_276 = arith.constant 0 : i32
    %cond3A_277 = arith.cmpi ne, %convert_element_type3A_275, %cond3A_276 : i32
    scf.if %cond3A_277 {
      %add3A_367 = arith.constant 15616 : i32
      %add3A_368 = arith.addi %add3A_367, %add3A : i32
      %mul3A_369 = arith.constant 64 : i32
      %mul3A_370 = arith.muli %add3A_368, %mul3A_369 : i32
      "tpu.region"() ({
        %run_scoped3A = tpu.sem_alloc : memref<!tpu.dma_semaphore, #tpu.memory_space<semaphore_mem>>
        %dma_start3A_418 = tpu.memref_slice %arg3[%mul3A_370] : memref<1000000xi32, #tpu.memory_space<hbm>> -> memref<64xi32, #tpu.memory_space<hbm>>
        %dma_start3A_419 = tpu.memref_slice %arg3[%mul3A_370] : memref<1000000xi32, #tpu.memory_space<hbm>> -> memref<64xi32, #tpu.memory_space<hbm>>
        tpu.enqueue_dma source(%dma_start3A_419 : memref<64xi32, #tpu.memory_space<hbm>>) target(%arg13 : memref<64xi32, #tpu.memory_space<vmem>>) target_semaphore(%run_scoped3A : memref<!tpu.dma_semaphore, #tpu.memory_space<semaphore_mem>>)
        %dma_wait3A_420 = tpu.memref_slice %arg3[%mul3A_370] : memref<1000000xi32, #tpu.memory_space<hbm>> -> memref<64xi32, #tpu.memory_space<hbm>>
        %dma_wait3A_421 = tpu.memref_slice %arg3[%mul3A_370] : memref<1000000xi32, #tpu.memory_space<hbm>> -> memref<64xi32, #tpu.memory_space<hbm>>
        tpu.wait_dma2 semaphore(%run_scoped3A : memref<!tpu.dma_semaphore, #tpu.memory_space<semaphore_mem>>) src(%dma_wait3A_421 : memref<64xi32, #tpu.memory_space<hbm>>) dst(%arg13 : memref<64xi32, #tpu.memory_space<vmem>>)
        tpu.yield
      }) : () -> ()
      "tpu.region"() ({
        %run_scoped3A = tpu.sem_alloc : memref<!tpu.dma_semaphore, #tpu.memory_space<semaphore_mem>>
        %dma_start3A_418 = tpu.memref_slice %arg4[%mul3A_370] : memref<1000000xf32, #tpu.memory_space<hbm>> -> memref<64xf32, #tpu.memory_space<hbm>>
        %dma_start3A_419 = tpu.memref_slice %arg4[%mul3A_370] : memref<1000000xf32, #tpu.memory_space<hbm>> -> memref<64xf32, #tpu.memory_space<hbm>>
        tpu.enqueue_dma source(%dma_start3A_419 : memref<64xf32, #tpu.memory_space<hbm>>) target(%arg16 : memref<64xf32, #tpu.memory_space<vmem>>) target_semaphore(%run_scoped3A : memref<!tpu.dma_semaphore, #tpu.memory_space<semaphore_mem>>)
        %dma_wait3A_420 = tpu.memref_slice %arg4[%mul3A_370] : memref<1000000xf32, #tpu.memory_space<hbm>> -> memref<64xf32, #tpu.memory_space<hbm>>
        %dma_wait3A_421 = tpu.memref_slice %arg4[%mul3A_370] : memref<1000000xf32, #tpu.memory_space<hbm>> -> memref<64xf32, #tpu.memory_space<hbm>>
        tpu.wait_dma2 semaphore(%run_scoped3A : memref<!tpu.dma_semaphore, #tpu.memory_space<semaphore_mem>>) src(%dma_wait3A_421 : memref<64xf32, #tpu.memory_space<hbm>>) dst(%arg16 : memref<64xf32, #tpu.memory_space<vmem>>)
        tpu.yield
      }) : () -> ()
      "tpu.region"() ({
        %run_scoped3A = tpu.sem_alloc : memref<!tpu.dma_semaphore, #tpu.memory_space<semaphore_mem>>
        %dma_start3A_418 = tpu.memref_slice %arg2[%mul3A_370] : memref<1000000xi32, #tpu.memory_space<hbm>> -> memref<64xi32, #tpu.memory_space<hbm>>
        %dma_start3A_419 = tpu.memref_slice %arg2[%mul3A_370] : memref<1000000xi32, #tpu.memory_space<hbm>> -> memref<64xi32, #tpu.memory_space<hbm>>
        tpu.enqueue_dma source(%dma_start3A_419 : memref<64xi32, #tpu.memory_space<hbm>>) target(%arg14 : memref<64xi32, #tpu.memory_space<vmem>>) target_semaphore(%run_scoped3A : memref<!tpu.dma_semaphore, #tpu.memory_space<semaphore_mem>>)
        %dma_wait3A_420 = tpu.memref_slice %arg2[%mul3A_370] : memref<1000000xi32, #tpu.memory_space<hbm>> -> memref<64xi32, #tpu.memory_space<hbm>>
        %dma_wait3A_421 = tpu.memref_slice %arg2[%mul3A_370] : memref<1000000xi32, #tpu.memory_space<hbm>> -> memref<64xi32, #tpu.memory_space<hbm>>
        tpu.wait_dma2 semaphore(%run_scoped3A : memref<!tpu.dma_semaphore, #tpu.memory_space<semaphore_mem>>) src(%dma_wait3A_421 : memref<64xi32, #tpu.memory_space<hbm>>) dst(%arg14 : memref<64xi32, #tpu.memory_space<vmem>>)
        tpu.yield
      }) : () -> ()
      "tpu.region"() ({
        %run_scoped3A = tpu.sem_alloc : memref<!tpu.dma_semaphore, #tpu.memory_space<semaphore_mem>>
        %dma_start3A_418 = arith.constant 0 : i32
        %dma_start3A_419 = tpu.memref_slice %arg5[%dma_start3A_418] : memref<6400000xf32, #tpu.memory_space<hbm>> -> memref<6400000xf32, #tpu.memory_space<hbm>>
        tpu.enqueue_indirect_dma source(%dma_start3A_419 : memref<6400000xf32, #tpu.memory_space<hbm>>) target(%arg15 : memref<64xf32, #tpu.memory_space<vmem>>) offsets(%arg13 : memref<64xi32, #tpu.memory_space<vmem>>) semaphore(%run_scoped3A : memref<!tpu.dma_semaphore, #tpu.memory_space<semaphore_mem>>)
        %dma_wait3A_420 = arith.constant 0 : i32
        %dma_wait3A_421 = tpu.memref_slice %arg5[%dma_wait3A_420] : memref<6400000xf32, #tpu.memory_space<hbm>> -> memref<6400000xf32, #tpu.memory_space<hbm>>
        tpu.wait_indirect_dma semaphore(%run_scoped3A : memref<!tpu.dma_semaphore, #tpu.memory_space<semaphore_mem>>) src(%dma_wait3A_421 : memref<6400000xf32, #tpu.memory_space<hbm>>) dst(%arg15 : memref<64xf32, #tpu.memory_space<vmem>>)
        tpu.yield
      }) : () -> ()
      %get3A_371 = arith.constant 0 : index
      %get3A_372 = tpu.vector_load %arg15[%get3A_371] {strides = array<i32>} : memref<64xf32, #tpu.memory_space<vmem>>, vector<16xf32>,
      %get3A_373 = arith.constant 0 : index
      %get3A_374 = tpu.vector_load %arg16[%get3A_373] {strides = array<i32>} : memref<64xf32, #tpu.memory_space<vmem>>, vector<16xf32>,
      %add3A_375 = arith.addf %get3A_372, %get3A_374 : vector<16xf32>
      %swap3A_376 = arith.constant 0 : index
      %swap3A_377 = tpu.vector_load %arg15[%swap3A_376] {strides = array<i32>} : memref<64xf32, #tpu.memory_space<vmem>>, vector<16xf32>,
      tpu.vector_store %arg15[%swap3A_376], %add3A_375 {strides = array<i32>} : memref<64xf32, #tpu.memory_space<vmem>>, vector<16xf32>,
      %get3A_378 = arith.constant 0 : index
      %get3A_379 = tpu.vector_load %arg18[%get3A_378] {strides = array<i32>} : memref<16xf32, #tpu.memory_space<vmem>>, vector<16xf32>,
      %max3A = arith.maximumf %get3A_379, %add3A_375 : vector<16xf32>
      %swap3A_380 = arith.constant 0 : index
      %swap3A_381 = tpu.vector_load %arg18[%swap3A_380] {strides = array<i32>} : memref<16xf32, #tpu.memory_space<vmem>>, vector<16xf32>,
      tpu.vector_store %arg18[%swap3A_380], %max3A {strides = array<i32>} : memref<16xf32, #tpu.memory_space<vmem>>, vector<16xf32>,
      %get3A_382 = arith.constant 16 : index
      %get3A_383 = tpu.vector_load %arg15[%get3A_382] {strides = array<i32>} : memref<64xf32, #tpu.memory_space<vmem>>, vector<16xf32>,
      %get3A_384 = arith.constant 16 : index
      %get3A_385 = tpu.vector_load %arg16[%get3A_384] {strides = array<i32>} : memref<64xf32, #tpu.memory_space<vmem>>, vector<16xf32>,
      %add3A_386 = arith.addf %get3A_383, %get3A_385 : vector<16xf32>
      %swap3A_387 = arith.constant 16 : index
      %swap3A_388 = tpu.vector_load %arg15[%swap3A_387] {strides = array<i32>} : memref<64xf32, #tpu.memory_space<vmem>>, vector<16xf32>,
      tpu.vector_store %arg15[%swap3A_387], %add3A_386 {strides = array<i32>} : memref<64xf32, #tpu.memory_space<vmem>>, vector<16xf32>,
      %get3A_389 = arith.constant 0 : index
      %get3A_390 = tpu.vector_load %arg18[%get3A_389] {strides = array<i32>} : memref<16xf32, #tpu.memory_space<vmem>>, vector<16xf32>,
      %max3A_391 = arith.maximumf %get3A_390, %add3A_386 : vector<16xf32>
      %swap3A_392 = arith.constant 0 : index
      %swap3A_393 = tpu.vector_load %arg18[%swap3A_392] {strides = array<i32>} : memref<16xf32, #tpu.memory_space<vmem>>, vector<16xf32>,
      tpu.vector_store %arg18[%swap3A_392], %max3A_391 {strides = array<i32>} : memref<16xf32, #tpu.memory_space<vmem>>, vector<16xf32>,
      %get3A_394 = arith.constant 32 : index
      %get3A_395 = tpu.vector_load %arg15[%get3A_394] {strides = array<i32>} : memref<64xf32, #tpu.memory_space<vmem>>, vector<16xf32>,
      %get3A_396 = arith.constant 32 : index
      %get3A_397 = tpu.vector_load %arg16[%get3A_396] {strides = array<i32>} : memref<64xf32, #tpu.memory_space<vmem>>, vector<16xf32>,
      %add3A_398 = arith.addf %get3A_395, %get3A_397 : vector<16xf32>
      %swap3A_399 = arith.constant 32 : index
      %swap3A_400 = tpu.vector_load %arg15[%swap3A_399] {strides = array<i32>} : memref<64xf32, #tpu.memory_space<vmem>>, vector<16xf32>,
      tpu.vector_store %arg15[%swap3A_399], %add3A_398 {strides = array<i32>} : memref<64xf32, #tpu.memory_space<vmem>>, vector<16xf32>,
      %get3A_401 = arith.constant 0 : index
      %get3A_402 = tpu.vector_load %arg18[%get3A_401] {strides = array<i32>} : memref<16xf32, #tpu.memory_space<vmem>>, vector<16xf32>,
      %max3A_403 = arith.maximumf %get3A_402, %add3A_398 : vector<16xf32>
      %swap3A_404 = arith.constant 0 : index
      %swap3A_405 = tpu.vector_load %arg18[%swap3A_404] {strides = array<i32>} : memref<16xf32, #tpu.memory_space<vmem>>, vector<16xf32>,
      tpu.vector_store %arg18[%swap3A_404], %max3A_403 {strides = array<i32>} : memref<16xf32, #tpu.memory_space<vmem>>, vector<16xf32>,
      %get3A_406 = arith.constant 48 : index
      %get3A_407 = tpu.vector_load %arg15[%get3A_406] {strides = array<i32>} : memref<64xf32, #tpu.memory_space<vmem>>, vector<16xf32>,
      %get3A_408 = arith.constant 48 : index
      %get3A_409 = tpu.vector_load %arg16[%get3A_408] {strides = array<i32>} : memref<64xf32, #tpu.memory_space<vmem>>, vector<16xf32>,
      %add3A_410 = arith.addf %get3A_407, %get3A_409 : vector<16xf32>
      %swap3A_411 = arith.constant 48 : index
      %swap3A_412 = tpu.vector_load %arg15[%swap3A_411] {strides = array<i32>} : memref<64xf32, #tpu.memory_space<vmem>>, vector<16xf32>,
      tpu.vector_store %arg15[%swap3A_411], %add3A_410 {strides = array<i32>} : memref<64xf32, #tpu.memory_space<vmem>>, vector<16xf32>,
      %get3A_413 = arith.constant 0 : index
      %get3A_414 = tpu.vector_load %arg18[%get3A_413] {strides = array<i32>} : memref<16xf32, #tpu.memory_space<vmem>>, vector<16xf32>,
      %max3A_415 = arith.maximumf %get3A_414, %add3A_410 : vector<16xf32>
      %swap3A_416 = arith.constant 0 : index
      %swap3A_417 = tpu.vector_load %arg18[%swap3A_416] {strides = array<i32>} : memref<16xf32, #tpu.memory_space<vmem>>, vector<16xf32>,
      tpu.vector_store %arg18[%swap3A_416], %max3A_415 {strides = array<i32>} : memref<16xf32, #tpu.memory_space<vmem>>, vector<16xf32>,
      "tpu.region"() ({
        %run_scoped3A = tpu.sem_alloc : memref<!tpu.dma_semaphore, #tpu.memory_space<semaphore_mem>>
        %dma_start3A_418 = tpu.memref_slice %arg6[%mul3A_370] : memref<1000000xf32, #tpu.memory_space<hbm>> -> memref<64xf32, #tpu.memory_space<hbm>>
        %dma_start3A_419 = tpu.memref_slice %arg6[%mul3A_370] : memref<1000000xf32, #tpu.memory_space<hbm>> -> memref<64xf32, #tpu.memory_space<hbm>>
        tpu.enqueue_dma source(%arg15 : memref<64xf32, #tpu.memory_space<vmem>>) target(%dma_start3A_419 : memref<64xf32, #tpu.memory_space<hbm>>) target_semaphore(%run_scoped3A : memref<!tpu.dma_semaphore, #tpu.memory_space<semaphore_mem>>)
        %dma_wait3A_420 = tpu.memref_slice %arg6[%mul3A_370] : memref<1000000xf32, #tpu.memory_space<hbm>> -> memref<64xf32, #tpu.memory_space<hbm>>
        %dma_wait3A_421 = tpu.memref_slice %arg6[%mul3A_370] : memref<1000000xf32, #tpu.memory_space<hbm>> -> memref<64xf32, #tpu.memory_space<hbm>>
        tpu.wait_dma2 semaphore(%run_scoped3A : memref<!tpu.dma_semaphore, #tpu.memory_space<semaphore_mem>>) src(%arg15 : memref<64xf32, #tpu.memory_space<vmem>>) dst(%dma_wait3A_421 : memref<64xf32, #tpu.memory_space<hbm>>)
        tpu.yield
      }) : () -> ()
    } else {
    }
    %dma_wait3A = arith.constant 0 : i32
    %dma_wait3A_278 = tpu.memref_slice %arg11[%dma_wait3A] : memref<31232xf32, #tpu.memory_space<vmem>> -> memref<15616xf32, #tpu.memory_space<vmem>>
    %dma_wait3A_279 = arith.constant 0 : i32
    %dma_wait3A_280 = tpu.memref_slice %arg9[%dma_wait3A_279] : memref<31232xi32, #tpu.memory_space<vmem>> -> memref<15616xi32, #tpu.memory_space<vmem>>
    %dma_wait3A_281 = arith.constant 0 : i32
    %dma_wait3A_282 = tpu.memref_slice %arg5[%dma_wait3A_281] : memref<6400000xf32, #tpu.memory_space<hbm>> -> memref<6400000xf32, #tpu.memory_space<hbm>>
    tpu.wait_indirect_dma semaphore(%arg23 : memref<!tpu.dma_semaphore, #tpu.memory_space<semaphore_mem>>) src(%dma_wait3A_282 : memref<6400000xf32, #tpu.memory_space<hbm>>) dst(%dma_wait3A_278 : memref<15616xf32, #tpu.memory_space<vmem>>)
    %get3A = arith.constant 0 : index
    %get3A_283 = tpu.vector_load %arg18[%get3A] {strides = array<i32>} : memref<16xf32, #tpu.memory_space<vmem>>, vector<16xf32>,
    %scan3A = arith.constant 0 : i32
    %scan3A_284 = arith.constant 61 : i32
    %scan3A_285 = arith.addi %scan3A, %scan3A_284 : i32
    %scan3A_286 = arith.constant 1 : i32
    %scan3A_287 = scf.for %scan3A_367 = %scan3A to %scan3A_285 step %scan3A_286 iter_args(%scan3A_368 = %get3A_283) -> (vector<16xf32>)  : i32 {
      %mul3A_369 = arith.constant 256 : i32
      %mul3A_370 = arith.muli %scan3A_367, %mul3A_369 : i32
      %add3A_371 = arith.constant 0 : i32
      %add3A_372 = arith.addi %mul3A_370, %add3A_371 : i32
      %get3A_373 = arith.index_cast %add3A_372 : i32 to index
      %get3A_374 = tpu.vector_load %arg11[%get3A_373] {strides = array<i32>} : memref<31232xf32, #tpu.memory_space<vmem>>, vector<16xf32>,
      %get3A_375 = arith.index_cast %add3A_372 : i32 to index
      %get3A_376 = tpu.vector_load %arg12[%get3A_375] {strides = array<i32>} : memref<31232xf32, #tpu.memory_space<vmem>>, vector<16xf32>,
      %add3A_377 = arith.addf %get3A_374, %get3A_376 : vector<16xf32>
      %swap3A_378 = arith.index_cast %add3A_372 : i32 to index
      %swap3A_379 = tpu.vector_load %arg11[%swap3A_378] {strides = array<i32>} : memref<31232xf32, #tpu.memory_space<vmem>>, vector<16xf32>,
      tpu.vector_store %arg11[%swap3A_378], %add3A_377 {strides = array<i32>} : memref<31232xf32, #tpu.memory_space<vmem>>, vector<16xf32>,
      %max3A = arith.maximumf %scan3A_368, %add3A_377 : vector<16xf32>
      %mul3A_380 = arith.constant 256 : i32
      %mul3A_381 = arith.muli %scan3A_367, %mul3A_380 : i32
      %add3A_382 = arith.constant 16 : i32
      %add3A_383 = arith.addi %mul3A_381, %add3A_382 : i32
      %get3A_384 = arith.index_cast %add3A_383 : i32 to index
      %get3A_385 = tpu.vector_load %arg11[%get3A_384] {strides = array<i32>} : memref<31232xf32, #tpu.memory_space<vmem>>, vector<16xf32>,
      %get3A_386 = arith.index_cast %add3A_383 : i32 to index
      %get3A_387 = tpu.vector_load %arg12[%get3A_386] {strides = array<i32>} : memref<31232xf32, #tpu.memory_space<vmem>>, vector<16xf32>,
      %add3A_388 = arith.addf %get3A_385, %get3A_387 : vector<16xf32>
      %swap3A_389 = arith.index_cast %add3A_383 : i32 to index
      %swap3A_390 = tpu.vector_load %arg11[%swap3A_389] {strides = array<i32>} : memref<31232xf32, #tpu.memory_space<vmem>>, vector<16xf32>,
      tpu.vector_store %arg11[%swap3A_389], %add3A_388 {strides = array<i32>} : memref<31232xf32, #tpu.memory_space<vmem>>, vector<16xf32>,
      %max3A_391 = arith.maximumf %max3A, %add3A_388 : vector<16xf32>
      %mul3A_392 = arith.constant 256 : i32
      %mul3A_393 = arith.muli %scan3A_367, %mul3A_392 : i32
      %add3A_394 = arith.constant 32 : i32
      %add3A_395 = arith.addi %mul3A_393, %add3A_394 : i32
      %get3A_396 = arith.index_cast %add3A_395 : i32 to index
      %get3A_397 = tpu.vector_load %arg11[%get3A_396] {strides = array<i32>} : memref<31232xf32, #tpu.memory_space<vmem>>, vector<16xf32>,
      %get3A_398 = arith.index_cast %add3A_395 : i32 to index
      %get3A_399 = tpu.vector_load %arg12[%get3A_398] {strides = array<i32>} : memref<31232xf32, #tpu.memory_space<vmem>>, vector<16xf32>,
      %add3A_400 = arith.addf %get3A_397, %get3A_399 : vector<16xf32>
      %swap3A_401 = arith.index_cast %add3A_395 : i32 to index
      %swap3A_402 = tpu.vector_load %arg11[%swap3A_401] {strides = array<i32>} : memref<31232xf32, #tpu.memory_space<vmem>>, vector<16xf32>,
      tpu.vector_store %arg11[%swap3A_401], %add3A_400 {strides = array<i32>} : memref<31232xf32, #tpu.memory_space<vmem>>, vector<16xf32>,
      %max3A_403 = arith.maximumf %max3A_391, %add3A_400 : vector<16xf32>
      %mul3A_404 = arith.constant 256 : i32
      %mul3A_405 = arith.muli %scan3A_367, %mul3A_404 : i32
      %add3A_406 = arith.constant 48 : i32
      %add3A_407 = arith.addi %mul3A_405, %add3A_406 : i32
      %get3A_408 = arith.index_cast %add3A_407 : i32 to index
      %get3A_409 = tpu.vector_load %arg11[%get3A_408] {strides = array<i32>} : memref<31232xf32, #tpu.memory_space<vmem>>, vector<16xf32>,
      %get3A_410 = arith.index_cast %add3A_407 : i32 to index
      %get3A_411 = tpu.vector_load %arg12[%get3A_410] {strides = array<i32>} : memref<31232xf32, #tpu.memory_space<vmem>>, vector<16xf32>,
      %add3A_412 = arith.addf %get3A_409, %get3A_411 : vector<16xf32>
      %swap3A_413 = arith.index_cast %add3A_407 : i32 to index
      %swap3A_414 = tpu.vector_load %arg11[%swap3A_413] {strides = array<i32>} : memref<31232xf32, #tpu.memory_space<vmem>>, vector<16xf32>,
      tpu.vector_store %arg11[%swap3A_413], %add3A_412 {strides = array<i32>} : memref<31232xf32, #tpu.memory_space<vmem>>, vector<16xf32>,
      %max3A_415 = arith.maximumf %max3A_403, %add3A_412 : vector<16xf32>
      %mul3A_416 = arith.constant 256 : i32
      %mul3A_417 = arith.muli %scan3A_367, %mul3A_416 : i32
      %add3A_418 = arith.constant 64 : i32
      %add3A_419 = arith.addi %mul3A_417, %add3A_418 : i32
      %get3A_420 = arith.index_cast %add3A_419 : i32 to index
      %get3A_421 = tpu.vector_load %arg11[%get3A_420] {strides = array<i32>} : memref<31232xf32, #tpu.memory_space<vmem>>, vector<16xf32>,
      %get3A_422 = arith.index_cast %add3A_419 : i32 to index
      %get3A_423 = tpu.vector_load %arg12[%get3A_422] {strides = array<i32>} : memref<31232xf32, #tpu.memory_space<vmem>>, vector<16xf32>,
      %add3A_424 = arith.addf %get3A_421, %get3A_423 : vector<16xf32>
      %swap3A_425 = arith.index_cast %add3A_419 : i32 to index
      %swap3A_426 = tpu.vector_load %arg11[%swap3A_425] {strides = array<i32>} : memref<31232xf32, #tpu.memory_space<vmem>>, vector<16xf32>,
      tpu.vector_store %arg11[%swap3A_425], %add3A_424 {strides = array<i32>} : memref<31232xf32, #tpu.memory_space<vmem>>, vector<16xf32>,
      %max3A_427 = arith.maximumf %max3A_415, %add3A_424 : vector<16xf32>
      %mul3A_428 = arith.constant 256 : i32
      %mul3A_429 = arith.muli %scan3A_367, %mul3A_428 : i32
      %add3A_430 = arith.constant 80 : i32
      %add3A_431 = arith.addi %mul3A_429, %add3A_430 : i32
      %get3A_432 = arith.index_cast %add3A_431 : i32 to index
      %get3A_433 = tpu.vector_load %arg11[%get3A_432] {strides = array<i32>} : memref<31232xf32, #tpu.memory_space<vmem>>, vector<16xf32>,
      %get3A_434 = arith.index_cast %add3A_431 : i32 to index
      %get3A_435 = tpu.vector_load %arg12[%get3A_434] {strides = array<i32>} : memref<31232xf32, #tpu.memory_space<vmem>>, vector<16xf32>,
      %add3A_436 = arith.addf %get3A_433, %get3A_435 : vector<16xf32>
      %swap3A_437 = arith.index_cast %add3A_431 : i32 to index
      %swap3A_438 = tpu.vector_load %arg11[%swap3A_437] {strides = array<i32>} : memref<31232xf32, #tpu.memory_space<vmem>>, vector<16xf32>,
      tpu.vector_store %arg11[%swap3A_437], %add3A_436 {strides = array<i32>} : memref<31232xf32, #tpu.memory_space<vmem>>, vector<16xf32>,
      %max3A_439 = arith.maximumf %max3A_427, %add3A_436 : vector<16xf32>
      %mul3A_440 = arith.constant 256 : i32
      %mul3A_441 = arith.muli %scan3A_367, %mul3A_440 : i32
      %add3A_442 = arith.constant 96 : i32
      %add3A_443 = arith.addi %mul3A_441, %add3A_442 : i32
      %get3A_444 = arith.index_cast %add3A_443 : i32 to index
      %get3A_445 = tpu.vector_load %arg11[%get3A_444] {strides = array<i32>} : memref<31232xf32, #tpu.memory_space<vmem>>, vector<16xf32>,
      %get3A_446 = arith.index_cast %add3A_443 : i32 to index
      %get3A_447 = tpu.vector_load %arg12[%get3A_446] {strides = array<i32>} : memref<31232xf32, #tpu.memory_space<vmem>>, vector<16xf32>,
      %add3A_448 = arith.addf %get3A_445, %get3A_447 : vector<16xf32>
      %swap3A_449 = arith.index_cast %add3A_443 : i32 to index
      %swap3A_450 = tpu.vector_load %arg11[%swap3A_449] {strides = array<i32>} : memref<31232xf32, #tpu.memory_space<vmem>>, vector<16xf32>,
      tpu.vector_store %arg11[%swap3A_449], %add3A_448 {strides = array<i32>} : memref<31232xf32, #tpu.memory_space<vmem>>, vector<16xf32>,
      %max3A_451 = arith.maximumf %max3A_439, %add3A_448 : vector<16xf32>
      %mul3A_452 = arith.constant 256 : i32
      %mul3A_453 = arith.muli %scan3A_367, %mul3A_452 : i32
      %add3A_454 = arith.constant 112 : i32
      %add3A_455 = arith.addi %mul3A_453, %add3A_454 : i32
      %get3A_456 = arith.index_cast %add3A_455 : i32 to index
      %get3A_457 = tpu.vector_load %arg11[%get3A_456] {strides = array<i32>} : memref<31232xf32, #tpu.memory_space<vmem>>, vector<16xf32>,
      %get3A_458 = arith.index_cast %add3A_455 : i32 to index
      %get3A_459 = tpu.vector_load %arg12[%get3A_458] {strides = array<i32>} : memref<31232xf32, #tpu.memory_space<vmem>>, vector<16xf32>,
      %add3A_460 = arith.addf %get3A_457, %get3A_459 : vector<16xf32>
      %swap3A_461 = arith.index_cast %add3A_455 : i32 to index
      %swap3A_462 = tpu.vector_load %arg11[%swap3A_461] {strides = array<i32>} : memref<31232xf32, #tpu.memory_space<vmem>>, vector<16xf32>,
      tpu.vector_store %arg11[%swap3A_461], %add3A_460 {strides = array<i32>} : memref<31232xf32, #tpu.memory_space<vmem>>, vector<16xf32>,
      %max3A_463 = arith.maximumf %max3A_451, %add3A_460 : vector<16xf32>
      %mul3A_464 = arith.constant 256 : i32
      %mul3A_465 = arith.muli %scan3A_367, %mul3A_464 : i32
      %add3A_466 = arith.constant 128 : i32
      %add3A_467 = arith.addi %mul3A_465, %add3A_466 : i32
      %get3A_468 = arith.index_cast %add3A_467 : i32 to index
      %get3A_469 = tpu.vector_load %arg11[%get3A_468] {strides = array<i32>} : memref<31232xf32, #tpu.memory_space<vmem>>, vector<16xf32>,
      %get3A_470 = arith.index_cast %add3A_467 : i32 to index
      %get3A_471 = tpu.vector_load %arg12[%get3A_470] {strides = array<i32>} : memref<31232xf32, #tpu.memory_space<vmem>>, vector<16xf32>,
      %add3A_472 = arith.addf %get3A_469, %get3A_471 : vector<16xf32>
      %swap3A_473 = arith.index_cast %add3A_467 : i32 to index
      %swap3A_474 = tpu.vector_load %arg11[%swap3A_473] {strides = array<i32>} : memref<31232xf32, #tpu.memory_space<vmem>>, vector<16xf32>,
      tpu.vector_store %arg11[%swap3A_473], %add3A_472 {strides = array<i32>} : memref<31232xf32, #tpu.memory_space<vmem>>, vector<16xf32>,
      %max3A_475 = arith.maximumf %max3A_463, %add3A_472 : vector<16xf32>
      %mul3A_476 = arith.constant 256 : i32
      %mul3A_477 = arith.muli %scan3A_367, %mul3A_476 : i32
      %add3A_478 = arith.constant 144 : i32
      %add3A_479 = arith.addi %mul3A_477, %add3A_478 : i32
      %get3A_480 = arith.index_cast %add3A_479 : i32 to index
      %get3A_481 = tpu.vector_load %arg11[%get3A_480] {strides = array<i32>} : memref<31232xf32, #tpu.memory_space<vmem>>, vector<16xf32>,
      %get3A_482 = arith.index_cast %add3A_479 : i32 to index
      %get3A_483 = tpu.vector_load %arg12[%get3A_482] {strides = array<i32>} : memref<31232xf32, #tpu.memory_space<vmem>>, vector<16xf32>,
      %add3A_484 = arith.addf %get3A_481, %get3A_483 : vector<16xf32>
      %swap3A_485 = arith.index_cast %add3A_479 : i32 to index
      %swap3A_486 = tpu.vector_load %arg11[%swap3A_485] {strides = array<i32>} : memref<31232xf32, #tpu.memory_space<vmem>>, vector<16xf32>,
      tpu.vector_store %arg11[%swap3A_485], %add3A_484 {strides = array<i32>} : memref<31232xf32, #tpu.memory_space<vmem>>, vector<16xf32>,
      %max3A_487 = arith.maximumf %max3A_475, %add3A_484 : vector<16xf32>
      %mul3A_488 = arith.constant 256 : i32
      %mul3A_489 = arith.muli %scan3A_367, %mul3A_488 : i32
      %add3A_490 = arith.constant 160 : i32
      %add3A_491 = arith.addi %mul3A_489, %add3A_490 : i32
      %get3A_492 = arith.index_cast %add3A_491 : i32 to index
      %get3A_493 = tpu.vector_load %arg11[%get3A_492] {strides = array<i32>} : memref<31232xf32, #tpu.memory_space<vmem>>, vector<16xf32>,
      %get3A_494 = arith.index_cast %add3A_491 : i32 to index
      %get3A_495 = tpu.vector_load %arg12[%get3A_494] {strides = array<i32>} : memref<31232xf32, #tpu.memory_space<vmem>>, vector<16xf32>,
      %add3A_496 = arith.addf %get3A_493, %get3A_495 : vector<16xf32>
      %swap3A_497 = arith.index_cast %add3A_491 : i32 to index
      %swap3A_498 = tpu.vector_load %arg11[%swap3A_497] {strides = array<i32>} : memref<31232xf32, #tpu.memory_space<vmem>>, vector<16xf32>,
      tpu.vector_store %arg11[%swap3A_497], %add3A_496 {strides = array<i32>} : memref<31232xf32, #tpu.memory_space<vmem>>, vector<16xf32>,
      %max3A_499 = arith.maximumf %max3A_487, %add3A_496 : vector<16xf32>
      %mul3A_500 = arith.constant 256 : i32
      %mul3A_501 = arith.muli %scan3A_367, %mul3A_500 : i32
      %add3A_502 = arith.constant 176 : i32
      %add3A_503 = arith.addi %mul3A_501, %add3A_502 : i32
      %get3A_504 = arith.index_cast %add3A_503 : i32 to index
      %get3A_505 = tpu.vector_load %arg11[%get3A_504] {strides = array<i32>} : memref<31232xf32, #tpu.memory_space<vmem>>, vector<16xf32>,
      %get3A_506 = arith.index_cast %add3A_503 : i32 to index
      %get3A_507 = tpu.vector_load %arg12[%get3A_506] {strides = array<i32>} : memref<31232xf32, #tpu.memory_space<vmem>>, vector<16xf32>,
      %add3A_508 = arith.addf %get3A_505, %get3A_507 : vector<16xf32>
      %swap3A_509 = arith.index_cast %add3A_503 : i32 to index
      %swap3A_510 = tpu.vector_load %arg11[%swap3A_509] {strides = array<i32>} : memref<31232xf32, #tpu.memory_space<vmem>>, vector<16xf32>,
      tpu.vector_store %arg11[%swap3A_509], %add3A_508 {strides = array<i32>} : memref<31232xf32, #tpu.memory_space<vmem>>, vector<16xf32>,
      %max3A_511 = arith.maximumf %max3A_499, %add3A_508 : vector<16xf32>
      %mul3A_512 = arith.constant 256 : i32
      %mul3A_513 = arith.muli %scan3A_367, %mul3A_512 : i32
      %add3A_514 = arith.constant 192 : i32
      %add3A_515 = arith.addi %mul3A_513, %add3A_514 : i32
      %get3A_516 = arith.index_cast %add3A_515 : i32 to index
      %get3A_517 = tpu.vector_load %arg11[%get3A_516] {strides = array<i32>} : memref<31232xf32, #tpu.memory_space<vmem>>, vector<16xf32>,
      %get3A_518 = arith.index_cast %add3A_515 : i32 to index
      %get3A_519 = tpu.vector_load %arg12[%get3A_518] {strides = array<i32>} : memref<31232xf32, #tpu.memory_space<vmem>>, vector<16xf32>,
      %add3A_520 = arith.addf %get3A_517, %get3A_519 : vector<16xf32>
      %swap3A_521 = arith.index_cast %add3A_515 : i32 to index
      %swap3A_522 = tpu.vector_load %arg11[%swap3A_521] {strides = array<i32>} : memref<31232xf32, #tpu.memory_space<vmem>>, vector<16xf32>,
      tpu.vector_store %arg11[%swap3A_521], %add3A_520 {strides = array<i32>} : memref<31232xf32, #tpu.memory_space<vmem>>, vector<16xf32>,
      %max3A_523 = arith.maximumf %max3A_511, %add3A_520 : vector<16xf32>
      %mul3A_524 = arith.constant 256 : i32
      %mul3A_525 = arith.muli %scan3A_367, %mul3A_524 : i32
      %add3A_526 = arith.constant 208 : i32
      %add3A_527 = arith.addi %mul3A_525, %add3A_526 : i32
      %get3A_528 = arith.index_cast %add3A_527 : i32 to index
      %get3A_529 = tpu.vector_load %arg11[%get3A_528] {strides = array<i32>} : memref<31232xf32, #tpu.memory_space<vmem>>, vector<16xf32>,
      %get3A_530 = arith.index_cast %add3A_527 : i32 to index
      %get3A_531 = tpu.vector_load %arg12[%get3A_530] {strides = array<i32>} : memref<31232xf32, #tpu.memory_space<vmem>>, vector<16xf32>,
      %add3A_532 = arith.addf %get3A_529, %get3A_531 : vector<16xf32>
      %swap3A_533 = arith.index_cast %add3A_527 : i32 to index
      %swap3A_534 = tpu.vector_load %arg11[%swap3A_533] {strides = array<i32>} : memref<31232xf32, #tpu.memory_space<vmem>>, vector<16xf32>,
      tpu.vector_store %arg11[%swap3A_533], %add3A_532 {strides = array<i32>} : memref<31232xf32, #tpu.memory_space<vmem>>, vector<16xf32>,
      %max3A_535 = arith.maximumf %max3A_523, %add3A_532 : vector<16xf32>
      %mul3A_536 = arith.constant 256 : i32
      %mul3A_537 = arith.muli %scan3A_367, %mul3A_536 : i32
      %add3A_538 = arith.constant 224 : i32
      %add3A_539 = arith.addi %mul3A_537, %add3A_538 : i32
      %get3A_540 = arith.index_cast %add3A_539 : i32 to index
      %get3A_541 = tpu.vector_load %arg11[%get3A_540] {strides = array<i32>} : memref<31232xf32, #tpu.memory_space<vmem>>, vector<16xf32>,
      %get3A_542 = arith.index_cast %add3A_539 : i32 to index
      %get3A_543 = tpu.vector_load %arg12[%get3A_542] {strides = array<i32>} : memref<31232xf32, #tpu.memory_space<vmem>>, vector<16xf32>,
      %add3A_544 = arith.addf %get3A_541, %get3A_543 : vector<16xf32>
      %swap3A_545 = arith.index_cast %add3A_539 : i32 to index
      %swap3A_546 = tpu.vector_load %arg11[%swap3A_545] {strides = array<i32>} : memref<31232xf32, #tpu.memory_space<vmem>>, vector<16xf32>,
      tpu.vector_store %arg11[%swap3A_545], %add3A_544 {strides = array<i32>} : memref<31232xf32, #tpu.memory_space<vmem>>, vector<16xf32>,
      %max3A_547 = arith.maximumf %max3A_535, %add3A_544 : vector<16xf32>
      %mul3A_548 = arith.constant 256 : i32
      %mul3A_549 = arith.muli %scan3A_367, %mul3A_548 : i32
      %add3A_550 = arith.constant 240 : i32
      %add3A_551 = arith.addi %mul3A_549, %add3A_550 : i32
      %get3A_552 = arith.index_cast %add3A_551 : i32 to index
      %get3A_553 = tpu.vector_load %arg11[%get3A_552] {strides = array<i32>} : memref<31232xf32, #tpu.memory_space<vmem>>, vector<16xf32>,
      %get3A_554 = arith.index_cast %add3A_551 : i32 to index
      %get3A_555 = tpu.vector_load %arg12[%get3A_554] {strides = array<i32>} : memref<31232xf32, #tpu.memory_space<vmem>>, vector<16xf32>,
      %add3A_556 = arith.addf %get3A_553, %get3A_555 : vector<16xf32>
      %swap3A_557 = arith.index_cast %add3A_551 : i32 to index
      %swap3A_558 = tpu.vector_load %arg11[%swap3A_557] {strides = array<i32>} : memref<31232xf32, #tpu.memory_space<vmem>>, vector<16xf32>,
      tpu.vector_store %arg11[%swap3A_557], %add3A_556 {strides = array<i32>} : memref<31232xf32, #tpu.memory_space<vmem>>, vector<16xf32>,
      %max3A_559 = arith.maximumf %max3A_547, %add3A_556 : vector<16xf32>
      scf.yield %max3A_559 : vector<16xf32>
    }
    %scan3A_288 = arith.constant 61 : i32
    %dma_wait3A_289 = arith.constant 15616 : i32
    %dma_wait3A_290 = tpu.memref_slice %arg11[%dma_wait3A_289] : memref<31232xf32, #tpu.memory_space<vmem>> -> memref<15616xf32, #tpu.memory_space<vmem>>
    %dma_wait3A_291 = arith.constant 15616 : i32
    %dma_wait3A_292 = tpu.memref_slice %arg9[%dma_wait3A_291] : memref<31232xi32, #tpu.memory_space<vmem>> -> memref<15616xi32, #tpu.memory_space<vmem>>
    %dma_wait3A_293 = arith.constant 0 : i32
    %dma_wait3A_294 = tpu.memref_slice %arg5[%dma_wait3A_293] : memref<6400000xf32, #tpu.memory_space<hbm>> -> memref<6400000xf32, #tpu.memory_space<hbm>>
    tpu.wait_indirect_dma semaphore(%arg24 : memref<!tpu.dma_semaphore, #tpu.memory_space<semaphore_mem>>) src(%dma_wait3A_294 : memref<6400000xf32, #tpu.memory_space<hbm>>) dst(%dma_wait3A_290 : memref<15616xf32, #tpu.memory_space<vmem>>)
    %scan3A_295 = arith.constant 61 : i32
    %scan3A_296 = arith.constant 61 : i32
    %scan3A_297 = arith.addi %scan3A_295, %scan3A_296 : i32
    %scan3A_298 = arith.constant 1 : i32
    %scan3A_299 = scf.for %scan3A_367 = %scan3A_295 to %scan3A_297 step %scan3A_298 iter_args(%scan3A_368 = %scan3A_287) -> (vector<16xf32>)  : i32 {
      %mul3A_369 = arith.constant 256 : i32
      %mul3A_370 = arith.muli %scan3A_367, %mul3A_369 : i32
      %add3A_371 = arith.constant 0 : i32
      %add3A_372 = arith.addi %mul3A_370, %add3A_371 : i32
      %get3A_373 = arith.index_cast %add3A_372 : i32 to index
      %get3A_374 = tpu.vector_load %arg11[%get3A_373] {strides = array<i32>} : memref<31232xf32, #tpu.memory_space<vmem>>, vector<16xf32>,
      %get3A_375 = arith.index_cast %add3A_372 : i32 to index
      %get3A_376 = tpu.vector_load %arg12[%get3A_375] {strides = array<i32>} : memref<31232xf32, #tpu.memory_space<vmem>>, vector<16xf32>,
      %add3A_377 = arith.addf %get3A_374, %get3A_376 : vector<16xf32>
      %swap3A_378 = arith.index_cast %add3A_372 : i32 to index
      %swap3A_379 = tpu.vector_load %arg11[%swap3A_378] {strides = array<i32>} : memref<31232xf32, #tpu.memory_space<vmem>>, vector<16xf32>,
      tpu.vector_store %arg11[%swap3A_378], %add3A_377 {strides = array<i32>} : memref<31232xf32, #tpu.memory_space<vmem>>, vector<16xf32>,
      %max3A = arith.maximumf %scan3A_368, %add3A_377 : vector<16xf32>
      %mul3A_380 = arith.constant 256 : i32
      %mul3A_381 = arith.muli %scan3A_367, %mul3A_380 : i32
      %add3A_382 = arith.constant 16 : i32
      %add3A_383 = arith.addi %mul3A_381, %add3A_382 : i32
      %get3A_384 = arith.index_cast %add3A_383 : i32 to index
      %get3A_385 = tpu.vector_load %arg11[%get3A_384] {strides = array<i32>} : memref<31232xf32, #tpu.memory_space<vmem>>, vector<16xf32>,
      %get3A_386 = arith.index_cast %add3A_383 : i32 to index
      %get3A_387 = tpu.vector_load %arg12[%get3A_386] {strides = array<i32>} : memref<31232xf32, #tpu.memory_space<vmem>>, vector<16xf32>,
      %add3A_388 = arith.addf %get3A_385, %get3A_387 : vector<16xf32>
      %swap3A_389 = arith.index_cast %add3A_383 : i32 to index
      %swap3A_390 = tpu.vector_load %arg11[%swap3A_389] {strides = array<i32>} : memref<31232xf32, #tpu.memory_space<vmem>>, vector<16xf32>,
      tpu.vector_store %arg11[%swap3A_389], %add3A_388 {strides = array<i32>} : memref<31232xf32, #tpu.memory_space<vmem>>, vector<16xf32>,
      %max3A_391 = arith.maximumf %max3A, %add3A_388 : vector<16xf32>
      %mul3A_392 = arith.constant 256 : i32
      %mul3A_393 = arith.muli %scan3A_367, %mul3A_392 : i32
      %add3A_394 = arith.constant 32 : i32
      %add3A_395 = arith.addi %mul3A_393, %add3A_394 : i32
      %get3A_396 = arith.index_cast %add3A_395 : i32 to index
      %get3A_397 = tpu.vector_load %arg11[%get3A_396] {strides = array<i32>} : memref<31232xf32, #tpu.memory_space<vmem>>, vector<16xf32>,
      %get3A_398 = arith.index_cast %add3A_395 : i32 to index
      %get3A_399 = tpu.vector_load %arg12[%get3A_398] {strides = array<i32>} : memref<31232xf32, #tpu.memory_space<vmem>>, vector<16xf32>,
      %add3A_400 = arith.addf %get3A_397, %get3A_399 : vector<16xf32>
      %swap3A_401 = arith.index_cast %add3A_395 : i32 to index
      %swap3A_402 = tpu.vector_load %arg11[%swap3A_401] {strides = array<i32>} : memref<31232xf32, #tpu.memory_space<vmem>>, vector<16xf32>,
      tpu.vector_store %arg11[%swap3A_401], %add3A_400 {strides = array<i32>} : memref<31232xf32, #tpu.memory_space<vmem>>, vector<16xf32>,
      %max3A_403 = arith.maximumf %max3A_391, %add3A_400 : vector<16xf32>
      %mul3A_404 = arith.constant 256 : i32
      %mul3A_405 = arith.muli %scan3A_367, %mul3A_404 : i32
      %add3A_406 = arith.constant 48 : i32
      %add3A_407 = arith.addi %mul3A_405, %add3A_406 : i32
      %get3A_408 = arith.index_cast %add3A_407 : i32 to index
      %get3A_409 = tpu.vector_load %arg11[%get3A_408] {strides = array<i32>} : memref<31232xf32, #tpu.memory_space<vmem>>, vector<16xf32>,
      %get3A_410 = arith.index_cast %add3A_407 : i32 to index
      %get3A_411 = tpu.vector_load %arg12[%get3A_410] {strides = array<i32>} : memref<31232xf32, #tpu.memory_space<vmem>>, vector<16xf32>,
      %add3A_412 = arith.addf %get3A_409, %get3A_411 : vector<16xf32>
      %swap3A_413 = arith.index_cast %add3A_407 : i32 to index
      %swap3A_414 = tpu.vector_load %arg11[%swap3A_413] {strides = array<i32>} : memref<31232xf32, #tpu.memory_space<vmem>>, vector<16xf32>,
      tpu.vector_store %arg11[%swap3A_413], %add3A_412 {strides = array<i32>} : memref<31232xf32, #tpu.memory_space<vmem>>, vector<16xf32>,
      %max3A_415 = arith.maximumf %max3A_403, %add3A_412 : vector<16xf32>
      %mul3A_416 = arith.constant 256 : i32
      %mul3A_417 = arith.muli %scan3A_367, %mul3A_416 : i32
      %add3A_418 = arith.constant 64 : i32
      %add3A_419 = arith.addi %mul3A_417, %add3A_418 : i32
      %get3A_420 = arith.index_cast %add3A_419 : i32 to index
      %get3A_421 = tpu.vector_load %arg11[%get3A_420] {strides = array<i32>} : memref<31232xf32, #tpu.memory_space<vmem>>, vector<16xf32>,
      %get3A_422 = arith.index_cast %add3A_419 : i32 to index
      %get3A_423 = tpu.vector_load %arg12[%get3A_422] {strides = array<i32>} : memref<31232xf32, #tpu.memory_space<vmem>>, vector<16xf32>,
      %add3A_424 = arith.addf %get3A_421, %get3A_423 : vector<16xf32>
      %swap3A_425 = arith.index_cast %add3A_419 : i32 to index
      %swap3A_426 = tpu.vector_load %arg11[%swap3A_425] {strides = array<i32>} : memref<31232xf32, #tpu.memory_space<vmem>>, vector<16xf32>,
      tpu.vector_store %arg11[%swap3A_425], %add3A_424 {strides = array<i32>} : memref<31232xf32, #tpu.memory_space<vmem>>, vector<16xf32>,
      %max3A_427 = arith.maximumf %max3A_415, %add3A_424 : vector<16xf32>
      %mul3A_428 = arith.constant 256 : i32
      %mul3A_429 = arith.muli %scan3A_367, %mul3A_428 : i32
      %add3A_430 = arith.constant 80 : i32
      %add3A_431 = arith.addi %mul3A_429, %add3A_430 : i32
      %get3A_432 = arith.index_cast %add3A_431 : i32 to index
      %get3A_433 = tpu.vector_load %arg11[%get3A_432] {strides = array<i32>} : memref<31232xf32, #tpu.memory_space<vmem>>, vector<16xf32>,
      %get3A_434 = arith.index_cast %add3A_431 : i32 to index
      %get3A_435 = tpu.vector_load %arg12[%get3A_434] {strides = array<i32>} : memref<31232xf32, #tpu.memory_space<vmem>>, vector<16xf32>,
      %add3A_436 = arith.addf %get3A_433, %get3A_435 : vector<16xf32>
      %swap3A_437 = arith.index_cast %add3A_431 : i32 to index
      %swap3A_438 = tpu.vector_load %arg11[%swap3A_437] {strides = array<i32>} : memref<31232xf32, #tpu.memory_space<vmem>>, vector<16xf32>,
      tpu.vector_store %arg11[%swap3A_437], %add3A_436 {strides = array<i32>} : memref<31232xf32, #tpu.memory_space<vmem>>, vector<16xf32>,
      %max3A_439 = arith.maximumf %max3A_427, %add3A_436 : vector<16xf32>
      %mul3A_440 = arith.constant 256 : i32
      %mul3A_441 = arith.muli %scan3A_367, %mul3A_440 : i32
      %add3A_442 = arith.constant 96 : i32
      %add3A_443 = arith.addi %mul3A_441, %add3A_442 : i32
      %get3A_444 = arith.index_cast %add3A_443 : i32 to index
      %get3A_445 = tpu.vector_load %arg11[%get3A_444] {strides = array<i32>} : memref<31232xf32, #tpu.memory_space<vmem>>, vector<16xf32>,
      %get3A_446 = arith.index_cast %add3A_443 : i32 to index
      %get3A_447 = tpu.vector_load %arg12[%get3A_446] {strides = array<i32>} : memref<31232xf32, #tpu.memory_space<vmem>>, vector<16xf32>,
      %add3A_448 = arith.addf %get3A_445, %get3A_447 : vector<16xf32>
      %swap3A_449 = arith.index_cast %add3A_443 : i32 to index
      %swap3A_450 = tpu.vector_load %arg11[%swap3A_449] {strides = array<i32>} : memref<31232xf32, #tpu.memory_space<vmem>>, vector<16xf32>,
      tpu.vector_store %arg11[%swap3A_449], %add3A_448 {strides = array<i32>} : memref<31232xf32, #tpu.memory_space<vmem>>, vector<16xf32>,
      %max3A_451 = arith.maximumf %max3A_439, %add3A_448 : vector<16xf32>
      %mul3A_452 = arith.constant 256 : i32
      %mul3A_453 = arith.muli %scan3A_367, %mul3A_452 : i32
      %add3A_454 = arith.constant 112 : i32
      %add3A_455 = arith.addi %mul3A_453, %add3A_454 : i32
      %get3A_456 = arith.index_cast %add3A_455 : i32 to index
      %get3A_457 = tpu.vector_load %arg11[%get3A_456] {strides = array<i32>} : memref<31232xf32, #tpu.memory_space<vmem>>, vector<16xf32>,
      %get3A_458 = arith.index_cast %add3A_455 : i32 to index
      %get3A_459 = tpu.vector_load %arg12[%get3A_458] {strides = array<i32>} : memref<31232xf32, #tpu.memory_space<vmem>>, vector<16xf32>,
      %add3A_460 = arith.addf %get3A_457, %get3A_459 : vector<16xf32>
      %swap3A_461 = arith.index_cast %add3A_455 : i32 to index
      %swap3A_462 = tpu.vector_load %arg11[%swap3A_461] {strides = array<i32>} : memref<31232xf32, #tpu.memory_space<vmem>>, vector<16xf32>,
      tpu.vector_store %arg11[%swap3A_461], %add3A_460 {strides = array<i32>} : memref<31232xf32, #tpu.memory_space<vmem>>, vector<16xf32>,
      %max3A_463 = arith.maximumf %max3A_451, %add3A_460 : vector<16xf32>
      %mul3A_464 = arith.constant 256 : i32
      %mul3A_465 = arith.muli %scan3A_367, %mul3A_464 : i32
      %add3A_466 = arith.constant 128 : i32
      %add3A_467 = arith.addi %mul3A_465, %add3A_466 : i32
      %get3A_468 = arith.index_cast %add3A_467 : i32 to index
      %get3A_469 = tpu.vector_load %arg11[%get3A_468] {strides = array<i32>} : memref<31232xf32, #tpu.memory_space<vmem>>, vector<16xf32>,
      %get3A_470 = arith.index_cast %add3A_467 : i32 to index
      %get3A_471 = tpu.vector_load %arg12[%get3A_470] {strides = array<i32>} : memref<31232xf32, #tpu.memory_space<vmem>>, vector<16xf32>,
      %add3A_472 = arith.addf %get3A_469, %get3A_471 : vector<16xf32>
      %swap3A_473 = arith.index_cast %add3A_467 : i32 to index
      %swap3A_474 = tpu.vector_load %arg11[%swap3A_473] {strides = array<i32>} : memref<31232xf32, #tpu.memory_space<vmem>>, vector<16xf32>,
      tpu.vector_store %arg11[%swap3A_473], %add3A_472 {strides = array<i32>} : memref<31232xf32, #tpu.memory_space<vmem>>, vector<16xf32>,
      %max3A_475 = arith.maximumf %max3A_463, %add3A_472 : vector<16xf32>
      %mul3A_476 = arith.constant 256 : i32
      %mul3A_477 = arith.muli %scan3A_367, %mul3A_476 : i32
      %add3A_478 = arith.constant 144 : i32
      %add3A_479 = arith.addi %mul3A_477, %add3A_478 : i32
      %get3A_480 = arith.index_cast %add3A_479 : i32 to index
      %get3A_481 = tpu.vector_load %arg11[%get3A_480] {strides = array<i32>} : memref<31232xf32, #tpu.memory_space<vmem>>, vector<16xf32>,
      %get3A_482 = arith.index_cast %add3A_479 : i32 to index
      %get3A_483 = tpu.vector_load %arg12[%get3A_482] {strides = array<i32>} : memref<31232xf32, #tpu.memory_space<vmem>>, vector<16xf32>,
      %add3A_484 = arith.addf %get3A_481, %get3A_483 : vector<16xf32>
      %swap3A_485 = arith.index_cast %add3A_479 : i32 to index
      %swap3A_486 = tpu.vector_load %arg11[%swap3A_485] {strides = array<i32>} : memref<31232xf32, #tpu.memory_space<vmem>>, vector<16xf32>,
      tpu.vector_store %arg11[%swap3A_485], %add3A_484 {strides = array<i32>} : memref<31232xf32, #tpu.memory_space<vmem>>, vector<16xf32>,
      %max3A_487 = arith.maximumf %max3A_475, %add3A_484 : vector<16xf32>
      %mul3A_488 = arith.constant 256 : i32
      %mul3A_489 = arith.muli %scan3A_367, %mul3A_488 : i32
      %add3A_490 = arith.constant 160 : i32
      %add3A_491 = arith.addi %mul3A_489, %add3A_490 : i32
      %get3A_492 = arith.index_cast %add3A_491 : i32 to index
      %get3A_493 = tpu.vector_load %arg11[%get3A_492] {strides = array<i32>} : memref<31232xf32, #tpu.memory_space<vmem>>, vector<16xf32>,
      %get3A_494 = arith.index_cast %add3A_491 : i32 to index
      %get3A_495 = tpu.vector_load %arg12[%get3A_494] {strides = array<i32>} : memref<31232xf32, #tpu.memory_space<vmem>>, vector<16xf32>,
      %add3A_496 = arith.addf %get3A_493, %get3A_495 : vector<16xf32>
      %swap3A_497 = arith.index_cast %add3A_491 : i32 to index
      %swap3A_498 = tpu.vector_load %arg11[%swap3A_497] {strides = array<i32>} : memref<31232xf32, #tpu.memory_space<vmem>>, vector<16xf32>,
      tpu.vector_store %arg11[%swap3A_497], %add3A_496 {strides = array<i32>} : memref<31232xf32, #tpu.memory_space<vmem>>, vector<16xf32>,
      %max3A_499 = arith.maximumf %max3A_487, %add3A_496 : vector<16xf32>
      %mul3A_500 = arith.constant 256 : i32
      %mul3A_501 = arith.muli %scan3A_367, %mul3A_500 : i32
      %add3A_502 = arith.constant 176 : i32
      %add3A_503 = arith.addi %mul3A_501, %add3A_502 : i32
      %get3A_504 = arith.index_cast %add3A_503 : i32 to index
      %get3A_505 = tpu.vector_load %arg11[%get3A_504] {strides = array<i32>} : memref<31232xf32, #tpu.memory_space<vmem>>, vector<16xf32>,
      %get3A_506 = arith.index_cast %add3A_503 : i32 to index
      %get3A_507 = tpu.vector_load %arg12[%get3A_506] {strides = array<i32>} : memref<31232xf32, #tpu.memory_space<vmem>>, vector<16xf32>,
      %add3A_508 = arith.addf %get3A_505, %get3A_507 : vector<16xf32>
      %swap3A_509 = arith.index_cast %add3A_503 : i32 to index
      %swap3A_510 = tpu.vector_load %arg11[%swap3A_509] {strides = array<i32>} : memref<31232xf32, #tpu.memory_space<vmem>>, vector<16xf32>,
      tpu.vector_store %arg11[%swap3A_509], %add3A_508 {strides = array<i32>} : memref<31232xf32, #tpu.memory_space<vmem>>, vector<16xf32>,
      %max3A_511 = arith.maximumf %max3A_499, %add3A_508 : vector<16xf32>
      %mul3A_512 = arith.constant 256 : i32
      %mul3A_513 = arith.muli %scan3A_367, %mul3A_512 : i32
      %add3A_514 = arith.constant 192 : i32
      %add3A_515 = arith.addi %mul3A_513, %add3A_514 : i32
      %get3A_516 = arith.index_cast %add3A_515 : i32 to index
      %get3A_517 = tpu.vector_load %arg11[%get3A_516] {strides = array<i32>} : memref<31232xf32, #tpu.memory_space<vmem>>, vector<16xf32>,
      %get3A_518 = arith.index_cast %add3A_515 : i32 to index
      %get3A_519 = tpu.vector_load %arg12[%get3A_518] {strides = array<i32>} : memref<31232xf32, #tpu.memory_space<vmem>>, vector<16xf32>,
      %add3A_520 = arith.addf %get3A_517, %get3A_519 : vector<16xf32>
      %swap3A_521 = arith.index_cast %add3A_515 : i32 to index
      %swap3A_522 = tpu.vector_load %arg11[%swap3A_521] {strides = array<i32>} : memref<31232xf32, #tpu.memory_space<vmem>>, vector<16xf32>,
      tpu.vector_store %arg11[%swap3A_521], %add3A_520 {strides = array<i32>} : memref<31232xf32, #tpu.memory_space<vmem>>, vector<16xf32>,
      %max3A_523 = arith.maximumf %max3A_511, %add3A_520 : vector<16xf32>
      %mul3A_524 = arith.constant 256 : i32
      %mul3A_525 = arith.muli %scan3A_367, %mul3A_524 : i32
      %add3A_526 = arith.constant 208 : i32
      %add3A_527 = arith.addi %mul3A_525, %add3A_526 : i32
      %get3A_528 = arith.index_cast %add3A_527 : i32 to index
      %get3A_529 = tpu.vector_load %arg11[%get3A_528] {strides = array<i32>} : memref<31232xf32, #tpu.memory_space<vmem>>, vector<16xf32>,
      %get3A_530 = arith.index_cast %add3A_527 : i32 to index
      %get3A_531 = tpu.vector_load %arg12[%get3A_530] {strides = array<i32>} : memref<31232xf32, #tpu.memory_space<vmem>>, vector<16xf32>,
      %add3A_532 = arith.addf %get3A_529, %get3A_531 : vector<16xf32>
      %swap3A_533 = arith.index_cast %add3A_527 : i32 to index
      %swap3A_534 = tpu.vector_load %arg11[%swap3A_533] {strides = array<i32>} : memref<31232xf32, #tpu.memory_space<vmem>>, vector<16xf32>,
      tpu.vector_store %arg11[%swap3A_533], %add3A_532 {strides = array<i32>} : memref<31232xf32, #tpu.memory_space<vmem>>, vector<16xf32>,
      %max3A_535 = arith.maximumf %max3A_523, %add3A_532 : vector<16xf32>
      %mul3A_536 = arith.constant 256 : i32
      %mul3A_537 = arith.muli %scan3A_367, %mul3A_536 : i32
      %add3A_538 = arith.constant 224 : i32
      %add3A_539 = arith.addi %mul3A_537, %add3A_538 : i32
      %get3A_540 = arith.index_cast %add3A_539 : i32 to index
      %get3A_541 = tpu.vector_load %arg11[%get3A_540] {strides = array<i32>} : memref<31232xf32, #tpu.memory_space<vmem>>, vector<16xf32>,
      %get3A_542 = arith.index_cast %add3A_539 : i32 to index
      %get3A_543 = tpu.vector_load %arg12[%get3A_542] {strides = array<i32>} : memref<31232xf32, #tpu.memory_space<vmem>>, vector<16xf32>,
      %add3A_544 = arith.addf %get3A_541, %get3A_543 : vector<16xf32>
      %swap3A_545 = arith.index_cast %add3A_539 : i32 to index
      %swap3A_546 = tpu.vector_load %arg11[%swap3A_545] {strides = array<i32>} : memref<31232xf32, #tpu.memory_space<vmem>>, vector<16xf32>,
      tpu.vector_store %arg11[%swap3A_545], %add3A_544 {strides = array<i32>} : memref<31232xf32, #tpu.memory_space<vmem>>, vector<16xf32>,
      %max3A_547 = arith.maximumf %max3A_535, %add3A_544 : vector<16xf32>
      %mul3A_548 = arith.constant 256 : i32
      %mul3A_549 = arith.muli %scan3A_367, %mul3A_548 : i32
      %add3A_550 = arith.constant 240 : i32
      %add3A_551 = arith.addi %mul3A_549, %add3A_550 : i32
      %get3A_552 = arith.index_cast %add3A_551 : i32 to index
      %get3A_553 = tpu.vector_load %arg11[%get3A_552] {strides = array<i32>} : memref<31232xf32, #tpu.memory_space<vmem>>, vector<16xf32>,
      %get3A_554 = arith.index_cast %add3A_551 : i32 to index
      %get3A_555 = tpu.vector_load %arg12[%get3A_554] {strides = array<i32>} : memref<31232xf32, #tpu.memory_space<vmem>>, vector<16xf32>,
      %add3A_556 = arith.addf %get3A_553, %get3A_555 : vector<16xf32>
      %swap3A_557 = arith.index_cast %add3A_551 : i32 to index
      %swap3A_558 = tpu.vector_load %arg11[%swap3A_557] {strides = array<i32>} : memref<31232xf32, #tpu.memory_space<vmem>>, vector<16xf32>,
      tpu.vector_store %arg11[%swap3A_557], %add3A_556 {strides = array<i32>} : memref<31232xf32, #tpu.memory_space<vmem>>, vector<16xf32>,
      %max3A_559 = arith.maximumf %max3A_547, %add3A_556 : vector<16xf32>
      scf.yield %max3A_559 : vector<16xf32>
    }
    %scan3A_300 = arith.constant 61 : i32
    %swap3A_301 = arith.constant 0 : index
    %swap3A_302 = tpu.vector_load %arg17[%swap3A_301] {strides = array<i32>} : memref<16xf32, #tpu.memory_space<vmem>>, vector<16xf32>,
    tpu.vector_store %arg17[%swap3A_301], %scan3A_299 {strides = array<i32>} : memref<16xf32, #tpu.memory_space<vmem>>, vector<16xf32>,
    %dma_start3A_303 = tpu.memref_slice %arg6[%mul3A_2] : memref<1000000xf32, #tpu.memory_space<hbm>> -> memref<31232xf32, #tpu.memory_space<hbm>>
    %dma_start3A_304 = tpu.memref_slice %arg6[%mul3A_2] : memref<1000000xf32, #tpu.memory_space<hbm>> -> memref<31232xf32, #tpu.memory_space<hbm>>
    tpu.enqueue_dma source(%arg11 : memref<31232xf32, #tpu.memory_space<vmem>>) target(%dma_start3A_304 : memref<31232xf32, #tpu.memory_space<hbm>>) target_semaphore(%arg23 : memref<!tpu.dma_semaphore, #tpu.memory_space<semaphore_mem>>)
    "tpu.region"() ({
      %run_scoped3A = tpu.sem_alloc : memref<!tpu.dma_semaphore, #tpu.memory_space<semaphore_mem>>
      %dma_start3A_367 = arith.constant 0 : i32
      %dma_start3A_368 = tpu.memref_slice %arg21[%arg1, %dma_start3A_367] : memref<16x16xf32, #tpu.memory_space<vmem_shared>> -> memref<1x16xf32, #tpu.memory_space<vmem_shared>>
      %dma_start3A_369 = tpu.memref_squeeze %dma_start3A_368 : memref<1x16xf32, #tpu.memory_space<vmem_shared>> -> memref<16xf32, #tpu.memory_space<vmem_shared>>
      %dma_start3A_370 = arith.constant 0 : i32
      %dma_start3A_371 = tpu.memref_slice %arg21[%arg1, %dma_start3A_370] : memref<16x16xf32, #tpu.memory_space<vmem_shared>> -> memref<1x16xf32, #tpu.memory_space<vmem_shared>>
      %dma_start3A_372 = tpu.memref_squeeze %dma_start3A_371 : memref<1x16xf32, #tpu.memory_space<vmem_shared>> -> memref<16xf32, #tpu.memory_space<vmem_shared>>
      tpu.enqueue_dma source(%arg17 : memref<16xf32, #tpu.memory_space<vmem>>) target(%dma_start3A_372 : memref<16xf32, #tpu.memory_space<vmem_shared>>) target_semaphore(%run_scoped3A : memref<!tpu.dma_semaphore, #tpu.memory_space<semaphore_mem>>)
      %dma_wait3A_373 = arith.constant 0 : i32
      %dma_wait3A_374 = tpu.memref_slice %arg21[%arg1, %dma_wait3A_373] : memref<16x16xf32, #tpu.memory_space<vmem_shared>> -> memref<1x16xf32, #tpu.memory_space<vmem_shared>>
      %dma_wait3A_375 = tpu.memref_squeeze %dma_wait3A_374 : memref<1x16xf32, #tpu.memory_space<vmem_shared>> -> memref<16xf32, #tpu.memory_space<vmem_shared>>
      %dma_wait3A_376 = arith.constant 0 : i32
      %dma_wait3A_377 = tpu.memref_slice %arg21[%arg1, %dma_wait3A_376] : memref<16x16xf32, #tpu.memory_space<vmem_shared>> -> memref<1x16xf32, #tpu.memory_space<vmem_shared>>
      %dma_wait3A_378 = tpu.memref_squeeze %dma_wait3A_377 : memref<1x16xf32, #tpu.memory_space<vmem_shared>> -> memref<16xf32, #tpu.memory_space<vmem_shared>>
      tpu.wait_dma2 semaphore(%run_scoped3A : memref<!tpu.dma_semaphore, #tpu.memory_space<semaphore_mem>>) src(%arg17 : memref<16xf32, #tpu.memory_space<vmem>>) dst(%dma_wait3A_378 : memref<16xf32, #tpu.memory_space<vmem_shared>>)
      tpu.yield
    }) : () -> ()
    %barrier3A = arith.constant 0 : index
    tpu.barrier barrier_id(%barrier3A)
    "tpu.region"() ({
      %run_scoped3A = tpu.sem_alloc : memref<!tpu.dma_semaphore, #tpu.memory_space<semaphore_mem>>
      tpu.enqueue_dma source(%arg21 : memref<16x16xf32, #tpu.memory_space<vmem_shared>>) target(%arg19 : memref<16x16xf32, #tpu.memory_space<vmem>>) target_semaphore(%run_scoped3A : memref<!tpu.dma_semaphore, #tpu.memory_space<semaphore_mem>>)
      tpu.wait_dma2 semaphore(%run_scoped3A : memref<!tpu.dma_semaphore, #tpu.memory_space<semaphore_mem>>) src(%arg21 : memref<16x16xf32, #tpu.memory_space<vmem_shared>>) dst(%arg19 : memref<16x16xf32, #tpu.memory_space<vmem>>)
      tpu.yield
    }) : () -> ()
    %broadcast_in_dim3A_305 = arith.constant -3.000000e+38 : f32
    %broadcast_in_dim3A_306 = vector.broadcast %broadcast_in_dim3A_305 : f32 to vector<16xf32>
    %scan3A_307 = arith.constant 0 : i32
    %scan3A_308 = arith.constant 16 : i32
    %scan3A_309 = arith.addi %scan3A_307, %scan3A_308 : i32
    %scan3A_310 = arith.constant 1 : i32
    %scan3A_311 = scf.for %scan3A_367 = %scan3A_307 to %scan3A_309 step %scan3A_310 iter_args(%scan3A_368 = %broadcast_in_dim3A_306) -> (vector<16xf32>)  : i32 {
      %get3A_369 = arith.index_cast %scan3A_367 : i32 to index
      %get3A_370 = arith.constant 0 : index
      %get3A_371 = tpu.vector_load %arg19[%get3A_369, %get3A_370] {strides = array<i32>} : memref<16x16xf32, #tpu.memory_space<vmem>>, vector<16xf32>,
      %max3A = arith.maximumf %scan3A_368, %get3A_371 : vector<16xf32>
      scf.yield %max3A : vector<16xf32>
    }
    %scan3A_312 = arith.constant 16 : i32
    %reduce_max3A = arith.constant true
    %reduce_max3A_313 = vector.broadcast %reduce_max3A : i1 to vector<16xi1>
    %reduce_max3A_314 = tpu.scan <max>, %scan3A_311 masked %reduce_max3A_313 : vector<16xf32>, vector<16xi1> -> vector<16xf32>
    %reduce_max3A_315 = vector.extract %reduce_max3A_314[15] : f32 from vector<16xf32>
    %dma_wait3A_316 = tpu.memref_slice %arg6[%mul3A_2] : memref<1000000xf32, #tpu.memory_space<hbm>> -> memref<31232xf32, #tpu.memory_space<hbm>>
    %dma_wait3A_317 = tpu.memref_slice %arg6[%mul3A_2] : memref<1000000xf32, #tpu.memory_space<hbm>> -> memref<31232xf32, #tpu.memory_space<hbm>>
    tpu.wait_dma2 semaphore(%arg23 : memref<!tpu.dma_semaphore, #tpu.memory_space<semaphore_mem>>) src(%arg11 : memref<31232xf32, #tpu.memory_space<vmem>>) dst(%dma_wait3A_317 : memref<31232xf32, #tpu.memory_space<hbm>>)
    %scan3A_318 = arith.constant 0 : i32
    %scan3A_319 = arith.constant 0 : i32
    %scan3A_320 = arith.constant 61 : i32
    %scan3A_321 = arith.addi %scan3A_319, %scan3A_320 : i32
    %scan3A_322 = arith.constant 1 : i32
    %scan3A_323 = scf.for %scan3A_367 = %scan3A_319 to %scan3A_321 step %scan3A_322 iter_args(%scan3A_368 = %scan3A_318) -> (i32)  : i32 {
      %mul3A_369 = arith.constant 256 : i32
      %mul3A_370 = arith.muli %scan3A_367, %mul3A_369 : i32
      %add3A_371 = arith.constant 0 : i32
      %add3A_372 = arith.addi %mul3A_370, %add3A_371 : i32
      %get3A_373 = arith.index_cast %add3A_372 : i32 to index
      %get3A_374 = tpu.vector_load %arg11[%get3A_373] {strides = array<i32>} : memref<31232xf32, #tpu.memory_space<vmem>>, vector<16xf32>,
      %sub3A = vector.broadcast %reduce_max3A_315 : f32 to vector<16xf32>
      %sub3A_375 = arith.subf %get3A_374, %sub3A : vector<16xf32>
      %exp3A = math.exp %sub3A_375 : vector<16xf32>
      %swap3A_376 = arith.index_cast %add3A_372 : i32 to index
      %swap3A_377 = tpu.vector_load %arg11[%swap3A_376] {strides = array<i32>} : memref<31232xf32, #tpu.memory_space<vmem>>, vector<16xf32>,
      tpu.vector_store %arg11[%swap3A_376], %exp3A {strides = array<i32>} : memref<31232xf32, #tpu.memory_space<vmem>>, vector<16xf32>,
      %mul3A_378 = arith.constant 256 : i32
      %mul3A_379 = arith.muli %scan3A_367, %mul3A_378 : i32
      %add3A_380 = arith.constant 16 : i32
      %add3A_381 = arith.addi %mul3A_379, %add3A_380 : i32
      %get3A_382 = arith.index_cast %add3A_381 : i32 to index
      %get3A_383 = tpu.vector_load %arg11[%get3A_382] {strides = array<i32>} : memref<31232xf32, #tpu.memory_space<vmem>>, vector<16xf32>,
      %sub3A_384 = vector.broadcast %reduce_max3A_315 : f32 to vector<16xf32>
      %sub3A_385 = arith.subf %get3A_383, %sub3A_384 : vector<16xf32>
      %exp3A_386 = math.exp %sub3A_385 : vector<16xf32>
      %swap3A_387 = arith.index_cast %add3A_381 : i32 to index
      %swap3A_388 = tpu.vector_load %arg11[%swap3A_387] {strides = array<i32>} : memref<31232xf32, #tpu.memory_space<vmem>>, vector<16xf32>,
      tpu.vector_store %arg11[%swap3A_387], %exp3A_386 {strides = array<i32>} : memref<31232xf32, #tpu.memory_space<vmem>>, vector<16xf32>,
      %mul3A_389 = arith.constant 256 : i32
      %mul3A_390 = arith.muli %scan3A_367, %mul3A_389 : i32
      %add3A_391 = arith.constant 32 : i32
      %add3A_392 = arith.addi %mul3A_390, %add3A_391 : i32
      %get3A_393 = arith.index_cast %add3A_392 : i32 to index
      %get3A_394 = tpu.vector_load %arg11[%get3A_393] {strides = array<i32>} : memref<31232xf32, #tpu.memory_space<vmem>>, vector<16xf32>,
      %sub3A_395 = vector.broadcast %reduce_max3A_315 : f32 to vector<16xf32>
      %sub3A_396 = arith.subf %get3A_394, %sub3A_395 : vector<16xf32>
      %exp3A_397 = math.exp %sub3A_396 : vector<16xf32>
      %swap3A_398 = arith.index_cast %add3A_392 : i32 to index
      %swap3A_399 = tpu.vector_load %arg11[%swap3A_398] {strides = array<i32>} : memref<31232xf32, #tpu.memory_space<vmem>>, vector<16xf32>,
      tpu.vector_store %arg11[%swap3A_398], %exp3A_397 {strides = array<i32>} : memref<31232xf32, #tpu.memory_space<vmem>>, vector<16xf32>,
      %mul3A_400 = arith.constant 256 : i32
      %mul3A_401 = arith.muli %scan3A_367, %mul3A_400 : i32
      %add3A_402 = arith.constant 48 : i32
      %add3A_403 = arith.addi %mul3A_401, %add3A_402 : i32
      %get3A_404 = arith.index_cast %add3A_403 : i32 to index
      %get3A_405 = tpu.vector_load %arg11[%get3A_404] {strides = array<i32>} : memref<31232xf32, #tpu.memory_space<vmem>>, vector<16xf32>,
      %sub3A_406 = vector.broadcast %reduce_max3A_315 : f32 to vector<16xf32>
      %sub3A_407 = arith.subf %get3A_405, %sub3A_406 : vector<16xf32>
      %exp3A_408 = math.exp %sub3A_407 : vector<16xf32>
      %swap3A_409 = arith.index_cast %add3A_403 : i32 to index
      %swap3A_410 = tpu.vector_load %arg11[%swap3A_409] {strides = array<i32>} : memref<31232xf32, #tpu.memory_space<vmem>>, vector<16xf32>,
      tpu.vector_store %arg11[%swap3A_409], %exp3A_408 {strides = array<i32>} : memref<31232xf32, #tpu.memory_space<vmem>>, vector<16xf32>,
      %mul3A_411 = arith.constant 256 : i32
      %mul3A_412 = arith.muli %scan3A_367, %mul3A_411 : i32
      %add3A_413 = arith.constant 64 : i32
      %add3A_414 = arith.addi %mul3A_412, %add3A_413 : i32
      %get3A_415 = arith.index_cast %add3A_414 : i32 to index
      %get3A_416 = tpu.vector_load %arg11[%get3A_415] {strides = array<i32>} : memref<31232xf32, #tpu.memory_space<vmem>>, vector<16xf32>,
      %sub3A_417 = vector.broadcast %reduce_max3A_315 : f32 to vector<16xf32>
      %sub3A_418 = arith.subf %get3A_416, %sub3A_417 : vector<16xf32>
      %exp3A_419 = math.exp %sub3A_418 : vector<16xf32>
      %swap3A_420 = arith.index_cast %add3A_414 : i32 to index
      %swap3A_421 = tpu.vector_load %arg11[%swap3A_420] {strides = array<i32>} : memref<31232xf32, #tpu.memory_space<vmem>>, vector<16xf32>,
      tpu.vector_store %arg11[%swap3A_420], %exp3A_419 {strides = array<i32>} : memref<31232xf32, #tpu.memory_space<vmem>>, vector<16xf32>,
      %mul3A_422 = arith.constant 256 : i32
      %mul3A_423 = arith.muli %scan3A_367, %mul3A_422 : i32
      %add3A_424 = arith.constant 80 : i32
      %add3A_425 = arith.addi %mul3A_423, %add3A_424 : i32
      %get3A_426 = arith.index_cast %add3A_425 : i32 to index
      %get3A_427 = tpu.vector_load %arg11[%get3A_426] {strides = array<i32>} : memref<31232xf32, #tpu.memory_space<vmem>>, vector<16xf32>,
      %sub3A_428 = vector.broadcast %reduce_max3A_315 : f32 to vector<16xf32>
      %sub3A_429 = arith.subf %get3A_427, %sub3A_428 : vector<16xf32>
      %exp3A_430 = math.exp %sub3A_429 : vector<16xf32>
      %swap3A_431 = arith.index_cast %add3A_425 : i32 to index
      %swap3A_432 = tpu.vector_load %arg11[%swap3A_431] {strides = array<i32>} : memref<31232xf32, #tpu.memory_space<vmem>>, vector<16xf32>,
      tpu.vector_store %arg11[%swap3A_431], %exp3A_430 {strides = array<i32>} : memref<31232xf32, #tpu.memory_space<vmem>>, vector<16xf32>,
      %mul3A_433 = arith.constant 256 : i32
      %mul3A_434 = arith.muli %scan3A_367, %mul3A_433 : i32
      %add3A_435 = arith.constant 96 : i32
      %add3A_436 = arith.addi %mul3A_434, %add3A_435 : i32
      %get3A_437 = arith.index_cast %add3A_436 : i32 to index
      %get3A_438 = tpu.vector_load %arg11[%get3A_437] {strides = array<i32>} : memref<31232xf32, #tpu.memory_space<vmem>>, vector<16xf32>,
      %sub3A_439 = vector.broadcast %reduce_max3A_315 : f32 to vector<16xf32>
      %sub3A_440 = arith.subf %get3A_438, %sub3A_439 : vector<16xf32>
      %exp3A_441 = math.exp %sub3A_440 : vector<16xf32>
      %swap3A_442 = arith.index_cast %add3A_436 : i32 to index
      %swap3A_443 = tpu.vector_load %arg11[%swap3A_442] {strides = array<i32>} : memref<31232xf32, #tpu.memory_space<vmem>>, vector<16xf32>,
      tpu.vector_store %arg11[%swap3A_442], %exp3A_441 {strides = array<i32>} : memref<31232xf32, #tpu.memory_space<vmem>>, vector<16xf32>,
      %mul3A_444 = arith.constant 256 : i32
      %mul3A_445 = arith.muli %scan3A_367, %mul3A_444 : i32
      %add3A_446 = arith.constant 112 : i32
      %add3A_447 = arith.addi %mul3A_445, %add3A_446 : i32
      %get3A_448 = arith.index_cast %add3A_447 : i32 to index
      %get3A_449 = tpu.vector_load %arg11[%get3A_448] {strides = array<i32>} : memref<31232xf32, #tpu.memory_space<vmem>>, vector<16xf32>,
      %sub3A_450 = vector.broadcast %reduce_max3A_315 : f32 to vector<16xf32>
      %sub3A_451 = arith.subf %get3A_449, %sub3A_450 : vector<16xf32>
      %exp3A_452 = math.exp %sub3A_451 : vector<16xf32>
      %swap3A_453 = arith.index_cast %add3A_447 : i32 to index
      %swap3A_454 = tpu.vector_load %arg11[%swap3A_453] {strides = array<i32>} : memref<31232xf32, #tpu.memory_space<vmem>>, vector<16xf32>,
      tpu.vector_store %arg11[%swap3A_453], %exp3A_452 {strides = array<i32>} : memref<31232xf32, #tpu.memory_space<vmem>>, vector<16xf32>,
      %mul3A_455 = arith.constant 256 : i32
      %mul3A_456 = arith.muli %scan3A_367, %mul3A_455 : i32
      %add3A_457 = arith.constant 128 : i32
      %add3A_458 = arith.addi %mul3A_456, %add3A_457 : i32
      %get3A_459 = arith.index_cast %add3A_458 : i32 to index
      %get3A_460 = tpu.vector_load %arg11[%get3A_459] {strides = array<i32>} : memref<31232xf32, #tpu.memory_space<vmem>>, vector<16xf32>,
      %sub3A_461 = vector.broadcast %reduce_max3A_315 : f32 to vector<16xf32>
      %sub3A_462 = arith.subf %get3A_460, %sub3A_461 : vector<16xf32>
      %exp3A_463 = math.exp %sub3A_462 : vector<16xf32>
      %swap3A_464 = arith.index_cast %add3A_458 : i32 to index
      %swap3A_465 = tpu.vector_load %arg11[%swap3A_464] {strides = array<i32>} : memref<31232xf32, #tpu.memory_space<vmem>>, vector<16xf32>,
      tpu.vector_store %arg11[%swap3A_464], %exp3A_463 {strides = array<i32>} : memref<31232xf32, #tpu.memory_space<vmem>>, vector<16xf32>,
      %mul3A_466 = arith.constant 256 : i32
      %mul3A_467 = arith.muli %scan3A_367, %mul3A_466 : i32
      %add3A_468 = arith.constant 144 : i32
      %add3A_469 = arith.addi %mul3A_467, %add3A_468 : i32
      %get3A_470 = arith.index_cast %add3A_469 : i32 to index
      %get3A_471 = tpu.vector_load %arg11[%get3A_470] {strides = array<i32>} : memref<31232xf32, #tpu.memory_space<vmem>>, vector<16xf32>,
      %sub3A_472 = vector.broadcast %reduce_max3A_315 : f32 to vector<16xf32>
      %sub3A_473 = arith.subf %get3A_471, %sub3A_472 : vector<16xf32>
      %exp3A_474 = math.exp %sub3A_473 : vector<16xf32>
      %swap3A_475 = arith.index_cast %add3A_469 : i32 to index
      %swap3A_476 = tpu.vector_load %arg11[%swap3A_475] {strides = array<i32>} : memref<31232xf32, #tpu.memory_space<vmem>>, vector<16xf32>,
      tpu.vector_store %arg11[%swap3A_475], %exp3A_474 {strides = array<i32>} : memref<31232xf32, #tpu.memory_space<vmem>>, vector<16xf32>,
      %mul3A_477 = arith.constant 256 : i32
      %mul3A_478 = arith.muli %scan3A_367, %mul3A_477 : i32
      %add3A_479 = arith.constant 160 : i32
      %add3A_480 = arith.addi %mul3A_478, %add3A_479 : i32
      %get3A_481 = arith.index_cast %add3A_480 : i32 to index
      %get3A_482 = tpu.vector_load %arg11[%get3A_481] {strides = array<i32>} : memref<31232xf32, #tpu.memory_space<vmem>>, vector<16xf32>,
      %sub3A_483 = vector.broadcast %reduce_max3A_315 : f32 to vector<16xf32>
      %sub3A_484 = arith.subf %get3A_482, %sub3A_483 : vector<16xf32>
      %exp3A_485 = math.exp %sub3A_484 : vector<16xf32>
      %swap3A_486 = arith.index_cast %add3A_480 : i32 to index
      %swap3A_487 = tpu.vector_load %arg11[%swap3A_486] {strides = array<i32>} : memref<31232xf32, #tpu.memory_space<vmem>>, vector<16xf32>,
      tpu.vector_store %arg11[%swap3A_486], %exp3A_485 {strides = array<i32>} : memref<31232xf32, #tpu.memory_space<vmem>>, vector<16xf32>,
      %mul3A_488 = arith.constant 256 : i32
      %mul3A_489 = arith.muli %scan3A_367, %mul3A_488 : i32
      %add3A_490 = arith.constant 176 : i32
      %add3A_491 = arith.addi %mul3A_489, %add3A_490 : i32
      %get3A_492 = arith.index_cast %add3A_491 : i32 to index
      %get3A_493 = tpu.vector_load %arg11[%get3A_492] {strides = array<i32>} : memref<31232xf32, #tpu.memory_space<vmem>>, vector<16xf32>,
      %sub3A_494 = vector.broadcast %reduce_max3A_315 : f32 to vector<16xf32>
      %sub3A_495 = arith.subf %get3A_493, %sub3A_494 : vector<16xf32>
      %exp3A_496 = math.exp %sub3A_495 : vector<16xf32>
      %swap3A_497 = arith.index_cast %add3A_491 : i32 to index
      %swap3A_498 = tpu.vector_load %arg11[%swap3A_497] {strides = array<i32>} : memref<31232xf32, #tpu.memory_space<vmem>>, vector<16xf32>,
      tpu.vector_store %arg11[%swap3A_497], %exp3A_496 {strides = array<i32>} : memref<31232xf32, #tpu.memory_space<vmem>>, vector<16xf32>,
      %mul3A_499 = arith.constant 256 : i32
      %mul3A_500 = arith.muli %scan3A_367, %mul3A_499 : i32
      %add3A_501 = arith.constant 192 : i32
      %add3A_502 = arith.addi %mul3A_500, %add3A_501 : i32
      %get3A_503 = arith.index_cast %add3A_502 : i32 to index
      %get3A_504 = tpu.vector_load %arg11[%get3A_503] {strides = array<i32>} : memref<31232xf32, #tpu.memory_space<vmem>>, vector<16xf32>,
      %sub3A_505 = vector.broadcast %reduce_max3A_315 : f32 to vector<16xf32>
      %sub3A_506 = arith.subf %get3A_504, %sub3A_505 : vector<16xf32>
      %exp3A_507 = math.exp %sub3A_506 : vector<16xf32>
      %swap3A_508 = arith.index_cast %add3A_502 : i32 to index
      %swap3A_509 = tpu.vector_load %arg11[%swap3A_508] {strides = array<i32>} : memref<31232xf32, #tpu.memory_space<vmem>>, vector<16xf32>,
      tpu.vector_store %arg11[%swap3A_508], %exp3A_507 {strides = array<i32>} : memref<31232xf32, #tpu.memory_space<vmem>>, vector<16xf32>,
      %mul3A_510 = arith.constant 256 : i32
      %mul3A_511 = arith.muli %scan3A_367, %mul3A_510 : i32
      %add3A_512 = arith.constant 208 : i32
      %add3A_513 = arith.addi %mul3A_511, %add3A_512 : i32
      %get3A_514 = arith.index_cast %add3A_513 : i32 to index
      %get3A_515 = tpu.vector_load %arg11[%get3A_514] {strides = array<i32>} : memref<31232xf32, #tpu.memory_space<vmem>>, vector<16xf32>,
      %sub3A_516 = vector.broadcast %reduce_max3A_315 : f32 to vector<16xf32>
      %sub3A_517 = arith.subf %get3A_515, %sub3A_516 : vector<16xf32>
      %exp3A_518 = math.exp %sub3A_517 : vector<16xf32>
      %swap3A_519 = arith.index_cast %add3A_513 : i32 to index
      %swap3A_520 = tpu.vector_load %arg11[%swap3A_519] {strides = array<i32>} : memref<31232xf32, #tpu.memory_space<vmem>>, vector<16xf32>,
      tpu.vector_store %arg11[%swap3A_519], %exp3A_518 {strides = array<i32>} : memref<31232xf32, #tpu.memory_space<vmem>>, vector<16xf32>,
      %mul3A_521 = arith.constant 256 : i32
      %mul3A_522 = arith.muli %scan3A_367, %mul3A_521 : i32
      %add3A_523 = arith.constant 224 : i32
      %add3A_524 = arith.addi %mul3A_522, %add3A_523 : i32
      %get3A_525 = arith.index_cast %add3A_524 : i32 to index
      %get3A_526 = tpu.vector_load %arg11[%get3A_525] {strides = array<i32>} : memref<31232xf32, #tpu.memory_space<vmem>>, vector<16xf32>,
      %sub3A_527 = vector.broadcast %reduce_max3A_315 : f32 to vector<16xf32>
      %sub3A_528 = arith.subf %get3A_526, %sub3A_527 : vector<16xf32>
      %exp3A_529 = math.exp %sub3A_528 : vector<16xf32>
      %swap3A_530 = arith.index_cast %add3A_524 : i32 to index
      %swap3A_531 = tpu.vector_load %arg11[%swap3A_530] {strides = array<i32>} : memref<31232xf32, #tpu.memory_space<vmem>>, vector<16xf32>,
      tpu.vector_store %arg11[%swap3A_530], %exp3A_529 {strides = array<i32>} : memref<31232xf32, #tpu.memory_space<vmem>>, vector<16xf32>,
      %mul3A_532 = arith.constant 256 : i32
      %mul3A_533 = arith.muli %scan3A_367, %mul3A_532 : i32
      %add3A_534 = arith.constant 240 : i32
      %add3A_535 = arith.addi %mul3A_533, %add3A_534 : i32
      %get3A_536 = arith.index_cast %add3A_535 : i32 to index
      %get3A_537 = tpu.vector_load %arg11[%get3A_536] {strides = array<i32>} : memref<31232xf32, #tpu.memory_space<vmem>>, vector<16xf32>,
      %sub3A_538 = vector.broadcast %reduce_max3A_315 : f32 to vector<16xf32>
      %sub3A_539 = arith.subf %get3A_537, %sub3A_538 : vector<16xf32>
      %exp3A_540 = math.exp %sub3A_539 : vector<16xf32>
      %swap3A_541 = arith.index_cast %add3A_535 : i32 to index
      %swap3A_542 = tpu.vector_load %arg11[%swap3A_541] {strides = array<i32>} : memref<31232xf32, #tpu.memory_space<vmem>>, vector<16xf32>,
      tpu.vector_store %arg11[%swap3A_541], %exp3A_540 {strides = array<i32>} : memref<31232xf32, #tpu.memory_space<vmem>>, vector<16xf32>,
      %scan3A_543 = arith.constant 0 : i32
      scf.yield %scan3A_543 : i32
    }
    %scan3A_324 = arith.constant 61 : i32
    %dma_start3A_325 = arith.constant 0 : i32
    %dma_start3A_326 = tpu.memref_slice %arg11[%dma_start3A_325] : memref<31232xf32, #tpu.memory_space<vmem>> -> memref<15616xf32, #tpu.memory_space<vmem>>
    %dma_start3A_327 = arith.constant 0 : i32
    %dma_start3A_328 = tpu.memref_slice %arg10[%dma_start3A_327] : memref<31232xi32, #tpu.memory_space<vmem>> -> memref<15616xi32, #tpu.memory_space<vmem>>
    %dma_start3A_329 = arith.constant 0 : i32
    %dma_start3A_330 = tpu.memref_slice %arg22[%dma_start3A_329] : memref<1024xf32, #tpu.memory_space<vmem_shared>> -> memref<1024xf32, #tpu.memory_space<vmem_shared>>
    tpu.enqueue_indirect_dma source(%dma_start3A_326 : memref<15616xf32, #tpu.memory_space<vmem>>) target(%dma_start3A_330 : memref<1024xf32, #tpu.memory_space<vmem_shared>>) offsets(%dma_start3A_328 : memref<15616xi32, #tpu.memory_space<vmem>>) semaphore(%arg23 : memref<!tpu.dma_semaphore, #tpu.memory_space<semaphore_mem>>) {add = true}
    %scan3A_331 = arith.constant 0 : i32
    %scan3A_332 = arith.constant 61 : i32
    %scan3A_333 = arith.constant 61 : i32
    %scan3A_334 = arith.addi %scan3A_332, %scan3A_333 : i32
    %scan3A_335 = arith.constant 1 : i32
    %scan3A_336 = scf.for %scan3A_367 = %scan3A_332 to %scan3A_334 step %scan3A_335 iter_args(%scan3A_368 = %scan3A_331) -> (i32)  : i32 {
      %mul3A_369 = arith.constant 256 : i32
      %mul3A_370 = arith.muli %scan3A_367, %mul3A_369 : i32
      %add3A_371 = arith.constant 0 : i32
      %add3A_372 = arith.addi %mul3A_370, %add3A_371 : i32
      %get3A_373 = arith.index_cast %add3A_372 : i32 to index
      %get3A_374 = tpu.vector_load %arg11[%get3A_373] {strides = array<i32>} : memref<31232xf32, #tpu.memory_space<vmem>>, vector<16xf32>,
      %sub3A = vector.broadcast %reduce_max3A_315 : f32 to vector<16xf32>
      %sub3A_375 = arith.subf %get3A_374, %sub3A : vector<16xf32>
      %exp3A = math.exp %sub3A_375 : vector<16xf32>
      %swap3A_376 = arith.index_cast %add3A_372 : i32 to index
      %swap3A_377 = tpu.vector_load %arg11[%swap3A_376] {strides = array<i32>} : memref<31232xf32, #tpu.memory_space<vmem>>, vector<16xf32>,
      tpu.vector_store %arg11[%swap3A_376], %exp3A {strides = array<i32>} : memref<31232xf32, #tpu.memory_space<vmem>>, vector<16xf32>,
      %mul3A_378 = arith.constant 256 : i32
      %mul3A_379 = arith.muli %scan3A_367, %mul3A_378 : i32
      %add3A_380 = arith.constant 16 : i32
      %add3A_381 = arith.addi %mul3A_379, %add3A_380 : i32
      %get3A_382 = arith.index_cast %add3A_381 : i32 to index
      %get3A_383 = tpu.vector_load %arg11[%get3A_382] {strides = array<i32>} : memref<31232xf32, #tpu.memory_space<vmem>>, vector<16xf32>,
      %sub3A_384 = vector.broadcast %reduce_max3A_315 : f32 to vector<16xf32>
      %sub3A_385 = arith.subf %get3A_383, %sub3A_384 : vector<16xf32>
      %exp3A_386 = math.exp %sub3A_385 : vector<16xf32>
      %swap3A_387 = arith.index_cast %add3A_381 : i32 to index
      %swap3A_388 = tpu.vector_load %arg11[%swap3A_387] {strides = array<i32>} : memref<31232xf32, #tpu.memory_space<vmem>>, vector<16xf32>,
      tpu.vector_store %arg11[%swap3A_387], %exp3A_386 {strides = array<i32>} : memref<31232xf32, #tpu.memory_space<vmem>>, vector<16xf32>,
      %mul3A_389 = arith.constant 256 : i32
      %mul3A_390 = arith.muli %scan3A_367, %mul3A_389 : i32
      %add3A_391 = arith.constant 32 : i32
      %add3A_392 = arith.addi %mul3A_390, %add3A_391 : i32
      %get3A_393 = arith.index_cast %add3A_392 : i32 to index
      %get3A_394 = tpu.vector_load %arg11[%get3A_393] {strides = array<i32>} : memref<31232xf32, #tpu.memory_space<vmem>>, vector<16xf32>,
      %sub3A_395 = vector.broadcast %reduce_max3A_315 : f32 to vector<16xf32>
      %sub3A_396 = arith.subf %get3A_394, %sub3A_395 : vector<16xf32>
      %exp3A_397 = math.exp %sub3A_396 : vector<16xf32>
      %swap3A_398 = arith.index_cast %add3A_392 : i32 to index
      %swap3A_399 = tpu.vector_load %arg11[%swap3A_398] {strides = array<i32>} : memref<31232xf32, #tpu.memory_space<vmem>>, vector<16xf32>,
      tpu.vector_store %arg11[%swap3A_398], %exp3A_397 {strides = array<i32>} : memref<31232xf32, #tpu.memory_space<vmem>>, vector<16xf32>,
      %mul3A_400 = arith.constant 256 : i32
      %mul3A_401 = arith.muli %scan3A_367, %mul3A_400 : i32
      %add3A_402 = arith.constant 48 : i32
      %add3A_403 = arith.addi %mul3A_401, %add3A_402 : i32
      %get3A_404 = arith.index_cast %add3A_403 : i32 to index
      %get3A_405 = tpu.vector_load %arg11[%get3A_404] {strides = array<i32>} : memref<31232xf32, #tpu.memory_space<vmem>>, vector<16xf32>,
      %sub3A_406 = vector.broadcast %reduce_max3A_315 : f32 to vector<16xf32>
      %sub3A_407 = arith.subf %get3A_405, %sub3A_406 : vector<16xf32>
      %exp3A_408 = math.exp %sub3A_407 : vector<16xf32>
      %swap3A_409 = arith.index_cast %add3A_403 : i32 to index
      %swap3A_410 = tpu.vector_load %arg11[%swap3A_409] {strides = array<i32>} : memref<31232xf32, #tpu.memory_space<vmem>>, vector<16xf32>,
      tpu.vector_store %arg11[%swap3A_409], %exp3A_408 {strides = array<i32>} : memref<31232xf32, #tpu.memory_space<vmem>>, vector<16xf32>,
      %mul3A_411 = arith.constant 256 : i32
      %mul3A_412 = arith.muli %scan3A_367, %mul3A_411 : i32
      %add3A_413 = arith.constant 64 : i32
      %add3A_414 = arith.addi %mul3A_412, %add3A_413 : i32
      %get3A_415 = arith.index_cast %add3A_414 : i32 to index
      %get3A_416 = tpu.vector_load %arg11[%get3A_415] {strides = array<i32>} : memref<31232xf32, #tpu.memory_space<vmem>>, vector<16xf32>,
      %sub3A_417 = vector.broadcast %reduce_max3A_315 : f32 to vector<16xf32>
      %sub3A_418 = arith.subf %get3A_416, %sub3A_417 : vector<16xf32>
      %exp3A_419 = math.exp %sub3A_418 : vector<16xf32>
      %swap3A_420 = arith.index_cast %add3A_414 : i32 to index
      %swap3A_421 = tpu.vector_load %arg11[%swap3A_420] {strides = array<i32>} : memref<31232xf32, #tpu.memory_space<vmem>>, vector<16xf32>,
      tpu.vector_store %arg11[%swap3A_420], %exp3A_419 {strides = array<i32>} : memref<31232xf32, #tpu.memory_space<vmem>>, vector<16xf32>,
      %mul3A_422 = arith.constant 256 : i32
      %mul3A_423 = arith.muli %scan3A_367, %mul3A_422 : i32
      %add3A_424 = arith.constant 80 : i32
      %add3A_425 = arith.addi %mul3A_423, %add3A_424 : i32
      %get3A_426 = arith.index_cast %add3A_425 : i32 to index
      %get3A_427 = tpu.vector_load %arg11[%get3A_426] {strides = array<i32>} : memref<31232xf32, #tpu.memory_space<vmem>>, vector<16xf32>,
      %sub3A_428 = vector.broadcast %reduce_max3A_315 : f32 to vector<16xf32>
      %sub3A_429 = arith.subf %get3A_427, %sub3A_428 : vector<16xf32>
      %exp3A_430 = math.exp %sub3A_429 : vector<16xf32>
      %swap3A_431 = arith.index_cast %add3A_425 : i32 to index
      %swap3A_432 = tpu.vector_load %arg11[%swap3A_431] {strides = array<i32>} : memref<31232xf32, #tpu.memory_space<vmem>>, vector<16xf32>,
      tpu.vector_store %arg11[%swap3A_431], %exp3A_430 {strides = array<i32>} : memref<31232xf32, #tpu.memory_space<vmem>>, vector<16xf32>,
      %mul3A_433 = arith.constant 256 : i32
      %mul3A_434 = arith.muli %scan3A_367, %mul3A_433 : i32
      %add3A_435 = arith.constant 96 : i32
      %add3A_436 = arith.addi %mul3A_434, %add3A_435 : i32
      %get3A_437 = arith.index_cast %add3A_436 : i32 to index
      %get3A_438 = tpu.vector_load %arg11[%get3A_437] {strides = array<i32>} : memref<31232xf32, #tpu.memory_space<vmem>>, vector<16xf32>,
      %sub3A_439 = vector.broadcast %reduce_max3A_315 : f32 to vector<16xf32>
      %sub3A_440 = arith.subf %get3A_438, %sub3A_439 : vector<16xf32>
      %exp3A_441 = math.exp %sub3A_440 : vector<16xf32>
      %swap3A_442 = arith.index_cast %add3A_436 : i32 to index
      %swap3A_443 = tpu.vector_load %arg11[%swap3A_442] {strides = array<i32>} : memref<31232xf32, #tpu.memory_space<vmem>>, vector<16xf32>,
      tpu.vector_store %arg11[%swap3A_442], %exp3A_441 {strides = array<i32>} : memref<31232xf32, #tpu.memory_space<vmem>>, vector<16xf32>,
      %mul3A_444 = arith.constant 256 : i32
      %mul3A_445 = arith.muli %scan3A_367, %mul3A_444 : i32
      %add3A_446 = arith.constant 112 : i32
      %add3A_447 = arith.addi %mul3A_445, %add3A_446 : i32
      %get3A_448 = arith.index_cast %add3A_447 : i32 to index
      %get3A_449 = tpu.vector_load %arg11[%get3A_448] {strides = array<i32>} : memref<31232xf32, #tpu.memory_space<vmem>>, vector<16xf32>,
      %sub3A_450 = vector.broadcast %reduce_max3A_315 : f32 to vector<16xf32>
      %sub3A_451 = arith.subf %get3A_449, %sub3A_450 : vector<16xf32>
      %exp3A_452 = math.exp %sub3A_451 : vector<16xf32>
      %swap3A_453 = arith.index_cast %add3A_447 : i32 to index
      %swap3A_454 = tpu.vector_load %arg11[%swap3A_453] {strides = array<i32>} : memref<31232xf32, #tpu.memory_space<vmem>>, vector<16xf32>,
      tpu.vector_store %arg11[%swap3A_453], %exp3A_452 {strides = array<i32>} : memref<31232xf32, #tpu.memory_space<vmem>>, vector<16xf32>,
      %mul3A_455 = arith.constant 256 : i32
      %mul3A_456 = arith.muli %scan3A_367, %mul3A_455 : i32
      %add3A_457 = arith.constant 128 : i32
      %add3A_458 = arith.addi %mul3A_456, %add3A_457 : i32
      %get3A_459 = arith.index_cast %add3A_458 : i32 to index
      %get3A_460 = tpu.vector_load %arg11[%get3A_459] {strides = array<i32>} : memref<31232xf32, #tpu.memory_space<vmem>>, vector<16xf32>,
      %sub3A_461 = vector.broadcast %reduce_max3A_315 : f32 to vector<16xf32>
      %sub3A_462 = arith.subf %get3A_460, %sub3A_461 : vector<16xf32>
      %exp3A_463 = math.exp %sub3A_462 : vector<16xf32>
      %swap3A_464 = arith.index_cast %add3A_458 : i32 to index
      %swap3A_465 = tpu.vector_load %arg11[%swap3A_464] {strides = array<i32>} : memref<31232xf32, #tpu.memory_space<vmem>>, vector<16xf32>,
      tpu.vector_store %arg11[%swap3A_464], %exp3A_463 {strides = array<i32>} : memref<31232xf32, #tpu.memory_space<vmem>>, vector<16xf32>,
      %mul3A_466 = arith.constant 256 : i32
      %mul3A_467 = arith.muli %scan3A_367, %mul3A_466 : i32
      %add3A_468 = arith.constant 144 : i32
      %add3A_469 = arith.addi %mul3A_467, %add3A_468 : i32
      %get3A_470 = arith.index_cast %add3A_469 : i32 to index
      %get3A_471 = tpu.vector_load %arg11[%get3A_470] {strides = array<i32>} : memref<31232xf32, #tpu.memory_space<vmem>>, vector<16xf32>,
      %sub3A_472 = vector.broadcast %reduce_max3A_315 : f32 to vector<16xf32>
      %sub3A_473 = arith.subf %get3A_471, %sub3A_472 : vector<16xf32>
      %exp3A_474 = math.exp %sub3A_473 : vector<16xf32>
      %swap3A_475 = arith.index_cast %add3A_469 : i32 to index
      %swap3A_476 = tpu.vector_load %arg11[%swap3A_475] {strides = array<i32>} : memref<31232xf32, #tpu.memory_space<vmem>>, vector<16xf32>,
      tpu.vector_store %arg11[%swap3A_475], %exp3A_474 {strides = array<i32>} : memref<31232xf32, #tpu.memory_space<vmem>>, vector<16xf32>,
      %mul3A_477 = arith.constant 256 : i32
      %mul3A_478 = arith.muli %scan3A_367, %mul3A_477 : i32
      %add3A_479 = arith.constant 160 : i32
      %add3A_480 = arith.addi %mul3A_478, %add3A_479 : i32
      %get3A_481 = arith.index_cast %add3A_480 : i32 to index
      %get3A_482 = tpu.vector_load %arg11[%get3A_481] {strides = array<i32>} : memref<31232xf32, #tpu.memory_space<vmem>>, vector<16xf32>,
      %sub3A_483 = vector.broadcast %reduce_max3A_315 : f32 to vector<16xf32>
      %sub3A_484 = arith.subf %get3A_482, %sub3A_483 : vector<16xf32>
      %exp3A_485 = math.exp %sub3A_484 : vector<16xf32>
      %swap3A_486 = arith.index_cast %add3A_480 : i32 to index
      %swap3A_487 = tpu.vector_load %arg11[%swap3A_486] {strides = array<i32>} : memref<31232xf32, #tpu.memory_space<vmem>>, vector<16xf32>,
      tpu.vector_store %arg11[%swap3A_486], %exp3A_485 {strides = array<i32>} : memref<31232xf32, #tpu.memory_space<vmem>>, vector<16xf32>,
      %mul3A_488 = arith.constant 256 : i32
      %mul3A_489 = arith.muli %scan3A_367, %mul3A_488 : i32
      %add3A_490 = arith.constant 176 : i32
      %add3A_491 = arith.addi %mul3A_489, %add3A_490 : i32
      %get3A_492 = arith.index_cast %add3A_491 : i32 to index
      %get3A_493 = tpu.vector_load %arg11[%get3A_492] {strides = array<i32>} : memref<31232xf32, #tpu.memory_space<vmem>>, vector<16xf32>,
      %sub3A_494 = vector.broadcast %reduce_max3A_315 : f32 to vector<16xf32>
      %sub3A_495 = arith.subf %get3A_493, %sub3A_494 : vector<16xf32>
      %exp3A_496 = math.exp %sub3A_495 : vector<16xf32>
      %swap3A_497 = arith.index_cast %add3A_491 : i32 to index
      %swap3A_498 = tpu.vector_load %arg11[%swap3A_497] {strides = array<i32>} : memref<31232xf32, #tpu.memory_space<vmem>>, vector<16xf32>,
      tpu.vector_store %arg11[%swap3A_497], %exp3A_496 {strides = array<i32>} : memref<31232xf32, #tpu.memory_space<vmem>>, vector<16xf32>,
      %mul3A_499 = arith.constant 256 : i32
      %mul3A_500 = arith.muli %scan3A_367, %mul3A_499 : i32
      %add3A_501 = arith.constant 192 : i32
      %add3A_502 = arith.addi %mul3A_500, %add3A_501 : i32
      %get3A_503 = arith.index_cast %add3A_502 : i32 to index
      %get3A_504 = tpu.vector_load %arg11[%get3A_503] {strides = array<i32>} : memref<31232xf32, #tpu.memory_space<vmem>>, vector<16xf32>,
      %sub3A_505 = vector.broadcast %reduce_max3A_315 : f32 to vector<16xf32>
      %sub3A_506 = arith.subf %get3A_504, %sub3A_505 : vector<16xf32>
      %exp3A_507 = math.exp %sub3A_506 : vector<16xf32>
      %swap3A_508 = arith.index_cast %add3A_502 : i32 to index
      %swap3A_509 = tpu.vector_load %arg11[%swap3A_508] {strides = array<i32>} : memref<31232xf32, #tpu.memory_space<vmem>>, vector<16xf32>,
      tpu.vector_store %arg11[%swap3A_508], %exp3A_507 {strides = array<i32>} : memref<31232xf32, #tpu.memory_space<vmem>>, vector<16xf32>,
      %mul3A_510 = arith.constant 256 : i32
      %mul3A_511 = arith.muli %scan3A_367, %mul3A_510 : i32
      %add3A_512 = arith.constant 208 : i32
      %add3A_513 = arith.addi %mul3A_511, %add3A_512 : i32
      %get3A_514 = arith.index_cast %add3A_513 : i32 to index
      %get3A_515 = tpu.vector_load %arg11[%get3A_514] {strides = array<i32>} : memref<31232xf32, #tpu.memory_space<vmem>>, vector<16xf32>,
      %sub3A_516 = vector.broadcast %reduce_max3A_315 : f32 to vector<16xf32>
      %sub3A_517 = arith.subf %get3A_515, %sub3A_516 : vector<16xf32>
      %exp3A_518 = math.exp %sub3A_517 : vector<16xf32>
      %swap3A_519 = arith.index_cast %add3A_513 : i32 to index
      %swap3A_520 = tpu.vector_load %arg11[%swap3A_519] {strides = array<i32>} : memref<31232xf32, #tpu.memory_space<vmem>>, vector<16xf32>,
      tpu.vector_store %arg11[%swap3A_519], %exp3A_518 {strides = array<i32>} : memref<31232xf32, #tpu.memory_space<vmem>>, vector<16xf32>,
      %mul3A_521 = arith.constant 256 : i32
      %mul3A_522 = arith.muli %scan3A_367, %mul3A_521 : i32
      %add3A_523 = arith.constant 224 : i32
      %add3A_524 = arith.addi %mul3A_522, %add3A_523 : i32
      %get3A_525 = arith.index_cast %add3A_524 : i32 to index
      %get3A_526 = tpu.vector_load %arg11[%get3A_525] {strides = array<i32>} : memref<31232xf32, #tpu.memory_space<vmem>>, vector<16xf32>,
      %sub3A_527 = vector.broadcast %reduce_max3A_315 : f32 to vector<16xf32>
      %sub3A_528 = arith.subf %get3A_526, %sub3A_527 : vector<16xf32>
      %exp3A_529 = math.exp %sub3A_528 : vector<16xf32>
      %swap3A_530 = arith.index_cast %add3A_524 : i32 to index
      %swap3A_531 = tpu.vector_load %arg11[%swap3A_530] {strides = array<i32>} : memref<31232xf32, #tpu.memory_space<vmem>>, vector<16xf32>,
      tpu.vector_store %arg11[%swap3A_530], %exp3A_529 {strides = array<i32>} : memref<31232xf32, #tpu.memory_space<vmem>>, vector<16xf32>,
      %mul3A_532 = arith.constant 256 : i32
      %mul3A_533 = arith.muli %scan3A_367, %mul3A_532 : i32
      %add3A_534 = arith.constant 240 : i32
      %add3A_535 = arith.addi %mul3A_533, %add3A_534 : i32
      %get3A_536 = arith.index_cast %add3A_535 : i32 to index
      %get3A_537 = tpu.vector_load %arg11[%get3A_536] {strides = array<i32>} : memref<31232xf32, #tpu.memory_space<vmem>>, vector<16xf32>,
      %sub3A_538 = vector.broadcast %reduce_max3A_315 : f32 to vector<16xf32>
      %sub3A_539 = arith.subf %get3A_537, %sub3A_538 : vector<16xf32>
      %exp3A_540 = math.exp %sub3A_539 : vector<16xf32>
      %swap3A_541 = arith.index_cast %add3A_535 : i32 to index
      %swap3A_542 = tpu.vector_load %arg11[%swap3A_541] {strides = array<i32>} : memref<31232xf32, #tpu.memory_space<vmem>>, vector<16xf32>,
      tpu.vector_store %arg11[%swap3A_541], %exp3A_540 {strides = array<i32>} : memref<31232xf32, #tpu.memory_space<vmem>>, vector<16xf32>,
      %scan3A_543 = arith.constant 0 : i32
      scf.yield %scan3A_543 : i32
    }
    %scan3A_337 = arith.constant 61 : i32
    %dma_start3A_338 = arith.constant 15616 : i32
    %dma_start3A_339 = tpu.memref_slice %arg11[%dma_start3A_338] : memref<31232xf32, #tpu.memory_space<vmem>> -> memref<15616xf32, #tpu.memory_space<vmem>>
    %dma_start3A_340 = arith.constant 15616 : i32
    %dma_start3A_341 = tpu.memref_slice %arg10[%dma_start3A_340] : memref<31232xi32, #tpu.memory_space<vmem>> -> memref<15616xi32, #tpu.memory_space<vmem>>
    %dma_start3A_342 = arith.constant 0 : i32
    %dma_start3A_343 = tpu.memref_slice %arg22[%dma_start3A_342] : memref<1024xf32, #tpu.memory_space<vmem_shared>> -> memref<1024xf32, #tpu.memory_space<vmem_shared>>
    tpu.enqueue_indirect_dma source(%dma_start3A_339 : memref<15616xf32, #tpu.memory_space<vmem>>) target(%dma_start3A_343 : memref<1024xf32, #tpu.memory_space<vmem_shared>>) offsets(%dma_start3A_341 : memref<15616xi32, #tpu.memory_space<vmem>>) semaphore(%arg24 : memref<!tpu.dma_semaphore, #tpu.memory_space<semaphore_mem>>) {add = true}
    %dma_wait3A_344 = arith.constant 0 : i32
    %dma_wait3A_345 = tpu.memref_slice %arg11[%dma_wait3A_344] : memref<31232xf32, #tpu.memory_space<vmem>> -> memref<15616xf32, #tpu.memory_space<vmem>>
    %dma_wait3A_346 = arith.constant 0 : i32
    %dma_wait3A_347 = tpu.memref_slice %arg10[%dma_wait3A_346] : memref<31232xi32, #tpu.memory_space<vmem>> -> memref<15616xi32, #tpu.memory_space<vmem>>
    %dma_wait3A_348 = arith.constant 0 : i32
    %dma_wait3A_349 = tpu.memref_slice %arg22[%dma_wait3A_348] : memref<1024xf32, #tpu.memory_space<vmem_shared>> -> memref<1024xf32, #tpu.memory_space<vmem_shared>>
    tpu.wait_indirect_dma semaphore(%arg23 : memref<!tpu.dma_semaphore, #tpu.memory_space<semaphore_mem>>) src(%dma_wait3A_345 : memref<15616xf32, #tpu.memory_space<vmem>>) dst(%dma_wait3A_349 : memref<1024xf32, #tpu.memory_space<vmem_shared>>)
    %dma_wait3A_350 = arith.constant 15616 : i32
    %dma_wait3A_351 = tpu.memref_slice %arg11[%dma_wait3A_350] : memref<31232xf32, #tpu.memory_space<vmem>> -> memref<15616xf32, #tpu.memory_space<vmem>>
    %dma_wait3A_352 = arith.constant 15616 : i32
    %dma_wait3A_353 = tpu.memref_slice %arg10[%dma_wait3A_352] : memref<31232xi32, #tpu.memory_space<vmem>> -> memref<15616xi32, #tpu.memory_space<vmem>>
    %dma_wait3A_354 = arith.constant 0 : i32
    %dma_wait3A_355 = tpu.memref_slice %arg22[%dma_wait3A_354] : memref<1024xf32, #tpu.memory_space<vmem_shared>> -> memref<1024xf32, #tpu.memory_space<vmem_shared>>
    tpu.wait_indirect_dma semaphore(%arg24 : memref<!tpu.dma_semaphore, #tpu.memory_space<semaphore_mem>>) src(%dma_wait3A_351 : memref<15616xf32, #tpu.memory_space<vmem>>) dst(%dma_wait3A_355 : memref<1024xf32, #tpu.memory_space<vmem_shared>>)
    %lt3A_356 = arith.constant 9 : i32
    %lt3A_357 = arith.cmpi slt, %add3A, %lt3A_356 : i32
    %convert_element_type3A_358 = arith.extui %lt3A_357 : i1 to i32
    %cond3A_359 = arith.constant 0 : i32
    %cond3A_360 = arith.cmpi ne, %convert_element_type3A_358, %cond3A_359 : i32
    scf.if %cond3A_360 {
      %get3A_367 = arith.constant 0 : index
      %get3A_368 = tpu.vector_load %arg15[%get3A_367] {strides = array<i32>} : memref<64xf32, #tpu.memory_space<vmem>>, vector<16xf32>,
      %sub3A = vector.broadcast %reduce_max3A_315 : f32 to vector<16xf32>
      %sub3A_369 = arith.subf %get3A_368, %sub3A : vector<16xf32>
      %exp3A = math.exp %sub3A_369 : vector<16xf32>
      %swap3A_370 = arith.constant 0 : index
      %swap3A_371 = tpu.vector_load %arg15[%swap3A_370] {strides = array<i32>} : memref<64xf32, #tpu.memory_space<vmem>>, vector<16xf32>,
      tpu.vector_store %arg15[%swap3A_370], %exp3A {strides = array<i32>} : memref<64xf32, #tpu.memory_space<vmem>>, vector<16xf32>,
      %get3A_372 = arith.constant 16 : index
      %get3A_373 = tpu.vector_load %arg15[%get3A_372] {strides = array<i32>} : memref<64xf32, #tpu.memory_space<vmem>>, vector<16xf32>,
      %sub3A_374 = vector.broadcast %reduce_max3A_315 : f32 to vector<16xf32>
      %sub3A_375 = arith.subf %get3A_373, %sub3A_374 : vector<16xf32>
      %exp3A_376 = math.exp %sub3A_375 : vector<16xf32>
      %swap3A_377 = arith.constant 16 : index
      %swap3A_378 = tpu.vector_load %arg15[%swap3A_377] {strides = array<i32>} : memref<64xf32, #tpu.memory_space<vmem>>, vector<16xf32>,
      tpu.vector_store %arg15[%swap3A_377], %exp3A_376 {strides = array<i32>} : memref<64xf32, #tpu.memory_space<vmem>>, vector<16xf32>,
      %get3A_379 = arith.constant 32 : index
      %get3A_380 = tpu.vector_load %arg15[%get3A_379] {strides = array<i32>} : memref<64xf32, #tpu.memory_space<vmem>>, vector<16xf32>,
      %sub3A_381 = vector.broadcast %reduce_max3A_315 : f32 to vector<16xf32>
      %sub3A_382 = arith.subf %get3A_380, %sub3A_381 : vector<16xf32>
      %exp3A_383 = math.exp %sub3A_382 : vector<16xf32>
      %swap3A_384 = arith.constant 32 : index
      %swap3A_385 = tpu.vector_load %arg15[%swap3A_384] {strides = array<i32>} : memref<64xf32, #tpu.memory_space<vmem>>, vector<16xf32>,
      tpu.vector_store %arg15[%swap3A_384], %exp3A_383 {strides = array<i32>} : memref<64xf32, #tpu.memory_space<vmem>>, vector<16xf32>,
      %get3A_386 = arith.constant 48 : index
      %get3A_387 = tpu.vector_load %arg15[%get3A_386] {strides = array<i32>} : memref<64xf32, #tpu.memory_space<vmem>>, vector<16xf32>,
      %sub3A_388 = vector.broadcast %reduce_max3A_315 : f32 to vector<16xf32>
      %sub3A_389 = arith.subf %get3A_387, %sub3A_388 : vector<16xf32>
      %exp3A_390 = math.exp %sub3A_389 : vector<16xf32>
      %swap3A_391 = arith.constant 48 : index
      %swap3A_392 = tpu.vector_load %arg15[%swap3A_391] {strides = array<i32>} : memref<64xf32, #tpu.memory_space<vmem>>, vector<16xf32>,
      tpu.vector_store %arg15[%swap3A_391], %exp3A_390 {strides = array<i32>} : memref<64xf32, #tpu.memory_space<vmem>>, vector<16xf32>,
      "tpu.region"() ({
        %run_scoped3A = tpu.sem_alloc : memref<!tpu.dma_semaphore, #tpu.memory_space<semaphore_mem>>
        %dma_start3A_393 = arith.constant 0 : i32
        %dma_start3A_394 = tpu.memref_slice %arg22[%dma_start3A_393] : memref<1024xf32, #tpu.memory_space<vmem_shared>> -> memref<1024xf32, #tpu.memory_space<vmem_shared>>
        tpu.enqueue_indirect_dma source(%arg15 : memref<64xf32, #tpu.memory_space<vmem>>) target(%dma_start3A_394 : memref<1024xf32, #tpu.memory_space<vmem_shared>>) offsets(%arg14 : memref<64xi32, #tpu.memory_space<vmem>>) semaphore(%run_scoped3A : memref<!tpu.dma_semaphore, #tpu.memory_space<semaphore_mem>>) {add = true}
        %dma_wait3A_395 = arith.constant 0 : i32
        %dma_wait3A_396 = tpu.memref_slice %arg22[%dma_wait3A_395] : memref<1024xf32, #tpu.memory_space<vmem_shared>> -> memref<1024xf32, #tpu.memory_space<vmem_shared>>
        tpu.wait_indirect_dma semaphore(%run_scoped3A : memref<!tpu.dma_semaphore, #tpu.memory_space<semaphore_mem>>) src(%arg15 : memref<64xf32, #tpu.memory_space<vmem>>) dst(%dma_wait3A_396 : memref<1024xf32, #tpu.memory_space<vmem_shared>>)
        tpu.yield
      }) : () -> ()
    } else {
    }
    %barrier3A_361 = arith.constant 0 : index
    tpu.barrier barrier_id(%barrier3A_361)
    %eq3A_362 = arith.constant 0 : i32
    %eq3A_363 = arith.cmpi eq, %arg1, %eq3A_362 : i32
    %convert_element_type3A_364 = arith.extui %eq3A_363 : i1 to i32
    %cond3A_365 = arith.constant 0 : i32
    %cond3A_366 = arith.cmpi ne, %convert_element_type3A_364, %cond3A_365 : i32
    scf.if %cond3A_366 {
      "tpu.region"() ({
        %run_scoped3A = tpu.sem_alloc : memref<!tpu.dma_semaphore, #tpu.memory_space<semaphore_mem>>
        %dma_start3A_373 = arith.constant 0 : i32
        %dma_start3A_374 = tpu.memref_slice %arg7[%arg0, %dma_start3A_373] : memref<2x1024xf32, #tpu.memory_space<hbm>> -> memref<1x1024xf32, #tpu.memory_space<hbm>>
        %dma_start3A_375 = tpu.memref_squeeze %dma_start3A_374 : memref<1x1024xf32, #tpu.memory_space<hbm>> -> memref<1024xf32, #tpu.memory_space<hbm>>
        tpu.enqueue_dma source(%arg22 : memref<1024xf32, #tpu.memory_space<vmem_shared>>) target(%dma_start3A_375 : memref<1024xf32, #tpu.memory_space<hbm>>) target_semaphore(%run_scoped3A : memref<!tpu.dma_semaphore, #tpu.memory_space<semaphore_mem>>)
        %dma_wait3A_376 = arith.constant 0 : i32
        %dma_wait3A_377 = tpu.memref_slice %arg7[%arg0, %dma_wait3A_376] : memref<2x1024xf32, #tpu.memory_space<hbm>> -> memref<1x1024xf32, #tpu.memory_space<hbm>>
        %dma_wait3A_378 = tpu.memref_squeeze %dma_wait3A_377 : memref<1x1024xf32, #tpu.memory_space<hbm>> -> memref<1024xf32, #tpu.memory_space<hbm>>
        tpu.wait_dma2 semaphore(%run_scoped3A : memref<!tpu.dma_semaphore, #tpu.memory_space<semaphore_mem>>) src(%arg22 : memref<1024xf32, #tpu.memory_space<vmem_shared>>) dst(%dma_wait3A_378 : memref<1024xf32, #tpu.memory_space<hbm>>)
        tpu.yield
      }) : () -> ()
      %broadcast_in_dim3A_367 = arith.constant 0.000000e+00 : f32
      %broadcast_in_dim3A_368 = vector.broadcast %broadcast_in_dim3A_367 : f32 to vector<16xf32>
      %add3A_369 = vector.broadcast %reduce_max3A_315 : f32 to vector<16xf32>
      %add3A_370 = arith.addf %broadcast_in_dim3A_368, %add3A_369 : vector<16xf32>
      %swap3A_371 = arith.constant 0 : index
      %swap3A_372 = tpu.vector_load %arg17[%swap3A_371] {strides = array<i32>} : memref<16xf32, #tpu.memory_space<vmem>>, vector<16xf32>,
      tpu.vector_store %arg17[%swap3A_371], %add3A_370 {strides = array<i32>} : memref<16xf32, #tpu.memory_space<vmem>>, vector<16xf32>,
      "tpu.region"() ({
        %run_scoped3A = tpu.sem_alloc : memref<!tpu.dma_semaphore, #tpu.memory_space<semaphore_mem>>
        %dma_start3A_373 = arith.constant 0 : i32
        %dma_start3A_374 = tpu.memref_slice %arg8[%arg0, %dma_start3A_373] : memref<2x16xf32, #tpu.memory_space<hbm>> -> memref<1x16xf32, #tpu.memory_space<hbm>>
        %dma_start3A_375 = tpu.memref_squeeze %dma_start3A_374 : memref<1x16xf32, #tpu.memory_space<hbm>> -> memref<16xf32, #tpu.memory_space<hbm>>
        %dma_start3A_376 = arith.constant 0 : i32
        %dma_start3A_377 = tpu.memref_slice %arg8[%arg0, %dma_start3A_376] : memref<2x16xf32, #tpu.memory_space<hbm>> -> memref<1x16xf32, #tpu.memory_space<hbm>>
        %dma_start3A_378 = tpu.memref_squeeze %dma_start3A_377 : memref<1x16xf32, #tpu.memory_space<hbm>> -> memref<16xf32, #tpu.memory_space<hbm>>
        tpu.enqueue_dma source(%arg17 : memref<16xf32, #tpu.memory_space<vmem>>) target(%dma_start3A_378 : memref<16xf32, #tpu.memory_space<hbm>>) target_semaphore(%run_scoped3A : memref<!tpu.dma_semaphore, #tpu.memory_space<semaphore_mem>>)
        %dma_wait3A_379 = arith.constant 0 : i32
        %dma_wait3A_380 = tpu.memref_slice %arg8[%arg0, %dma_wait3A_379] : memref<2x16xf32, #tpu.memory_space<hbm>> -> memref<1x16xf32, #tpu.memory_space<hbm>>
        %dma_wait3A_381 = tpu.memref_squeeze %dma_wait3A_380 : memref<1x16xf32, #tpu.memory_space<hbm>> -> memref<16xf32, #tpu.memory_space<hbm>>
        %dma_wait3A_382 = arith.constant 0 : i32
        %dma_wait3A_383 = tpu.memref_slice %arg8[%arg0, %dma_wait3A_382] : memref<2x16xf32, #tpu.memory_space<hbm>> -> memref<1x16xf32, #tpu.memory_space<hbm>>
        %dma_wait3A_384 = tpu.memref_squeeze %dma_wait3A_383 : memref<1x16xf32, #tpu.memory_space<hbm>> -> memref<16xf32, #tpu.memory_space<hbm>>
        tpu.wait_dma2 semaphore(%run_scoped3A : memref<!tpu.dma_semaphore, #tpu.memory_space<semaphore_mem>>) src(%arg17 : memref<16xf32, #tpu.memory_space<vmem>>) dst(%dma_wait3A_384 : memref<16xf32, #tpu.memory_space<hbm>>)
        tpu.yield
      }) : () -> ()
    } else {
    }
    return
  }
}

#map = affine_map<(d0, d1) -> (0)>
#map1 = affine_map<(d0, d1) -> (0, 0)>
module attributes {stable_mosaic.version = 14 : i64} {
  func.func @_k3(%arg0: i32, %arg1: i32, %arg2: memref<200000xi32, #tpu.memory_space<hbm>>, %arg3: memref<1000000xf32, #tpu.memory_space<hbm>>, %arg4: memref<1000000xi32, #tpu.memory_space<hbm>>, %arg5: memref<2x16xf32, #tpu.memory_space<hbm>>, %arg6: memref<2x1024xf32, #tpu.memory_space<hbm>>, %arg7: memref<200000xf32, #tpu.memory_space<hbm>>, %arg8: memref<2x16xf32, #tpu.memory_space<vmem>>, %arg9: memref<2x1024xf32, #tpu.memory_space<vmem>>, %arg10: memref<1024xf32, #tpu.memory_space<vmem>>, %arg11: memref<6208xi32, #tpu.memory_space<vmem>>, %arg12: memref<6208xf32, #tpu.memory_space<vmem>>, %arg13: memref<6208xi32, #tpu.memory_space<vmem>>, %arg14: memref<6208xf32, #tpu.memory_space<vmem>>, %arg15: memref<64xi32, #tpu.memory_space<vmem>>, %arg16: memref<64xf32, #tpu.memory_space<vmem>>, %arg17: memref<64xi32, #tpu.memory_space<vmem>>, %arg18: memref<64xf32, #tpu.memory_space<vmem>>, %arg19: memref<!tpu.dma_semaphore, #tpu.memory_space<semaphore_mem>>, %arg20: memref<!tpu.dma_semaphore, #tpu.memory_space<semaphore_mem>>) attributes {dimension_semantics = [#tpu.dimension_semantics<core_parallel>, #tpu.dimension_semantics<subcore_parallel>], iteration_bounds = array<i64: 2, 16>, scalar_prefetch = 0 : i64, scratch_operands = 13 : i64, tpu.core_type = #tpu.core_type<sc_vector_subcore>, window_params = [{transform_indices = #map}, {transform_indices = #map}, {transform_indices = #map}, {transform_indices = #map1}, {transform_indices = #map1}, {transform_indices = #map}]} {
    %mul3A = arith.constant 2 : i32
    %mul3A_0 = arith.muli %arg1, %mul3A : i32
    %add3A = arith.addi %mul3A_0, %arg0 : i32
    %mul3A_1 = arith.constant 6208 : i32
    %mul3A_2 = arith.muli %add3A, %mul3A_1 : i32
    "tpu.region"() ({
      %run_scoped3A = tpu.sem_alloc : memref<!tpu.dma_semaphore, #tpu.memory_space<semaphore_mem>>
      %dma_start3A_871 = tpu.memref_slice %arg2[%mul3A_2] : memref<200000xi32, #tpu.memory_space<hbm>> -> memref<6208xi32, #tpu.memory_space<hbm>>
      %dma_start3A_872 = tpu.memref_slice %arg2[%mul3A_2] : memref<200000xi32, #tpu.memory_space<hbm>> -> memref<6208xi32, #tpu.memory_space<hbm>>
      tpu.enqueue_dma source(%dma_start3A_872 : memref<6208xi32, #tpu.memory_space<hbm>>) target(%arg11 : memref<6208xi32, #tpu.memory_space<vmem>>) target_semaphore(%run_scoped3A : memref<!tpu.dma_semaphore, #tpu.memory_space<semaphore_mem>>)
      %dma_wait3A_873 = tpu.memref_slice %arg2[%mul3A_2] : memref<200000xi32, #tpu.memory_space<hbm>> -> memref<6208xi32, #tpu.memory_space<hbm>>
      %dma_wait3A_874 = tpu.memref_slice %arg2[%mul3A_2] : memref<200000xi32, #tpu.memory_space<hbm>> -> memref<6208xi32, #tpu.memory_space<hbm>>
      tpu.wait_dma2 semaphore(%run_scoped3A : memref<!tpu.dma_semaphore, #tpu.memory_space<semaphore_mem>>) src(%dma_wait3A_874 : memref<6208xi32, #tpu.memory_space<hbm>>) dst(%arg11 : memref<6208xi32, #tpu.memory_space<vmem>>)
      tpu.yield
    }) : () -> ()
    %dma_start3A = arith.constant 0 : i32
    %dma_start3A_3 = tpu.memref_slice %arg3[%dma_start3A] : memref<1000000xf32, #tpu.memory_space<hbm>> -> memref<1000000xf32, #tpu.memory_space<hbm>>
    tpu.enqueue_indirect_dma source(%dma_start3A_3 : memref<1000000xf32, #tpu.memory_space<hbm>>) target(%arg12 : memref<6208xf32, #tpu.memory_space<vmem>>) offsets(%arg11 : memref<6208xi32, #tpu.memory_space<vmem>>) semaphore(%arg19 : memref<!tpu.dma_semaphore, #tpu.memory_space<semaphore_mem>>)
    %dma_start3A_4 = arith.constant 0 : i32
    %dma_start3A_5 = tpu.memref_slice %arg4[%dma_start3A_4] : memref<1000000xi32, #tpu.memory_space<hbm>> -> memref<1000000xi32, #tpu.memory_space<hbm>>
    tpu.enqueue_indirect_dma source(%dma_start3A_5 : memref<1000000xi32, #tpu.memory_space<hbm>>) target(%arg13 : memref<6208xi32, #tpu.memory_space<vmem>>) offsets(%arg11 : memref<6208xi32, #tpu.memory_space<vmem>>) semaphore(%arg20 : memref<!tpu.dma_semaphore, #tpu.memory_space<semaphore_mem>>)
    "tpu.region"() ({
      %run_scoped3A = tpu.sem_alloc : memref<!tpu.dma_semaphore, #tpu.memory_space<semaphore_mem>>
      tpu.enqueue_dma source(%arg5 : memref<2x16xf32, #tpu.memory_space<hbm>>) target(%arg8 : memref<2x16xf32, #tpu.memory_space<vmem>>) target_semaphore(%run_scoped3A : memref<!tpu.dma_semaphore, #tpu.memory_space<semaphore_mem>>)
      tpu.wait_dma2 semaphore(%run_scoped3A : memref<!tpu.dma_semaphore, #tpu.memory_space<semaphore_mem>>) src(%arg5 : memref<2x16xf32, #tpu.memory_space<hbm>>) dst(%arg8 : memref<2x16xf32, #tpu.memory_space<vmem>>)
      tpu.yield
    }) : () -> ()
    %get3A = arith.constant 0 : i32
    %get3A_6 = arith.index_cast %get3A : i32 to index
    %get3A_7 = arith.constant 0 : index
    %get3A_8 = tpu.vector_load %arg8[%get3A_6, %get3A_7] {strides = array<i32>} : memref<2x16xf32, #tpu.memory_space<vmem>>, vector<16xf32>,
    %reduce_max3A = arith.constant true
    %reduce_max3A_9 = vector.broadcast %reduce_max3A : i1 to vector<16xi1>
    %reduce_max3A_10 = tpu.scan <max>, %get3A_8 masked %reduce_max3A_9 : vector<16xf32>, vector<16xi1> -> vector<16xf32>
    %reduce_max3A_11 = vector.extract %reduce_max3A_10[15] : f32 from vector<16xf32>
    %get3A_12 = arith.constant 1 : i32
    %get3A_13 = arith.index_cast %get3A_12 : i32 to index
    %get3A_14 = arith.constant 0 : index
    %get3A_15 = tpu.vector_load %arg8[%get3A_13, %get3A_14] {strides = array<i32>} : memref<2x16xf32, #tpu.memory_space<vmem>>, vector<16xf32>,
    %reduce_max3A_16 = arith.constant true
    %reduce_max3A_17 = vector.broadcast %reduce_max3A_16 : i1 to vector<16xi1>
    %reduce_max3A_18 = tpu.scan <max>, %get3A_15 masked %reduce_max3A_17 : vector<16xf32>, vector<16xi1> -> vector<16xf32>
    %reduce_max3A_19 = vector.extract %reduce_max3A_18[15] : f32 from vector<16xf32>
    %max3A = arith.maximumf %reduce_max3A_11, %reduce_max3A_19 : f32
    %broadcast_in_dim3A = arith.constant 0.000000e+00 : f32
    %broadcast_in_dim3A_20 = vector.broadcast %broadcast_in_dim3A : f32 to vector<16xf32>
    %sub3A = arith.subf %reduce_max3A_11, %max3A : f32
    %add3A_21 = vector.broadcast %sub3A : f32 to vector<16xf32>
    %add3A_22 = arith.addf %broadcast_in_dim3A_20, %add3A_21 : vector<16xf32>
    %exp3A = math.exp %add3A_22 : vector<16xf32>
    %broadcast_in_dim3A_23 = arith.constant 0.000000e+00 : f32
    %broadcast_in_dim3A_24 = vector.broadcast %broadcast_in_dim3A_23 : f32 to vector<16xf32>
    %sub3A_25 = arith.subf %reduce_max3A_19, %max3A : f32
    %add3A_26 = vector.broadcast %sub3A_25 : f32 to vector<16xf32>
    %add3A_27 = arith.addf %broadcast_in_dim3A_24, %add3A_26 : vector<16xf32>
    %exp3A_28 = math.exp %add3A_27 : vector<16xf32>
    "tpu.region"() ({
      %run_scoped3A = tpu.sem_alloc : memref<!tpu.dma_semaphore, #tpu.memory_space<semaphore_mem>>
      tpu.enqueue_dma source(%arg6 : memref<2x1024xf32, #tpu.memory_space<hbm>>) target(%arg9 : memref<2x1024xf32, #tpu.memory_space<vmem>>) target_semaphore(%run_scoped3A : memref<!tpu.dma_semaphore, #tpu.memory_space<semaphore_mem>>)
      tpu.wait_dma2 semaphore(%run_scoped3A : memref<!tpu.dma_semaphore, #tpu.memory_space<semaphore_mem>>) src(%arg6 : memref<2x1024xf32, #tpu.memory_space<hbm>>) dst(%arg9 : memref<2x1024xf32, #tpu.memory_space<vmem>>)
      tpu.yield
    }) : () -> ()
    %get3A_29 = arith.constant 0 : i32
    %get3A_30 = arith.index_cast %get3A_29 : i32 to index
    %get3A_31 = arith.constant 0 : index
    %get3A_32 = tpu.vector_load %arg9[%get3A_30, %get3A_31] {strides = array<i32>} : memref<2x1024xf32, #tpu.memory_space<vmem>>, vector<16xf32>,
    %mul3A_33 = arith.mulf %get3A_32, %exp3A : vector<16xf32>
    %get3A_34 = arith.constant 1 : i32
    %get3A_35 = arith.index_cast %get3A_34 : i32 to index
    %get3A_36 = arith.constant 0 : index
    %get3A_37 = tpu.vector_load %arg9[%get3A_35, %get3A_36] {strides = array<i32>} : memref<2x1024xf32, #tpu.memory_space<vmem>>, vector<16xf32>,
    %mul3A_38 = arith.mulf %get3A_37, %exp3A_28 : vector<16xf32>
    %add3A_39 = arith.addf %mul3A_33, %mul3A_38 : vector<16xf32>
    %swap3A = arith.constant 0 : index
    %swap3A_40 = tpu.vector_load %arg10[%swap3A] {strides = array<i32>} : memref<1024xf32, #tpu.memory_space<vmem>>, vector<16xf32>,
    tpu.vector_store %arg10[%swap3A], %add3A_39 {strides = array<i32>} : memref<1024xf32, #tpu.memory_space<vmem>>, vector<16xf32>,
    %get3A_41 = arith.constant 0 : i32
    %get3A_42 = arith.index_cast %get3A_41 : i32 to index
    %get3A_43 = arith.constant 16 : index
    %get3A_44 = tpu.vector_load %arg9[%get3A_42, %get3A_43] {strides = array<i32>} : memref<2x1024xf32, #tpu.memory_space<vmem>>, vector<16xf32>,
    %mul3A_45 = arith.mulf %get3A_44, %exp3A : vector<16xf32>
    %get3A_46 = arith.constant 1 : i32
    %get3A_47 = arith.index_cast %get3A_46 : i32 to index
    %get3A_48 = arith.constant 16 : index
    %get3A_49 = tpu.vector_load %arg9[%get3A_47, %get3A_48] {strides = array<i32>} : memref<2x1024xf32, #tpu.memory_space<vmem>>, vector<16xf32>,
    %mul3A_50 = arith.mulf %get3A_49, %exp3A_28 : vector<16xf32>
    %add3A_51 = arith.addf %mul3A_45, %mul3A_50 : vector<16xf32>
    %swap3A_52 = arith.constant 16 : index
    %swap3A_53 = tpu.vector_load %arg10[%swap3A_52] {strides = array<i32>} : memref<1024xf32, #tpu.memory_space<vmem>>, vector<16xf32>,
    tpu.vector_store %arg10[%swap3A_52], %add3A_51 {strides = array<i32>} : memref<1024xf32, #tpu.memory_space<vmem>>, vector<16xf32>,
    %get3A_54 = arith.constant 0 : i32
    %get3A_55 = arith.index_cast %get3A_54 : i32 to index
    %get3A_56 = arith.constant 32 : index
    %get3A_57 = tpu.vector_load %arg9[%get3A_55, %get3A_56] {strides = array<i32>} : memref<2x1024xf32, #tpu.memory_space<vmem>>, vector<16xf32>,
    %mul3A_58 = arith.mulf %get3A_57, %exp3A : vector<16xf32>
    %get3A_59 = arith.constant 1 : i32
    %get3A_60 = arith.index_cast %get3A_59 : i32 to index
    %get3A_61 = arith.constant 32 : index
    %get3A_62 = tpu.vector_load %arg9[%get3A_60, %get3A_61] {strides = array<i32>} : memref<2x1024xf32, #tpu.memory_space<vmem>>, vector<16xf32>,
    %mul3A_63 = arith.mulf %get3A_62, %exp3A_28 : vector<16xf32>
    %add3A_64 = arith.addf %mul3A_58, %mul3A_63 : vector<16xf32>
    %swap3A_65 = arith.constant 32 : index
    %swap3A_66 = tpu.vector_load %arg10[%swap3A_65] {strides = array<i32>} : memref<1024xf32, #tpu.memory_space<vmem>>, vector<16xf32>,
    tpu.vector_store %arg10[%swap3A_65], %add3A_64 {strides = array<i32>} : memref<1024xf32, #tpu.memory_space<vmem>>, vector<16xf32>,
    %get3A_67 = arith.constant 0 : i32
    %get3A_68 = arith.index_cast %get3A_67 : i32 to index
    %get3A_69 = arith.constant 48 : index
    %get3A_70 = tpu.vector_load %arg9[%get3A_68, %get3A_69] {strides = array<i32>} : memref<2x1024xf32, #tpu.memory_space<vmem>>, vector<16xf32>,
    %mul3A_71 = arith.mulf %get3A_70, %exp3A : vector<16xf32>
    %get3A_72 = arith.constant 1 : i32
    %get3A_73 = arith.index_cast %get3A_72 : i32 to index
    %get3A_74 = arith.constant 48 : index
    %get3A_75 = tpu.vector_load %arg9[%get3A_73, %get3A_74] {strides = array<i32>} : memref<2x1024xf32, #tpu.memory_space<vmem>>, vector<16xf32>,
    %mul3A_76 = arith.mulf %get3A_75, %exp3A_28 : vector<16xf32>
    %add3A_77 = arith.addf %mul3A_71, %mul3A_76 : vector<16xf32>
    %swap3A_78 = arith.constant 48 : index
    %swap3A_79 = tpu.vector_load %arg10[%swap3A_78] {strides = array<i32>} : memref<1024xf32, #tpu.memory_space<vmem>>, vector<16xf32>,
    tpu.vector_store %arg10[%swap3A_78], %add3A_77 {strides = array<i32>} : memref<1024xf32, #tpu.memory_space<vmem>>, vector<16xf32>,
    %get3A_80 = arith.constant 0 : i32
    %get3A_81 = arith.index_cast %get3A_80 : i32 to index
    %get3A_82 = arith.constant 64 : index
    %get3A_83 = tpu.vector_load %arg9[%get3A_81, %get3A_82] {strides = array<i32>} : memref<2x1024xf32, #tpu.memory_space<vmem>>, vector<16xf32>,
    %mul3A_84 = arith.mulf %get3A_83, %exp3A : vector<16xf32>
    %get3A_85 = arith.constant 1 : i32
    %get3A_86 = arith.index_cast %get3A_85 : i32 to index
    %get3A_87 = arith.constant 64 : index
    %get3A_88 = tpu.vector_load %arg9[%get3A_86, %get3A_87] {strides = array<i32>} : memref<2x1024xf32, #tpu.memory_space<vmem>>, vector<16xf32>,
    %mul3A_89 = arith.mulf %get3A_88, %exp3A_28 : vector<16xf32>
    %add3A_90 = arith.addf %mul3A_84, %mul3A_89 : vector<16xf32>
    %swap3A_91 = arith.constant 64 : index
    %swap3A_92 = tpu.vector_load %arg10[%swap3A_91] {strides = array<i32>} : memref<1024xf32, #tpu.memory_space<vmem>>, vector<16xf32>,
    tpu.vector_store %arg10[%swap3A_91], %add3A_90 {strides = array<i32>} : memref<1024xf32, #tpu.memory_space<vmem>>, vector<16xf32>,
    %get3A_93 = arith.constant 0 : i32
    %get3A_94 = arith.index_cast %get3A_93 : i32 to index
    %get3A_95 = arith.constant 80 : index
    %get3A_96 = tpu.vector_load %arg9[%get3A_94, %get3A_95] {strides = array<i32>} : memref<2x1024xf32, #tpu.memory_space<vmem>>, vector<16xf32>,
    %mul3A_97 = arith.mulf %get3A_96, %exp3A : vector<16xf32>
    %get3A_98 = arith.constant 1 : i32
    %get3A_99 = arith.index_cast %get3A_98 : i32 to index
    %get3A_100 = arith.constant 80 : index
    %get3A_101 = tpu.vector_load %arg9[%get3A_99, %get3A_100] {strides = array<i32>} : memref<2x1024xf32, #tpu.memory_space<vmem>>, vector<16xf32>,
    %mul3A_102 = arith.mulf %get3A_101, %exp3A_28 : vector<16xf32>
    %add3A_103 = arith.addf %mul3A_97, %mul3A_102 : vector<16xf32>
    %swap3A_104 = arith.constant 80 : index
    %swap3A_105 = tpu.vector_load %arg10[%swap3A_104] {strides = array<i32>} : memref<1024xf32, #tpu.memory_space<vmem>>, vector<16xf32>,
    tpu.vector_store %arg10[%swap3A_104], %add3A_103 {strides = array<i32>} : memref<1024xf32, #tpu.memory_space<vmem>>, vector<16xf32>,
    %get3A_106 = arith.constant 0 : i32
    %get3A_107 = arith.index_cast %get3A_106 : i32 to index
    %get3A_108 = arith.constant 96 : index
    %get3A_109 = tpu.vector_load %arg9[%get3A_107, %get3A_108] {strides = array<i32>} : memref<2x1024xf32, #tpu.memory_space<vmem>>, vector<16xf32>,
    %mul3A_110 = arith.mulf %get3A_109, %exp3A : vector<16xf32>
    %get3A_111 = arith.constant 1 : i32
    %get3A_112 = arith.index_cast %get3A_111 : i32 to index
    %get3A_113 = arith.constant 96 : index
    %get3A_114 = tpu.vector_load %arg9[%get3A_112, %get3A_113] {strides = array<i32>} : memref<2x1024xf32, #tpu.memory_space<vmem>>, vector<16xf32>,
    %mul3A_115 = arith.mulf %get3A_114, %exp3A_28 : vector<16xf32>
    %add3A_116 = arith.addf %mul3A_110, %mul3A_115 : vector<16xf32>
    %swap3A_117 = arith.constant 96 : index
    %swap3A_118 = tpu.vector_load %arg10[%swap3A_117] {strides = array<i32>} : memref<1024xf32, #tpu.memory_space<vmem>>, vector<16xf32>,
    tpu.vector_store %arg10[%swap3A_117], %add3A_116 {strides = array<i32>} : memref<1024xf32, #tpu.memory_space<vmem>>, vector<16xf32>,
    %get3A_119 = arith.constant 0 : i32
    %get3A_120 = arith.index_cast %get3A_119 : i32 to index
    %get3A_121 = arith.constant 112 : index
    %get3A_122 = tpu.vector_load %arg9[%get3A_120, %get3A_121] {strides = array<i32>} : memref<2x1024xf32, #tpu.memory_space<vmem>>, vector<16xf32>,
    %mul3A_123 = arith.mulf %get3A_122, %exp3A : vector<16xf32>
    %get3A_124 = arith.constant 1 : i32
    %get3A_125 = arith.index_cast %get3A_124 : i32 to index
    %get3A_126 = arith.constant 112 : index
    %get3A_127 = tpu.vector_load %arg9[%get3A_125, %get3A_126] {strides = array<i32>} : memref<2x1024xf32, #tpu.memory_space<vmem>>, vector<16xf32>,
    %mul3A_128 = arith.mulf %get3A_127, %exp3A_28 : vector<16xf32>
    %add3A_129 = arith.addf %mul3A_123, %mul3A_128 : vector<16xf32>
    %swap3A_130 = arith.constant 112 : index
    %swap3A_131 = tpu.vector_load %arg10[%swap3A_130] {strides = array<i32>} : memref<1024xf32, #tpu.memory_space<vmem>>, vector<16xf32>,
    tpu.vector_store %arg10[%swap3A_130], %add3A_129 {strides = array<i32>} : memref<1024xf32, #tpu.memory_space<vmem>>, vector<16xf32>,
    %get3A_132 = arith.constant 0 : i32
    %get3A_133 = arith.index_cast %get3A_132 : i32 to index
    %get3A_134 = arith.constant 128 : index
    %get3A_135 = tpu.vector_load %arg9[%get3A_133, %get3A_134] {strides = array<i32>} : memref<2x1024xf32, #tpu.memory_space<vmem>>, vector<16xf32>,
    %mul3A_136 = arith.mulf %get3A_135, %exp3A : vector<16xf32>
    %get3A_137 = arith.constant 1 : i32
    %get3A_138 = arith.index_cast %get3A_137 : i32 to index
    %get3A_139 = arith.constant 128 : index
    %get3A_140 = tpu.vector_load %arg9[%get3A_138, %get3A_139] {strides = array<i32>} : memref<2x1024xf32, #tpu.memory_space<vmem>>, vector<16xf32>,
    %mul3A_141 = arith.mulf %get3A_140, %exp3A_28 : vector<16xf32>
    %add3A_142 = arith.addf %mul3A_136, %mul3A_141 : vector<16xf32>
    %swap3A_143 = arith.constant 128 : index
    %swap3A_144 = tpu.vector_load %arg10[%swap3A_143] {strides = array<i32>} : memref<1024xf32, #tpu.memory_space<vmem>>, vector<16xf32>,
    tpu.vector_store %arg10[%swap3A_143], %add3A_142 {strides = array<i32>} : memref<1024xf32, #tpu.memory_space<vmem>>, vector<16xf32>,
    %get3A_145 = arith.constant 0 : i32
    %get3A_146 = arith.index_cast %get3A_145 : i32 to index
    %get3A_147 = arith.constant 144 : index
    %get3A_148 = tpu.vector_load %arg9[%get3A_146, %get3A_147] {strides = array<i32>} : memref<2x1024xf32, #tpu.memory_space<vmem>>, vector<16xf32>,
    %mul3A_149 = arith.mulf %get3A_148, %exp3A : vector<16xf32>
    %get3A_150 = arith.constant 1 : i32
    %get3A_151 = arith.index_cast %get3A_150 : i32 to index
    %get3A_152 = arith.constant 144 : index
    %get3A_153 = tpu.vector_load %arg9[%get3A_151, %get3A_152] {strides = array<i32>} : memref<2x1024xf32, #tpu.memory_space<vmem>>, vector<16xf32>,
    %mul3A_154 = arith.mulf %get3A_153, %exp3A_28 : vector<16xf32>
    %add3A_155 = arith.addf %mul3A_149, %mul3A_154 : vector<16xf32>
    %swap3A_156 = arith.constant 144 : index
    %swap3A_157 = tpu.vector_load %arg10[%swap3A_156] {strides = array<i32>} : memref<1024xf32, #tpu.memory_space<vmem>>, vector<16xf32>,
    tpu.vector_store %arg10[%swap3A_156], %add3A_155 {strides = array<i32>} : memref<1024xf32, #tpu.memory_space<vmem>>, vector<16xf32>,
    %get3A_158 = arith.constant 0 : i32
    %get3A_159 = arith.index_cast %get3A_158 : i32 to index
    %get3A_160 = arith.constant 160 : index
    %get3A_161 = tpu.vector_load %arg9[%get3A_159, %get3A_160] {strides = array<i32>} : memref<2x1024xf32, #tpu.memory_space<vmem>>, vector<16xf32>,
    %mul3A_162 = arith.mulf %get3A_161, %exp3A : vector<16xf32>
    %get3A_163 = arith.constant 1 : i32
    %get3A_164 = arith.index_cast %get3A_163 : i32 to index
    %get3A_165 = arith.constant 160 : index
    %get3A_166 = tpu.vector_load %arg9[%get3A_164, %get3A_165] {strides = array<i32>} : memref<2x1024xf32, #tpu.memory_space<vmem>>, vector<16xf32>,
    %mul3A_167 = arith.mulf %get3A_166, %exp3A_28 : vector<16xf32>
    %add3A_168 = arith.addf %mul3A_162, %mul3A_167 : vector<16xf32>
    %swap3A_169 = arith.constant 160 : index
    %swap3A_170 = tpu.vector_load %arg10[%swap3A_169] {strides = array<i32>} : memref<1024xf32, #tpu.memory_space<vmem>>, vector<16xf32>,
    tpu.vector_store %arg10[%swap3A_169], %add3A_168 {strides = array<i32>} : memref<1024xf32, #tpu.memory_space<vmem>>, vector<16xf32>,
    %get3A_171 = arith.constant 0 : i32
    %get3A_172 = arith.index_cast %get3A_171 : i32 to index
    %get3A_173 = arith.constant 176 : index
    %get3A_174 = tpu.vector_load %arg9[%get3A_172, %get3A_173] {strides = array<i32>} : memref<2x1024xf32, #tpu.memory_space<vmem>>, vector<16xf32>,
    %mul3A_175 = arith.mulf %get3A_174, %exp3A : vector<16xf32>
    %get3A_176 = arith.constant 1 : i32
    %get3A_177 = arith.index_cast %get3A_176 : i32 to index
    %get3A_178 = arith.constant 176 : index
    %get3A_179 = tpu.vector_load %arg9[%get3A_177, %get3A_178] {strides = array<i32>} : memref<2x1024xf32, #tpu.memory_space<vmem>>, vector<16xf32>,
    %mul3A_180 = arith.mulf %get3A_179, %exp3A_28 : vector<16xf32>
    %add3A_181 = arith.addf %mul3A_175, %mul3A_180 : vector<16xf32>
    %swap3A_182 = arith.constant 176 : index
    %swap3A_183 = tpu.vector_load %arg10[%swap3A_182] {strides = array<i32>} : memref<1024xf32, #tpu.memory_space<vmem>>, vector<16xf32>,
    tpu.vector_store %arg10[%swap3A_182], %add3A_181 {strides = array<i32>} : memref<1024xf32, #tpu.memory_space<vmem>>, vector<16xf32>,
    %get3A_184 = arith.constant 0 : i32
    %get3A_185 = arith.index_cast %get3A_184 : i32 to index
    %get3A_186 = arith.constant 192 : index
    %get3A_187 = tpu.vector_load %arg9[%get3A_185, %get3A_186] {strides = array<i32>} : memref<2x1024xf32, #tpu.memory_space<vmem>>, vector<16xf32>,
    %mul3A_188 = arith.mulf %get3A_187, %exp3A : vector<16xf32>
    %get3A_189 = arith.constant 1 : i32
    %get3A_190 = arith.index_cast %get3A_189 : i32 to index
    %get3A_191 = arith.constant 192 : index
    %get3A_192 = tpu.vector_load %arg9[%get3A_190, %get3A_191] {strides = array<i32>} : memref<2x1024xf32, #tpu.memory_space<vmem>>, vector<16xf32>,
    %mul3A_193 = arith.mulf %get3A_192, %exp3A_28 : vector<16xf32>
    %add3A_194 = arith.addf %mul3A_188, %mul3A_193 : vector<16xf32>
    %swap3A_195 = arith.constant 192 : index
    %swap3A_196 = tpu.vector_load %arg10[%swap3A_195] {strides = array<i32>} : memref<1024xf32, #tpu.memory_space<vmem>>, vector<16xf32>,
    tpu.vector_store %arg10[%swap3A_195], %add3A_194 {strides = array<i32>} : memref<1024xf32, #tpu.memory_space<vmem>>, vector<16xf32>,
    %get3A_197 = arith.constant 0 : i32
    %get3A_198 = arith.index_cast %get3A_197 : i32 to index
    %get3A_199 = arith.constant 208 : index
    %get3A_200 = tpu.vector_load %arg9[%get3A_198, %get3A_199] {strides = array<i32>} : memref<2x1024xf32, #tpu.memory_space<vmem>>, vector<16xf32>,
    %mul3A_201 = arith.mulf %get3A_200, %exp3A : vector<16xf32>
    %get3A_202 = arith.constant 1 : i32
    %get3A_203 = arith.index_cast %get3A_202 : i32 to index
    %get3A_204 = arith.constant 208 : index
    %get3A_205 = tpu.vector_load %arg9[%get3A_203, %get3A_204] {strides = array<i32>} : memref<2x1024xf32, #tpu.memory_space<vmem>>, vector<16xf32>,
    %mul3A_206 = arith.mulf %get3A_205, %exp3A_28 : vector<16xf32>
    %add3A_207 = arith.addf %mul3A_201, %mul3A_206 : vector<16xf32>
    %swap3A_208 = arith.constant 208 : index
    %swap3A_209 = tpu.vector_load %arg10[%swap3A_208] {strides = array<i32>} : memref<1024xf32, #tpu.memory_space<vmem>>, vector<16xf32>,
    tpu.vector_store %arg10[%swap3A_208], %add3A_207 {strides = array<i32>} : memref<1024xf32, #tpu.memory_space<vmem>>, vector<16xf32>,
    %get3A_210 = arith.constant 0 : i32
    %get3A_211 = arith.index_cast %get3A_210 : i32 to index
    %get3A_212 = arith.constant 224 : index
    %get3A_213 = tpu.vector_load %arg9[%get3A_211, %get3A_212] {strides = array<i32>} : memref<2x1024xf32, #tpu.memory_space<vmem>>, vector<16xf32>,
    %mul3A_214 = arith.mulf %get3A_213, %exp3A : vector<16xf32>
    %get3A_215 = arith.constant 1 : i32
    %get3A_216 = arith.index_cast %get3A_215 : i32 to index
    %get3A_217 = arith.constant 224 : index
    %get3A_218 = tpu.vector_load %arg9[%get3A_216, %get3A_217] {strides = array<i32>} : memref<2x1024xf32, #tpu.memory_space<vmem>>, vector<16xf32>,
    %mul3A_219 = arith.mulf %get3A_218, %exp3A_28 : vector<16xf32>
    %add3A_220 = arith.addf %mul3A_214, %mul3A_219 : vector<16xf32>
    %swap3A_221 = arith.constant 224 : index
    %swap3A_222 = tpu.vector_load %arg10[%swap3A_221] {strides = array<i32>} : memref<1024xf32, #tpu.memory_space<vmem>>, vector<16xf32>,
    tpu.vector_store %arg10[%swap3A_221], %add3A_220 {strides = array<i32>} : memref<1024xf32, #tpu.memory_space<vmem>>, vector<16xf32>,
    %get3A_223 = arith.constant 0 : i32
    %get3A_224 = arith.index_cast %get3A_223 : i32 to index
    %get3A_225 = arith.constant 240 : index
    %get3A_226 = tpu.vector_load %arg9[%get3A_224, %get3A_225] {strides = array<i32>} : memref<2x1024xf32, #tpu.memory_space<vmem>>, vector<16xf32>,
    %mul3A_227 = arith.mulf %get3A_226, %exp3A : vector<16xf32>
    %get3A_228 = arith.constant 1 : i32
    %get3A_229 = arith.index_cast %get3A_228 : i32 to index
    %get3A_230 = arith.constant 240 : index
    %get3A_231 = tpu.vector_load %arg9[%get3A_229, %get3A_230] {strides = array<i32>} : memref<2x1024xf32, #tpu.memory_space<vmem>>, vector<16xf32>,
    %mul3A_232 = arith.mulf %get3A_231, %exp3A_28 : vector<16xf32>
    %add3A_233 = arith.addf %mul3A_227, %mul3A_232 : vector<16xf32>
    %swap3A_234 = arith.constant 240 : index
    %swap3A_235 = tpu.vector_load %arg10[%swap3A_234] {strides = array<i32>} : memref<1024xf32, #tpu.memory_space<vmem>>, vector<16xf32>,
    tpu.vector_store %arg10[%swap3A_234], %add3A_233 {strides = array<i32>} : memref<1024xf32, #tpu.memory_space<vmem>>, vector<16xf32>,
    %get3A_236 = arith.constant 0 : i32
    %get3A_237 = arith.index_cast %get3A_236 : i32 to index
    %get3A_238 = arith.constant 256 : index
    %get3A_239 = tpu.vector_load %arg9[%get3A_237, %get3A_238] {strides = array<i32>} : memref<2x1024xf32, #tpu.memory_space<vmem>>, vector<16xf32>,
    %mul3A_240 = arith.mulf %get3A_239, %exp3A : vector<16xf32>
    %get3A_241 = arith.constant 1 : i32
    %get3A_242 = arith.index_cast %get3A_241 : i32 to index
    %get3A_243 = arith.constant 256 : index
    %get3A_244 = tpu.vector_load %arg9[%get3A_242, %get3A_243] {strides = array<i32>} : memref<2x1024xf32, #tpu.memory_space<vmem>>, vector<16xf32>,
    %mul3A_245 = arith.mulf %get3A_244, %exp3A_28 : vector<16xf32>
    %add3A_246 = arith.addf %mul3A_240, %mul3A_245 : vector<16xf32>
    %swap3A_247 = arith.constant 256 : index
    %swap3A_248 = tpu.vector_load %arg10[%swap3A_247] {strides = array<i32>} : memref<1024xf32, #tpu.memory_space<vmem>>, vector<16xf32>,
    tpu.vector_store %arg10[%swap3A_247], %add3A_246 {strides = array<i32>} : memref<1024xf32, #tpu.memory_space<vmem>>, vector<16xf32>,
    %get3A_249 = arith.constant 0 : i32
    %get3A_250 = arith.index_cast %get3A_249 : i32 to index
    %get3A_251 = arith.constant 272 : index
    %get3A_252 = tpu.vector_load %arg9[%get3A_250, %get3A_251] {strides = array<i32>} : memref<2x1024xf32, #tpu.memory_space<vmem>>, vector<16xf32>,
    %mul3A_253 = arith.mulf %get3A_252, %exp3A : vector<16xf32>
    %get3A_254 = arith.constant 1 : i32
    %get3A_255 = arith.index_cast %get3A_254 : i32 to index
    %get3A_256 = arith.constant 272 : index
    %get3A_257 = tpu.vector_load %arg9[%get3A_255, %get3A_256] {strides = array<i32>} : memref<2x1024xf32, #tpu.memory_space<vmem>>, vector<16xf32>,
    %mul3A_258 = arith.mulf %get3A_257, %exp3A_28 : vector<16xf32>
    %add3A_259 = arith.addf %mul3A_253, %mul3A_258 : vector<16xf32>
    %swap3A_260 = arith.constant 272 : index
    %swap3A_261 = tpu.vector_load %arg10[%swap3A_260] {strides = array<i32>} : memref<1024xf32, #tpu.memory_space<vmem>>, vector<16xf32>,
    tpu.vector_store %arg10[%swap3A_260], %add3A_259 {strides = array<i32>} : memref<1024xf32, #tpu.memory_space<vmem>>, vector<16xf32>,
    %get3A_262 = arith.constant 0 : i32
    %get3A_263 = arith.index_cast %get3A_262 : i32 to index
    %get3A_264 = arith.constant 288 : index
    %get3A_265 = tpu.vector_load %arg9[%get3A_263, %get3A_264] {strides = array<i32>} : memref<2x1024xf32, #tpu.memory_space<vmem>>, vector<16xf32>,
    %mul3A_266 = arith.mulf %get3A_265, %exp3A : vector<16xf32>
    %get3A_267 = arith.constant 1 : i32
    %get3A_268 = arith.index_cast %get3A_267 : i32 to index
    %get3A_269 = arith.constant 288 : index
    %get3A_270 = tpu.vector_load %arg9[%get3A_268, %get3A_269] {strides = array<i32>} : memref<2x1024xf32, #tpu.memory_space<vmem>>, vector<16xf32>,
    %mul3A_271 = arith.mulf %get3A_270, %exp3A_28 : vector<16xf32>
    %add3A_272 = arith.addf %mul3A_266, %mul3A_271 : vector<16xf32>
    %swap3A_273 = arith.constant 288 : index
    %swap3A_274 = tpu.vector_load %arg10[%swap3A_273] {strides = array<i32>} : memref<1024xf32, #tpu.memory_space<vmem>>, vector<16xf32>,
    tpu.vector_store %arg10[%swap3A_273], %add3A_272 {strides = array<i32>} : memref<1024xf32, #tpu.memory_space<vmem>>, vector<16xf32>,
    %get3A_275 = arith.constant 0 : i32
    %get3A_276 = arith.index_cast %get3A_275 : i32 to index
    %get3A_277 = arith.constant 304 : index
    %get3A_278 = tpu.vector_load %arg9[%get3A_276, %get3A_277] {strides = array<i32>} : memref<2x1024xf32, #tpu.memory_space<vmem>>, vector<16xf32>,
    %mul3A_279 = arith.mulf %get3A_278, %exp3A : vector<16xf32>
    %get3A_280 = arith.constant 1 : i32
    %get3A_281 = arith.index_cast %get3A_280 : i32 to index
    %get3A_282 = arith.constant 304 : index
    %get3A_283 = tpu.vector_load %arg9[%get3A_281, %get3A_282] {strides = array<i32>} : memref<2x1024xf32, #tpu.memory_space<vmem>>, vector<16xf32>,
    %mul3A_284 = arith.mulf %get3A_283, %exp3A_28 : vector<16xf32>
    %add3A_285 = arith.addf %mul3A_279, %mul3A_284 : vector<16xf32>
    %swap3A_286 = arith.constant 304 : index
    %swap3A_287 = tpu.vector_load %arg10[%swap3A_286] {strides = array<i32>} : memref<1024xf32, #tpu.memory_space<vmem>>, vector<16xf32>,
    tpu.vector_store %arg10[%swap3A_286], %add3A_285 {strides = array<i32>} : memref<1024xf32, #tpu.memory_space<vmem>>, vector<16xf32>,
    %get3A_288 = arith.constant 0 : i32
    %get3A_289 = arith.index_cast %get3A_288 : i32 to index
    %get3A_290 = arith.constant 320 : index
    %get3A_291 = tpu.vector_load %arg9[%get3A_289, %get3A_290] {strides = array<i32>} : memref<2x1024xf32, #tpu.memory_space<vmem>>, vector<16xf32>,
    %mul3A_292 = arith.mulf %get3A_291, %exp3A : vector<16xf32>
    %get3A_293 = arith.constant 1 : i32
    %get3A_294 = arith.index_cast %get3A_293 : i32 to index
    %get3A_295 = arith.constant 320 : index
    %get3A_296 = tpu.vector_load %arg9[%get3A_294, %get3A_295] {strides = array<i32>} : memref<2x1024xf32, #tpu.memory_space<vmem>>, vector<16xf32>,
    %mul3A_297 = arith.mulf %get3A_296, %exp3A_28 : vector<16xf32>
    %add3A_298 = arith.addf %mul3A_292, %mul3A_297 : vector<16xf32>
    %swap3A_299 = arith.constant 320 : index
    %swap3A_300 = tpu.vector_load %arg10[%swap3A_299] {strides = array<i32>} : memref<1024xf32, #tpu.memory_space<vmem>>, vector<16xf32>,
    tpu.vector_store %arg10[%swap3A_299], %add3A_298 {strides = array<i32>} : memref<1024xf32, #tpu.memory_space<vmem>>, vector<16xf32>,
    %get3A_301 = arith.constant 0 : i32
    %get3A_302 = arith.index_cast %get3A_301 : i32 to index
    %get3A_303 = arith.constant 336 : index
    %get3A_304 = tpu.vector_load %arg9[%get3A_302, %get3A_303] {strides = array<i32>} : memref<2x1024xf32, #tpu.memory_space<vmem>>, vector<16xf32>,
    %mul3A_305 = arith.mulf %get3A_304, %exp3A : vector<16xf32>
    %get3A_306 = arith.constant 1 : i32
    %get3A_307 = arith.index_cast %get3A_306 : i32 to index
    %get3A_308 = arith.constant 336 : index
    %get3A_309 = tpu.vector_load %arg9[%get3A_307, %get3A_308] {strides = array<i32>} : memref<2x1024xf32, #tpu.memory_space<vmem>>, vector<16xf32>,
    %mul3A_310 = arith.mulf %get3A_309, %exp3A_28 : vector<16xf32>
    %add3A_311 = arith.addf %mul3A_305, %mul3A_310 : vector<16xf32>
    %swap3A_312 = arith.constant 336 : index
    %swap3A_313 = tpu.vector_load %arg10[%swap3A_312] {strides = array<i32>} : memref<1024xf32, #tpu.memory_space<vmem>>, vector<16xf32>,
    tpu.vector_store %arg10[%swap3A_312], %add3A_311 {strides = array<i32>} : memref<1024xf32, #tpu.memory_space<vmem>>, vector<16xf32>,
    %get3A_314 = arith.constant 0 : i32
    %get3A_315 = arith.index_cast %get3A_314 : i32 to index
    %get3A_316 = arith.constant 352 : index
    %get3A_317 = tpu.vector_load %arg9[%get3A_315, %get3A_316] {strides = array<i32>} : memref<2x1024xf32, #tpu.memory_space<vmem>>, vector<16xf32>,
    %mul3A_318 = arith.mulf %get3A_317, %exp3A : vector<16xf32>
    %get3A_319 = arith.constant 1 : i32
    %get3A_320 = arith.index_cast %get3A_319 : i32 to index
    %get3A_321 = arith.constant 352 : index
    %get3A_322 = tpu.vector_load %arg9[%get3A_320, %get3A_321] {strides = array<i32>} : memref<2x1024xf32, #tpu.memory_space<vmem>>, vector<16xf32>,
    %mul3A_323 = arith.mulf %get3A_322, %exp3A_28 : vector<16xf32>
    %add3A_324 = arith.addf %mul3A_318, %mul3A_323 : vector<16xf32>
    %swap3A_325 = arith.constant 352 : index
    %swap3A_326 = tpu.vector_load %arg10[%swap3A_325] {strides = array<i32>} : memref<1024xf32, #tpu.memory_space<vmem>>, vector<16xf32>,
    tpu.vector_store %arg10[%swap3A_325], %add3A_324 {strides = array<i32>} : memref<1024xf32, #tpu.memory_space<vmem>>, vector<16xf32>,
    %get3A_327 = arith.constant 0 : i32
    %get3A_328 = arith.index_cast %get3A_327 : i32 to index
    %get3A_329 = arith.constant 368 : index
    %get3A_330 = tpu.vector_load %arg9[%get3A_328, %get3A_329] {strides = array<i32>} : memref<2x1024xf32, #tpu.memory_space<vmem>>, vector<16xf32>,
    %mul3A_331 = arith.mulf %get3A_330, %exp3A : vector<16xf32>
    %get3A_332 = arith.constant 1 : i32
    %get3A_333 = arith.index_cast %get3A_332 : i32 to index
    %get3A_334 = arith.constant 368 : index
    %get3A_335 = tpu.vector_load %arg9[%get3A_333, %get3A_334] {strides = array<i32>} : memref<2x1024xf32, #tpu.memory_space<vmem>>, vector<16xf32>,
    %mul3A_336 = arith.mulf %get3A_335, %exp3A_28 : vector<16xf32>
    %add3A_337 = arith.addf %mul3A_331, %mul3A_336 : vector<16xf32>
    %swap3A_338 = arith.constant 368 : index
    %swap3A_339 = tpu.vector_load %arg10[%swap3A_338] {strides = array<i32>} : memref<1024xf32, #tpu.memory_space<vmem>>, vector<16xf32>,
    tpu.vector_store %arg10[%swap3A_338], %add3A_337 {strides = array<i32>} : memref<1024xf32, #tpu.memory_space<vmem>>, vector<16xf32>,
    %get3A_340 = arith.constant 0 : i32
    %get3A_341 = arith.index_cast %get3A_340 : i32 to index
    %get3A_342 = arith.constant 384 : index
    %get3A_343 = tpu.vector_load %arg9[%get3A_341, %get3A_342] {strides = array<i32>} : memref<2x1024xf32, #tpu.memory_space<vmem>>, vector<16xf32>,
    %mul3A_344 = arith.mulf %get3A_343, %exp3A : vector<16xf32>
    %get3A_345 = arith.constant 1 : i32
    %get3A_346 = arith.index_cast %get3A_345 : i32 to index
    %get3A_347 = arith.constant 384 : index
    %get3A_348 = tpu.vector_load %arg9[%get3A_346, %get3A_347] {strides = array<i32>} : memref<2x1024xf32, #tpu.memory_space<vmem>>, vector<16xf32>,
    %mul3A_349 = arith.mulf %get3A_348, %exp3A_28 : vector<16xf32>
    %add3A_350 = arith.addf %mul3A_344, %mul3A_349 : vector<16xf32>
    %swap3A_351 = arith.constant 384 : index
    %swap3A_352 = tpu.vector_load %arg10[%swap3A_351] {strides = array<i32>} : memref<1024xf32, #tpu.memory_space<vmem>>, vector<16xf32>,
    tpu.vector_store %arg10[%swap3A_351], %add3A_350 {strides = array<i32>} : memref<1024xf32, #tpu.memory_space<vmem>>, vector<16xf32>,
    %get3A_353 = arith.constant 0 : i32
    %get3A_354 = arith.index_cast %get3A_353 : i32 to index
    %get3A_355 = arith.constant 400 : index
    %get3A_356 = tpu.vector_load %arg9[%get3A_354, %get3A_355] {strides = array<i32>} : memref<2x1024xf32, #tpu.memory_space<vmem>>, vector<16xf32>,
    %mul3A_357 = arith.mulf %get3A_356, %exp3A : vector<16xf32>
    %get3A_358 = arith.constant 1 : i32
    %get3A_359 = arith.index_cast %get3A_358 : i32 to index
    %get3A_360 = arith.constant 400 : index
    %get3A_361 = tpu.vector_load %arg9[%get3A_359, %get3A_360] {strides = array<i32>} : memref<2x1024xf32, #tpu.memory_space<vmem>>, vector<16xf32>,
    %mul3A_362 = arith.mulf %get3A_361, %exp3A_28 : vector<16xf32>
    %add3A_363 = arith.addf %mul3A_357, %mul3A_362 : vector<16xf32>
    %swap3A_364 = arith.constant 400 : index
    %swap3A_365 = tpu.vector_load %arg10[%swap3A_364] {strides = array<i32>} : memref<1024xf32, #tpu.memory_space<vmem>>, vector<16xf32>,
    tpu.vector_store %arg10[%swap3A_364], %add3A_363 {strides = array<i32>} : memref<1024xf32, #tpu.memory_space<vmem>>, vector<16xf32>,
    %get3A_366 = arith.constant 0 : i32
    %get3A_367 = arith.index_cast %get3A_366 : i32 to index
    %get3A_368 = arith.constant 416 : index
    %get3A_369 = tpu.vector_load %arg9[%get3A_367, %get3A_368] {strides = array<i32>} : memref<2x1024xf32, #tpu.memory_space<vmem>>, vector<16xf32>,
    %mul3A_370 = arith.mulf %get3A_369, %exp3A : vector<16xf32>
    %get3A_371 = arith.constant 1 : i32
    %get3A_372 = arith.index_cast %get3A_371 : i32 to index
    %get3A_373 = arith.constant 416 : index
    %get3A_374 = tpu.vector_load %arg9[%get3A_372, %get3A_373] {strides = array<i32>} : memref<2x1024xf32, #tpu.memory_space<vmem>>, vector<16xf32>,
    %mul3A_375 = arith.mulf %get3A_374, %exp3A_28 : vector<16xf32>
    %add3A_376 = arith.addf %mul3A_370, %mul3A_375 : vector<16xf32>
    %swap3A_377 = arith.constant 416 : index
    %swap3A_378 = tpu.vector_load %arg10[%swap3A_377] {strides = array<i32>} : memref<1024xf32, #tpu.memory_space<vmem>>, vector<16xf32>,
    tpu.vector_store %arg10[%swap3A_377], %add3A_376 {strides = array<i32>} : memref<1024xf32, #tpu.memory_space<vmem>>, vector<16xf32>,
    %get3A_379 = arith.constant 0 : i32
    %get3A_380 = arith.index_cast %get3A_379 : i32 to index
    %get3A_381 = arith.constant 432 : index
    %get3A_382 = tpu.vector_load %arg9[%get3A_380, %get3A_381] {strides = array<i32>} : memref<2x1024xf32, #tpu.memory_space<vmem>>, vector<16xf32>,
    %mul3A_383 = arith.mulf %get3A_382, %exp3A : vector<16xf32>
    %get3A_384 = arith.constant 1 : i32
    %get3A_385 = arith.index_cast %get3A_384 : i32 to index
    %get3A_386 = arith.constant 432 : index
    %get3A_387 = tpu.vector_load %arg9[%get3A_385, %get3A_386] {strides = array<i32>} : memref<2x1024xf32, #tpu.memory_space<vmem>>, vector<16xf32>,
    %mul3A_388 = arith.mulf %get3A_387, %exp3A_28 : vector<16xf32>
    %add3A_389 = arith.addf %mul3A_383, %mul3A_388 : vector<16xf32>
    %swap3A_390 = arith.constant 432 : index
    %swap3A_391 = tpu.vector_load %arg10[%swap3A_390] {strides = array<i32>} : memref<1024xf32, #tpu.memory_space<vmem>>, vector<16xf32>,
    tpu.vector_store %arg10[%swap3A_390], %add3A_389 {strides = array<i32>} : memref<1024xf32, #tpu.memory_space<vmem>>, vector<16xf32>,
    %get3A_392 = arith.constant 0 : i32
    %get3A_393 = arith.index_cast %get3A_392 : i32 to index
    %get3A_394 = arith.constant 448 : index
    %get3A_395 = tpu.vector_load %arg9[%get3A_393, %get3A_394] {strides = array<i32>} : memref<2x1024xf32, #tpu.memory_space<vmem>>, vector<16xf32>,
    %mul3A_396 = arith.mulf %get3A_395, %exp3A : vector<16xf32>
    %get3A_397 = arith.constant 1 : i32
    %get3A_398 = arith.index_cast %get3A_397 : i32 to index
    %get3A_399 = arith.constant 448 : index
    %get3A_400 = tpu.vector_load %arg9[%get3A_398, %get3A_399] {strides = array<i32>} : memref<2x1024xf32, #tpu.memory_space<vmem>>, vector<16xf32>,
    %mul3A_401 = arith.mulf %get3A_400, %exp3A_28 : vector<16xf32>
    %add3A_402 = arith.addf %mul3A_396, %mul3A_401 : vector<16xf32>
    %swap3A_403 = arith.constant 448 : index
    %swap3A_404 = tpu.vector_load %arg10[%swap3A_403] {strides = array<i32>} : memref<1024xf32, #tpu.memory_space<vmem>>, vector<16xf32>,
    tpu.vector_store %arg10[%swap3A_403], %add3A_402 {strides = array<i32>} : memref<1024xf32, #tpu.memory_space<vmem>>, vector<16xf32>,
    %get3A_405 = arith.constant 0 : i32
    %get3A_406 = arith.index_cast %get3A_405 : i32 to index
    %get3A_407 = arith.constant 464 : index
    %get3A_408 = tpu.vector_load %arg9[%get3A_406, %get3A_407] {strides = array<i32>} : memref<2x1024xf32, #tpu.memory_space<vmem>>, vector<16xf32>,
    %mul3A_409 = arith.mulf %get3A_408, %exp3A : vector<16xf32>
    %get3A_410 = arith.constant 1 : i32
    %get3A_411 = arith.index_cast %get3A_410 : i32 to index
    %get3A_412 = arith.constant 464 : index
    %get3A_413 = tpu.vector_load %arg9[%get3A_411, %get3A_412] {strides = array<i32>} : memref<2x1024xf32, #tpu.memory_space<vmem>>, vector<16xf32>,
    %mul3A_414 = arith.mulf %get3A_413, %exp3A_28 : vector<16xf32>
    %add3A_415 = arith.addf %mul3A_409, %mul3A_414 : vector<16xf32>
    %swap3A_416 = arith.constant 464 : index
    %swap3A_417 = tpu.vector_load %arg10[%swap3A_416] {strides = array<i32>} : memref<1024xf32, #tpu.memory_space<vmem>>, vector<16xf32>,
    tpu.vector_store %arg10[%swap3A_416], %add3A_415 {strides = array<i32>} : memref<1024xf32, #tpu.memory_space<vmem>>, vector<16xf32>,
    %get3A_418 = arith.constant 0 : i32
    %get3A_419 = arith.index_cast %get3A_418 : i32 to index
    %get3A_420 = arith.constant 480 : index
    %get3A_421 = tpu.vector_load %arg9[%get3A_419, %get3A_420] {strides = array<i32>} : memref<2x1024xf32, #tpu.memory_space<vmem>>, vector<16xf32>,
    %mul3A_422 = arith.mulf %get3A_421, %exp3A : vector<16xf32>
    %get3A_423 = arith.constant 1 : i32
    %get3A_424 = arith.index_cast %get3A_423 : i32 to index
    %get3A_425 = arith.constant 480 : index
    %get3A_426 = tpu.vector_load %arg9[%get3A_424, %get3A_425] {strides = array<i32>} : memref<2x1024xf32, #tpu.memory_space<vmem>>, vector<16xf32>,
    %mul3A_427 = arith.mulf %get3A_426, %exp3A_28 : vector<16xf32>
    %add3A_428 = arith.addf %mul3A_422, %mul3A_427 : vector<16xf32>
    %swap3A_429 = arith.constant 480 : index
    %swap3A_430 = tpu.vector_load %arg10[%swap3A_429] {strides = array<i32>} : memref<1024xf32, #tpu.memory_space<vmem>>, vector<16xf32>,
    tpu.vector_store %arg10[%swap3A_429], %add3A_428 {strides = array<i32>} : memref<1024xf32, #tpu.memory_space<vmem>>, vector<16xf32>,
    %get3A_431 = arith.constant 0 : i32
    %get3A_432 = arith.index_cast %get3A_431 : i32 to index
    %get3A_433 = arith.constant 496 : index
    %get3A_434 = tpu.vector_load %arg9[%get3A_432, %get3A_433] {strides = array<i32>} : memref<2x1024xf32, #tpu.memory_space<vmem>>, vector<16xf32>,
    %mul3A_435 = arith.mulf %get3A_434, %exp3A : vector<16xf32>
    %get3A_436 = arith.constant 1 : i32
    %get3A_437 = arith.index_cast %get3A_436 : i32 to index
    %get3A_438 = arith.constant 496 : index
    %get3A_439 = tpu.vector_load %arg9[%get3A_437, %get3A_438] {strides = array<i32>} : memref<2x1024xf32, #tpu.memory_space<vmem>>, vector<16xf32>,
    %mul3A_440 = arith.mulf %get3A_439, %exp3A_28 : vector<16xf32>
    %add3A_441 = arith.addf %mul3A_435, %mul3A_440 : vector<16xf32>
    %swap3A_442 = arith.constant 496 : index
    %swap3A_443 = tpu.vector_load %arg10[%swap3A_442] {strides = array<i32>} : memref<1024xf32, #tpu.memory_space<vmem>>, vector<16xf32>,
    tpu.vector_store %arg10[%swap3A_442], %add3A_441 {strides = array<i32>} : memref<1024xf32, #tpu.memory_space<vmem>>, vector<16xf32>,
    %get3A_444 = arith.constant 0 : i32
    %get3A_445 = arith.index_cast %get3A_444 : i32 to index
    %get3A_446 = arith.constant 512 : index
    %get3A_447 = tpu.vector_load %arg9[%get3A_445, %get3A_446] {strides = array<i32>} : memref<2x1024xf32, #tpu.memory_space<vmem>>, vector<16xf32>,
    %mul3A_448 = arith.mulf %get3A_447, %exp3A : vector<16xf32>
    %get3A_449 = arith.constant 1 : i32
    %get3A_450 = arith.index_cast %get3A_449 : i32 to index
    %get3A_451 = arith.constant 512 : index
    %get3A_452 = tpu.vector_load %arg9[%get3A_450, %get3A_451] {strides = array<i32>} : memref<2x1024xf32, #tpu.memory_space<vmem>>, vector<16xf32>,
    %mul3A_453 = arith.mulf %get3A_452, %exp3A_28 : vector<16xf32>
    %add3A_454 = arith.addf %mul3A_448, %mul3A_453 : vector<16xf32>
    %swap3A_455 = arith.constant 512 : index
    %swap3A_456 = tpu.vector_load %arg10[%swap3A_455] {strides = array<i32>} : memref<1024xf32, #tpu.memory_space<vmem>>, vector<16xf32>,
    tpu.vector_store %arg10[%swap3A_455], %add3A_454 {strides = array<i32>} : memref<1024xf32, #tpu.memory_space<vmem>>, vector<16xf32>,
    %get3A_457 = arith.constant 0 : i32
    %get3A_458 = arith.index_cast %get3A_457 : i32 to index
    %get3A_459 = arith.constant 528 : index
    %get3A_460 = tpu.vector_load %arg9[%get3A_458, %get3A_459] {strides = array<i32>} : memref<2x1024xf32, #tpu.memory_space<vmem>>, vector<16xf32>,
    %mul3A_461 = arith.mulf %get3A_460, %exp3A : vector<16xf32>
    %get3A_462 = arith.constant 1 : i32
    %get3A_463 = arith.index_cast %get3A_462 : i32 to index
    %get3A_464 = arith.constant 528 : index
    %get3A_465 = tpu.vector_load %arg9[%get3A_463, %get3A_464] {strides = array<i32>} : memref<2x1024xf32, #tpu.memory_space<vmem>>, vector<16xf32>,
    %mul3A_466 = arith.mulf %get3A_465, %exp3A_28 : vector<16xf32>
    %add3A_467 = arith.addf %mul3A_461, %mul3A_466 : vector<16xf32>
    %swap3A_468 = arith.constant 528 : index
    %swap3A_469 = tpu.vector_load %arg10[%swap3A_468] {strides = array<i32>} : memref<1024xf32, #tpu.memory_space<vmem>>, vector<16xf32>,
    tpu.vector_store %arg10[%swap3A_468], %add3A_467 {strides = array<i32>} : memref<1024xf32, #tpu.memory_space<vmem>>, vector<16xf32>,
    %get3A_470 = arith.constant 0 : i32
    %get3A_471 = arith.index_cast %get3A_470 : i32 to index
    %get3A_472 = arith.constant 544 : index
    %get3A_473 = tpu.vector_load %arg9[%get3A_471, %get3A_472] {strides = array<i32>} : memref<2x1024xf32, #tpu.memory_space<vmem>>, vector<16xf32>,
    %mul3A_474 = arith.mulf %get3A_473, %exp3A : vector<16xf32>
    %get3A_475 = arith.constant 1 : i32
    %get3A_476 = arith.index_cast %get3A_475 : i32 to index
    %get3A_477 = arith.constant 544 : index
    %get3A_478 = tpu.vector_load %arg9[%get3A_476, %get3A_477] {strides = array<i32>} : memref<2x1024xf32, #tpu.memory_space<vmem>>, vector<16xf32>,
    %mul3A_479 = arith.mulf %get3A_478, %exp3A_28 : vector<16xf32>
    %add3A_480 = arith.addf %mul3A_474, %mul3A_479 : vector<16xf32>
    %swap3A_481 = arith.constant 544 : index
    %swap3A_482 = tpu.vector_load %arg10[%swap3A_481] {strides = array<i32>} : memref<1024xf32, #tpu.memory_space<vmem>>, vector<16xf32>,
    tpu.vector_store %arg10[%swap3A_481], %add3A_480 {strides = array<i32>} : memref<1024xf32, #tpu.memory_space<vmem>>, vector<16xf32>,
    %get3A_483 = arith.constant 0 : i32
    %get3A_484 = arith.index_cast %get3A_483 : i32 to index
    %get3A_485 = arith.constant 560 : index
    %get3A_486 = tpu.vector_load %arg9[%get3A_484, %get3A_485] {strides = array<i32>} : memref<2x1024xf32, #tpu.memory_space<vmem>>, vector<16xf32>,
    %mul3A_487 = arith.mulf %get3A_486, %exp3A : vector<16xf32>
    %get3A_488 = arith.constant 1 : i32
    %get3A_489 = arith.index_cast %get3A_488 : i32 to index
    %get3A_490 = arith.constant 560 : index
    %get3A_491 = tpu.vector_load %arg9[%get3A_489, %get3A_490] {strides = array<i32>} : memref<2x1024xf32, #tpu.memory_space<vmem>>, vector<16xf32>,
    %mul3A_492 = arith.mulf %get3A_491, %exp3A_28 : vector<16xf32>
    %add3A_493 = arith.addf %mul3A_487, %mul3A_492 : vector<16xf32>
    %swap3A_494 = arith.constant 560 : index
    %swap3A_495 = tpu.vector_load %arg10[%swap3A_494] {strides = array<i32>} : memref<1024xf32, #tpu.memory_space<vmem>>, vector<16xf32>,
    tpu.vector_store %arg10[%swap3A_494], %add3A_493 {strides = array<i32>} : memref<1024xf32, #tpu.memory_space<vmem>>, vector<16xf32>,
    %get3A_496 = arith.constant 0 : i32
    %get3A_497 = arith.index_cast %get3A_496 : i32 to index
    %get3A_498 = arith.constant 576 : index
    %get3A_499 = tpu.vector_load %arg9[%get3A_497, %get3A_498] {strides = array<i32>} : memref<2x1024xf32, #tpu.memory_space<vmem>>, vector<16xf32>,
    %mul3A_500 = arith.mulf %get3A_499, %exp3A : vector<16xf32>
    %get3A_501 = arith.constant 1 : i32
    %get3A_502 = arith.index_cast %get3A_501 : i32 to index
    %get3A_503 = arith.constant 576 : index
    %get3A_504 = tpu.vector_load %arg9[%get3A_502, %get3A_503] {strides = array<i32>} : memref<2x1024xf32, #tpu.memory_space<vmem>>, vector<16xf32>,
    %mul3A_505 = arith.mulf %get3A_504, %exp3A_28 : vector<16xf32>
    %add3A_506 = arith.addf %mul3A_500, %mul3A_505 : vector<16xf32>
    %swap3A_507 = arith.constant 576 : index
    %swap3A_508 = tpu.vector_load %arg10[%swap3A_507] {strides = array<i32>} : memref<1024xf32, #tpu.memory_space<vmem>>, vector<16xf32>,
    tpu.vector_store %arg10[%swap3A_507], %add3A_506 {strides = array<i32>} : memref<1024xf32, #tpu.memory_space<vmem>>, vector<16xf32>,
    %get3A_509 = arith.constant 0 : i32
    %get3A_510 = arith.index_cast %get3A_509 : i32 to index
    %get3A_511 = arith.constant 592 : index
    %get3A_512 = tpu.vector_load %arg9[%get3A_510, %get3A_511] {strides = array<i32>} : memref<2x1024xf32, #tpu.memory_space<vmem>>, vector<16xf32>,
    %mul3A_513 = arith.mulf %get3A_512, %exp3A : vector<16xf32>
    %get3A_514 = arith.constant 1 : i32
    %get3A_515 = arith.index_cast %get3A_514 : i32 to index
    %get3A_516 = arith.constant 592 : index
    %get3A_517 = tpu.vector_load %arg9[%get3A_515, %get3A_516] {strides = array<i32>} : memref<2x1024xf32, #tpu.memory_space<vmem>>, vector<16xf32>,
    %mul3A_518 = arith.mulf %get3A_517, %exp3A_28 : vector<16xf32>
    %add3A_519 = arith.addf %mul3A_513, %mul3A_518 : vector<16xf32>
    %swap3A_520 = arith.constant 592 : index
    %swap3A_521 = tpu.vector_load %arg10[%swap3A_520] {strides = array<i32>} : memref<1024xf32, #tpu.memory_space<vmem>>, vector<16xf32>,
    tpu.vector_store %arg10[%swap3A_520], %add3A_519 {strides = array<i32>} : memref<1024xf32, #tpu.memory_space<vmem>>, vector<16xf32>,
    %get3A_522 = arith.constant 0 : i32
    %get3A_523 = arith.index_cast %get3A_522 : i32 to index
    %get3A_524 = arith.constant 608 : index
    %get3A_525 = tpu.vector_load %arg9[%get3A_523, %get3A_524] {strides = array<i32>} : memref<2x1024xf32, #tpu.memory_space<vmem>>, vector<16xf32>,
    %mul3A_526 = arith.mulf %get3A_525, %exp3A : vector<16xf32>
    %get3A_527 = arith.constant 1 : i32
    %get3A_528 = arith.index_cast %get3A_527 : i32 to index
    %get3A_529 = arith.constant 608 : index
    %get3A_530 = tpu.vector_load %arg9[%get3A_528, %get3A_529] {strides = array<i32>} : memref<2x1024xf32, #tpu.memory_space<vmem>>, vector<16xf32>,
    %mul3A_531 = arith.mulf %get3A_530, %exp3A_28 : vector<16xf32>
    %add3A_532 = arith.addf %mul3A_526, %mul3A_531 : vector<16xf32>
    %swap3A_533 = arith.constant 608 : index
    %swap3A_534 = tpu.vector_load %arg10[%swap3A_533] {strides = array<i32>} : memref<1024xf32, #tpu.memory_space<vmem>>, vector<16xf32>,
    tpu.vector_store %arg10[%swap3A_533], %add3A_532 {strides = array<i32>} : memref<1024xf32, #tpu.memory_space<vmem>>, vector<16xf32>,
    %get3A_535 = arith.constant 0 : i32
    %get3A_536 = arith.index_cast %get3A_535 : i32 to index
    %get3A_537 = arith.constant 624 : index
    %get3A_538 = tpu.vector_load %arg9[%get3A_536, %get3A_537] {strides = array<i32>} : memref<2x1024xf32, #tpu.memory_space<vmem>>, vector<16xf32>,
    %mul3A_539 = arith.mulf %get3A_538, %exp3A : vector<16xf32>
    %get3A_540 = arith.constant 1 : i32
    %get3A_541 = arith.index_cast %get3A_540 : i32 to index
    %get3A_542 = arith.constant 624 : index
    %get3A_543 = tpu.vector_load %arg9[%get3A_541, %get3A_542] {strides = array<i32>} : memref<2x1024xf32, #tpu.memory_space<vmem>>, vector<16xf32>,
    %mul3A_544 = arith.mulf %get3A_543, %exp3A_28 : vector<16xf32>
    %add3A_545 = arith.addf %mul3A_539, %mul3A_544 : vector<16xf32>
    %swap3A_546 = arith.constant 624 : index
    %swap3A_547 = tpu.vector_load %arg10[%swap3A_546] {strides = array<i32>} : memref<1024xf32, #tpu.memory_space<vmem>>, vector<16xf32>,
    tpu.vector_store %arg10[%swap3A_546], %add3A_545 {strides = array<i32>} : memref<1024xf32, #tpu.memory_space<vmem>>, vector<16xf32>,
    %get3A_548 = arith.constant 0 : i32
    %get3A_549 = arith.index_cast %get3A_548 : i32 to index
    %get3A_550 = arith.constant 640 : index
    %get3A_551 = tpu.vector_load %arg9[%get3A_549, %get3A_550] {strides = array<i32>} : memref<2x1024xf32, #tpu.memory_space<vmem>>, vector<16xf32>,
    %mul3A_552 = arith.mulf %get3A_551, %exp3A : vector<16xf32>
    %get3A_553 = arith.constant 1 : i32
    %get3A_554 = arith.index_cast %get3A_553 : i32 to index
    %get3A_555 = arith.constant 640 : index
    %get3A_556 = tpu.vector_load %arg9[%get3A_554, %get3A_555] {strides = array<i32>} : memref<2x1024xf32, #tpu.memory_space<vmem>>, vector<16xf32>,
    %mul3A_557 = arith.mulf %get3A_556, %exp3A_28 : vector<16xf32>
    %add3A_558 = arith.addf %mul3A_552, %mul3A_557 : vector<16xf32>
    %swap3A_559 = arith.constant 640 : index
    %swap3A_560 = tpu.vector_load %arg10[%swap3A_559] {strides = array<i32>} : memref<1024xf32, #tpu.memory_space<vmem>>, vector<16xf32>,
    tpu.vector_store %arg10[%swap3A_559], %add3A_558 {strides = array<i32>} : memref<1024xf32, #tpu.memory_space<vmem>>, vector<16xf32>,
    %get3A_561 = arith.constant 0 : i32
    %get3A_562 = arith.index_cast %get3A_561 : i32 to index
    %get3A_563 = arith.constant 656 : index
    %get3A_564 = tpu.vector_load %arg9[%get3A_562, %get3A_563] {strides = array<i32>} : memref<2x1024xf32, #tpu.memory_space<vmem>>, vector<16xf32>,
    %mul3A_565 = arith.mulf %get3A_564, %exp3A : vector<16xf32>
    %get3A_566 = arith.constant 1 : i32
    %get3A_567 = arith.index_cast %get3A_566 : i32 to index
    %get3A_568 = arith.constant 656 : index
    %get3A_569 = tpu.vector_load %arg9[%get3A_567, %get3A_568] {strides = array<i32>} : memref<2x1024xf32, #tpu.memory_space<vmem>>, vector<16xf32>,
    %mul3A_570 = arith.mulf %get3A_569, %exp3A_28 : vector<16xf32>
    %add3A_571 = arith.addf %mul3A_565, %mul3A_570 : vector<16xf32>
    %swap3A_572 = arith.constant 656 : index
    %swap3A_573 = tpu.vector_load %arg10[%swap3A_572] {strides = array<i32>} : memref<1024xf32, #tpu.memory_space<vmem>>, vector<16xf32>,
    tpu.vector_store %arg10[%swap3A_572], %add3A_571 {strides = array<i32>} : memref<1024xf32, #tpu.memory_space<vmem>>, vector<16xf32>,
    %get3A_574 = arith.constant 0 : i32
    %get3A_575 = arith.index_cast %get3A_574 : i32 to index
    %get3A_576 = arith.constant 672 : index
    %get3A_577 = tpu.vector_load %arg9[%get3A_575, %get3A_576] {strides = array<i32>} : memref<2x1024xf32, #tpu.memory_space<vmem>>, vector<16xf32>,
    %mul3A_578 = arith.mulf %get3A_577, %exp3A : vector<16xf32>
    %get3A_579 = arith.constant 1 : i32
    %get3A_580 = arith.index_cast %get3A_579 : i32 to index
    %get3A_581 = arith.constant 672 : index
    %get3A_582 = tpu.vector_load %arg9[%get3A_580, %get3A_581] {strides = array<i32>} : memref<2x1024xf32, #tpu.memory_space<vmem>>, vector<16xf32>,
    %mul3A_583 = arith.mulf %get3A_582, %exp3A_28 : vector<16xf32>
    %add3A_584 = arith.addf %mul3A_578, %mul3A_583 : vector<16xf32>
    %swap3A_585 = arith.constant 672 : index
    %swap3A_586 = tpu.vector_load %arg10[%swap3A_585] {strides = array<i32>} : memref<1024xf32, #tpu.memory_space<vmem>>, vector<16xf32>,
    tpu.vector_store %arg10[%swap3A_585], %add3A_584 {strides = array<i32>} : memref<1024xf32, #tpu.memory_space<vmem>>, vector<16xf32>,
    %get3A_587 = arith.constant 0 : i32
    %get3A_588 = arith.index_cast %get3A_587 : i32 to index
    %get3A_589 = arith.constant 688 : index
    %get3A_590 = tpu.vector_load %arg9[%get3A_588, %get3A_589] {strides = array<i32>} : memref<2x1024xf32, #tpu.memory_space<vmem>>, vector<16xf32>,
    %mul3A_591 = arith.mulf %get3A_590, %exp3A : vector<16xf32>
    %get3A_592 = arith.constant 1 : i32
    %get3A_593 = arith.index_cast %get3A_592 : i32 to index
    %get3A_594 = arith.constant 688 : index
    %get3A_595 = tpu.vector_load %arg9[%get3A_593, %get3A_594] {strides = array<i32>} : memref<2x1024xf32, #tpu.memory_space<vmem>>, vector<16xf32>,
    %mul3A_596 = arith.mulf %get3A_595, %exp3A_28 : vector<16xf32>
    %add3A_597 = arith.addf %mul3A_591, %mul3A_596 : vector<16xf32>
    %swap3A_598 = arith.constant 688 : index
    %swap3A_599 = tpu.vector_load %arg10[%swap3A_598] {strides = array<i32>} : memref<1024xf32, #tpu.memory_space<vmem>>, vector<16xf32>,
    tpu.vector_store %arg10[%swap3A_598], %add3A_597 {strides = array<i32>} : memref<1024xf32, #tpu.memory_space<vmem>>, vector<16xf32>,
    %get3A_600 = arith.constant 0 : i32
    %get3A_601 = arith.index_cast %get3A_600 : i32 to index
    %get3A_602 = arith.constant 704 : index
    %get3A_603 = tpu.vector_load %arg9[%get3A_601, %get3A_602] {strides = array<i32>} : memref<2x1024xf32, #tpu.memory_space<vmem>>, vector<16xf32>,
    %mul3A_604 = arith.mulf %get3A_603, %exp3A : vector<16xf32>
    %get3A_605 = arith.constant 1 : i32
    %get3A_606 = arith.index_cast %get3A_605 : i32 to index
    %get3A_607 = arith.constant 704 : index
    %get3A_608 = tpu.vector_load %arg9[%get3A_606, %get3A_607] {strides = array<i32>} : memref<2x1024xf32, #tpu.memory_space<vmem>>, vector<16xf32>,
    %mul3A_609 = arith.mulf %get3A_608, %exp3A_28 : vector<16xf32>
    %add3A_610 = arith.addf %mul3A_604, %mul3A_609 : vector<16xf32>
    %swap3A_611 = arith.constant 704 : index
    %swap3A_612 = tpu.vector_load %arg10[%swap3A_611] {strides = array<i32>} : memref<1024xf32, #tpu.memory_space<vmem>>, vector<16xf32>,
    tpu.vector_store %arg10[%swap3A_611], %add3A_610 {strides = array<i32>} : memref<1024xf32, #tpu.memory_space<vmem>>, vector<16xf32>,
    %get3A_613 = arith.constant 0 : i32
    %get3A_614 = arith.index_cast %get3A_613 : i32 to index
    %get3A_615 = arith.constant 720 : index
    %get3A_616 = tpu.vector_load %arg9[%get3A_614, %get3A_615] {strides = array<i32>} : memref<2x1024xf32, #tpu.memory_space<vmem>>, vector<16xf32>,
    %mul3A_617 = arith.mulf %get3A_616, %exp3A : vector<16xf32>
    %get3A_618 = arith.constant 1 : i32
    %get3A_619 = arith.index_cast %get3A_618 : i32 to index
    %get3A_620 = arith.constant 720 : index
    %get3A_621 = tpu.vector_load %arg9[%get3A_619, %get3A_620] {strides = array<i32>} : memref<2x1024xf32, #tpu.memory_space<vmem>>, vector<16xf32>,
    %mul3A_622 = arith.mulf %get3A_621, %exp3A_28 : vector<16xf32>
    %add3A_623 = arith.addf %mul3A_617, %mul3A_622 : vector<16xf32>
    %swap3A_624 = arith.constant 720 : index
    %swap3A_625 = tpu.vector_load %arg10[%swap3A_624] {strides = array<i32>} : memref<1024xf32, #tpu.memory_space<vmem>>, vector<16xf32>,
    tpu.vector_store %arg10[%swap3A_624], %add3A_623 {strides = array<i32>} : memref<1024xf32, #tpu.memory_space<vmem>>, vector<16xf32>,
    %get3A_626 = arith.constant 0 : i32
    %get3A_627 = arith.index_cast %get3A_626 : i32 to index
    %get3A_628 = arith.constant 736 : index
    %get3A_629 = tpu.vector_load %arg9[%get3A_627, %get3A_628] {strides = array<i32>} : memref<2x1024xf32, #tpu.memory_space<vmem>>, vector<16xf32>,
    %mul3A_630 = arith.mulf %get3A_629, %exp3A : vector<16xf32>
    %get3A_631 = arith.constant 1 : i32
    %get3A_632 = arith.index_cast %get3A_631 : i32 to index
    %get3A_633 = arith.constant 736 : index
    %get3A_634 = tpu.vector_load %arg9[%get3A_632, %get3A_633] {strides = array<i32>} : memref<2x1024xf32, #tpu.memory_space<vmem>>, vector<16xf32>,
    %mul3A_635 = arith.mulf %get3A_634, %exp3A_28 : vector<16xf32>
    %add3A_636 = arith.addf %mul3A_630, %mul3A_635 : vector<16xf32>
    %swap3A_637 = arith.constant 736 : index
    %swap3A_638 = tpu.vector_load %arg10[%swap3A_637] {strides = array<i32>} : memref<1024xf32, #tpu.memory_space<vmem>>, vector<16xf32>,
    tpu.vector_store %arg10[%swap3A_637], %add3A_636 {strides = array<i32>} : memref<1024xf32, #tpu.memory_space<vmem>>, vector<16xf32>,
    %get3A_639 = arith.constant 0 : i32
    %get3A_640 = arith.index_cast %get3A_639 : i32 to index
    %get3A_641 = arith.constant 752 : index
    %get3A_642 = tpu.vector_load %arg9[%get3A_640, %get3A_641] {strides = array<i32>} : memref<2x1024xf32, #tpu.memory_space<vmem>>, vector<16xf32>,
    %mul3A_643 = arith.mulf %get3A_642, %exp3A : vector<16xf32>
    %get3A_644 = arith.constant 1 : i32
    %get3A_645 = arith.index_cast %get3A_644 : i32 to index
    %get3A_646 = arith.constant 752 : index
    %get3A_647 = tpu.vector_load %arg9[%get3A_645, %get3A_646] {strides = array<i32>} : memref<2x1024xf32, #tpu.memory_space<vmem>>, vector<16xf32>,
    %mul3A_648 = arith.mulf %get3A_647, %exp3A_28 : vector<16xf32>
    %add3A_649 = arith.addf %mul3A_643, %mul3A_648 : vector<16xf32>
    %swap3A_650 = arith.constant 752 : index
    %swap3A_651 = tpu.vector_load %arg10[%swap3A_650] {strides = array<i32>} : memref<1024xf32, #tpu.memory_space<vmem>>, vector<16xf32>,
    tpu.vector_store %arg10[%swap3A_650], %add3A_649 {strides = array<i32>} : memref<1024xf32, #tpu.memory_space<vmem>>, vector<16xf32>,
    %get3A_652 = arith.constant 0 : i32
    %get3A_653 = arith.index_cast %get3A_652 : i32 to index
    %get3A_654 = arith.constant 768 : index
    %get3A_655 = tpu.vector_load %arg9[%get3A_653, %get3A_654] {strides = array<i32>} : memref<2x1024xf32, #tpu.memory_space<vmem>>, vector<16xf32>,
    %mul3A_656 = arith.mulf %get3A_655, %exp3A : vector<16xf32>
    %get3A_657 = arith.constant 1 : i32
    %get3A_658 = arith.index_cast %get3A_657 : i32 to index
    %get3A_659 = arith.constant 768 : index
    %get3A_660 = tpu.vector_load %arg9[%get3A_658, %get3A_659] {strides = array<i32>} : memref<2x1024xf32, #tpu.memory_space<vmem>>, vector<16xf32>,
    %mul3A_661 = arith.mulf %get3A_660, %exp3A_28 : vector<16xf32>
    %add3A_662 = arith.addf %mul3A_656, %mul3A_661 : vector<16xf32>
    %swap3A_663 = arith.constant 768 : index
    %swap3A_664 = tpu.vector_load %arg10[%swap3A_663] {strides = array<i32>} : memref<1024xf32, #tpu.memory_space<vmem>>, vector<16xf32>,
    tpu.vector_store %arg10[%swap3A_663], %add3A_662 {strides = array<i32>} : memref<1024xf32, #tpu.memory_space<vmem>>, vector<16xf32>,
    %get3A_665 = arith.constant 0 : i32
    %get3A_666 = arith.index_cast %get3A_665 : i32 to index
    %get3A_667 = arith.constant 784 : index
    %get3A_668 = tpu.vector_load %arg9[%get3A_666, %get3A_667] {strides = array<i32>} : memref<2x1024xf32, #tpu.memory_space<vmem>>, vector<16xf32>,
    %mul3A_669 = arith.mulf %get3A_668, %exp3A : vector<16xf32>
    %get3A_670 = arith.constant 1 : i32
    %get3A_671 = arith.index_cast %get3A_670 : i32 to index
    %get3A_672 = arith.constant 784 : index
    %get3A_673 = tpu.vector_load %arg9[%get3A_671, %get3A_672] {strides = array<i32>} : memref<2x1024xf32, #tpu.memory_space<vmem>>, vector<16xf32>,
    %mul3A_674 = arith.mulf %get3A_673, %exp3A_28 : vector<16xf32>
    %add3A_675 = arith.addf %mul3A_669, %mul3A_674 : vector<16xf32>
    %swap3A_676 = arith.constant 784 : index
    %swap3A_677 = tpu.vector_load %arg10[%swap3A_676] {strides = array<i32>} : memref<1024xf32, #tpu.memory_space<vmem>>, vector<16xf32>,
    tpu.vector_store %arg10[%swap3A_676], %add3A_675 {strides = array<i32>} : memref<1024xf32, #tpu.memory_space<vmem>>, vector<16xf32>,
    %get3A_678 = arith.constant 0 : i32
    %get3A_679 = arith.index_cast %get3A_678 : i32 to index
    %get3A_680 = arith.constant 800 : index
    %get3A_681 = tpu.vector_load %arg9[%get3A_679, %get3A_680] {strides = array<i32>} : memref<2x1024xf32, #tpu.memory_space<vmem>>, vector<16xf32>,
    %mul3A_682 = arith.mulf %get3A_681, %exp3A : vector<16xf32>
    %get3A_683 = arith.constant 1 : i32
    %get3A_684 = arith.index_cast %get3A_683 : i32 to index
    %get3A_685 = arith.constant 800 : index
    %get3A_686 = tpu.vector_load %arg9[%get3A_684, %get3A_685] {strides = array<i32>} : memref<2x1024xf32, #tpu.memory_space<vmem>>, vector<16xf32>,
    %mul3A_687 = arith.mulf %get3A_686, %exp3A_28 : vector<16xf32>
    %add3A_688 = arith.addf %mul3A_682, %mul3A_687 : vector<16xf32>
    %swap3A_689 = arith.constant 800 : index
    %swap3A_690 = tpu.vector_load %arg10[%swap3A_689] {strides = array<i32>} : memref<1024xf32, #tpu.memory_space<vmem>>, vector<16xf32>,
    tpu.vector_store %arg10[%swap3A_689], %add3A_688 {strides = array<i32>} : memref<1024xf32, #tpu.memory_space<vmem>>, vector<16xf32>,
    %get3A_691 = arith.constant 0 : i32
    %get3A_692 = arith.index_cast %get3A_691 : i32 to index
    %get3A_693 = arith.constant 816 : index
    %get3A_694 = tpu.vector_load %arg9[%get3A_692, %get3A_693] {strides = array<i32>} : memref<2x1024xf32, #tpu.memory_space<vmem>>, vector<16xf32>,
    %mul3A_695 = arith.mulf %get3A_694, %exp3A : vector<16xf32>
    %get3A_696 = arith.constant 1 : i32
    %get3A_697 = arith.index_cast %get3A_696 : i32 to index
    %get3A_698 = arith.constant 816 : index
    %get3A_699 = tpu.vector_load %arg9[%get3A_697, %get3A_698] {strides = array<i32>} : memref<2x1024xf32, #tpu.memory_space<vmem>>, vector<16xf32>,
    %mul3A_700 = arith.mulf %get3A_699, %exp3A_28 : vector<16xf32>
    %add3A_701 = arith.addf %mul3A_695, %mul3A_700 : vector<16xf32>
    %swap3A_702 = arith.constant 816 : index
    %swap3A_703 = tpu.vector_load %arg10[%swap3A_702] {strides = array<i32>} : memref<1024xf32, #tpu.memory_space<vmem>>, vector<16xf32>,
    tpu.vector_store %arg10[%swap3A_702], %add3A_701 {strides = array<i32>} : memref<1024xf32, #tpu.memory_space<vmem>>, vector<16xf32>,
    %get3A_704 = arith.constant 0 : i32
    %get3A_705 = arith.index_cast %get3A_704 : i32 to index
    %get3A_706 = arith.constant 832 : index
    %get3A_707 = tpu.vector_load %arg9[%get3A_705, %get3A_706] {strides = array<i32>} : memref<2x1024xf32, #tpu.memory_space<vmem>>, vector<16xf32>,
    %mul3A_708 = arith.mulf %get3A_707, %exp3A : vector<16xf32>
    %get3A_709 = arith.constant 1 : i32
    %get3A_710 = arith.index_cast %get3A_709 : i32 to index
    %get3A_711 = arith.constant 832 : index
    %get3A_712 = tpu.vector_load %arg9[%get3A_710, %get3A_711] {strides = array<i32>} : memref<2x1024xf32, #tpu.memory_space<vmem>>, vector<16xf32>,
    %mul3A_713 = arith.mulf %get3A_712, %exp3A_28 : vector<16xf32>
    %add3A_714 = arith.addf %mul3A_708, %mul3A_713 : vector<16xf32>
    %swap3A_715 = arith.constant 832 : index
    %swap3A_716 = tpu.vector_load %arg10[%swap3A_715] {strides = array<i32>} : memref<1024xf32, #tpu.memory_space<vmem>>, vector<16xf32>,
    tpu.vector_store %arg10[%swap3A_715], %add3A_714 {strides = array<i32>} : memref<1024xf32, #tpu.memory_space<vmem>>, vector<16xf32>,
    %get3A_717 = arith.constant 0 : i32
    %get3A_718 = arith.index_cast %get3A_717 : i32 to index
    %get3A_719 = arith.constant 848 : index
    %get3A_720 = tpu.vector_load %arg9[%get3A_718, %get3A_719] {strides = array<i32>} : memref<2x1024xf32, #tpu.memory_space<vmem>>, vector<16xf32>,
    %mul3A_721 = arith.mulf %get3A_720, %exp3A : vector<16xf32>
    %get3A_722 = arith.constant 1 : i32
    %get3A_723 = arith.index_cast %get3A_722 : i32 to index
    %get3A_724 = arith.constant 848 : index
    %get3A_725 = tpu.vector_load %arg9[%get3A_723, %get3A_724] {strides = array<i32>} : memref<2x1024xf32, #tpu.memory_space<vmem>>, vector<16xf32>,
    %mul3A_726 = arith.mulf %get3A_725, %exp3A_28 : vector<16xf32>
    %add3A_727 = arith.addf %mul3A_721, %mul3A_726 : vector<16xf32>
    %swap3A_728 = arith.constant 848 : index
    %swap3A_729 = tpu.vector_load %arg10[%swap3A_728] {strides = array<i32>} : memref<1024xf32, #tpu.memory_space<vmem>>, vector<16xf32>,
    tpu.vector_store %arg10[%swap3A_728], %add3A_727 {strides = array<i32>} : memref<1024xf32, #tpu.memory_space<vmem>>, vector<16xf32>,
    %get3A_730 = arith.constant 0 : i32
    %get3A_731 = arith.index_cast %get3A_730 : i32 to index
    %get3A_732 = arith.constant 864 : index
    %get3A_733 = tpu.vector_load %arg9[%get3A_731, %get3A_732] {strides = array<i32>} : memref<2x1024xf32, #tpu.memory_space<vmem>>, vector<16xf32>,
    %mul3A_734 = arith.mulf %get3A_733, %exp3A : vector<16xf32>
    %get3A_735 = arith.constant 1 : i32
    %get3A_736 = arith.index_cast %get3A_735 : i32 to index
    %get3A_737 = arith.constant 864 : index
    %get3A_738 = tpu.vector_load %arg9[%get3A_736, %get3A_737] {strides = array<i32>} : memref<2x1024xf32, #tpu.memory_space<vmem>>, vector<16xf32>,
    %mul3A_739 = arith.mulf %get3A_738, %exp3A_28 : vector<16xf32>
    %add3A_740 = arith.addf %mul3A_734, %mul3A_739 : vector<16xf32>
    %swap3A_741 = arith.constant 864 : index
    %swap3A_742 = tpu.vector_load %arg10[%swap3A_741] {strides = array<i32>} : memref<1024xf32, #tpu.memory_space<vmem>>, vector<16xf32>,
    tpu.vector_store %arg10[%swap3A_741], %add3A_740 {strides = array<i32>} : memref<1024xf32, #tpu.memory_space<vmem>>, vector<16xf32>,
    %get3A_743 = arith.constant 0 : i32
    %get3A_744 = arith.index_cast %get3A_743 : i32 to index
    %get3A_745 = arith.constant 880 : index
    %get3A_746 = tpu.vector_load %arg9[%get3A_744, %get3A_745] {strides = array<i32>} : memref<2x1024xf32, #tpu.memory_space<vmem>>, vector<16xf32>,
    %mul3A_747 = arith.mulf %get3A_746, %exp3A : vector<16xf32>
    %get3A_748 = arith.constant 1 : i32
    %get3A_749 = arith.index_cast %get3A_748 : i32 to index
    %get3A_750 = arith.constant 880 : index
    %get3A_751 = tpu.vector_load %arg9[%get3A_749, %get3A_750] {strides = array<i32>} : memref<2x1024xf32, #tpu.memory_space<vmem>>, vector<16xf32>,
    %mul3A_752 = arith.mulf %get3A_751, %exp3A_28 : vector<16xf32>
    %add3A_753 = arith.addf %mul3A_747, %mul3A_752 : vector<16xf32>
    %swap3A_754 = arith.constant 880 : index
    %swap3A_755 = tpu.vector_load %arg10[%swap3A_754] {strides = array<i32>} : memref<1024xf32, #tpu.memory_space<vmem>>, vector<16xf32>,
    tpu.vector_store %arg10[%swap3A_754], %add3A_753 {strides = array<i32>} : memref<1024xf32, #tpu.memory_space<vmem>>, vector<16xf32>,
    %get3A_756 = arith.constant 0 : i32
    %get3A_757 = arith.index_cast %get3A_756 : i32 to index
    %get3A_758 = arith.constant 896 : index
    %get3A_759 = tpu.vector_load %arg9[%get3A_757, %get3A_758] {strides = array<i32>} : memref<2x1024xf32, #tpu.memory_space<vmem>>, vector<16xf32>,
    %mul3A_760 = arith.mulf %get3A_759, %exp3A : vector<16xf32>
    %get3A_761 = arith.constant 1 : i32
    %get3A_762 = arith.index_cast %get3A_761 : i32 to index
    %get3A_763 = arith.constant 896 : index
    %get3A_764 = tpu.vector_load %arg9[%get3A_762, %get3A_763] {strides = array<i32>} : memref<2x1024xf32, #tpu.memory_space<vmem>>, vector<16xf32>,
    %mul3A_765 = arith.mulf %get3A_764, %exp3A_28 : vector<16xf32>
    %add3A_766 = arith.addf %mul3A_760, %mul3A_765 : vector<16xf32>
    %swap3A_767 = arith.constant 896 : index
    %swap3A_768 = tpu.vector_load %arg10[%swap3A_767] {strides = array<i32>} : memref<1024xf32, #tpu.memory_space<vmem>>, vector<16xf32>,
    tpu.vector_store %arg10[%swap3A_767], %add3A_766 {strides = array<i32>} : memref<1024xf32, #tpu.memory_space<vmem>>, vector<16xf32>,
    %get3A_769 = arith.constant 0 : i32
    %get3A_770 = arith.index_cast %get3A_769 : i32 to index
    %get3A_771 = arith.constant 912 : index
    %get3A_772 = tpu.vector_load %arg9[%get3A_770, %get3A_771] {strides = array<i32>} : memref<2x1024xf32, #tpu.memory_space<vmem>>, vector<16xf32>,
    %mul3A_773 = arith.mulf %get3A_772, %exp3A : vector<16xf32>
    %get3A_774 = arith.constant 1 : i32
    %get3A_775 = arith.index_cast %get3A_774 : i32 to index
    %get3A_776 = arith.constant 912 : index
    %get3A_777 = tpu.vector_load %arg9[%get3A_775, %get3A_776] {strides = array<i32>} : memref<2x1024xf32, #tpu.memory_space<vmem>>, vector<16xf32>,
    %mul3A_778 = arith.mulf %get3A_777, %exp3A_28 : vector<16xf32>
    %add3A_779 = arith.addf %mul3A_773, %mul3A_778 : vector<16xf32>
    %swap3A_780 = arith.constant 912 : index
    %swap3A_781 = tpu.vector_load %arg10[%swap3A_780] {strides = array<i32>} : memref<1024xf32, #tpu.memory_space<vmem>>, vector<16xf32>,
    tpu.vector_store %arg10[%swap3A_780], %add3A_779 {strides = array<i32>} : memref<1024xf32, #tpu.memory_space<vmem>>, vector<16xf32>,
    %get3A_782 = arith.constant 0 : i32
    %get3A_783 = arith.index_cast %get3A_782 : i32 to index
    %get3A_784 = arith.constant 928 : index
    %get3A_785 = tpu.vector_load %arg9[%get3A_783, %get3A_784] {strides = array<i32>} : memref<2x1024xf32, #tpu.memory_space<vmem>>, vector<16xf32>,
    %mul3A_786 = arith.mulf %get3A_785, %exp3A : vector<16xf32>
    %get3A_787 = arith.constant 1 : i32
    %get3A_788 = arith.index_cast %get3A_787 : i32 to index
    %get3A_789 = arith.constant 928 : index
    %get3A_790 = tpu.vector_load %arg9[%get3A_788, %get3A_789] {strides = array<i32>} : memref<2x1024xf32, #tpu.memory_space<vmem>>, vector<16xf32>,
    %mul3A_791 = arith.mulf %get3A_790, %exp3A_28 : vector<16xf32>
    %add3A_792 = arith.addf %mul3A_786, %mul3A_791 : vector<16xf32>
    %swap3A_793 = arith.constant 928 : index
    %swap3A_794 = tpu.vector_load %arg10[%swap3A_793] {strides = array<i32>} : memref<1024xf32, #tpu.memory_space<vmem>>, vector<16xf32>,
    tpu.vector_store %arg10[%swap3A_793], %add3A_792 {strides = array<i32>} : memref<1024xf32, #tpu.memory_space<vmem>>, vector<16xf32>,
    %get3A_795 = arith.constant 0 : i32
    %get3A_796 = arith.index_cast %get3A_795 : i32 to index
    %get3A_797 = arith.constant 944 : index
    %get3A_798 = tpu.vector_load %arg9[%get3A_796, %get3A_797] {strides = array<i32>} : memref<2x1024xf32, #tpu.memory_space<vmem>>, vector<16xf32>,
    %mul3A_799 = arith.mulf %get3A_798, %exp3A : vector<16xf32>
    %get3A_800 = arith.constant 1 : i32
    %get3A_801 = arith.index_cast %get3A_800 : i32 to index
    %get3A_802 = arith.constant 944 : index
    %get3A_803 = tpu.vector_load %arg9[%get3A_801, %get3A_802] {strides = array<i32>} : memref<2x1024xf32, #tpu.memory_space<vmem>>, vector<16xf32>,
    %mul3A_804 = arith.mulf %get3A_803, %exp3A_28 : vector<16xf32>
    %add3A_805 = arith.addf %mul3A_799, %mul3A_804 : vector<16xf32>
    %swap3A_806 = arith.constant 944 : index
    %swap3A_807 = tpu.vector_load %arg10[%swap3A_806] {strides = array<i32>} : memref<1024xf32, #tpu.memory_space<vmem>>, vector<16xf32>,
    tpu.vector_store %arg10[%swap3A_806], %add3A_805 {strides = array<i32>} : memref<1024xf32, #tpu.memory_space<vmem>>, vector<16xf32>,
    %get3A_808 = arith.constant 0 : i32
    %get3A_809 = arith.index_cast %get3A_808 : i32 to index
    %get3A_810 = arith.constant 960 : index
    %get3A_811 = tpu.vector_load %arg9[%get3A_809, %get3A_810] {strides = array<i32>} : memref<2x1024xf32, #tpu.memory_space<vmem>>, vector<16xf32>,
    %mul3A_812 = arith.mulf %get3A_811, %exp3A : vector<16xf32>
    %get3A_813 = arith.constant 1 : i32
    %get3A_814 = arith.index_cast %get3A_813 : i32 to index
    %get3A_815 = arith.constant 960 : index
    %get3A_816 = tpu.vector_load %arg9[%get3A_814, %get3A_815] {strides = array<i32>} : memref<2x1024xf32, #tpu.memory_space<vmem>>, vector<16xf32>,
    %mul3A_817 = arith.mulf %get3A_816, %exp3A_28 : vector<16xf32>
    %add3A_818 = arith.addf %mul3A_812, %mul3A_817 : vector<16xf32>
    %swap3A_819 = arith.constant 960 : index
    %swap3A_820 = tpu.vector_load %arg10[%swap3A_819] {strides = array<i32>} : memref<1024xf32, #tpu.memory_space<vmem>>, vector<16xf32>,
    tpu.vector_store %arg10[%swap3A_819], %add3A_818 {strides = array<i32>} : memref<1024xf32, #tpu.memory_space<vmem>>, vector<16xf32>,
    %get3A_821 = arith.constant 0 : i32
    %get3A_822 = arith.index_cast %get3A_821 : i32 to index
    %get3A_823 = arith.constant 976 : index
    %get3A_824 = tpu.vector_load %arg9[%get3A_822, %get3A_823] {strides = array<i32>} : memref<2x1024xf32, #tpu.memory_space<vmem>>, vector<16xf32>,
    %mul3A_825 = arith.mulf %get3A_824, %exp3A : vector<16xf32>
    %get3A_826 = arith.constant 1 : i32
    %get3A_827 = arith.index_cast %get3A_826 : i32 to index
    %get3A_828 = arith.constant 976 : index
    %get3A_829 = tpu.vector_load %arg9[%get3A_827, %get3A_828] {strides = array<i32>} : memref<2x1024xf32, #tpu.memory_space<vmem>>, vector<16xf32>,
    %mul3A_830 = arith.mulf %get3A_829, %exp3A_28 : vector<16xf32>
    %add3A_831 = arith.addf %mul3A_825, %mul3A_830 : vector<16xf32>
    %swap3A_832 = arith.constant 976 : index
    %swap3A_833 = tpu.vector_load %arg10[%swap3A_832] {strides = array<i32>} : memref<1024xf32, #tpu.memory_space<vmem>>, vector<16xf32>,
    tpu.vector_store %arg10[%swap3A_832], %add3A_831 {strides = array<i32>} : memref<1024xf32, #tpu.memory_space<vmem>>, vector<16xf32>,
    %get3A_834 = arith.constant 0 : i32
    %get3A_835 = arith.index_cast %get3A_834 : i32 to index
    %get3A_836 = arith.constant 992 : index
    %get3A_837 = tpu.vector_load %arg9[%get3A_835, %get3A_836] {strides = array<i32>} : memref<2x1024xf32, #tpu.memory_space<vmem>>, vector<16xf32>,
    %mul3A_838 = arith.mulf %get3A_837, %exp3A : vector<16xf32>
    %get3A_839 = arith.constant 1 : i32
    %get3A_840 = arith.index_cast %get3A_839 : i32 to index
    %get3A_841 = arith.constant 992 : index
    %get3A_842 = tpu.vector_load %arg9[%get3A_840, %get3A_841] {strides = array<i32>} : memref<2x1024xf32, #tpu.memory_space<vmem>>, vector<16xf32>,
    %mul3A_843 = arith.mulf %get3A_842, %exp3A_28 : vector<16xf32>
    %add3A_844 = arith.addf %mul3A_838, %mul3A_843 : vector<16xf32>
    %swap3A_845 = arith.constant 992 : index
    %swap3A_846 = tpu.vector_load %arg10[%swap3A_845] {strides = array<i32>} : memref<1024xf32, #tpu.memory_space<vmem>>, vector<16xf32>,
    tpu.vector_store %arg10[%swap3A_845], %add3A_844 {strides = array<i32>} : memref<1024xf32, #tpu.memory_space<vmem>>, vector<16xf32>,
    %get3A_847 = arith.constant 0 : i32
    %get3A_848 = arith.index_cast %get3A_847 : i32 to index
    %get3A_849 = arith.constant 1008 : index
    %get3A_850 = tpu.vector_load %arg9[%get3A_848, %get3A_849] {strides = array<i32>} : memref<2x1024xf32, #tpu.memory_space<vmem>>, vector<16xf32>,
    %mul3A_851 = arith.mulf %get3A_850, %exp3A : vector<16xf32>
    %get3A_852 = arith.constant 1 : i32
    %get3A_853 = arith.index_cast %get3A_852 : i32 to index
    %get3A_854 = arith.constant 1008 : index
    %get3A_855 = tpu.vector_load %arg9[%get3A_853, %get3A_854] {strides = array<i32>} : memref<2x1024xf32, #tpu.memory_space<vmem>>, vector<16xf32>,
    %mul3A_856 = arith.mulf %get3A_855, %exp3A_28 : vector<16xf32>
    %add3A_857 = arith.addf %mul3A_851, %mul3A_856 : vector<16xf32>
    %swap3A_858 = arith.constant 1008 : index
    %swap3A_859 = tpu.vector_load %arg10[%swap3A_858] {strides = array<i32>} : memref<1024xf32, #tpu.memory_space<vmem>>, vector<16xf32>,
    tpu.vector_store %arg10[%swap3A_858], %add3A_857 {strides = array<i32>} : memref<1024xf32, #tpu.memory_space<vmem>>, vector<16xf32>,
    %dma_wait3A = arith.constant 0 : i32
    %dma_wait3A_860 = tpu.memref_slice %arg3[%dma_wait3A] : memref<1000000xf32, #tpu.memory_space<hbm>> -> memref<1000000xf32, #tpu.memory_space<hbm>>
    tpu.wait_indirect_dma semaphore(%arg19 : memref<!tpu.dma_semaphore, #tpu.memory_space<semaphore_mem>>) src(%dma_wait3A_860 : memref<1000000xf32, #tpu.memory_space<hbm>>) dst(%arg12 : memref<6208xf32, #tpu.memory_space<vmem>>)
    %dma_wait3A_861 = arith.constant 0 : i32
    %dma_wait3A_862 = tpu.memref_slice %arg4[%dma_wait3A_861] : memref<1000000xi32, #tpu.memory_space<hbm>> -> memref<1000000xi32, #tpu.memory_space<hbm>>
    tpu.wait_indirect_dma semaphore(%arg20 : memref<!tpu.dma_semaphore, #tpu.memory_space<semaphore_mem>>) src(%dma_wait3A_862 : memref<1000000xi32, #tpu.memory_space<hbm>>) dst(%arg13 : memref<6208xi32, #tpu.memory_space<vmem>>)
    %scan3A = arith.constant 0 : i32
    %scan3A_863 = arith.constant 0 : i32
    %scan3A_864 = arith.constant 97 : i32
    %scan3A_865 = arith.addi %scan3A_863, %scan3A_864 : i32
    %scan3A_866 = arith.constant 1 : i32
    %scan3A_867 = scf.for %scan3A_871 = %scan3A_863 to %scan3A_865 step %scan3A_866 iter_args(%scan3A_872 = %scan3A) -> (i32)  : i32 {
      %mul3A_873 = arith.constant 64 : i32
      %mul3A_874 = arith.muli %scan3A_871, %mul3A_873 : i32
      %add3A_875 = arith.constant 0 : i32
      %add3A_876 = arith.addi %mul3A_874, %add3A_875 : i32
      %get3A_877 = arith.index_cast %add3A_876 : i32 to index
      %get3A_878 = tpu.vector_load %arg13[%get3A_877] {strides = array<i32>} : memref<6208xi32, #tpu.memory_space<vmem>>, vector<16xi32>,
      %gather3A = tpu.vector_load_idx %arg10[%get3A_878] : memref<1024xf32, #tpu.memory_space<vmem>>[vector<16xi32>], vector<16xf32>,
      %get3A_879 = arith.index_cast %add3A_876 : i32 to index
      %get3A_880 = tpu.vector_load %arg12[%get3A_879] {strides = array<i32>} : memref<6208xf32, #tpu.memory_space<vmem>>, vector<16xf32>,
      %sub3A_881 = vector.broadcast %max3A : f32 to vector<16xf32>
      %sub3A_882 = arith.subf %get3A_880, %sub3A_881 : vector<16xf32>
      %exp3A_883 = math.exp %sub3A_882 : vector<16xf32>
      %div3A = arith.divf %exp3A_883, %gather3A : vector<16xf32>
      %sub3A_884 = arith.constant 1.000000e+00 : f32
      %sub3A_885 = vector.broadcast %sub3A_884 : f32 to vector<16xf32>
      %sub3A_886 = arith.subf %sub3A_885, %div3A : vector<16xf32>
      %add3A_887 = arith.addf %sub3A_886, %div3A : vector<16xf32>
      %swap3A_888 = arith.index_cast %add3A_876 : i32 to index
      %swap3A_889 = tpu.vector_load %arg14[%swap3A_888] {strides = array<i32>} : memref<6208xf32, #tpu.memory_space<vmem>>, vector<16xf32>,
      tpu.vector_store %arg14[%swap3A_888], %add3A_887 {strides = array<i32>} : memref<6208xf32, #tpu.memory_space<vmem>>, vector<16xf32>,
      %mul3A_890 = arith.constant 64 : i32
      %mul3A_891 = arith.muli %scan3A_871, %mul3A_890 : i32
      %add3A_892 = arith.constant 16 : i32
      %add3A_893 = arith.addi %mul3A_891, %add3A_892 : i32
      %get3A_894 = arith.index_cast %add3A_893 : i32 to index
      %get3A_895 = tpu.vector_load %arg13[%get3A_894] {strides = array<i32>} : memref<6208xi32, #tpu.memory_space<vmem>>, vector<16xi32>,
      %gather3A_896 = tpu.vector_load_idx %arg10[%get3A_895] : memref<1024xf32, #tpu.memory_space<vmem>>[vector<16xi32>], vector<16xf32>,
      %get3A_897 = arith.index_cast %add3A_893 : i32 to index
      %get3A_898 = tpu.vector_load %arg12[%get3A_897] {strides = array<i32>} : memref<6208xf32, #tpu.memory_space<vmem>>, vector<16xf32>,
      %sub3A_899 = vector.broadcast %max3A : f32 to vector<16xf32>
      %sub3A_900 = arith.subf %get3A_898, %sub3A_899 : vector<16xf32>
      %exp3A_901 = math.exp %sub3A_900 : vector<16xf32>
      %div3A_902 = arith.divf %exp3A_901, %gather3A_896 : vector<16xf32>
      %sub3A_903 = arith.constant 1.000000e+00 : f32
      %sub3A_904 = vector.broadcast %sub3A_903 : f32 to vector<16xf32>
      %sub3A_905 = arith.subf %sub3A_904, %div3A_902 : vector<16xf32>
      %add3A_906 = arith.addf %sub3A_905, %div3A_902 : vector<16xf32>
      %swap3A_907 = arith.index_cast %add3A_893 : i32 to index
      %swap3A_908 = tpu.vector_load %arg14[%swap3A_907] {strides = array<i32>} : memref<6208xf32, #tpu.memory_space<vmem>>, vector<16xf32>,
      tpu.vector_store %arg14[%swap3A_907], %add3A_906 {strides = array<i32>} : memref<6208xf32, #tpu.memory_space<vmem>>, vector<16xf32>,
      %mul3A_909 = arith.constant 64 : i32
      %mul3A_910 = arith.muli %scan3A_871, %mul3A_909 : i32
      %add3A_911 = arith.constant 32 : i32
      %add3A_912 = arith.addi %mul3A_910, %add3A_911 : i32
      %get3A_913 = arith.index_cast %add3A_912 : i32 to index
      %get3A_914 = tpu.vector_load %arg13[%get3A_913] {strides = array<i32>} : memref<6208xi32, #tpu.memory_space<vmem>>, vector<16xi32>,
      %gather3A_915 = tpu.vector_load_idx %arg10[%get3A_914] : memref<1024xf32, #tpu.memory_space<vmem>>[vector<16xi32>], vector<16xf32>,
      %get3A_916 = arith.index_cast %add3A_912 : i32 to index
      %get3A_917 = tpu.vector_load %arg12[%get3A_916] {strides = array<i32>} : memref<6208xf32, #tpu.memory_space<vmem>>, vector<16xf32>,
      %sub3A_918 = vector.broadcast %max3A : f32 to vector<16xf32>
      %sub3A_919 = arith.subf %get3A_917, %sub3A_918 : vector<16xf32>
      %exp3A_920 = math.exp %sub3A_919 : vector<16xf32>
      %div3A_921 = arith.divf %exp3A_920, %gather3A_915 : vector<16xf32>
      %sub3A_922 = arith.constant 1.000000e+00 : f32
      %sub3A_923 = vector.broadcast %sub3A_922 : f32 to vector<16xf32>
      %sub3A_924 = arith.subf %sub3A_923, %div3A_921 : vector<16xf32>
      %add3A_925 = arith.addf %sub3A_924, %div3A_921 : vector<16xf32>
      %swap3A_926 = arith.index_cast %add3A_912 : i32 to index
      %swap3A_927 = tpu.vector_load %arg14[%swap3A_926] {strides = array<i32>} : memref<6208xf32, #tpu.memory_space<vmem>>, vector<16xf32>,
      tpu.vector_store %arg14[%swap3A_926], %add3A_925 {strides = array<i32>} : memref<6208xf32, #tpu.memory_space<vmem>>, vector<16xf32>,
      %mul3A_928 = arith.constant 64 : i32
      %mul3A_929 = arith.muli %scan3A_871, %mul3A_928 : i32
      %add3A_930 = arith.constant 48 : i32
      %add3A_931 = arith.addi %mul3A_929, %add3A_930 : i32
      %get3A_932 = arith.index_cast %add3A_931 : i32 to index
      %get3A_933 = tpu.vector_load %arg13[%get3A_932] {strides = array<i32>} : memref<6208xi32, #tpu.memory_space<vmem>>, vector<16xi32>,
      %gather3A_934 = tpu.vector_load_idx %arg10[%get3A_933] : memref<1024xf32, #tpu.memory_space<vmem>>[vector<16xi32>], vector<16xf32>,
      %get3A_935 = arith.index_cast %add3A_931 : i32 to index
      %get3A_936 = tpu.vector_load %arg12[%get3A_935] {strides = array<i32>} : memref<6208xf32, #tpu.memory_space<vmem>>, vector<16xf32>,
      %sub3A_937 = vector.broadcast %max3A : f32 to vector<16xf32>
      %sub3A_938 = arith.subf %get3A_936, %sub3A_937 : vector<16xf32>
      %exp3A_939 = math.exp %sub3A_938 : vector<16xf32>
      %div3A_940 = arith.divf %exp3A_939, %gather3A_934 : vector<16xf32>
      %sub3A_941 = arith.constant 1.000000e+00 : f32
      %sub3A_942 = vector.broadcast %sub3A_941 : f32 to vector<16xf32>
      %sub3A_943 = arith.subf %sub3A_942, %div3A_940 : vector<16xf32>
      %add3A_944 = arith.addf %sub3A_943, %div3A_940 : vector<16xf32>
      %swap3A_945 = arith.index_cast %add3A_931 : i32 to index
      %swap3A_946 = tpu.vector_load %arg14[%swap3A_945] {strides = array<i32>} : memref<6208xf32, #tpu.memory_space<vmem>>, vector<16xf32>,
      tpu.vector_store %arg14[%swap3A_945], %add3A_944 {strides = array<i32>} : memref<6208xf32, #tpu.memory_space<vmem>>, vector<16xf32>,
      %scan3A_947 = arith.constant 0 : i32
      scf.yield %scan3A_947 : i32
    }
    %scan3A_868 = arith.constant 97 : i32
    "tpu.region"() ({
      %run_scoped3A = tpu.sem_alloc : memref<!tpu.dma_semaphore, #tpu.memory_space<semaphore_mem>>
      %dma_start3A_871 = tpu.memref_slice %arg7[%mul3A_2] : memref<200000xf32, #tpu.memory_space<hbm>> -> memref<6208xf32, #tpu.memory_space<hbm>>
      %dma_start3A_872 = tpu.memref_slice %arg7[%mul3A_2] : memref<200000xf32, #tpu.memory_space<hbm>> -> memref<6208xf32, #tpu.memory_space<hbm>>
      tpu.enqueue_dma source(%arg14 : memref<6208xf32, #tpu.memory_space<vmem>>) target(%dma_start3A_872 : memref<6208xf32, #tpu.memory_space<hbm>>) target_semaphore(%run_scoped3A : memref<!tpu.dma_semaphore, #tpu.memory_space<semaphore_mem>>)
      %dma_wait3A_873 = tpu.memref_slice %arg7[%mul3A_2] : memref<200000xf32, #tpu.memory_space<hbm>> -> memref<6208xf32, #tpu.memory_space<hbm>>
      %dma_wait3A_874 = tpu.memref_slice %arg7[%mul3A_2] : memref<200000xf32, #tpu.memory_space<hbm>> -> memref<6208xf32, #tpu.memory_space<hbm>>
      tpu.wait_dma2 semaphore(%run_scoped3A : memref<!tpu.dma_semaphore, #tpu.memory_space<semaphore_mem>>) src(%arg14 : memref<6208xf32, #tpu.memory_space<vmem>>) dst(%dma_wait3A_874 : memref<6208xf32, #tpu.memory_space<hbm>>)
      tpu.yield
    }) : () -> ()
    %lt3A = arith.constant 21 : i32
    %lt3A_869 = arith.cmpi slt, %add3A, %lt3A : i32
    %convert_element_type3A = arith.extui %lt3A_869 : i1 to i32
    %cond3A = arith.constant 0 : i32
    %cond3A_870 = arith.cmpi ne, %convert_element_type3A, %cond3A : i32
    scf.if %cond3A_870 {
      %add3A_871 = arith.constant 3104 : i32
      %add3A_872 = arith.addi %add3A_871, %add3A : i32
      %mul3A_873 = arith.constant 64 : i32
      %mul3A_874 = arith.muli %add3A_872, %mul3A_873 : i32
      "tpu.region"() ({
        %run_scoped3A = tpu.sem_alloc : memref<!tpu.dma_semaphore, #tpu.memory_space<semaphore_mem>>
        %dma_start3A_933 = tpu.memref_slice %arg2[%mul3A_874] : memref<200000xi32, #tpu.memory_space<hbm>> -> memref<64xi32, #tpu.memory_space<hbm>>
        %dma_start3A_934 = tpu.memref_slice %arg2[%mul3A_874] : memref<200000xi32, #tpu.memory_space<hbm>> -> memref<64xi32, #tpu.memory_space<hbm>>
        tpu.enqueue_dma source(%dma_start3A_934 : memref<64xi32, #tpu.memory_space<hbm>>) target(%arg15 : memref<64xi32, #tpu.memory_space<vmem>>) target_semaphore(%run_scoped3A : memref<!tpu.dma_semaphore, #tpu.memory_space<semaphore_mem>>)
        %dma_wait3A_935 = tpu.memref_slice %arg2[%mul3A_874] : memref<200000xi32, #tpu.memory_space<hbm>> -> memref<64xi32, #tpu.memory_space<hbm>>
        %dma_wait3A_936 = tpu.memref_slice %arg2[%mul3A_874] : memref<200000xi32, #tpu.memory_space<hbm>> -> memref<64xi32, #tpu.memory_space<hbm>>
        tpu.wait_dma2 semaphore(%run_scoped3A : memref<!tpu.dma_semaphore, #tpu.memory_space<semaphore_mem>>) src(%dma_wait3A_936 : memref<64xi32, #tpu.memory_space<hbm>>) dst(%arg15 : memref<64xi32, #tpu.memory_space<vmem>>)
        tpu.yield
      }) : () -> ()
      "tpu.region"() ({
        %run_scoped3A = tpu.sem_alloc : memref<!tpu.dma_semaphore, #tpu.memory_space<semaphore_mem>>
        %dma_start3A_933 = arith.constant 0 : i32
        %dma_start3A_934 = tpu.memref_slice %arg3[%dma_start3A_933] : memref<1000000xf32, #tpu.memory_space<hbm>> -> memref<1000000xf32, #tpu.memory_space<hbm>>
        tpu.enqueue_indirect_dma source(%dma_start3A_934 : memref<1000000xf32, #tpu.memory_space<hbm>>) target(%arg16 : memref<64xf32, #tpu.memory_space<vmem>>) offsets(%arg15 : memref<64xi32, #tpu.memory_space<vmem>>) semaphore(%run_scoped3A : memref<!tpu.dma_semaphore, #tpu.memory_space<semaphore_mem>>)
        %dma_wait3A_935 = arith.constant 0 : i32
        %dma_wait3A_936 = tpu.memref_slice %arg3[%dma_wait3A_935] : memref<1000000xf32, #tpu.memory_space<hbm>> -> memref<1000000xf32, #tpu.memory_space<hbm>>
        tpu.wait_indirect_dma semaphore(%run_scoped3A : memref<!tpu.dma_semaphore, #tpu.memory_space<semaphore_mem>>) src(%dma_wait3A_936 : memref<1000000xf32, #tpu.memory_space<hbm>>) dst(%arg16 : memref<64xf32, #tpu.memory_space<vmem>>)
        tpu.yield
      }) : () -> ()
      "tpu.region"() ({
        %run_scoped3A = tpu.sem_alloc : memref<!tpu.dma_semaphore, #tpu.memory_space<semaphore_mem>>
        %dma_start3A_933 = arith.constant 0 : i32
        %dma_start3A_934 = tpu.memref_slice %arg4[%dma_start3A_933] : memref<1000000xi32, #tpu.memory_space<hbm>> -> memref<1000000xi32, #tpu.memory_space<hbm>>
        tpu.enqueue_indirect_dma source(%dma_start3A_934 : memref<1000000xi32, #tpu.memory_space<hbm>>) target(%arg17 : memref<64xi32, #tpu.memory_space<vmem>>) offsets(%arg15 : memref<64xi32, #tpu.memory_space<vmem>>) semaphore(%run_scoped3A : memref<!tpu.dma_semaphore, #tpu.memory_space<semaphore_mem>>)
        %dma_wait3A_935 = arith.constant 0 : i32
        %dma_wait3A_936 = tpu.memref_slice %arg4[%dma_wait3A_935] : memref<1000000xi32, #tpu.memory_space<hbm>> -> memref<1000000xi32, #tpu.memory_space<hbm>>
        tpu.wait_indirect_dma semaphore(%run_scoped3A : memref<!tpu.dma_semaphore, #tpu.memory_space<semaphore_mem>>) src(%dma_wait3A_936 : memref<1000000xi32, #tpu.memory_space<hbm>>) dst(%arg17 : memref<64xi32, #tpu.memory_space<vmem>>)
        tpu.yield
      }) : () -> ()
      %get3A_875 = arith.constant 0 : index
      %get3A_876 = tpu.vector_load %arg17[%get3A_875] {strides = array<i32>} : memref<64xi32, #tpu.memory_space<vmem>>, vector<16xi32>,
      %gather3A = tpu.vector_load_idx %arg10[%get3A_876] : memref<1024xf32, #tpu.memory_space<vmem>>[vector<16xi32>], vector<16xf32>,
      %get3A_877 = arith.constant 0 : index
      %get3A_878 = tpu.vector_load %arg16[%get3A_877] {strides = array<i32>} : memref<64xf32, #tpu.memory_space<vmem>>, vector<16xf32>,
      %sub3A_879 = vector.broadcast %max3A : f32 to vector<16xf32>
      %sub3A_880 = arith.subf %get3A_878, %sub3A_879 : vector<16xf32>
      %exp3A_881 = math.exp %sub3A_880 : vector<16xf32>
      %div3A = arith.divf %exp3A_881, %gather3A : vector<16xf32>
      %sub3A_882 = arith.constant 1.000000e+00 : f32
      %sub3A_883 = vector.broadcast %sub3A_882 : f32 to vector<16xf32>
      %sub3A_884 = arith.subf %sub3A_883, %div3A : vector<16xf32>
      %add3A_885 = arith.addf %sub3A_884, %div3A : vector<16xf32>
      %swap3A_886 = arith.constant 0 : index
      %swap3A_887 = tpu.vector_load %arg18[%swap3A_886] {strides = array<i32>} : memref<64xf32, #tpu.memory_space<vmem>>, vector<16xf32>,
      tpu.vector_store %arg18[%swap3A_886], %add3A_885 {strides = array<i32>} : memref<64xf32, #tpu.memory_space<vmem>>, vector<16xf32>,
      %get3A_888 = arith.constant 16 : index
      %get3A_889 = tpu.vector_load %arg17[%get3A_888] {strides = array<i32>} : memref<64xi32, #tpu.memory_space<vmem>>, vector<16xi32>,
      %gather3A_890 = tpu.vector_load_idx %arg10[%get3A_889] : memref<1024xf32, #tpu.memory_space<vmem>>[vector<16xi32>], vector<16xf32>,
      %get3A_891 = arith.constant 16 : index
      %get3A_892 = tpu.vector_load %arg16[%get3A_891] {strides = array<i32>} : memref<64xf32, #tpu.memory_space<vmem>>, vector<16xf32>,
      %sub3A_893 = vector.broadcast %max3A : f32 to vector<16xf32>
      %sub3A_894 = arith.subf %get3A_892, %sub3A_893 : vector<16xf32>
      %exp3A_895 = math.exp %sub3A_894 : vector<16xf32>
      %div3A_896 = arith.divf %exp3A_895, %gather3A_890 : vector<16xf32>
      %sub3A_897 = arith.constant 1.000000e+00 : f32
      %sub3A_898 = vector.broadcast %sub3A_897 : f32 to vector<16xf32>
      %sub3A_899 = arith.subf %sub3A_898, %div3A_896 : vector<16xf32>
      %add3A_900 = arith.addf %sub3A_899, %div3A_896 : vector<16xf32>
      %swap3A_901 = arith.constant 16 : index
      %swap3A_902 = tpu.vector_load %arg18[%swap3A_901] {strides = array<i32>} : memref<64xf32, #tpu.memory_space<vmem>>, vector<16xf32>,
      tpu.vector_store %arg18[%swap3A_901], %add3A_900 {strides = array<i32>} : memref<64xf32, #tpu.memory_space<vmem>>, vector<16xf32>,
      %get3A_903 = arith.constant 32 : index
      %get3A_904 = tpu.vector_load %arg17[%get3A_903] {strides = array<i32>} : memref<64xi32, #tpu.memory_space<vmem>>, vector<16xi32>,
      %gather3A_905 = tpu.vector_load_idx %arg10[%get3A_904] : memref<1024xf32, #tpu.memory_space<vmem>>[vector<16xi32>], vector<16xf32>,
      %get3A_906 = arith.constant 32 : index
      %get3A_907 = tpu.vector_load %arg16[%get3A_906] {strides = array<i32>} : memref<64xf32, #tpu.memory_space<vmem>>, vector<16xf32>,
      %sub3A_908 = vector.broadcast %max3A : f32 to vector<16xf32>
      %sub3A_909 = arith.subf %get3A_907, %sub3A_908 : vector<16xf32>
      %exp3A_910 = math.exp %sub3A_909 : vector<16xf32>
      %div3A_911 = arith.divf %exp3A_910, %gather3A_905 : vector<16xf32>
      %sub3A_912 = arith.constant 1.000000e+00 : f32
      %sub3A_913 = vector.broadcast %sub3A_912 : f32 to vector<16xf32>
      %sub3A_914 = arith.subf %sub3A_913, %div3A_911 : vector<16xf32>
      %add3A_915 = arith.addf %sub3A_914, %div3A_911 : vector<16xf32>
      %swap3A_916 = arith.constant 32 : index
      %swap3A_917 = tpu.vector_load %arg18[%swap3A_916] {strides = array<i32>} : memref<64xf32, #tpu.memory_space<vmem>>, vector<16xf32>,
      tpu.vector_store %arg18[%swap3A_916], %add3A_915 {strides = array<i32>} : memref<64xf32, #tpu.memory_space<vmem>>, vector<16xf32>,
      %get3A_918 = arith.constant 48 : index
      %get3A_919 = tpu.vector_load %arg17[%get3A_918] {strides = array<i32>} : memref<64xi32, #tpu.memory_space<vmem>>, vector<16xi32>,
      %gather3A_920 = tpu.vector_load_idx %arg10[%get3A_919] : memref<1024xf32, #tpu.memory_space<vmem>>[vector<16xi32>], vector<16xf32>,
      %get3A_921 = arith.constant 48 : index
      %get3A_922 = tpu.vector_load %arg16[%get3A_921] {strides = array<i32>} : memref<64xf32, #tpu.memory_space<vmem>>, vector<16xf32>,
      %sub3A_923 = vector.broadcast %max3A : f32 to vector<16xf32>
      %sub3A_924 = arith.subf %get3A_922, %sub3A_923 : vector<16xf32>
      %exp3A_925 = math.exp %sub3A_924 : vector<16xf32>
      %div3A_926 = arith.divf %exp3A_925, %gather3A_920 : vector<16xf32>
      %sub3A_927 = arith.constant 1.000000e+00 : f32
      %sub3A_928 = vector.broadcast %sub3A_927 : f32 to vector<16xf32>
      %sub3A_929 = arith.subf %sub3A_928, %div3A_926 : vector<16xf32>
      %add3A_930 = arith.addf %sub3A_929, %div3A_926 : vector<16xf32>
      %swap3A_931 = arith.constant 48 : index
      %swap3A_932 = tpu.vector_load %arg18[%swap3A_931] {strides = array<i32>} : memref<64xf32, #tpu.memory_space<vmem>>, vector<16xf32>,
      tpu.vector_store %arg18[%swap3A_931], %add3A_930 {strides = array<i32>} : memref<64xf32, #tpu.memory_space<vmem>>, vector<16xf32>,
      "tpu.region"() ({
        %run_scoped3A = tpu.sem_alloc : memref<!tpu.dma_semaphore, #tpu.memory_space<semaphore_mem>>
        %dma_start3A_933 = tpu.memref_slice %arg7[%mul3A_874] : memref<200000xf32, #tpu.memory_space<hbm>> -> memref<64xf32, #tpu.memory_space<hbm>>
        %dma_start3A_934 = tpu.memref_slice %arg7[%mul3A_874] : memref<200000xf32, #tpu.memory_space<hbm>> -> memref<64xf32, #tpu.memory_space<hbm>>
        tpu.enqueue_dma source(%arg18 : memref<64xf32, #tpu.memory_space<vmem>>) target(%dma_start3A_934 : memref<64xf32, #tpu.memory_space<hbm>>) target_semaphore(%run_scoped3A : memref<!tpu.dma_semaphore, #tpu.memory_space<semaphore_mem>>)
        %dma_wait3A_935 = tpu.memref_slice %arg7[%mul3A_874] : memref<200000xf32, #tpu.memory_space<hbm>> -> memref<64xf32, #tpu.memory_space<hbm>>
        %dma_wait3A_936 = tpu.memref_slice %arg7[%mul3A_874] : memref<200000xf32, #tpu.memory_space<hbm>> -> memref<64xf32, #tpu.memory_space<hbm>>
        tpu.wait_dma2 semaphore(%run_scoped3A : memref<!tpu.dma_semaphore, #tpu.memory_space<semaphore_mem>>) src(%arg18 : memref<64xf32, #tpu.memory_space<vmem>>) dst(%dma_wait3A_936 : memref<64xf32, #tpu.memory_space<hbm>>)
        tpu.yield
      }) : () -> ()
    } else {
    }
    return
  }
}

</mosaic_0001>

<sc_bundles>
// kernel: kernel.4.cloned.1.call-start
scs
__scs_entry_jumppad:
0x0: {  	(pc) =	sbr.rel $0x88, $3  }
0x1: {  	(tag) =	ssettag $0x0;
	lr =	simm.s32 $0x1  }
0x2: {  	[smem:$0x3F9D] =	sst lr;
	_ =	strace $0xD0000000  }
0x3: {  	_ = 	snop  }
0x4: {  	_ = 	snop  }
0x5: {  	_ = 	snop  }
0x6: {  	_ = 	snop  }
0x7: {  	_ = 	snop  }
__scs_overlays_trampoline_lowered:
0x8: {  	[smem:$0x3FAC] =	sst s0  }
0x9: {  	[smem:$0x3FAD] =	sst s1  }
0xa: {  	[smem:$0x3FAE] =	sst s2  }
0xb: {  	[smem:$0x3FAF] =	sst s3  }
0xc: {  	[smem:$0x3FB0] =	sst s4  }
0xd: {  	[smem:$0x3FB1] =	sst s5  }
0xe: {  	[smem:$0x3FB2] =	sst s6  }
0xf: {  	[smem:$0x3FB3] =	sst s7  }
0x10: {  	[smem:$0x3FB4] =	sst s8  }
0x11: {  	[smem:$0x3FB5] =	sst s9;
	s0 =	simm.s32 @!p0 $0x0  }
0x12: {  	s1 =	sld [smem:$0x3F9B];
	s0 =	simm.s32 @p0 $0x1  }
0x13: {  	[smem:$0x3FB6] =	sst s0;
	s0 =	simm.s32 @!p1 $0x0  }
0x14: {  	s2 =	sld [smem:$0x3F9A];
	s0 =	simm.s32 @p1 $0x1  }
0x15: {  	[smem:$0x3FB7] =	sst s0;
	s0 =	simm.s32 @!p2 $0x0  }
0x16: {  	s3 =	sld [smem:$0x3FDB];
	s0 =	simm.s32 @p2 $0x1  }
0x17: {  	s4 =	simm.s32 $0x1BF5;
	[smem:$0x3FB9] =	sst s0  }
0x18: {  	s0 =	sld [smem:$0x3F9C];
	_ =	swait.ge [sflag:s4], $0x0  }
0x19: {  	s7 =	sld [smem:$0x3F9D]  }
0x1a: {  	s8 =	sadd.s32 $0xFFFFE003, lr  }
0x1b: {  	s9 =	sadd.s32 $0xFFFFFEF7, lr;
	s5 =	simm.s32 $0xFFFFFFFF;
	p2 =	slt.u32 s8, $0xFFFFF086  }
0x1c: {  	p1 =	slt.u32 s9, $0xF7A;
	s5 =	simm.s32 @!p2 $0x0  }
0x1d: {  	s5 =	simm.s32 @p1 $0x1;
	p0 =	seq.s32 s7, s2  }
0x1e: {  	s7 =	smul.u32 @!p0 $0xF7A, s2;
	p2 =	seq.s32 @!p0 s5, $0x0  }
0x1f: {  	s9 =	smul.u32 $0xF7A, s1;
	s8 =	simm.s32 @!p0 $0x1BF5;
	p2 =	por !p2, p0  }
0x20: {  	[sflag:s8] =	ssyncset.s32 @!p0 $0xFFFFF086;
	s6 =	sadd.s32 @!p0 s3, s7;
	s7 =	simm.s32 @!p0 $0x108  }
0x21: {  	s3 =	sadd.s32 s3, s9;
	s6 =	sadd.s32 @!p0 $0x88, s6;
	s7 =	simm.s32 @p2 $0x1082  }
0x22: {  	[simem:s7], [sflag:s8] =	dma.local @!p0 [hbm:s6], $0xF7A  }
0x23: {  	s9 =	sor.u32 $0xD0000000, s2;
	s6 =	simm.s32 $0x108;
	_ =	swait.ge @!p0 [sflag:s8], $0x0  }
0x24: {  	s3 =	sadd.s32 $0x88, s3;
	s6 =	simm.s32 @!p1 $0x1082;
	[sflag:s4] =	ssyncset.s32 $0xFFFFF086  }
0x25: {  	[simem:s6], [sflag:s4] =	dma.local [hbm:s3], $0xF7A  }
0x26: {  	[smem:$0x3F9D] =	sst s1;
	(tag) =	ssettag s2;
	_ =	strace s9  }
0x27: {  	s1 =	sld [smem:$0x3FAD]  }
0x28: {  	s2 =	sld [smem:$0x3FAE]  }
0x29: {  	s4 =	sld [smem:$0x3FB0]  }
0x2a: {  	p0 =	seq.s32 s5, $0x0;
	s5 =	sld [smem:$0x3FB1]  }
0x2b: {  	s6 =	sld [smem:$0x3FB2]  }
0x2c: {  	s7 =	sld [smem:$0x3FB3]  }
0x2d: {  	s3 =	simm.s32 $0x108;
	s8 =	sld [smem:$0x3FB4]  }
0x2e: {  	s3 =	simm.s32 @!p0 $0x1082;
	s9 =	sld [smem:$0x3FB5]  }
0x2f: {  	lr =	sadd.s32 s0, s3;
	s0 =	sld [smem:$0x3FAC]  }
0x30: {  	s3 =	sld [smem:$0x3FAF]  }
0x31: {  	[smem:$0x3FB8] =	sst s10  }
0x32: {  	s10 =	sld [smem:$0x3FB6];
	_ =	sdelay $0x3  }
0x33: {  	p0 =	seq.s32 s10, $0x1;
	s10 =	sld [smem:$0x3FB8];
	_ =	sdelay $0x3  }
0x34: {  	[smem:$0x3FB8] =	sst s10  }
0x35: {  	s10 =	sld [smem:$0x3FB7];
	_ =	sdelay $0x3  }
0x36: {  	p1 =	seq.s32 s10, $0x1;
	s10 =	sld [smem:$0x3FB8];
	_ =	sdelay $0x3  }
0x37: {  	[smem:$0x3FB8] =	sst s10  }
0x38: {  	s10 =	sld [smem:$0x3FB9]  }
0x39: {  	_ = 	snop;
	(pc) =	sbr.ind lr, $3  }
0x3a: {  	_ = 	snop  }
0x3b: {  	_ = 	snop  }
0x3c: {  	p2 =	seq.s32 s10, $0x1;
	s10 =	sld [smem:$0x3FB8]  }
0x3d: {  	_ =	shalt  }
0x3e: {  	_ =	shalt  }
0x3f: {  	_ =	shalt  }
0x40: {  	_ =	shalt  }
0x41: {  	_ =	shalt  }
0x42: {  	_ =	shalt  }
0x43: {  	_ =	shalt  }
0x44: {  	_ =	shalt  }
0x45: {  	_ =	shalt  }
0x46: {  	_ =	shalt  }
0x47: {  	_ =	shalt  }
0x48: {  	_ =	shalt  }
0x49: {  	_ =	shalt  }
0x4a: {  	_ =	shalt  }
0x4b: {  	_ =	shalt  }
0x4c: {  	_ =	shalt  }
0x4d: {  	_ =	shalt  }
0x4e: {  	_ =	shalt  }
0x4f: {  	_ =	shalt  }
0x50: {  	_ =	shalt  }
0x51: {  	_ =	shalt  }
0x52: {  	_ =	shalt  }
0x53: {  	_ =	shalt  }
0x54: {  	_ =	shalt  }
0x55: {  	_ =	shalt  }
0x56: {  	_ =	shalt  }
0x57: {  	_ =	shalt  }
0x58: {  	_ =	shalt  }
0x59: {  	_ =	shalt  }
0x5a: {  	_ =	shalt  }
0x5b: {  	_ =	shalt  }
0x5c: {  	_ =	shalt  }
0x5d: {  	_ =	shalt  }
0x5e: {  	_ =	shalt  }
0x5f: {  	_ =	shalt  }
0x60: {  	_ =	shalt  }
0x61: {  	_ =	shalt  }
0x62: {  	_ =	shalt  }
0x63: {  	_ =	shalt  }
0x64: {  	_ =	shalt  }
0x65: {  	_ =	shalt  }
0x66: {  	_ =	shalt  }
0x67: {  	_ =	shalt  }
0x68: {  	_ =	shalt  }
0x69: {  	_ =	shalt  }
0x6a: {  	_ =	shalt  }
0x6b: {  	_ =	shalt  }
0x6c: {  	_ =	shalt  }
0x6d: {  	_ =	shalt  }
0x6e: {  	_ =	shalt  }
0x6f: {  	_ =	shalt  }
0x70: {  	_ =	shalt  }
0x71: {  	_ =	shalt  }
0x72: {  	_ =	shalt  }
0x73: {  	_ =	shalt  }
0x74: {  	_ =	shalt  }
0x75: {  	_ =	shalt  }
0x76: {  	_ =	shalt  }
0x77: {  	_ =	shalt  }
0x78: {  	_ =	shalt  }
0x79: {  	_ =	shalt  }
0x7a: {  	_ =	shalt  }
0x7b: {  	_ =	shalt  }
0x7c: {  	_ =	shalt  }
0x7d: {  	_ =	shalt  }
0x7e: {  	_ =	shalt  }
0x7f: {  	_ =	shalt  }
0x80: {  	_ =	shalt  }
0x81: {  	_ =	shalt  }
0x82: {  	_ =	shalt  }
0x83: {  	_ =	shalt  }
0x84: {  	_ =	shalt  }
0x85: {  	_ =	shalt  }
0x86: {  	_ =	shalt  }
0x87: {  	_ =	shalt  }
.Lfunc_end0:
.L_simem_size_0:
called_computation_lowered:
.L_overlay_start_0:
0x88: {  	s2 =	sld [smem:$0x3FD9]  }
0x89: {  	s3 =	sld [smem:$0x3FFE];
	_ =	sdelay $0x1  }
0x8a: {  	s1 =	srdreg.scid  }
0x8b: {  	s0 =	sand.u32 $0x1, s1  }
0x8c: {  	s17 =	sshll.u32 s0, $0xA;
	s2 =	sadd.s32 s3, s2  }
0x8d: {  	s2 =	sadd.s32 s2, s17  }
0x8e: {  	[smem:$0x3FC4] =	sst s2  }
0x8f: {  	_ = 	snop  }
0x90: {  	s2 =	sld [smem:$0x3FC8]  }
0x91: {  	s18 =	sld [smem:$0x3FC6];
	(tm) =	ssettm $0x1  }
0x92: {  	s4 =	sld [smem:$0x3FFB];
	_ =	sdelay $0x3  }
0x93: {  	_ =	strace s4  }
0x94: {  	s4 =	sld [smem:$0x3FFC];
	_ =	sdelay $0x3  }
0x95: {  	_ =	strace s4  }
0x96: {  	s4 =	sld [smem:$0x3FFD];
	_ =	sdelay $0x3  }
0x97: {  	_ =	strace s4  }
0x98: {  	_ =	strace $0x8FFFFFFF  }
0x99: {  	s19 =	sld [smem:$0x3FDB];
	_ =	sdelay $0x1  }
0x9a: {  	s5 =	simm.s32 $_scs_section_size  }
0x9b: {  	s6 =	simm.s32 $_size__tile_overlayer_lowered;
	s7 =	simm.s32 $_tile_overlayer_lowered  }
0x9c: {  	s22 =	simm.s32 $0x1BFF;
	s21 =	sshll.u32 s7, $0x1;
	s4 =	sadd.s32 s5, s19  }
0x9d: {  	s8 =	simm.s32 $0x0;
	s20 =	sshll.u32 s6, $0x1;
	s6 =	sadd.s32 s21, s4  }
0x9e: {  	[timem:s8], [sflag:s22] =	dma.local [hbm:s6], s20  }
0x9f: {  	_ =	swait.ge [sflag:s22], s20  }
0xa0: {  	s5 =	ssub.s32 $0x0, s20;
	[sflag:s22] =	ssyncset.done $0x0  }
0xa1: {  	[sflag:s22] =	ssyncadd.s32 s5;
	_ =	sdelay $0x1  }
0xa2: {  	s23 =	simm.s32 $0x1B8B  }
0xa3: {  	_ =	swait.ge [sflag:s23], $0x1  }
0xa4: {  	[sflag:s23] =	ssyncset.done $0x0  }
0xa5: {  	s25 =	simm.s32 $0x1B8E;
	s24 =	sld [smem:$0x3FFE];
	[sflag:s23] =	ssyncadd.s32 $0xFFFFFFFF  }
0xa6: {  	s26 =	simm.s32 $execute0_lowered;
	[smem:$0x3FD2] =	sst s25  }
0xa7: {  	s6 =	sshll.u32 s26, $0x1;
	_ =	strace $0x80000046;
	[dreg:$0x1] =	wrdreg $0xFFFFFFFF  }
0xa8: {  	s28 =	simm.s32 $_size_execute0_lowered;
	s4 =	sadd.s32 s4, s6;
	[dreg:$0x0] =	wrdreg $0x0  }
0xa9: {  	s6 =	sshll.u32 s28, $0x1;
	[dreg:$0x2] =	wrdreg s4  }
0xaa: {  	[dreg:$0x3] =	wrdreg s6  }
0xab: {  	[dreg:$0x4] =	wrdreg $0xC0  }
0xac: {  	_ =	task [dreg:s8], $0x5FFFF  }
0xad: {  	[dreg:$0x1] =	wrdreg $0xFFFFFFFF  }
0xae: {  	[dreg:$0x0] =	wrdreg $0x60  }
0xaf: {  	[dreg:$0x2] =	wrdreg s24  }
0xb0: {  	[dreg:$0x3] =	wrdreg s2  }
0xb1: {  	[dreg:$0x4] =	wrdreg s18  }
0xb2: {  	[dreg:$0x5] =	wrdreg $0x1EE300  }
0xb3: {  	[dreg:$0x6] =	wrdreg $0x1EE200  }
0xb4: {  	[dreg:$0x7] =	wrdreg $0x9  }
0xb5: {  	_ =	task.clear_ibuf [dreg:s8], $0x8FFFF;
	_ =	strace $0x90000046  }
0xb6: {  	s29 =	simm.s32 $0x9;
	_ =	strace $0x80000048  }
0xb7: {  	_ =	swait.ge [sflag:s29], $0x1  }
0xb8: {  	[sflag:s29] =	ssyncadd.s32 $0xFFFFFFFF  }
0xb9: {  	_ =	strace $0x90000048  }
0xba: {  	_ =	sfence  }
0xbb: {  	s30 =	sld [smem:$0x0];
	_ =	sdelay $0x2  }
0xbc: {  	s31 =	sshll.u32 s1, $0xD;
	s1 =	sshrl.u32 s1, $0x2  }
0xbd: {  	s3 =	sand.u32 $0x4000, s31;
	s1 =	sadd.s32 s1, s30  }
0xbe: {  	s0 =	sor.u32 s3, s0;
	s1 =	sshll.u32 s1, $0x11  }
0xbf: {  	s0 =	sor.u32 s1, s0  }
0xc0: {  	s0 =	sadd.s32 $0x8F2B, s0  }
0xc1: {  	[sflag:s0] =	ssyncadd.remote.s32 $0x1  }
0xc2: {  	_ =	sfence.sel $0xFFFF  }
0xc3: {  	[dreg:$0x0] =	wrdreg $0xFFFFFFFF;
	(pc) =	sbr.abs _section_cstart, $3  }
0xc4: {  	[dreg:$0x1] =	wrdreg $0xFFFFFFFF  }
0xc5: {  	_ =	task.clear_ibuf [dreg:s8], $0x2FFFF;
	_ =	strace $0x9FFFFFFF  }
0xc6: {  	(tm) =	ssettm $0x7FFFFFFF  }
0xc7: {  	_ =	shalt  }
tec
execute0_lowered:
.L_overlay_start_1:
0x0: {  	(tag) =	ssettag $0x1  }
0x1: {  	s0 =	rddreg [dreg:$0x0]  }
0x2: {  	s9 =	rddreg [dreg:$0x1]  }
0x3: {  	s1 =	rddreg [dreg:$0x2]  }
0x4: {  	s2 =	rddreg [dreg:$0x3]  }
0x5: {  	s3 =	rddreg [dreg:$0x4];
	s4 =	simm.s32 $0x0  }
0x6: {  	s5 =	srdreg.scid;
	s17 =	stileid.u32;
	s18 =	simm.s32 $0x3D00  }
0x7: {  	s19 =	simm.s32 $0xF400;
	s20 =	simm.s32 $0x13100;
	s22 =	simm.s32 $0x7A00  }
0x8: {  	s24 =	simm.s32 $0x2;
	s25 =	simm.s32 $0x1E900;
	s28 =	simm.s32 $0xB700  }
0x9: {  	s29 =	simm.s32 $0x0;
	[smem:$0x7FF] =	sst s4;
	s10 =	sadd.s32 $0x1EA00, s0  }
0xa: {  	s5 =	sand.u32 $0x1, s5;
	s6 =	sshll.u32 s17, $0x1;
	s12 =	sadd.s32 $0x3D400, s0  }
0xb: {  	s31 =	sshll.u32 s17, $0x4;
	p0 =	sne.s32 s17, $0x0;
	s17 =	simm.s32 $0x3  }
0xc: {  	_ =	strace $0x80000047;
	s7 =	sshll.u32 s5, $0x7;
	s23 =	sor.u32 s5, s6  }
0xd: {  	s26 =	sshll.u32 s5, $0x1;
	s5 =	ssub.s32 $0x2, s5;
	s13 =	smul.u32 $0xF40, s23  }
0xe: {  	s14 =	sadd.s32 s7, s0;
	s15 =	sadd.s32 s26, s0;
	s30 =	sshrl.u32 s5, $0x1  }
0xf: {  	s8 =	sshll.u32 s23, $0x3;
	p1 =	sgt.u32 s23, $0x8;
	s23 =	simm.s32 $0x1  }
0x10: {  	s26 =	simm.s32 $0x1E920;
	s16 =	ssub.s32 s5, s30;
	s11 =	sor.u32 $0x1E800, s8  }
0x11: {  	s14 =	sadd.s32 $0x5BE00, s14;
	s15 =	sadd.s32 $0x5C000, s15;
	s5 =	sadd.s32 s0, s13  }
0x12: {  	s6 =	sadd.s32 s9, s13;
	s7 =	sadd.s32 s10, s13;
	s8 =	sadd.s32 s0, s11  }
0x13: {  	s9 =	sadd.s32 s9, s11;
	s10 =	sadd.s32 s10, s11;
	s11 =	sadd.s32 s12, s11  }
0x14: {  	v0 =	vimm.f32 $-3.000000010e+38;
	v1 =	vimm.f32 $0.0e+00;
	s12 =	sadd.s32 s12, s13;
	s13 =	sadd.s32 s31, s3;
	s16 =	smax.u32 s16, $0x1  }
.LBB2_1:
0x15: {  	[tilespmem:$0x1E910] =	vst v0  }
0x16: {  	[tilespmem:s4], [sflag:$0x3] =	stream.linear.gather [hbm4b:s5+s4], $0x7A00, $0x38;
	[tilespmem:$0x1EE70] =	vst v63  }
0x17: {  	_ =	swait.ge [sflag:s17], $0x7A00  }
0x18: {  	[sflag:s17] =	ssyncset.done $0x0  }
0x19: {  	[sflag:s17] =	ssyncadd.s32 $0xFFFF8600  }
0x1a: {  	[tilespmem:s19], [sflag:$0x1] =	stream.indirect.gather [hbm4b:s1+s18], $0x1, s4, s18, $0xb8;
	[tilespmem:$0x1EE70] =	vst v63  }
0x1b: {  	_ = 	snop  }
0x1c: {  	[tilespmem:s20], [sflag:$0x2] =	stream.indirect.gather [hbm4b:s1+s18], $0x1, s18, s18, $0xb8;
	[tilespmem:$0x1EE70] =	vst v63  }
0x1d: {  	s0 =	simm.s32 $0x16E00  }
0x1e: {  	[tilespmem:s0], [sflag:$0x3] =	stream.linear.gather [hbm4b:s6+s4], $0x7A00, $0x38;
	[tilespmem:$0x1EE70] =	vst v63  }
0x1f: {  	_ =	swait.ge [sflag:s17], $0x7A00  }
0x20: {  	[sflag:s17] =	ssyncset.done $0x0  }
0x21: {  	[sflag:s17] =	ssyncadd.s32 $0xFFFF8600  }
0x22: {  	[tilespmem:s22], [sflag:$0x3] =	stream.linear.gather [hbm4b:s7+s4], $0x7A00, $0x38;
	[tilespmem:$0x1EE70] =	vst v63  }
0x23: {  	_ =	swait.ge [sflag:s17], $0x7A00  }
0x24: {  	[sflag:s17] =	ssyncset.done $0x0  }
0x25: {  	[sflag:s17] =	ssyncadd.s32 $0xFFFF8600  }
0x26: {  	[tilespmem:$0x1EA20] =	vst v1  }
0x27: {  	[tilespmem:$0x1EA30] =	vst v1  }
0x28: {  	[tilespmem:$0x1EA40] =	vst v1  }
0x29: {  	[tilespmem:$0x1EA50] =	vst v1  }
0x2a: {  	[tilespmem:$0x1EA60] =	vst v1  }
0x2b: {  	[tilespmem:$0x1EA70] =	vst v1  }
0x2c: {  	[tilespmem:$0x1EA80] =	vst v1  }
0x2d: {  	[tilespmem:$0x1EA90] =	vst v1  }
0x2e: {  	[tilespmem:$0x1EAA0] =	vst v1  }
0x2f: {  	[tilespmem:$0x1EAB0] =	vst v1  }
0x30: {  	[tilespmem:$0x1EAC0] =	vst v1  }
0x31: {  	[tilespmem:$0x1EAD0] =	vst v1  }
0x32: {  	[tilespmem:$0x1EAE0] =	vst v1  }
0x33: {  	[tilespmem:$0x1EAF0] =	vst v1  }
0x34: {  	[tilespmem:$0x1EB00] =	vst v1  }
0x35: {  	[tilespmem:$0x1EB10] =	vst v1  }
0x36: {  	[tilespmem:$0x1EB20] =	vst v1  }
0x37: {  	[tilespmem:$0x1EB30] =	vst v1  }
0x38: {  	[tilespmem:$0x1EB40] =	vst v1  }
0x39: {  	[tilespmem:$0x1EB50] =	vst v1  }
0x3a: {  	[tilespmem:$0x1EB60] =	vst v1  }
0x3b: {  	[tilespmem:$0x1EB70] =	vst v1  }
0x3c: {  	[tilespmem:$0x1EB80] =	vst v1  }
0x3d: {  	[tilespmem:$0x1EB90] =	vst v1  }
0x3e: {  	[tilespmem:$0x1EBA0] =	vst v1  }
0x3f: {  	[tilespmem:$0x1EBB0] =	vst v1  }
0x40: {  	[tilespmem:$0x1EBC0] =	vst v1  }
0x41: {  	[tilespmem:$0x1EBD0] =	vst v1  }
0x42: {  	[tilespmem:$0x1EBE0] =	vst v1  }
0x43: {  	[tilespmem:$0x1EBF0] =	vst v1  }
0x44: {  	[tilespmem:$0x1EC00] =	vst v1  }
0x45: {  	[tilespmem:$0x1EC10] =	vst v1  }
0x46: {  	[tilespmem:$0x1EC20] =	vst v1  }
0x47: {  	[tilespmem:$0x1EC30] =	vst v1  }
0x48: {  	[tilespmem:$0x1EC40] =	vst v1  }
0x49: {  	[tilespmem:$0x1EC50] =	vst v1  }
0x4a: {  	[tilespmem:$0x1EC60] =	vst v1  }
0x4b: {  	[tilespmem:$0x1EC70] =	vst v1  }
0x4c: {  	[tilespmem:$0x1EC80] =	vst v1  }
0x4d: {  	[tilespmem:$0x1EC90] =	vst v1  }
0x4e: {  	[tilespmem:$0x1ECA0] =	vst v1  }
0x4f: {  	[tilespmem:$0x1ECB0] =	vst v1  }
0x50: {  	[tilespmem:$0x1ECC0] =	vst v1  }
0x51: {  	[tilespmem:$0x1ECD0] =	vst v1  }
0x52: {  	[tilespmem:$0x1ECE0] =	vst v1  }
0x53: {  	[tilespmem:$0x1ECF0] =	vst v1  }
0x54: {  	[tilespmem:$0x1ED00] =	vst v1  }
0x55: {  	[tilespmem:$0x1ED10] =	vst v1  }
0x56: {  	[tilespmem:$0x1ED20] =	vst v1  }
0x57: {  	[tilespmem:$0x1ED30] =	vst v1  }
0x58: {  	[tilespmem:$0x1ED40] =	vst v1  }
0x59: {  	[tilespmem:$0x1ED50] =	vst v1  }
0x5a: {  	[tilespmem:$0x1ED60] =	vst v1  }
0x5b: {  	[tilespmem:$0x1ED70] =	vst v1  }
0x5c: {  	[tilespmem:$0x1ED80] =	vst v1  }
0x5d: {  	[tilespmem:$0x1ED90] =	vst v1  }
0x5e: {  	[tilespmem:$0x1EDA0] =	vst v1  }
0x5f: {  	[tilespmem:$0x1EDB0] =	vst v1  }
0x60: {  	[tilespmem:$0x1EDC0] =	vst v1  }
0x61: {  	[tilespmem:$0x1EDD0] =	vst v1  }
0x62: {  	[tilespmem:$0x1EDE0] =	vst v1  }
0x63: {  	[tilespmem:$0x1EDF0] =	vst v1  }
0x64: {  	[tilespmem:$0x1EE00] =	vst v1  }
0x65: {  	s0 =	simm.s32 @!p0 $0x1EA20;
	[tilespmem:$0x1EE10] =	vst v1  }
0x66: {  	[spmem:s2] =	stream.linear.scatter @!p0 [tilespmem:s0], [sflag:$0x3], $0x400, $0x38;
	[tilespmem:$0x1EE70] =	vst v63  }
0x67: {  	s0 =	simm.s32 @!p0 $0x3  }
0x68: {  	_ =	swait.ge @!p0 [sflag:s0], $0x400  }
0x69: {  	s30 =	simm.s32 @!p1 $0x1E800;
	[sflag:s0] =	ssyncset.done @!p0 $0x0  }
0x6a: {  	s31 =	simm.s32 @!p1 $0x3;
	[sflag:s0] =	ssyncadd.s32 @!p0 $0xFFFFFC00;
	s0 =	simm.s32 @!p1 $0x0  }
0x6b: {  	[tilespmem:s30], [sflag:$0x3] =	stream.linear.gather @!p1 [hbm4b:s8+s0], $0x40, $0x38;
	[tilespmem:$0x1EE70] =	vst v63  }
0x6c: {  	_ =	swait.ge @!p1 [sflag:s31], $0x40  }
0x6d: {  	[sflag:s31] =	ssyncset.done @!p1 $0x0  }
0x6e: {  	s3 =	simm.s32 @!p1 $0x1E8C0;
	[sflag:s31] =	ssyncadd.s32 @!p1 $0xFFFFFFC0  }
0x6f: {  	[tilespmem:s3], [sflag:$0x3] =	stream.linear.gather @!p1 [hbm4b:s9+s0], $0x40, $0x38;
	[tilespmem:$0x1EE70] =	vst v63  }
0x70: {  	_ =	swait.ge @!p1 [sflag:s31], $0x40  }
0x71: {  	[sflag:s31] =	ssyncset.done @!p1 $0x0  }
0x72: {  	s3 =	simm.s32 @!p1 $0x1E840;
	[sflag:s31] =	ssyncadd.s32 @!p1 $0xFFFFFFC0  }
0x73: {  	[tilespmem:s3], [sflag:$0x3] =	stream.linear.gather @!p1 [hbm4b:s10+s0], $0x40, $0x38;
	[tilespmem:$0x1EE70] =	vst v63  }
0x74: {  	_ =	swait.ge @!p1 [sflag:s31], $0x40  }
0x75: {  	[sflag:s31] =	ssyncset.done @!p1 $0x0  }
0x76: {  	s21 =	simm.s32 @!p1 $0x1E880;
	s3 =	simm.s32 @!p1 $0x40;
	[sflag:s31] =	ssyncadd.s32 @!p1 $0xFFFFFFC0  }
0x77: {  	[tilespmem:s21], [sflag:$0x3] =	stream.indirect.gather @!p1 [hbm4b:s1+s3], $0x1, s30, s3, $0xb8;
	[tilespmem:$0x1EE70] =	vst v63  }
0x78: {  	_ =	swait.ge @!p1 [sflag:s31], $0x40  }
0x79: {  	[sflag:s31] =	ssyncset.done @!p1 $0x0  }
0x7a: {  	[sflag:s31] =	ssyncadd.s32 @!p1 $0xFFFFFFC0  }
0x7b: {  	v2 =	vld @!p1 [tilespmem:$0x1E880]  }
0x7c: {  	v3 =	vld @!p1 [tilespmem:$0x1E8C0];
	_ =	sdelay $0x1  }
0x7d: {  	v4 =	vld @!p1 [tilespmem:$0x1E910];
	_ =	sdelay $0x2  }
0x7e: {  	v2 =	vadd.f32 @!p1 v3, v2  }
0x7f: {  	v5 =	vld @!p1 [tilespmem:$0x1E8D0]  }
0x80: {  	v3 =	vld @!p1 [tilespmem:$0x1E890];
	v4 =	vmax.f32 @!p1 v4, v2  }
0x81: {  	[tilespmem:$0x1E910] =	vst @!p1 v4  }
0x82: {  	v4 =	vld @!p1 [tilespmem:$0x1E910];
	_ =	sdelay $0x2  }
0x83: {  	v3 =	vadd.f32 @!p1 v5, v3  }
0x84: {  	v6 =	vld @!p1 [tilespmem:$0x1E8E0]  }
0x85: {  	v5 =	vld @!p1 [tilespmem:$0x1E8A0];
	v4 =	vmax.f32 @!p1 v4, v3  }
0x86: {  	[tilespmem:$0x1E910] =	vst @!p1 v4  }
0x87: {  	v4 =	vld @!p1 [tilespmem:$0x1E910];
	_ =	sdelay $0x2  }
0x88: {  	v5 =	vadd.f32 @!p1 v6, v5  }
0x89: {  	v7 =	vld @!p1 [tilespmem:$0x1E8F0]  }
0x8a: {  	v6 =	vld @!p1 [tilespmem:$0x1E8B0];
	v4 =	vmax.f32 @!p1 v4, v5  }
0x8b: {  	[tilespmem:$0x1E910] =	vst @!p1 v4  }
0x8c: {  	v4 =	vld @!p1 [tilespmem:$0x1E910];
	_ =	sdelay $0x1  }
0x8d: {  	[tilespmem:$0x1E880] =	vst @!p1 v2  }
0x8e: {  	[tilespmem:$0x1E890] =	vst @!p1 v3;
	v2 =	vadd.f32 @!p1 v7, v6  }
0x8f: {  	[tilespmem:$0x1E8A0] =	vst @!p1 v5  }
0x90: {  	[tilespmem:$0x1E8B0] =	vst @!p1 v2;
	v2 =	vmax.f32 @!p1 v4, v2  }
0x91: {  	[tilespmem:$0x1E910] =	vst @!p1 v2  }
0x92: {  	[hbm4b:s11+s0] =	stream.linear.scatter @!p1 [tilespmem:s21], [sflag:$0x3], $0x40, $0x38;
	[tilespmem:$0x1EE70] =	vst v63  }
0x93: {  	_ =	swait.ge @!p1 [sflag:s31], $0x40  }
0x94: {  	[sflag:s31] =	ssyncset.done @!p1 $0x0  }
0x95: {  	[sflag:s31] =	ssyncadd.s32 @!p1 $0xFFFFFFC0  }
0x96: {  	_ =	swait.ge [sflag:s23], $0x3D00  }
0x97: {  	[sflag:s23] =	ssyncset.done $0x0  }
0x98: {  	[sflag:s23] =	ssyncadd.s32 $0xFFFFC300  }
0x99: {  	s30 =	simm.s32 $0x0;
	v9 =	vld [tilespmem:$0x1E910]  }
0x9a: {  	v2 =	vld [tilespmem:s30+$0x16EF0]  }
0x9b: {  	v5 =	vld [tilespmem:s30+$0x16EE0]  }
0x9c: {  	v3 =	vld [tilespmem:s30+$0x16ED0]  }
0x9d: {  	v4 =	vld [tilespmem:s30+$0x16EC0]  }
0x9e: {  	v6 =	vld [tilespmem:s30+$0x16EB0]  }
0x9f: {  	v7 =	vld [tilespmem:s30+$0x16EA0]  }
0xa0: {  	v8 =	vld [tilespmem:s30+$0x16E90]  }
0xa1: {  	v10 =	vld [tilespmem:s30+$0x16E80]  }
0xa2: {  	v11 =	vld [tilespmem:s30+$0x16E70]  }
0xa3: {  	v12 =	vld [tilespmem:s30+$0x16E60]  }
0xa4: {  	v13 =	vld [tilespmem:s30+$0x16E50]  }
0xa5: {  	v14 =	vld [tilespmem:s30+$0x16E40]  }
0xa6: {  	v15 =	vld [tilespmem:s30+$0x16E30]  }
0xa7: {  	v16 =	vld [tilespmem:s30+$0x16E20]  }
0xa8: {  	v17 =	vld [tilespmem:s30+$0x16E10]  }
0xa9: {  	s31 =	simm.s32 $0x400;
	v18 =	vld [tilespmem:s30+$0x16E00]  }
.LBB2_2:
0xaa: {  	p2 =	sne.s32 s31, $0xF000;
	v19 =	vld [tilespmem:s30+$0xF400]  }
0xab: {  	v20 =	vld [tilespmem:s30+$0xF410]  }
0xac: {  	v21 =	vld [tilespmem:s30+$0xF420]  }
0xad: {  	v22 =	vld [tilespmem:s30+$0xF430]  }
0xae: {  	v23 =	vld [tilespmem:s30+$0xF440]  }
0xaf: {  	v18 =	vadd.f32 v18, v19;
	v19 =	vld [tilespmem:s30+$0xF450]  }
0xb0: {  	v17 =	vadd.f32 v17, v20;
	v20 =	vld [tilespmem:s30+$0xF460]  }
0xb1: {  	[tilespmem:s30+$0xF400] =	vst v18;
	v9 =	vmax.f32 v9, v18;
	v16 =	vadd.f32 v16, v21;
	v18 =	vld [tilespmem:s30+$0xF470]  }
0xb2: {  	[tilespmem:s30+$0xF410] =	vst v17;
	v9 =	vmax.f32 v9, v17;
	v15 =	vadd.f32 v15, v22;
	v17 =	vld [tilespmem:s30+$0xF480]  }
0xb3: {  	[tilespmem:s30+$0xF420] =	vst v16;
	v9 =	vmax.f32 v9, v16;
	v14 =	vadd.f32 v14, v23;
	v16 =	vld [tilespmem:s30+$0xF490]  }
0xb4: {  	[tilespmem:s30+$0xF430] =	vst v15;
	v9 =	vmax.f32 v9, v15;
	v13 =	vadd.f32 v13, v19;
	v15 =	vld [tilespmem:s30+$0xF4A0]  }
0xb5: {  	[tilespmem:s30+$0xF440] =	vst v14;
	v9 =	vmax.f32 v9, v14;
	v12 =	vadd.f32 v12, v20;
	v14 =	vld [tilespmem:s30+$0xF4B0]  }
0xb6: {  	[tilespmem:s30+$0xF450] =	vst v13;
	v9 =	vmax.f32 v9, v13;
	v11 =	vadd.f32 v11, v18;
	v13 =	vld [tilespmem:s30+$0xF4C0]  }
0xb7: {  	[tilespmem:s30+$0xF460] =	vst v12;
	v9 =	vmax.f32 v9, v12;
	v10 =	vadd.f32 v10, v17;
	v12 =	vld [tilespmem:s30+$0xF4D0]  }
0xb8: {  	[tilespmem:s30+$0xF470] =	vst v11;
	v9 =	vmax.f32 v9, v11;
	v8 =	vadd.f32 v8, v16;
	v11 =	vld [tilespmem:s30+$0xF4E0]  }
0xb9: {  	s0 =	sshra.s32 s31, $0x2;
	[tilespmem:s30+$0xF480] =	vst v10;
	v9 =	vmax.f32 v9, v10;
	v7 =	vadd.f32 v7, v15;
	v10 =	vld [tilespmem:s30+$0xF4F0]  }
0xba: {  	v15 =	vld [tilespmem:s0+$0x16EF0];
	[tilespmem:s30+$0xF490] =	vst v8;
	v8 =	vmax.f32 v9, v8;
	v6 =	vadd.f32 v6, v14  }
0xbb: {  	v14 =	vld [tilespmem:s0+$0x16EE0];
	[tilespmem:s30+$0xF4A0] =	vst v7;
	v7 =	vmax.f32 v8, v7;
	v8 =	vadd.f32 v4, v13  }
0xbc: {  	[tilespmem:s30+$0xF4B0] =	vst v6;
	v6 =	vmax.f32 v7, v6;
	v7 =	vadd.f32 v3, v12;
	v3 =	vld [tilespmem:s0+$0x16ED0]  }
0xbd: {  	v4 =	vld [tilespmem:s0+$0x16EC0];
	[tilespmem:s30+$0xF4C0] =	vst v8;
	v8 =	vmax.f32 v6, v8;
	v11 =	vadd.f32 v5, v11  }
0xbe: {  	v6 =	vld [tilespmem:s0+$0x16EB0];
	[tilespmem:s30+$0xF4D0] =	vst v7;
	v8 =	vmax.f32 v8, v7;
	v9 =	vadd.f32 v2, v10  }
0xbf: {  	v7 =	vld [tilespmem:s0+$0x16EA0];
	[tilespmem:s30+$0xF4E0] =	vst v11;
	v10 =	vmax.f32 v8, v11;
	v2 =	vmov v15  }
0xc0: {  	v8 =	vld [tilespmem:s0+$0x16E90];
	[tilespmem:s30+$0xF4F0] =	vst v9;
	v9 =	vmax.f32 v10, v9;
	v5 =	vmov v14;
	s30 =	smov.u32 s0  }
0xc1: {  	v10 =	vld [tilespmem:s30+$0x16E80]  }
0xc2: {  	v11 =	vld [tilespmem:s30+$0x16E70]  }
0xc3: {  	v12 =	vld [tilespmem:s30+$0x16E60]  }
0xc4: {  	v13 =	vld [tilespmem:s30+$0x16E50]  }
.Ltmp0:
0xc5: {  	v14 =	vld [tilespmem:s30+$0x16E40];
	(pc) =	sbr.rel @p2 .LBB2_2-.Ltmp0, $4  }
0xc6: {  	v15 =	vld [tilespmem:s30+$0x16E30]  }
0xc7: {  	v16 =	vld [tilespmem:s30+$0x16E20]  }
0xc8: {  	v17 =	vld [tilespmem:s30+$0x16E10]  }
0xc9: {  	s31 =	sadd.s32 $0x400, s31;
	v18 =	vld [tilespmem:s30+$0x16E00]  }
0xca: {  	v19 =	vld [tilespmem:s30+$0xF400]  }
0xcb: {  	v20 =	vld [tilespmem:s30+$0xF410]  }
0xcc: {  	v21 =	vld [tilespmem:s30+$0xF420]  }
0xcd: {  	v22 =	vld [tilespmem:s30+$0xF430]  }
0xce: {  	v23 =	vld [tilespmem:s30+$0xF440]  }
0xcf: {  	v24 =	vld [tilespmem:s30+$0xF460]  }
0xd0: {  	v59 =	vld [tilespmem:s30+$0xF480]  }
0xd1: {  	v60 =	vld [tilespmem:s30+$0xF490];
	v18 =	vadd.f32 v18, v19  }
0xd2: {  	v61 =	vld [tilespmem:s30+$0xF4A0];
	v17 =	vadd.f32 v17, v20  }
0xd3: {  	v62 =	vld [tilespmem:s30+$0xF4C0];
	v16 =	vadd.f32 v16, v21;
	[tilespmem:s30+$0xF400] =	vst v18  }
0xd4: {  	v63 =	vld [tilespmem:s30+$0xF4E0];
	v15 =	vadd.f32 v15, v22;
	[tilespmem:s30+$0xF410] =	vst v17  }
0xd5: {  	v19 =	vld [tilespmem:s30+$0xF450];
	v14 =	vadd.f32 v14, v23;
	[tilespmem:s30+$0xF420] =	vst v16  }
0xd6: {  	v20 =	vld [tilespmem:s30+$0xF470];
	v12 =	vadd.f32 v12, v24;
	[tilespmem:s30+$0xF430] =	vst v15  }
0xd7: {  	v10 =	vadd.f32 v10, v59;
	[tilespmem:s30+$0xF440] =	vst v14  }
0xd8: {  	v22 =	vadd.f32 v8, v60;
	[tilespmem:s30+$0xF460] =	vst v12  }
0xd9: {  	v23 =	vadd.f32 v7, v61;
	v7 =	vld [tilespmem:s30+$0xF4F0];
	[tilespmem:s30+$0xF480] =	vst v10  }
0xda: {  	v24 =	vadd.f32 v4, v62;
	[tilespmem:s30+$0xF490] =	vst v22;
	v13 =	vadd.f32 v13, v19;
	v19 =	vld [tilespmem:s30+$0xF4B0]  }
0xdb: {  	v21 =	vadd.f32 v5, v63;
	[tilespmem:s30+$0xF4A0] =	vst v23;
	v11 =	vadd.f32 v11, v20;
	v20 =	vld [tilespmem:s30+$0xF4D0]  }
0xdc: {  	[tilespmem:s30+$0xF4C0] =	vst v24  }
0xdd: {  	[tilespmem:s30+$0xF4E0] =	vst v21  }
0xde: {  	v25 =	vadd.f32 v2, v7;
	[tilespmem:s30+$0xF450] =	vst v13  }
0xdf: {  	[tilespmem:s30+$0xF470] =	vst v11;
	v19 =	vadd.f32 v6, v19  }
0xe0: {  	[tilespmem:s30+$0xF4F0] =	vst v25;
	v20 =	vadd.f32 v3, v20  }
0xe1: {  	[tilespmem:s30+$0xF4B0] =	vst v19  }
0xe2: {  	[tilespmem:s30+$0xF4D0] =	vst v20  }
0xe3: {  	_ =	swait.ge [sflag:s24], $0x3D00  }
0xe4: {  	[sflag:s24] =	ssyncset.done $0x0  }
0xe5: {  	s30 =	simm.s32 $0x0;
	[sflag:s24] =	ssyncadd.s32 $0xFFFFC300  }
0xe6: {  	v3 =	vmax.f32 v9, v18;
	v2 =	vld [tilespmem:s30+$0x1ABF0]  }
0xe7: {  	v3 =	vmax.f32 v3, v17;
	v4 =	vld [tilespmem:s30+$0x1ABE0]  }
0xe8: {  	v5 =	vmax.f32 v3, v16;
	v3 =	vld [tilespmem:s30+$0x1ABD0]  }
0xe9: {  	v6 =	vmax.f32 v5, v15;
	v5 =	vld [tilespmem:s30+$0x1ABC0]  }
0xea: {  	v7 =	vmax.f32 v6, v14;
	v6 =	vld [tilespmem:s30+$0x1ABB0]  }
0xeb: {  	v8 =	vmax.f32 v7, v13;
	v7 =	vld [tilespmem:s30+$0x1ABA0]  }
0xec: {  	v9 =	vmax.f32 v8, v12;
	v8 =	vld [tilespmem:s30+$0x1AB90]  }
0xed: {  	v15 =	vld [tilespmem:s30+$0x1AB30];
	v11 =	vmax.f32 v9, v11  }
0xee: {  	v16 =	vld [tilespmem:s30+$0x1AB20];
	v11 =	vmax.f32 v11, v10  }
0xef: {  	v17 =	vld [tilespmem:s30+$0x1AB10];
	v12 =	vmax.f32 v11, v22  }
0xf0: {  	v18 =	vld [tilespmem:s30+$0x1AB00];
	v13 =	vmax.f32 v12, v23  }
0xf1: {  	v9 =	vld [tilespmem:s30+$0x1AB80];
	v14 =	vmax.f32 v13, v19  }
0xf2: {  	v10 =	vld [tilespmem:s30+$0x1AB70];
	v14 =	vmax.f32 v14, v24  }
0xf3: {  	v11 =	vld [tilespmem:s30+$0x1AB60];
	v14 =	vmax.f32 v14, v20  }
0xf4: {  	v12 =	vld [tilespmem:s30+$0x1AB50];
	v14 =	vmax.f32 v14, v21  }
0xf5: {  	s31 =	simm.s32 $0x400;
	v13 =	vld [tilespmem:s30+$0x1AB40];
	v14 =	vmax.f32 v14, v25  }
.LBB2_4:
0xf6: {  	p2 =	sne.s32 s31, $0xF000;
	v19 =	vld [tilespmem:s30+$0x13100]  }
0xf7: {  	v20 =	vld [tilespmem:s30+$0x13110]  }
0xf8: {  	v21 =	vld [tilespmem:s30+$0x13120]  }
0xf9: {  	v22 =	vld [tilespmem:s30+$0x13130]  }
0xfa: {  	v23 =	vld [tilespmem:s30+$0x13140]  }
0xfb: {  	v18 =	vadd.f32 v18, v19;
	v19 =	vld [tilespmem:s30+$0x13150]  }
0xfc: {  	v17 =	vadd.f32 v17, v20;
	v20 =	vld [tilespmem:s30+$0x13160]  }
0xfd: {  	[tilespmem:s30+$0x13100] =	vst v18;
	v14 =	vmax.f32 v14, v18;
	v16 =	vadd.f32 v16, v21;
	v18 =	vld [tilespmem:s30+$0x13170]  }
0xfe: {  	[tilespmem:s30+$0x13110] =	vst v17;
	v14 =	vmax.f32 v14, v17;
	v15 =	vadd.f32 v15, v22;
	v17 =	vld [tilespmem:s30+$0x13180]  }
0xff: {  	[tilespmem:s30+$0x13120] =	vst v16;
	v14 =	vmax.f32 v14, v16;
	v13 =	vadd.f32 v13, v23;
	v16 =	vld [tilespmem:s30+$0x13190]  }
0x100: {  	[tilespmem:s30+$0x13130] =	vst v15;
	v14 =	vmax.f32 v14, v15;
	v12 =	vadd.f32 v12, v19;
	v15 =	vld [tilespmem:s30+$0x131A0]  }
0x101: {  	[tilespmem:s30+$0x13140] =	vst v13;
	v13 =	vmax.f32 v14, v13;
	v11 =	vadd.f32 v11, v20;
	v14 =	vld [tilespmem:s30+$0x131B0]  }
0x102: {  	[tilespmem:s30+$0x13150] =	vst v12;
	v12 =	vmax.f32 v13, v12;
	v10 =	vadd.f32 v10, v18;
	v13 =	vld [tilespmem:s30+$0x131C0]  }
0x103: {  	[tilespmem:s30+$0x13160] =	vst v11;
	v11 =	vmax.f32 v12, v11;
	v9 =	vadd.f32 v9, v17;
	v12 =	vld [tilespmem:s30+$0x131D0]  }
0x104: {  	[tilespmem:s30+$0x13170] =	vst v10;
	v10 =	vmax.f32 v11, v10;
	v8 =	vadd.f32 v8, v16;
	v11 =	vld [tilespmem:s30+$0x131E0]  }
0x105: {  	s0 =	sshra.s32 s31, $0x2;
	[tilespmem:s30+$0x13180] =	vst v9;
	v9 =	vmax.f32 v10, v9;
	v7 =	vadd.f32 v7, v15;
	v10 =	vld [tilespmem:s30+$0x131F0]  }
0x106: {  	v15 =	vld [tilespmem:s0+$0x1ABF0];
	[tilespmem:s30+$0x13190] =	vst v8;
	v8 =	vmax.f32 v9, v8;
	v6 =	vadd.f32 v6, v14  }
0x107: {  	v9 =	vld [tilespmem:s0+$0x1ABE0];
	[tilespmem:s30+$0x131A0] =	vst v7;
	v7 =	vmax.f32 v8, v7;
	v8 =	vadd.f32 v5, v13  }
0x108: {  	[tilespmem:s30+$0x131B0] =	vst v6;
	v6 =	vmax.f32 v7, v6;
	v7 =	vadd.f32 v3, v12;
	v3 =	vld [tilespmem:s0+$0x1ABD0]  }
0x109: {  	v5 =	vld [tilespmem:s0+$0x1ABC0];
	[tilespmem:s30+$0x131C0] =	vst v8;
	v8 =	vmax.f32 v6, v8;
	v12 =	vadd.f32 v4, v11  }
0x10a: {  	v6 =	vld [tilespmem:s0+$0x1ABB0];
	[tilespmem:s30+$0x131D0] =	vst v7;
	v8 =	vmax.f32 v8, v7;
	v10 =	vadd.f32 v2, v10  }
0x10b: {  	v7 =	vld [tilespmem:s0+$0x1ABA0];
	[tilespmem:s30+$0x131E0] =	vst v12;
	v11 =	vmax.f32 v8, v12;
	v2 =	vmov v15  }
0x10c: {  	v8 =	vld [tilespmem:s0+$0x1AB90];
	[tilespmem:s30+$0x131F0] =	vst v10;
	v14 =	vmax.f32 v11, v10;
	v4 =	vmov v9;
	s30 =	smov.u32 s0  }
0x10d: {  	v9 =	vld [tilespmem:s30+$0x1AB80]  }
0x10e: {  	v10 =	vld [tilespmem:s30+$0x1AB70]  }
0x10f: {  	v11 =	vld [tilespmem:s30+$0x1AB60]  }
0x110: {  	v12 =	vld [tilespmem:s30+$0x1AB50]  }
.Ltmp1:
0x111: {  	v13 =	vld [tilespmem:s30+$0x1AB40];
	(pc) =	sbr.rel @p2 .LBB2_4-.Ltmp1, $4  }
0x112: {  	v15 =	vld [tilespmem:s30+$0x1AB30]  }
0x113: {  	v16 =	vld [tilespmem:s30+$0x1AB20]  }
0x114: {  	v17 =	vld [tilespmem:s30+$0x1AB10]  }
0x115: {  	s31 =	sadd.s32 $0x400, s31;
	v18 =	vld [tilespmem:s30+$0x1AB00]  }
0x116: {  	v19 =	vld [tilespmem:s30+$0x13100]  }
0x117: {  	v20 =	vld [tilespmem:s30+$0x13110]  }
0x118: {  	v21 =	vld [tilespmem:s30+$0x13120]  }
0x119: {  	v22 =	vld [tilespmem:s30+$0x13130]  }
0x11a: {  	v23 =	vld [tilespmem:s30+$0x13140]  }
0x11b: {  	v57 =	vld [tilespmem:s30+$0x13150];
	v18 =	vadd.f32 v18, v19  }
0x11c: {  	v24 =	vld [tilespmem:s30+$0x13160];
	v17 =	vadd.f32 v17, v20  }
0x11d: {  	v58 =	vld [tilespmem:s30+$0x13170];
	v16 =	vadd.f32 v16, v21;
	[tilespmem:s30+$0x13100] =	vst v18;
	v14 =	vmax.f32 v14, v18  }
0x11e: {  	v59 =	vld [tilespmem:s30+$0x13180];
	v15 =	vadd.f32 v15, v22;
	[tilespmem:s30+$0x13110] =	vst v17;
	v14 =	vmax.f32 v14, v17  }
0x11f: {  	v60 =	vld [tilespmem:s30+$0x13190];
	v13 =	vadd.f32 v13, v23;
	[tilespmem:s30+$0x13120] =	vst v16;
	v14 =	vmax.f32 v14, v16  }
0x120: {  	v61 =	vld [tilespmem:s30+$0x131A0];
	v12 =	vadd.f32 v12, v57;
	[tilespmem:s30+$0x13130] =	vst v15;
	v14 =	vmax.f32 v14, v15  }
0x121: {  	v62 =	vld [tilespmem:s30+$0x131B0];
	v11 =	vadd.f32 v11, v24;
	[tilespmem:s30+$0x13140] =	vst v13;
	v13 =	vmax.f32 v14, v13  }
0x122: {  	v63 =	vld [tilespmem:s30+$0x131C0];
	v10 =	vadd.f32 v10, v58;
	[tilespmem:s30+$0x13150] =	vst v12;
	v12 =	vmax.f32 v13, v12  }
0x123: {  	v9 =	vadd.f32 v9, v59;
	[tilespmem:s30+$0x13160] =	vst v11;
	v14 =	vld [tilespmem:s30+$0x131D0];
	v11 =	vmax.f32 v12, v11  }
0x124: {  	v8 =	vadd.f32 v8, v60;
	[tilespmem:s30+$0x13170] =	vst v10;
	v12 =	vld [tilespmem:s30+$0x131E0];
	v10 =	vmax.f32 v11, v10  }
0x125: {  	v7 =	vadd.f32 v7, v61;
	[tilespmem:s30+$0x13180] =	vst v9;
	v9 =	vmax.f32 v10, v9;
	v10 =	vld [tilespmem:s30+$0x131F0]  }
0x126: {  	v6 =	vadd.f32 v6, v62;
	[tilespmem:s30+$0x13190] =	vst v8;
	v8 =	vmax.f32 v9, v8  }
0x127: {  	v5 =	vadd.f32 v5, v63;
	[tilespmem:s30+$0x131A0] =	vst v7;
	v7 =	vmax.f32 v8, v7  }
0x128: {  	[tilespmem:s30+$0x131B0] =	vst v6;
	v3 =	vadd.f32 v3, v14;
	v6 =	vmax.f32 v7, v6  }
0x129: {  	[tilespmem:s30+$0x131C0] =	vst v5;
	v4 =	vadd.f32 v4, v12;
	v5 =	vmax.f32 v6, v5  }
0x12a: {  	[tilespmem:s30+$0x131D0] =	vst v3;
	v3 =	vmax.f32 v5, v3;
	v2 =	vadd.f32 v2, v10  }
0x12b: {  	[tilespmem:s30+$0x131E0] =	vst v4;
	v3 =	vmax.f32 v3, v4  }
0x12c: {  	[tilespmem:s30+$0x131F0] =	vst v2;
	v2 =	vmax.f32 v3, v2  }
0x12d: {  	s0 =	simm.s32 $0x0;
	[tilespmem:$0x1E900] =	vst v2  }
0x12e: {  	[hbm4b:s12+s0] =	stream.linear.scatter [tilespmem:s19], [sflag:$0x1], $0x7A00, $0x38;
	[tilespmem:$0x1EE70] =	vst v63  }
0x12f: {  	_ = 	snop  }
0x130: {  	[spmem:s13] =	stream.linear.scatter [tilespmem:s25], [sflag:$0x3], $0x10, $0x38;
	[tilespmem:$0x1EE70] =	vst v63  }
0x131: {  	_ =	swait.ge [sflag:s17], $0x10  }
0x132: {  	[sflag:s17] =	ssyncset.done $0x0  }
0x133: {  	[sflag:s17] =	ssyncadd.s32 $0xFFFFFFF0  }
0x134: {  	[bflag:$0x0] =	sbarrier.arrive $0xFFFF  }
0x135: {  	s21 =	rddreg [dreg:$0x4]  }
0x136: {  	[tilespmem:s26], [sflag:$0x3] =	stream.linear.gather [spmem:s21], $0x100, $0x38;
	[tilespmem:$0x1EE70] =	vst v63  }
0x137: {  	_ =	swait.ge [sflag:s17], $0x100  }
0x138: {  	[sflag:s17] =	ssyncset.done $0x0  }
0x139: {  	[sflag:s17] =	ssyncadd.s32 $0xFFFFFF00  }
0x13a: {  	v2 =	vld [tilespmem:$0x1E920]  }
0x13b: {  	v3 =	vld [tilespmem:$0x1E930]  }
0x13c: {  	v4 =	vld [tilespmem:$0x1E940]  }
0x13d: {  	v5 =	vld [tilespmem:$0x1E950]  }
0x13e: {  	v6 =	vld [tilespmem:$0x1E960]  }
0x13f: {  	v7 =	vld [tilespmem:$0x1E970];
	v2 =	vmax.f32 v2, $-3.000000010e+38  }
0x140: {  	v2 =	vmax.f32 v2, v3;
	v3 =	vld [tilespmem:$0x1E980]  }
0x141: {  	v2 =	vmax.f32 v2, v4;
	v4 =	vld [tilespmem:$0x1E990]  }
0x142: {  	v2 =	vmax.f32 v2, v5;
	v5 =	vld [tilespmem:$0x1E9A0]  }
0x143: {  	v2 =	vmax.f32 v2, v6;
	v6 =	vld [tilespmem:$0x1E9B0]  }
0x144: {  	v2 =	vmax.f32 v2, v7;
	v7 =	vld [tilespmem:$0x1E9C0]  }
0x145: {  	v2 =	vmax.f32 v2, v3;
	v3 =	vld [tilespmem:$0x1E9D0]  }
0x146: {  	v2 =	vmax.f32 v2, v4;
	v4 =	vld [tilespmem:$0x1E9E0]  }
0x147: {  	v2 =	vmax.f32 v2, v5;
	v5 =	vld [tilespmem:$0x1E9F0]  }
0x148: {  	v2 =	vmax.f32 v2, v6;
	v6 =	vld [tilespmem:$0x1EA00]  }
0x149: {  	v2 =	vmax.f32 v2, v7;
	v7 =	vld [tilespmem:$0x1EA10]  }
0x14a: {  	v2 =	vmax.f32 v2, v3  }
0x14b: {  	v2 =	vmax.f32 v2, v4  }
0x14c: {  	v2 =	vmax.f32 v2, v5  }
0x14d: {  	v2 =	vmax.f32 v2, v6  }
0x14e: {  	v2 =	vmax.f32 v2, v7  }
0x14f: {  	(xrf0) =	vmax.scan.msk.f32 $0xffff, v2;
	_ =	sdelay $0x5  }
0x150: {  	v2, _, _ =	vpop (xrf0)  }
0x151: {  	_ =	swait.ge [sflag:s23], $0x7A00  }
0x152: {  	[sflag:s23] =	ssyncset.done $0x0  }
0x153: {  	s30 =	simm.s32 $0x0;
	[sflag:s23] =	ssyncadd.s32 $0xFFFF8600  }
0x154: {  	v4 =	vld [tilespmem:s30+$0xF400]  }
0x155: {  	v5 =	vld [tilespmem:s30+$0xF410]  }
0x156: {  	v6 =	vld [tilespmem:s30+$0xF420]  }
0x157: {  	v3 =	vbroadcast v2, $0xF;
	v7 =	vld [tilespmem:s30+$0xF430]  }
0x158: {  	v8 =	vld [tilespmem:s30+$0xF440]  }
0x159: {  	v9 =	vld [tilespmem:s30+$0xF450];
	v4 =	vsub.f32 v4, v3  }
0x15a: {  	v10 =	vld [tilespmem:s30+$0xF460];
	v5 =	vsub.f32 v5, v3  }
0x15b: {  	v11 =	vld [tilespmem:s30+$0xF470];
	v6 =	vsub.f32 v6, v3;
	v4 =	vmul.f32 $1.442695020e+00, v4  }
0x15c: {  	v12 =	vld [tilespmem:s30+$0xF480];
	v7 =	vsub.f32 v7, v3;
	v5 =	vmul.f32 $1.442695020e+00, v5  }
0x15d: {  	v13 =	vld [tilespmem:s30+$0xF490];
	v8 =	vsub.f32 v8, v3;
	v6 =	vmul.f32 $1.442695020e+00, v6;
	(erf) = vpow2.f32 v4  }
0x15e: {  	v9 =	vsub.f32 v9, v3;
	v7 =	vmul.f32 $1.442695020e+00, v7;
	v4 =	vld [tilespmem:s30+$0xF4A0];
	(erf) = vpow2.f32 v5  }
0x15f: {  	v14 =	vmul.f32 $1.442695020e+00, v8;
	v8 =	vsub.f32 v10, v3;
	v5 =	vld [tilespmem:s30+$0xF4B0];
	(erf) = vpow2.f32 v6  }
0x160: {  	v15 =	vmul.f32 $1.442695020e+00, v9;
	v10 =	vsub.f32 v11, v3;
	v6 =	vld [tilespmem:s30+$0xF4C0];
	(erf) = vpow2.f32 v7  }
0x161: {  	v11 =	vsub.f32 v12, v3;
	v9 =	vmul.f32 $1.442695020e+00, v8;
	v8 =	vld [tilespmem:s30+$0xF4D0];
	(erf) = vpow2.f32 v14  }
0x162: {  	s31 =	simm.s32 $0x400;
	v12 =	vsub.f32 v13, v3;
	v10 =	vmul.f32 $1.442695020e+00, v10;
	v7 =	vld [tilespmem:s30+$0xF4E0];
	(erf) = vpow2.f32 v15  }
.LBB2_6:
0x163: {  	p2 =	sne.s32 s31, $0xF000;
	v11 =	vmul.f32 $1.442695020e+00, v11;
	v4 =	vsub.f32 v4, v3;
	v13 =	vld [tilespmem:s30+$0xF4F0];
	(erf) = vpow2.f32 v9  }
0x164: {  	v12 =	vmul.f32 $1.442695020e+00, v12;
	v5 =	vsub.f32 v5, v3;
	(erf) = vpow2.f32 v10  }
0x165: {  	v4 =	vmul.f32 $1.442695020e+00, v4;
	v6 =	vsub.f32 v6, v3;
	(erf) = vpow2.f32 v11  }
0x166: {  	v5 =	vmul.f32 $1.442695020e+00, v5;
	v8 =	vsub.f32 v8, v3;
	v10 =	vpop (erf);
	(erf) = vpow2.f32 v12  }
0x167: {  	s0 =	sshra.s32 s31, $0x2;
	[tilespmem:s30+$0xF400] =	vst v10;
	v6 =	vmul.f32 $1.442695020e+00, v6;
	v7 =	vsub.f32 v7, v3;
	v9 =	vpop (erf);
	(erf) = vpow2.f32 v4  }
0x168: {  	v4 =	vld [tilespmem:s0+$0xF400];
	[tilespmem:s30+$0xF410] =	vst v9;
	v8 =	vmul.f32 $1.442695020e+00, v8;
	v9 =	vsub.f32 v13, v3;
	v10 =	vpop (erf);
	(erf) = vpow2.f32 v5  }
0x169: {  	v5 =	vld [tilespmem:s0+$0xF410];
	[tilespmem:s30+$0xF420] =	vst v10;
	v7 =	vmul.f32 $1.442695020e+00, v7;
	v10 =	vpop (erf);
	(erf) = vpow2.f32 v6  }
0x16a: {  	v6 =	vld [tilespmem:s0+$0xF420];
	[tilespmem:s30+$0xF430] =	vst v10;
	v9 =	vmul.f32 $1.442695020e+00, v9;
	v10 =	vpop (erf);
	(erf) = vpow2.f32 v8  }
0x16b: {  	v8 =	vld [tilespmem:s0+$0xF430];
	[tilespmem:s30+$0xF440] =	vst v10;
	v10 =	vpop (erf);
	(erf) = vpow2.f32 v7  }
0x16c: {  	v7 =	vld [tilespmem:s0+$0xF440];
	[tilespmem:s30+$0xF450] =	vst v10;
	v10 =	vpop (erf);
	(erf) = vpow2.f32 v9  }
0x16d: {  	v4 =	vsub.f32 v4, v3;
	v9 =	vld [tilespmem:s0+$0xF450];
	[tilespmem:s30+$0xF460] =	vst v10;
	v10 =	vpop (erf)  }
0x16e: {  	v5 =	vsub.f32 v5, v3;
	v11 =	vld [tilespmem:s0+$0xF460];
	[tilespmem:s30+$0xF470] =	vst v10;
	v10 =	vpop (erf)  }
0x16f: {  	v4 =	vmul.f32 $1.442695020e+00, v4;
	v6 =	vsub.f32 v6, v3;
	v12 =	vld [tilespmem:s0+$0xF470];
	[tilespmem:s30+$0xF480] =	vst v10;
	v10 =	vpop (erf)  }
0x170: {  	v5 =	vmul.f32 $1.442695020e+00, v5;
	v8 =	vsub.f32 v8, v3;
	v13 =	vld [tilespmem:s0+$0xF480];
	[tilespmem:s30+$0xF490] =	vst v10;
	v10 =	vpop (erf)  }
0x171: {  	v6 =	vmul.f32 $1.442695020e+00, v6;
	v7 =	vsub.f32 v7, v3;
	v14 =	vld [tilespmem:s0+$0xF490];
	(erf) = vpow2.f32 v4;
	[tilespmem:s30+$0xF4A0] =	vst v10;
	v10 =	vpop (erf)  }
.Ltmp2:
0x172: {  	v8 =	vmul.f32 $1.442695020e+00, v8;
	v9 =	vsub.f32 v9, v3;
	v4 =	vld [tilespmem:s0+$0xF4A0];
	(erf) = vpow2.f32 v5;
	[tilespmem:s30+$0xF4B0] =	vst v10;
	v10 =	vpop (erf);
	(pc) =	sbr.rel @p2 .LBB2_6-.Ltmp2, $4  }
0x173: {  	v7 =	vmul.f32 $1.442695020e+00, v7;
	v11 =	vsub.f32 v11, v3;
	v5 =	vld [tilespmem:s0+$0xF4B0];
	(erf) = vpow2.f32 v6;
	[tilespmem:s30+$0xF4C0] =	vst v10;
	v10 =	vpop (erf)  }
0x174: {  	v15 =	vmul.f32 $1.442695020e+00, v9;
	v12 =	vsub.f32 v12, v3;
	v6 =	vld [tilespmem:s0+$0xF4C0];
	(erf) = vpow2.f32 v8;
	[tilespmem:s30+$0xF4D0] =	vst v10;
	v10 =	vpop (erf)  }
0x175: {  	v9 =	vmul.f32 $1.442695020e+00, v11;
	v11 =	vsub.f32 v13, v3;
	v8 =	vld [tilespmem:s0+$0xF4D0];
	(erf) = vpow2.f32 v7;
	[tilespmem:s30+$0xF4E0] =	vst v10;
	v13 =	vpop (erf)  }
0x176: {  	s31 =	sadd.s32 $0x400, s31;
	v10 =	vmul.f32 $1.442695020e+00, v12;
	v12 =	vsub.f32 v14, v3;
	v7 =	vld [tilespmem:s0+$0xF4E0];
	(erf) = vpow2.f32 v15;
	[tilespmem:s30+$0xF4F0] =	vst v13;
	s30 =	smov.u32 s0  }
0x177: {  	_ = 	snop  }
0x178: {  	v11 =	vmul.f32 $1.442695020e+00, v11;
	v4 =	vsub.f32 v4, v3;
	(erf) = vpow2.f32 v9  }
0x179: {  	v13 =	vld [tilespmem:s30+$0xF4F0];
	v9 =	vmul.f32 $1.442695020e+00, v12;
	v5 =	vsub.f32 v5, v3;
	(erf) = vpow2.f32 v10  }
0x17a: {  	v4 =	vmul.f32 $1.442695020e+00, v4;
	v6 =	vsub.f32 v6, v3;
	(erf) = vpow2.f32 v11  }
0x17b: {  	v5 =	vmul.f32 $1.442695020e+00, v5;
	v8 =	vsub.f32 v8, v3;
	v7 =	vsub.f32 v7, v3  }
0x17c: {  	v10 =	vpop (erf);
	(erf) = vpow2.f32 v9;
	v6 =	vmul.f32 $1.442695020e+00, v6  }
0x17d: {  	[tilespmem:s30+$0xF400] =	vst v10;
	v9 =	vpop (erf);
	(erf) = vpow2.f32 v4;
	v4 =	vmul.f32 $1.442695020e+00, v8  }
0x17e: {  	v8 =	vsub.f32 v13, v3;
	[tilespmem:s30+$0xF410] =	vst v9;
	v9 =	vpop (erf);
	(erf) = vpow2.f32 v5  }
0x17f: {  	v5 =	vmul.f32 $1.442695020e+00, v7;
	[tilespmem:s30+$0xF420] =	vst v9;
	v7 =	vpop (erf);
	(erf) = vpow2.f32 v6  }
0x180: {  	v6 =	vmul.f32 $1.442695020e+00, v8;
	[tilespmem:s30+$0xF430] =	vst v7;
	v7 =	vpop (erf);
	(erf) = vpow2.f32 v4  }
0x181: {  	[tilespmem:s30+$0xF440] =	vst v7;
	v4 =	vpop (erf);
	(erf) = vpow2.f32 v5  }
0x182: {  	[tilespmem:s30+$0xF450] =	vst v4;
	v4 =	vpop (erf);
	(erf) = vpow2.f32 v6  }
0x183: {  	[tilespmem:s30+$0xF460] =	vst v4;
	v4 =	vpop (erf)  }
0x184: {  	[tilespmem:s30+$0xF470] =	vst v4;
	v4 =	vpop (erf)  }
0x185: {  	[tilespmem:s30+$0xF480] =	vst v4;
	v4 =	vpop (erf)  }
0x186: {  	[tilespmem:s30+$0xF490] =	vst v4;
	v4 =	vpop (erf)  }
0x187: {  	[tilespmem:s30+$0xF4A0] =	vst v4;
	v4 =	vpop (erf)  }
0x188: {  	[tilespmem:s30+$0xF4B0] =	vst v4;
	v4 =	vpop (erf)  }
0x189: {  	[tilespmem:s30+$0xF4C0] =	vst v4;
	v4 =	vpop (erf)  }
0x18a: {  	[tilespmem:s30+$0xF4D0] =	vst v4;
	v4 =	vpop (erf)  }
0x18b: {  	[tilespmem:s30+$0xF4E0] =	vst v4;
	v4 =	vpop (erf)  }
0x18c: {  	[tilespmem:s30+$0xF4F0] =	vst v4;
	s30 =	simm.s32 $0x0  }
0x18d: {  	[spmem:s2] =	stream.indirect.scatter.add.f32 [tilespmem:s19], [sflag:$0x1], $0x1, s22, s18, $0xb8;
	[tilespmem:$0x1EE70] =	vst v63  }
0x18e: {  	v4 =	vld [tilespmem:s30+$0x13100]  }
0x18f: {  	v5 =	vld [tilespmem:s30+$0x13110]  }
0x190: {  	v6 =	vld [tilespmem:s30+$0x13120]  }
0x191: {  	v7 =	vld [tilespmem:s30+$0x13130]  }
0x192: {  	v8 =	vld [tilespmem:s30+$0x13140]  }
0x193: {  	v9 =	vld [tilespmem:s30+$0x13150];
	v4 =	vsub.f32 v4, v3  }
0x194: {  	v10 =	vld [tilespmem:s30+$0x13160];
	v5 =	vsub.f32 v5, v3  }
0x195: {  	v11 =	vld [tilespmem:s30+$0x13170];
	v6 =	vsub.f32 v6, v3;
	v4 =	vmul.f32 $1.442695020e+00, v4  }
0x196: {  	v12 =	vld [tilespmem:s30+$0x13180];
	v7 =	vsub.f32 v7, v3;
	v5 =	vmul.f32 $1.442695020e+00, v5  }
0x197: {  	v13 =	vld [tilespmem:s30+$0x13190];
	v8 =	vsub.f32 v8, v3;
	v6 =	vmul.f32 $1.442695020e+00, v6;
	(erf) = vpow2.f32 v4  }
0x198: {  	v9 =	vsub.f32 v9, v3;
	v7 =	vmul.f32 $1.442695020e+00, v7;
	v4 =	vld [tilespmem:s30+$0x131A0];
	(erf) = vpow2.f32 v5  }
0x199: {  	v14 =	vmul.f32 $1.442695020e+00, v8;
	v8 =	vsub.f32 v10, v3;
	v5 =	vld [tilespmem:s30+$0x131B0];
	(erf) = vpow2.f32 v6  }
0x19a: {  	v15 =	vmul.f32 $1.442695020e+00, v9;
	v10 =	vsub.f32 v11, v3;
	v6 =	vld [tilespmem:s30+$0x131C0];
	(erf) = vpow2.f32 v7  }
0x19b: {  	v11 =	vsub.f32 v12, v3;
	v9 =	vmul.f32 $1.442695020e+00, v8;
	v8 =	vld [tilespmem:s30+$0x131D0];
	(erf) = vpow2.f32 v14  }
0x19c: {  	s31 =	simm.s32 $0x400;
	v12 =	vsub.f32 v13, v3;
	v10 =	vmul.f32 $1.442695020e+00, v10;
	v7 =	vld [tilespmem:s30+$0x131E0];
	(erf) = vpow2.f32 v15  }
.LBB2_8:
0x19d: {  	p2 =	sne.s32 s31, $0xF000;
	v11 =	vmul.f32 $1.442695020e+00, v11;
	v4 =	vsub.f32 v4, v3;
	v13 =	vld [tilespmem:s30+$0x131F0];
	(erf) = vpow2.f32 v9  }
0x19e: {  	v12 =	vmul.f32 $1.442695020e+00, v12;
	v5 =	vsub.f32 v5, v3;
	(erf) = vpow2.f32 v10  }
0x19f: {  	v4 =	vmul.f32 $1.442695020e+00, v4;
	v6 =	vsub.f32 v6, v3;
	(erf) = vpow2.f32 v11  }
0x1a0: {  	v5 =	vmul.f32 $1.442695020e+00, v5;
	v8 =	vsub.f32 v8, v3;
	v10 =	vpop (erf);
	(erf) = vpow2.f32 v12  }
0x1a1: {  	s0 =	sshra.s32 s31, $0x2;
	[tilespmem:s30+$0x13100] =	vst v10;
	v6 =	vmul.f32 $1.442695020e+00, v6;
	v7 =	vsub.f32 v7, v3;
	v9 =	vpop (erf);
	(erf) = vpow2.f32 v4  }
0x1a2: {  	v4 =	vld [tilespmem:s0+$0x13100];
	[tilespmem:s30+$0x13110] =	vst v9;
	v8 =	vmul.f32 $1.442695020e+00, v8;
	v9 =	vsub.f32 v13, v3;
	v10 =	vpop (erf);
	(erf) = vpow2.f32 v5  }
0x1a3: {  	v5 =	vld [tilespmem:s0+$0x13110];
	[tilespmem:s30+$0x13120] =	vst v10;
	v7 =	vmul.f32 $1.442695020e+00, v7;
	v10 =	vpop (erf);
	(erf) = vpow2.f32 v6  }
0x1a4: {  	v6 =	vld [tilespmem:s0+$0x13120];
	[tilespmem:s30+$0x13130] =	vst v10;
	v9 =	vmul.f32 $1.442695020e+00, v9;
	v10 =	vpop (erf);
	(erf) = vpow2.f32 v8  }
0x1a5: {  	v8 =	vld [tilespmem:s0+$0x13130];
	[tilespmem:s30+$0x13140] =	vst v10;
	v10 =	vpop (erf);
	(erf) = vpow2.f32 v7  }
0x1a6: {  	v7 =	vld [tilespmem:s0+$0x13140];
	[tilespmem:s30+$0x13150] =	vst v10;
	v10 =	vpop (erf);
	(erf) = vpow2.f32 v9  }
0x1a7: {  	v4 =	vsub.f32 v4, v3;
	v9 =	vld [tilespmem:s0+$0x13150];
	[tilespmem:s30+$0x13160] =	vst v10;
	v10 =	vpop (erf)  }
0x1a8: {  	v5 =	vsub.f32 v5, v3;
	v11 =	vld [tilespmem:s0+$0x13160];
	[tilespmem:s30+$0x13170] =	vst v10;
	v10 =	vpop (erf)  }
0x1a9: {  	v4 =	vmul.f32 $1.442695020e+00, v4;
	v6 =	vsub.f32 v6, v3;
	v12 =	vld [tilespmem:s0+$0x13170];
	[tilespmem:s30+$0x13180] =	vst v10;
	v10 =	vpop (erf)  }
0x1aa: {  	v5 =	vmul.f32 $1.442695020e+00, v5;
	v8 =	vsub.f32 v8, v3;
	v13 =	vld [tilespmem:s0+$0x13180];
	[tilespmem:s30+$0x13190] =	vst v10;
	v10 =	vpop (erf)  }
0x1ab: {  	v6 =	vmul.f32 $1.442695020e+00, v6;
	v7 =	vsub.f32 v7, v3;
	v14 =	vld [tilespmem:s0+$0x13190];
	(erf) = vpow2.f32 v4;
	[tilespmem:s30+$0x131A0] =	vst v10;
	v10 =	vpop (erf)  }
.Ltmp3:
0x1ac: {  	v8 =	vmul.f32 $1.442695020e+00, v8;
	v9 =	vsub.f32 v9, v3;
	v4 =	vld [tilespmem:s0+$0x131A0];
	(erf) = vpow2.f32 v5;
	[tilespmem:s30+$0x131B0] =	vst v10;
	v10 =	vpop (erf);
	(pc) =	sbr.rel @p2 .LBB2_8-.Ltmp3, $4  }
0x1ad: {  	v7 =	vmul.f32 $1.442695020e+00, v7;
	v11 =	vsub.f32 v11, v3;
	v5 =	vld [tilespmem:s0+$0x131B0];
	(erf) = vpow2.f32 v6;
	[tilespmem:s30+$0x131C0] =	vst v10;
	v10 =	vpop (erf)  }
0x1ae: {  	v15 =	vmul.f32 $1.442695020e+00, v9;
	v12 =	vsub.f32 v12, v3;
	v6 =	vld [tilespmem:s0+$0x131C0];
	(erf) = vpow2.f32 v8;
	[tilespmem:s30+$0x131D0] =	vst v10;
	v10 =	vpop (erf)  }
0x1af: {  	v9 =	vmul.f32 $1.442695020e+00, v11;
	v11 =	vsub.f32 v13, v3;
	v8 =	vld [tilespmem:s0+$0x131D0];
	(erf) = vpow2.f32 v7;
	[tilespmem:s30+$0x131E0] =	vst v10;
	v13 =	vpop (erf)  }
0x1b0: {  	s31 =	sadd.s32 $0x400, s31;
	v10 =	vmul.f32 $1.442695020e+00, v12;
	v12 =	vsub.f32 v14, v3;
	v7 =	vld [tilespmem:s0+$0x131E0];
	(erf) = vpow2.f32 v15;
	[tilespmem:s30+$0x131F0] =	vst v13;
	s30 =	smov.u32 s0  }
0x1b1: {  	v11 =	vmul.f32 $1.442695020e+00, v11;
	v4 =	vsub.f32 v4, v3;
	v13 =	vld [tilespmem:s30+$0x131F0];
	(erf) = vpow2.f32 v9  }
0x1b2: {  	v43 =	vmul.f32 $1.442695020e+00, v12;
	v5 =	vsub.f32 v5, v3;
	(erf) = vpow2.f32 v10  }
0x1b3: {  	v4 =	vmul.f32 $1.442695020e+00, v4;
	v6 =	vsub.f32 v6, v3;
	(erf) = vpow2.f32 v11  }
0x1b4: {  	v5 =	vmul.f32 $1.442695020e+00, v5;
	v8 =	vsub.f32 v8, v3;
	v44 =	vpop (erf);
	(erf) = vpow2.f32 v43  }
0x1b5: {  	[tilespmem:s30+$0x13100] =	vst v44;
	v6 =	vmul.f32 $1.442695020e+00, v6;
	v7 =	vsub.f32 v7, v3;
	v45 =	vpop (erf);
	(erf) = vpow2.f32 v4  }
0x1b6: {  	[tilespmem:s30+$0x13110] =	vst v45;
	v46 =	vmul.f32 $1.442695020e+00, v8;
	v47 =	vsub.f32 v13, v3;
	v48 =	vpop (erf);
	(erf) = vpow2.f32 v5  }
0x1b7: {  	[tilespmem:s30+$0x13120] =	vst v48;
	v49 =	vmul.f32 $1.442695020e+00, v7;
	v50 =	vpop (erf);
	(erf) = vpow2.f32 v6  }
0x1b8: {  	[tilespmem:s30+$0x13130] =	vst v50;
	v51 =	vmul.f32 $1.442695020e+00, v47;
	v52 =	vpop (erf);
	(erf) = vpow2.f32 v46  }
0x1b9: {  	[tilespmem:s30+$0x13140] =	vst v52;
	v53 =	vpop (erf);
	(erf) = vpow2.f32 v49  }
0x1ba: {  	[tilespmem:s30+$0x13150] =	vst v53;
	v54 =	vpop (erf);
	(erf) = vpow2.f32 v51  }
0x1bb: {  	[tilespmem:s30+$0x13160] =	vst v54;
	v55 =	vpop (erf)  }
0x1bc: {  	[tilespmem:s30+$0x13170] =	vst v55;
	v56 =	vpop (erf)  }
0x1bd: {  	[tilespmem:s30+$0x13180] =	vst v56;
	v57 =	vpop (erf)  }
0x1be: {  	[tilespmem:s30+$0x13190] =	vst v57;
	v58 =	vpop (erf)  }
0x1bf: {  	[tilespmem:s30+$0x131A0] =	vst v58;
	v59 =	vpop (erf)  }
0x1c0: {  	[tilespmem:s30+$0x131B0] =	vst v59;
	v60 =	vpop (erf)  }
0x1c1: {  	[tilespmem:s30+$0x131C0] =	vst v60;
	v61 =	vpop (erf)  }
0x1c2: {  	[tilespmem:s30+$0x131D0] =	vst v61;
	v62 =	vpop (erf)  }
0x1c3: {  	[tilespmem:s30+$0x131E0] =	vst v62;
	v63 =	vpop (erf)  }
0x1c4: {  	[tilespmem:s30+$0x131F0] =	vst v63  }
0x1c5: {  	[spmem:s2] =	stream.indirect.scatter.add.f32 [tilespmem:s20], [sflag:$0x2], $0x1, s28, s18, $0xb8;
	[tilespmem:$0x1EE70] =	vst v63  }
0x1c6: {  	_ =	swait.ge [sflag:s23], $0x3D00  }
0x1c7: {  	[sflag:s23] =	ssyncset.done $0x0  }
0x1c8: {  	[sflag:s23] =	ssyncadd.s32 $0xFFFFC300  }
0x1c9: {  	_ =	swait.ge [sflag:s24], $0x3D00  }
0x1ca: {  	[sflag:s24] =	ssyncset.done $0x0  }
0x1cb: {  	[sflag:s24] =	ssyncadd.s32 $0xFFFFC300  }
0x1cc: {  	v4 =	vld @!p1 [tilespmem:$0x1E880]  }
0x1cd: {  	v5 =	vld @!p1 [tilespmem:$0x1E890]  }
0x1ce: {  	v6 =	vld @!p1 [tilespmem:$0x1E8A0]  }
0x1cf: {  	v7 =	vld @!p1 [tilespmem:$0x1E8B0];
	_ =	sdelay $0x1  }
0x1d0: {  	v4 =	vsub.f32 @!p1 v4, v3  }
0x1d1: {  	v5 =	vsub.f32 @!p1 v5, v3  }
0x1d2: {  	v6 =	vsub.f32 @!p1 v6, v3;
	v4 =	vmul.f32 @!p1 $1.442695020e+00, v4  }
0x1d3: {  	v3 =	vsub.f32 @!p1 v7, v3;
	v5 =	vmul.f32 @!p1 $1.442695020e+00, v5  }
0x1d4: {  	(erf) = vpow2.f32 @!p1 v4;
	v4 =	vmul.f32 @!p1 $1.442695020e+00, v6  }
0x1d5: {  	v3 =	vmul.f32 @!p1 $1.442695020e+00, v3;
	(erf) = vpow2.f32 @!p1 v5  }
0x1d6: {  	(erf) = vpow2.f32 @!p1 v4  }
0x1d7: {  	(erf) = vpow2.f32 @!p1 v3;
	_ =	sdelay $0x5  }
0x1d8: {  	v3 =	vpop @!p1 (erf)  }
0x1d9: {  	[tilespmem:$0x1E880] =	vst @!p1 v3;
	v3 =	vpop @!p1 (erf)  }
0x1da: {  	[tilespmem:$0x1E890] =	vst @!p1 v3;
	v3 =	vpop @!p1 (erf)  }
0x1db: {  	[tilespmem:$0x1E8A0] =	vst @!p1 v3;
	v3 =	vpop @!p1 (erf)  }
0x1dc: {  	s0 =	simm.s32 @!p1 $0x40;
	s3 =	simm.s32 @!p1 $0x1E840;
	s21 =	simm.s32 @!p1 $0x1E880;
	[tilespmem:$0x1E8B0] =	vst @!p1 v3  }
0x1dd: {  	[spmem:s2] =	stream.indirect.scatter.add.f32 @!p1 [tilespmem:s21], [sflag:$0x3], $0x1, s3, s0, $0xb8;
	[tilespmem:$0x1EE70] =	vst v63  }
0x1de: {  	s0 =	simm.s32 @!p1 $0x3  }
0x1df: {  	_ =	swait.ge @!p1 [sflag:s0], $0x40  }
0x1e0: {  	[sflag:s0] =	ssyncset.done @!p1 $0x0  }
0x1e1: {  	[sflag:s0] =	ssyncadd.s32 @!p1 $0xFFFFFFC0  }
0x1e2: {  	s3 =	simm.s32 @!p0 $0x1C03;
	s0 =	sshrl.u32 @!p0 s2, $0x3;
	[bflag:$0x0] =	sbarrier.arrive $0xFFFF  }
0x1e3: {  	[hbm:s14], [sflag:s3] =	dma.local @!p0 [spmem:s0], $0x80  }
0x1e4: {  	v2 =	vadd.f32 @!p0 $0.0e+00, v2;
	s0 =	simm.s32 @!p0 $0x3  }
0x1e5: {  	_ =	swait.ge @!p0 [sflag:s0], $0x80  }
0x1e6: {  	s29 =	sadd.s32 $0x1, s29;
	v2 =	vbroadcast @!p0 v2, $0xF;
	[sflag:s0] =	ssyncset.done @!p0 $0x0  }
0x1e7: {  	p2 =	sne.s32 s29, s16;
	[sflag:s0] =	ssyncadd.s32 @!p0 $0xFFFFFF80  }
.Ltmp4:
0x1e8: {  	s21 =	simm.s32 @!p0 $0x1E900;
	s3 =	simm.s32 @!p0 $0x0;
	[tilespmem:$0x1E900] =	vst @!p0 v2;
	(pc) =	sbr.rel @p2 .LBB2_1-.Ltmp4, $4  }
0x1e9: {  	[hbm4b:s15+s3] =	stream.linear.scatter @!p0 [tilespmem:s21], [sflag:$0x3], $0x10, $0x38;
	[tilespmem:$0x1EE70] =	vst v63  }
0x1ea: {  	_ =	swait.ge @!p0 [sflag:s0], $0x10  }
0x1eb: {  	[sflag:s0] =	ssyncset.done @!p0 $0x0  }
0x1ec: {  	[sflag:s0] =	ssyncadd.s32 @!p0 $0xFFFFFFF0  }
0x1ed: {  	_ =	sfence.sel $0x180000  }
0x1ee: {  	[bflag:$0x0] =	sbarrier.arrive $0xFFFF  }
0x1ef: {  	_ =	strace $0x90000047  }
0x1f0: {  	[bflag:$0x2] =	sbarrier.arrive $0xFFFF  }
0x1f1: {  	s0 =	rddreg [dreg:$0x5]  }
0x1f2: {  	s0 =	sadd.s32 @!p0 $0x100000, s0  }
0x1f3: {  	[sflag:s0] =	ssyncadd.tile.s32 @!p0 $0x1;
	_ =	shalt  }
.Lfunc_end2:
_tile_overlayer_lowered:
.L_overlay_start_2:
0x1f4: {  	(tag) =	ssettag $0x2  }
0x1f5: {  	s0 =	rddreg [dreg:$0x0];
	s2 =	stileid.u32  }
0x1f6: {  	s1 =	rddreg [dreg:$0x1];
	p0 =	sne.s32 s2, $0x0  }
0x1f7: {  	s3 =	rddreg [dreg:$0x2];
	[bflag:$0x3] =	sbarrier.arrive $0xFFFF;
	s2 =	simm.s32 @!p0 $0x1C03  }
0x1f8: {  	[timem:s3], [sflag:s2] =	dma.local @!p0 [hbm:s0], s1  }
0x1f9: {  	s0 =	simm.s32 @!p0 $0x3  }
0x1fa: {  	_ =	swait.ge @!p0 [sflag:s0], s1  }
0x1fb: {  	s1 =	ssub.s32 @!p0 $0x0, s1;
	[sflag:s0] =	ssyncset.done @!p0 $0x0  }
0x1fc: {  	[sflag:s0] =	ssyncadd.s32 @!p0 s1  }
0x1fd: {  	[bflag:$0x3] =	sbarrier.arrive $0xFFFF  }
0x1fe: {  	_ =	shalt  }

// kernel: kernel.7.cloned.1.call-start
scs
__scs_entry_jumppad:
0x0: {  	(pc) =	sbr.rel $0x88, $3  }
0x1: {  	(tag) =	ssettag $0x0;
	lr =	simm.s32 $0x1  }
0x2: {  	[smem:$0x3F9D] =	sst lr;
	_ =	strace $0xD0000000  }
0x3: {  	_ = 	snop  }
0x4: {  	_ = 	snop  }
0x5: {  	_ = 	snop  }
0x6: {  	_ = 	snop  }
0x7: {  	_ = 	snop  }
__scs_overlays_trampoline_lowered:
0x8: {  	[smem:$0x3FAC] =	sst s0  }
0x9: {  	[smem:$0x3FAD] =	sst s1  }
0xa: {  	[smem:$0x3FAE] =	sst s2  }
0xb: {  	[smem:$0x3FAF] =	sst s3  }
0xc: {  	[smem:$0x3FB0] =	sst s4  }
0xd: {  	[smem:$0x3FB1] =	sst s5  }
0xe: {  	[smem:$0x3FB2] =	sst s6  }
0xf: {  	[smem:$0x3FB3] =	sst s7  }
0x10: {  	[smem:$0x3FB4] =	sst s8  }
0x11: {  	[smem:$0x3FB5] =	sst s9;
	s0 =	simm.s32 @!p0 $0x0  }
0x12: {  	s1 =	sld [smem:$0x3F9B];
	s0 =	simm.s32 @p0 $0x1  }
0x13: {  	[smem:$0x3FB6] =	sst s0;
	s0 =	simm.s32 @!p1 $0x0  }
0x14: {  	s2 =	sld [smem:$0x3F9A];
	s0 =	simm.s32 @p1 $0x1  }
0x15: {  	[smem:$0x3FB7] =	sst s0;
	s0 =	simm.s32 @!p2 $0x0  }
0x16: {  	s3 =	sld [smem:$0x3FDB];
	s0 =	simm.s32 @p2 $0x1  }
0x17: {  	s4 =	simm.s32 $0x1BF5;
	[smem:$0x3FB9] =	sst s0  }
0x18: {  	s0 =	sld [smem:$0x3F9C];
	_ =	swait.ge [sflag:s4], $0x0  }
0x19: {  	s7 =	sld [smem:$0x3F9D]  }
0x1a: {  	s8 =	sadd.s32 $0xFFFFE003, lr  }
0x1b: {  	s9 =	sadd.s32 $0xFFFFFEF7, lr;
	s5 =	simm.s32 $0xFFFFFFFF;
	p2 =	slt.u32 s8, $0xFFFFF086  }
0x1c: {  	p1 =	slt.u32 s9, $0xF7A;
	s5 =	simm.s32 @!p2 $0x0  }
0x1d: {  	s5 =	simm.s32 @p1 $0x1;
	p0 =	seq.s32 s7, s2  }
0x1e: {  	s7 =	smul.u32 @!p0 $0xF7A, s2;
	p2 =	seq.s32 @!p0 s5, $0x0  }
0x1f: {  	s9 =	smul.u32 $0xF7A, s1;
	s8 =	simm.s32 @!p0 $0x1BF5;
	p2 =	por !p2, p0  }
0x20: {  	[sflag:s8] =	ssyncset.s32 @!p0 $0xFFFFF086;
	s6 =	sadd.s32 @!p0 s3, s7;
	s7 =	simm.s32 @!p0 $0x108  }
0x21: {  	s3 =	sadd.s32 s3, s9;
	s6 =	sadd.s32 @!p0 $0x88, s6;
	s7 =	simm.s32 @p2 $0x1082  }
0x22: {  	[simem:s7], [sflag:s8] =	dma.local @!p0 [hbm:s6], $0xF7A  }
0x23: {  	s9 =	sor.u32 $0xD0000000, s2;
	s6 =	simm.s32 $0x108;
	_ =	swait.ge @!p0 [sflag:s8], $0x0  }
0x24: {  	s3 =	sadd.s32 $0x88, s3;
	s6 =	simm.s32 @!p1 $0x1082;
	[sflag:s4] =	ssyncset.s32 $0xFFFFF086  }
0x25: {  	[simem:s6], [sflag:s4] =	dma.local [hbm:s3], $0xF7A  }
0x26: {  	[smem:$0x3F9D] =	sst s1;
	(tag) =	ssettag s2;
	_ =	strace s9  }
0x27: {  	s1 =	sld [smem:$0x3FAD]  }
0x28: {  	s2 =	sld [smem:$0x3FAE]  }
0x29: {  	s4 =	sld [smem:$0x3FB0]  }
0x2a: {  	p0 =	seq.s32 s5, $0x0;
	s5 =	sld [smem:$0x3FB1]  }
0x2b: {  	s6 =	sld [smem:$0x3FB2]  }
0x2c: {  	s7 =	sld [smem:$0x3FB3]  }
0x2d: {  	s3 =	simm.s32 $0x108;
	s8 =	sld [smem:$0x3FB4]  }
0x2e: {  	s3 =	simm.s32 @!p0 $0x1082;
	s9 =	sld [smem:$0x3FB5]  }
0x2f: {  	lr =	sadd.s32 s0, s3;
	s0 =	sld [smem:$0x3FAC]  }
0x30: {  	s3 =	sld [smem:$0x3FAF]  }
0x31: {  	[smem:$0x3FB8] =	sst s10  }
0x32: {  	s10 =	sld [smem:$0x3FB6];
	_ =	sdelay $0x3  }
0x33: {  	p0 =	seq.s32 s10, $0x1;
	s10 =	sld [smem:$0x3FB8];
	_ =	sdelay $0x3  }
0x34: {  	[smem:$0x3FB8] =	sst s10  }
0x35: {  	s10 =	sld [smem:$0x3FB7];
	_ =	sdelay $0x3  }
0x36: {  	p1 =	seq.s32 s10, $0x1;
	s10 =	sld [smem:$0x3FB8];
	_ =	sdelay $0x3  }
0x37: {  	[smem:$0x3FB8] =	sst s10  }
0x38: {  	s10 =	sld [smem:$0x3FB9]  }
0x39: {  	_ = 	snop;
	(pc) =	sbr.ind lr, $3  }
0x3a: {  	_ = 	snop  }
0x3b: {  	_ = 	snop  }
0x3c: {  	p2 =	seq.s32 s10, $0x1;
	s10 =	sld [smem:$0x3FB8]  }
0x3d: {  	_ =	shalt  }
0x3e: {  	_ =	shalt  }
0x3f: {  	_ =	shalt  }
0x40: {  	_ =	shalt  }
0x41: {  	_ =	shalt  }
0x42: {  	_ =	shalt  }
0x43: {  	_ =	shalt  }
0x44: {  	_ =	shalt  }
0x45: {  	_ =	shalt  }
0x46: {  	_ =	shalt  }
0x47: {  	_ =	shalt  }
0x48: {  	_ =	shalt  }
0x49: {  	_ =	shalt  }
0x4a: {  	_ =	shalt  }
0x4b: {  	_ =	shalt  }
0x4c: {  	_ =	shalt  }
0x4d: {  	_ =	shalt  }
0x4e: {  	_ =	shalt  }
0x4f: {  	_ =	shalt  }
0x50: {  	_ =	shalt  }
0x51: {  	_ =	shalt  }
0x52: {  	_ =	shalt  }
0x53: {  	_ =	shalt  }
0x54: {  	_ =	shalt  }
0x55: {  	_ =	shalt  }
0x56: {  	_ =	shalt  }
0x57: {  	_ =	shalt  }
0x58: {  	_ =	shalt  }
0x59: {  	_ =	shalt  }
0x5a: {  	_ =	shalt  }
0x5b: {  	_ =	shalt  }
0x5c: {  	_ =	shalt  }
0x5d: {  	_ =	shalt  }
0x5e: {  	_ =	shalt  }
0x5f: {  	_ =	shalt  }
0x60: {  	_ =	shalt  }
0x61: {  	_ =	shalt  }
0x62: {  	_ =	shalt  }
0x63: {  	_ =	shalt  }
0x64: {  	_ =	shalt  }
0x65: {  	_ =	shalt  }
0x66: {  	_ =	shalt  }
0x67: {  	_ =	shalt  }
0x68: {  	_ =	shalt  }
0x69: {  	_ =	shalt  }
0x6a: {  	_ =	shalt  }
0x6b: {  	_ =	shalt  }
0x6c: {  	_ =	shalt  }
0x6d: {  	_ =	shalt  }
0x6e: {  	_ =	shalt  }
0x6f: {  	_ =	shalt  }
0x70: {  	_ =	shalt  }
0x71: {  	_ =	shalt  }
0x72: {  	_ =	shalt  }
0x73: {  	_ =	shalt  }
0x74: {  	_ =	shalt  }
0x75: {  	_ =	shalt  }
0x76: {  	_ =	shalt  }
0x77: {  	_ =	shalt  }
0x78: {  	_ =	shalt  }
0x79: {  	_ =	shalt  }
0x7a: {  	_ =	shalt  }
0x7b: {  	_ =	shalt  }
0x7c: {  	_ =	shalt  }
0x7d: {  	_ =	shalt  }
0x7e: {  	_ =	shalt  }
0x7f: {  	_ =	shalt  }
0x80: {  	_ =	shalt  }
0x81: {  	_ =	shalt  }
0x82: {  	_ =	shalt  }
0x83: {  	_ =	shalt  }
0x84: {  	_ =	shalt  }
0x85: {  	_ =	shalt  }
0x86: {  	_ =	shalt  }
0x87: {  	_ =	shalt  }
.Lfunc_end0:
.L_simem_size_0:
called_computation.1_lowered:
.L_overlay_start_0:
0x88: {  	s2 =	sld [smem:$0x3FD9]  }
0x89: {  	s3 =	sld [smem:$0x3FFE];
	_ =	sdelay $0x1  }
0x8a: {  	s1 =	srdreg.scid  }
0x8b: {  	s0 =	sand.u32 $0x1, s1  }
0x8c: {  	s17 =	sshll.u32 s0, $0xA;
	s2 =	sadd.s32 s3, s2  }
0x8d: {  	s2 =	sadd.s32 s2, s17  }
0x8e: {  	[smem:$0x3FC4] =	sst s2  }
0x8f: {  	_ = 	snop  }
0x90: {  	s2 =	sld [smem:$0x3FD0];
	(tm) =	ssettm $0x1  }
0x91: {  	s18 =	sld [smem:$0x3FFB];
	_ =	sdelay $0x3  }
0x92: {  	_ =	strace s18  }
0x93: {  	s3 =	sld [smem:$0x3FFC];
	_ =	sdelay $0x3  }
0x94: {  	_ =	strace s3  }
0x95: {  	s3 =	sld [smem:$0x3FFD];
	_ =	sdelay $0x3  }
0x96: {  	_ =	strace s3  }
0x97: {  	_ =	strace $0x8FFFFFFF  }
0x98: {  	s19 =	sld [smem:$0x3FDB];
	_ =	sdelay $0x1  }
0x99: {  	s4 =	simm.s32 $_scs_section_size  }
0x9a: {  	s5 =	simm.s32 $_size__tile_overlayer_lowered;
	s6 =	simm.s32 $_tile_overlayer_lowered  }
0x9b: {  	s22 =	simm.s32 $0x1BFF;
	s21 =	sshll.u32 s6, $0x1;
	s3 =	sadd.s32 s4, s19  }
0x9c: {  	s7 =	simm.s32 $0x0;
	s20 =	sshll.u32 s5, $0x1;
	s5 =	sadd.s32 s21, s3  }
0x9d: {  	[timem:s7], [sflag:s22] =	dma.local [hbm:s5], s20  }
0x9e: {  	_ =	swait.ge [sflag:s22], s20  }
0x9f: {  	s4 =	ssub.s32 $0x0, s20;
	[sflag:s22] =	ssyncset.done $0x0  }
0xa0: {  	[sflag:s22] =	ssyncadd.s32 s4;
	_ =	sdelay $0x1  }
0xa1: {  	s23 =	simm.s32 $0x1B8B  }
0xa2: {  	_ =	swait.ge [sflag:s23], $0x1  }
0xa3: {  	[sflag:s23] =	ssyncset.done $0x0  }
0xa4: {  	s25 =	simm.s32 $0x1B8E;
	s24 =	sld [smem:$0x3FFE];
	[sflag:s23] =	ssyncadd.s32 $0xFFFFFFFF  }
0xa5: {  	s26 =	simm.s32 $execute0_lowered;
	[smem:$0x3FD2] =	sst s25  }
0xa6: {  	s5 =	sshll.u32 s26, $0x1;
	_ =	strace $0x80000049;
	[dreg:$0x1] =	wrdreg $0xFFFFFFFF  }
0xa7: {  	s28 =	simm.s32 $_size_execute0_lowered;
	s3 =	sadd.s32 s3, s5;
	[dreg:$0x0] =	wrdreg $0x0  }
0xa8: {  	s5 =	sshll.u32 s28, $0x1;
	[dreg:$0x2] =	wrdreg s3  }
0xa9: {  	[dreg:$0x3] =	wrdreg s5  }
0xaa: {  	[dreg:$0x4] =	wrdreg $0xC0  }
0xab: {  	_ =	task [dreg:s7], $0x5FFFF  }
0xac: {  	[dreg:$0x1] =	wrdreg $0xFFFFFFFF  }
0xad: {  	[dreg:$0x0] =	wrdreg $0x60  }
0xae: {  	[dreg:$0x2] =	wrdreg s24  }
0xaf: {  	[dreg:$0x3] =	wrdreg s2  }
0xb0: {  	[dreg:$0x4] =	wrdreg $0x9  }
0xb1: {  	_ =	task.clear_ibuf [dreg:s7], $0x5FFFF;
	_ =	strace $0x90000049  }
0xb2: {  	s29 =	simm.s32 $0x9;
	_ =	strace $0x8000004B  }
0xb3: {  	_ =	swait.ge [sflag:s29], $0x1  }
0xb4: {  	[sflag:s29] =	ssyncadd.s32 $0xFFFFFFFF  }
0xb5: {  	_ =	strace $0x9000004B  }
0xb6: {  	_ =	sfence  }
0xb7: {  	s30 =	sld [smem:$0x0];
	_ =	sdelay $0x2  }
0xb8: {  	s31 =	sshll.u32 s1, $0xD;
	s1 =	sshrl.u32 s1, $0x2  }
0xb9: {  	s3 =	sand.u32 $0x4000, s31;
	s1 =	sadd.s32 s1, s30  }
0xba: {  	s0 =	sor.u32 s3, s0;
	s1 =	sshll.u32 s1, $0x11  }
0xbb: {  	s0 =	sor.u32 s1, s0  }
0xbc: {  	s0 =	sadd.s32 $0x8F2B, s0  }
0xbd: {  	[sflag:s0] =	ssyncadd.remote.s32 $0x1  }
0xbe: {  	_ =	sfence.sel $0xFFFF  }
0xbf: {  	[dreg:$0x0] =	wrdreg $0xFFFFFFFF;
	(pc) =	sbr.abs _section_cstart, $3  }
0xc0: {  	[dreg:$0x1] =	wrdreg $0xFFFFFFFF  }
0xc1: {  	_ =	task.clear_ibuf [dreg:s7], $0x2FFFF;
	_ =	strace $0x9FFFFFFF  }
0xc2: {  	(tm) =	ssettm $0x7FFFFFFF  }
0xc3: {  	_ =	shalt  }
tec
execute0_lowered:
.L_overlay_start_1:
0x0: {  	(tag) =	ssettag $0x1  }
0x1: {  	s6 =	rddreg [dreg:$0x0]  }
0x2: {  	s10 =	rddreg [dreg:$0x1]  }
0x3: {  	s0 =	rddreg [dreg:$0x2]  }
0x4: {  	s2 =	simm.s32 $0x0;
	s3 =	srdreg.scid;
	s1 =	stileid.u32  }
0x5: {  	s13 =	simm.s32 $0x3;
	s14 =	simm.s32 $0x1840;
	s15 =	simm.s32 $0x2460  }
0x6: {  	s16 =	simm.s32 $0x3CA0;
	s17 =	simm.s32 $0x20;
	s18 =	simm.s32 $0x1  }
0x7: {  	s19 =	simm.s32 $0x2;
	s20 =	simm.s32 $0x820;
	s22 =	simm.s32 $0x6D20  }
0x8: {  	s23 =	simm.s32 $0x40;
	s24 =	simm.s32 $0x6D60;
	s25 =	simm.s32 $0x6DA0  }
0x9: {  	s26 =	simm.s32 $0x6DE0;
	s28 =	simm.s32 $0x0;
	[smem:$0x7FF] =	sst s2  }
0xa: {  	s9 =	sadd.s32 $0x5C200, s6;
	s7 =	sand.u32 $0x1, s3;
	s5 =	sshll.u32 s1, $0x1  }
0xb: {  	s3 =	sadd.s32 $0x3D400, s6;
	s4 =	sadd.s32 $0x1EA00, s6;
	s21 =	sor.u32 s7, s5  }
0xc: {  	_ =	strace $0x8000004A;
	s5 =	sadd.s32 $0x5C000, s6;
	s8 =	smul.u32 $0x308, s21  }
.Ltmp0:
0xd: {  	s7 =	ssub.s32 $0x2, s7;
	s6 =	sadd.s32 $0x5BE00, s6;
	(pc) =	sbr.rel .LBB2_1-.Ltmp0, $4  }
0xe: {  	s11 =	sshrl.u32 s7, $0x1;
	s12 =	sshll.u32 s21, $0x3;
	p0 =	sgt.u32 s21, $0x14  }
0xf: {  	s21 =	simm.s32 $0x54E0;
	s11 =	ssub.s32 s7, s11;
	s12 =	sor.u32 $0x6100, s12  }
0x10: {  	s7 =	sadd.s32 s9, s8;
	s8 =	sadd.s32 s10, s8;
	s9 =	sadd.s32 s9, s12  }
0x11: {  	s10 =	sadd.s32 s10, s12;
	s11 =	smax.u32 s11, $0x1;
	s12 =	simm.s32 $0xC20  }
.LBB2_5:
0x12: {  	s28 =	sadd.s32 $0x1, s28  }
0x13: {  	p1 =	sne.s32 s28, s11  }
.Ltmp1:
0x14: {  	_ = 	snop;
	(pc) =	sbr.rel @!p1 .LBB2_6-.Ltmp1, $1  }
0x15: {  	_ =	sdelay $0x3  }
.LBB2_1:
0x16: {  	[tilespmem:s12], [sflag:$0x3] =	stream.linear.gather [hbm4b:s7+s2], $0x1840, $0x38;
	[tilespmem:$0x6E20] =	vst v63  }
0x17: {  	_ =	swait.ge [sflag:s13], $0x1840  }
0x18: {  	[sflag:s13] =	ssyncset.done $0x0  }
0x19: {  	[sflag:s13] =	ssyncadd.s32 $0xFFFFE7C0  }
0x1a: {  	[tilespmem:s15], [sflag:$0x1] =	stream.indirect.gather [hbm4b:s3+s14], $0x1, s12, s14, $0xb8;
	[tilespmem:$0x6E20] =	vst v63  }
0x1b: {  	_ = 	snop  }
0x1c: {  	[tilespmem:s16], [sflag:$0x2] =	stream.indirect.gather [hbm4b:s4+s14], $0x1, s12, s14, $0xb8;
	[tilespmem:$0x6E20] =	vst v63  }
0x1d: {  	_ = 	snop  }
0x1e: {  	[tilespmem:s2], [sflag:$0x3] =	stream.linear.gather [hbm4b:s5+s2], $0x20, $0x38;
	[tilespmem:$0x6E20] =	vst v63  }
0x1f: {  	_ =	swait.ge [sflag:s13], $0x20  }
0x20: {  	[sflag:s13] =	ssyncset.done $0x0  }
0x21: {  	[sflag:s13] =	ssyncadd.s32 $0xFFFFFFE0  }
0x22: {  	v0 =	vld [tilespmem:$0x0]  }
0x23: {  	v1 =	vld [tilespmem:$0x10];
	_ =	sdelay $0x3  }
0x24: {  	(xrf0) =	vmax.scan.msk.f32 $0xffff, v0  }
0x25: {  	(xrf0) =	vmax.scan.msk.f32 $0xffff, v1;
	_ =	sdelay $0x4  }
0x26: {  	v0, _, _ =	vpop (xrf0)  }
0x27: {  	(v2sf) =	vpush v0, $0xF;
	v0, _, _ =	vpop (xrf0)  }
0x28: {  	(v2sf) =	vpush v0, $0xF;
	_ =	sdelay $0xd  }
0x29: {  	s30 =	spop (v2sf)  }
0x2a: {  	s31 =	spop (v2sf)  }
0x2b: {  	s29 =	smax.f32 s30, s31  }
0x2c: {  	s30 =	ssub.f32 s30, s29  }
0x2d: {  	s31 =	ssub.f32 s31, s29  }
0x2e: {  	v0 =	vmov s30  }
0x2f: {  	v1 =	vmov s31;
	v0 =	vadd.f32 $0.0e+00, v0  }
0x30: {  	v1 =	vadd.f32 $0.0e+00, v1  }
0x31: {  	v0 =	vmul.f32 $1.442695020e+00, v0  }
0x32: {  	v1 =	vmul.f32 $1.442695020e+00, v1  }
0x33: {  	v0 =	vbroadcast v0, $0x0  }
0x34: {  	v1 =	vbroadcast v1, $0x0  }
0x35: {  	(erf) = vpow2.f32 v0  }
0x36: {  	(erf) = vpow2.f32 v1;
	_ =	sdelay $0x7  }
0x37: {  	v0 =	vpop (erf)  }
0x38: {  	[tilespmem:s17], [sflag:$0x3] =	stream.linear.gather [hbm4b:s6+s2], $0x800, $0x38;
	v1 =	vpop (erf);
	[tilespmem:$0x6E20] =	vst v63  }
0x39: {  	_ =	swait.ge [sflag:s13], $0x800  }
0x3a: {  	[sflag:s13] =	ssyncset.done $0x0  }
0x3b: {  	[sflag:s13] =	ssyncadd.s32 $0xFFFFF800  }
0x3c: {  	v3 =	vld [tilespmem:$0x20]  }
0x3d: {  	v4 =	vld [tilespmem:$0x420]  }
0x3e: {  	v7 =	vld [tilespmem:$0x30]  }
0x3f: {  	v8 =	vld [tilespmem:$0x430]  }
0x40: {  	v11 =	vld [tilespmem:$0x40]  }
0x41: {  	v14 =	vld [tilespmem:$0x440]  }
0x42: {  	v17 =	vld [tilespmem:$0x50]  }
0x43: {  	v18 =	vld [tilespmem:$0x450]  }
0x44: {  	v23 =	vld [tilespmem:$0x60]  }
0x45: {  	v24 =	vld [tilespmem:$0x460]  }
0x46: {  	v27 =	vld [tilespmem:$0x70]  }
0x47: {  	v30 =	vld [tilespmem:$0x470]  }
0x48: {  	v33 =	vld [tilespmem:$0x80]  }
0x49: {  	v34 =	vld [tilespmem:$0x480]  }
0x4a: {  	v39 =	vld [tilespmem:$0x90]  }
0x4b: {  	v40 =	vld [tilespmem:$0x490]  }
0x4c: {  	v43 =	vld [tilespmem:$0xA0]  }
0x4d: {  	v44 =	vld [tilespmem:$0x4A0]  }
0x4e: {  	v45 =	vld [tilespmem:$0xB0]  }
0x4f: {  	v46 =	vld [tilespmem:$0x4B0]  }
0x50: {  	v47 =	vld [tilespmem:$0xC0]  }
0x51: {  	v48 =	vld [tilespmem:$0x4C0]  }
0x52: {  	v49 =	vld [tilespmem:$0xD0]  }
0x53: {  	v50 =	vld [tilespmem:$0x4D0]  }
0x54: {  	v2 =	vld [tilespmem:$0x200]  }
0x55: {  	v51 =	vld [tilespmem:$0xE0]  }
0x56: {  	v52 =	vld [tilespmem:$0x4E0]  }
0x57: {  	v53 =	vld [tilespmem:$0xF0]  }
0x58: {  	v54 =	vld [tilespmem:$0x4F0]  }
0x59: {  	[tilespmem:$0x1FF60] =	vst v2;
	v2 =	vld [tilespmem:$0x210]  }
0x5a: {  	v55 =	vld [tilespmem:$0x100]  }
0x5b: {  	v56 =	vld [tilespmem:$0x500]  }
0x5c: {  	v57 =	vld [tilespmem:$0x110]  }
0x5d: {  	v58 =	vld [tilespmem:$0x510]  }
0x5e: {  	[tilespmem:$0x1FF70] =	vst v2;
	v2 =	vld [tilespmem:$0x610]  }
0x5f: {  	v59 =	vld [tilespmem:$0x120]  }
0x60: {  	v60 =	vld [tilespmem:$0x520]  }
0x61: {  	v61 =	vld [tilespmem:$0x130]  }
0x62: {  	v62 =	vld [tilespmem:$0x530]  }
0x63: {  	[tilespmem:$0x1FF80] =	vst v2;
	v2 =	vld [tilespmem:$0x220]  }
0x64: {  	v63 =	vld [tilespmem:$0x140]  }
0x65: {  	v5 =	vld [tilespmem:$0x540]  }
0x66: {  	v9 =	vld [tilespmem:$0x150]  }
0x67: {  	v6 =	vld [tilespmem:$0x550]  }
0x68: {  	[tilespmem:$0x1FF90] =	vst v2;
	v2 =	vld [tilespmem:$0x620]  }
0x69: {  	v12 =	vld [tilespmem:$0x160]  }
0x6a: {  	v10 =	vld [tilespmem:$0x560]  }
0x6b: {  	v15 =	vld [tilespmem:$0x170]  }
0x6c: {  	v13 =	vld [tilespmem:$0x570]  }
0x6d: {  	[tilespmem:$0x1FFA0] =	vst v2;
	v2 =	vld [tilespmem:$0x230]  }
0x6e: {  	v41 =	vld [tilespmem:$0x180]  }
0x6f: {  	v42 =	vld [tilespmem:$0x580]  }
0x70: {  	v37 =	vld [tilespmem:$0x190]  }
0x71: {  	v38 =	vld [tilespmem:$0x590]  }
0x72: {  	[tilespmem:$0x1FFB0] =	vst v2;
	v2 =	vld [tilespmem:$0x630]  }
0x73: {  	v35 =	vld [tilespmem:$0x1A0]  }
0x74: {  	v36 =	vld [tilespmem:$0x5A0]  }
0x75: {  	v31 =	vld [tilespmem:$0x1B0]  }
0x76: {  	v32 =	vld [tilespmem:$0x5B0]  }
0x77: {  	[tilespmem:$0x1FFC0] =	vst v2;
	v2 =	vld [tilespmem:$0x240]  }
0x78: {  	v28 =	vld [tilespmem:$0x1C0]  }
0x79: {  	v29 =	vld [tilespmem:$0x5C0]  }
0x7a: {  	v25 =	vld [tilespmem:$0x1D0]  }
0x7b: {  	v26 =	vld [tilespmem:$0x5D0]  }
0x7c: {  	v21 =	vld [tilespmem:$0x1E0];
	v3 =	vmul.f32 v0, v3;
	[tilespmem:$0x1FFD0] =	vst v2;
	v2 =	vmul.f32 v1, v4  }
0x7d: {  	v22 =	vld [tilespmem:$0x5E0]  }
0x7e: {  	v19 =	vld [tilespmem:$0x1F0];
	v2 =	vadd.f32 v2, v3;
	v3 =	vmul.f32 v11, v0;
	v11 =	vmul.f32 v14, v1  }
0x7f: {  	v20 =	vld [tilespmem:$0x5F0];
	v14 =	vmul.f32 v17, v0;
	v17 =	vmul.f32 v18, v1  }
0x80: {  	v4 =	vld [tilespmem:$0x640];
	v18 =	vmul.f32 v24, v1;
	[tilespmem:$0x820] =	vst v2;
	v2 =	vadd.f32 v11, v3;
	v3 =	vmul.f32 v23, v0  }
0x81: {  	v16 =	vld [tilespmem:$0x600]  }
0x82: {  	v24 =	vld [tilespmem:$0x290];
	[tilespmem:$0x840] =	vst v2;
	v2 =	vadd.f32 v18, v3;
	v3 =	vmul.f32 v33, v0;
	v33 =	vmul.f32 v34, v1  }
0x83: {  	v11 =	vld [tilespmem:$0x660];
	v23 =	vmul.f32 v27, v0  }
0x84: {  	v27 =	vld [tilespmem:$0x690];
	[tilespmem:$0x860] =	vst v2;
	v2 =	vadd.f32 v33, v3;
	v3 =	vmul.f32 v43, v0;
	v43 =	vmul.f32 v44, v1  }
0x85: {  	v30 =	vmul.f32 v30, v1;
	[tilespmem:$0x1FFE0] =	vst v4;
	v4 =	vmul.f32 v0, v7;
	v7 =	vld [tilespmem:$0x250]  }
0x86: {  	v18 =	vld [tilespmem:$0x280];
	[tilespmem:$0x880] =	vst v2;
	v2 =	vadd.f32 v43, v3;
	v3 =	vmul.f32 v47, v0;
	v47 =	vmul.f32 v48, v1  }
0x87: {  	v8 =	vmul.f32 v1, v8;
	v34 =	vadd.f32 v30, v23;
	v23 =	vld [tilespmem:$0x680]  }
0x88: {  	v30 =	vld [tilespmem:$0x2A0];
	[tilespmem:$0x8A0] =	vst v2;
	v2 =	vadd.f32 v47, v3;
	v3 =	vmul.f32 v51, v0;
	v51 =	vmul.f32 v52, v1  }
0x89: {  	v39 =	vmul.f32 v39, v0;
	v40 =	vmul.f32 v40, v1;
	v4 =	vadd.f32 v8, v4;
	v8 =	vld [tilespmem:$0x260]  }
0x8a: {  	v33 =	vld [tilespmem:$0x6A0];
	[tilespmem:$0x8C0] =	vst v2;
	v2 =	vadd.f32 v51, v3;
	v3 =	vmul.f32 v55, v0;
	v55 =	vmul.f32 v56, v1  }
0x8b: {  	v45 =	vmul.f32 v45, v0;
	v46 =	vmul.f32 v46, v1;
	[tilespmem:$0x870] =	vst v34;
	v44 =	vadd.f32 v40, v39;
	v34 =	vld [tilespmem:$0x2B0]  }
0x8c: {  	v39 =	vld [tilespmem:$0x6B0];
	[tilespmem:$0x8E0] =	vst v2;
	v2 =	vadd.f32 v55, v3;
	v3 =	vmul.f32 v59, v0;
	v59 =	vmul.f32 v60, v1  }
0x8d: {  	v49 =	vmul.f32 v49, v0;
	v5 =	vmul.f32 v5, v1;
	v40 =	vld [tilespmem:$0x2C0];
	[tilespmem:$0x830] =	vst v4  }
0x8e: {  	v4 =	vadd.f32 v17, v14;
	v14 =	vld [tilespmem:$0x270];
	[tilespmem:$0x900] =	vst v2;
	v2 =	vadd.f32 v59, v3;
	v3 =	vmul.f32 v63, v0  }
0x8f: {  	v50 =	vmul.f32 v50, v1;
	v53 =	vmul.f32 v53, v0;
	v17 =	vld [tilespmem:$0x670];
	[tilespmem:$0x1FFF0] =	vst v7  }
0x90: {  	v7 =	vld [tilespmem:$0x650];
	v51 =	vmul.f32 v10, v1;
	[tilespmem:$0x920] =	vst v2;
	v2 =	vadd.f32 v5, v3;
	v3 =	vmul.f32 v12, v0  }
0x91: {  	v54 =	vmul.f32 v54, v1;
	v57 =	vmul.f32 v57, v0;
	v48 =	vadd.f32 v46, v45;
	v43 =	vld [tilespmem:$0x6C0]  }
0x92: {  	v46 =	vld [tilespmem:$0x6D0];
	v55 =	vmul.f32 v42, v1;
	[tilespmem:$0x940] =	vst v2;
	v2 =	vadd.f32 v51, v3;
	v3 =	vmul.f32 v41, v0  }
0x93: {  	v58 =	vmul.f32 v58, v1;
	[tilespmem:$0x890] =	vst v44;
	v44 =	vld [tilespmem:$0x2E0];
	v45 =	vmul.f32 v20, v1  }
0x94: {  	v20 =	vld [tilespmem:$0x340];
	v59 =	vmul.f32 v36, v1;
	[tilespmem:$0x960] =	vst v2;
	v2 =	vadd.f32 v55, v3;
	v3 =	vmul.f32 v35, v0  }
0x95: {  	[tilespmem:$0x8B0] =	vst v48;
	v48 =	vmul.f32 v61, v0;
	v47 =	vld [tilespmem:$0x2D0];
	v61 =	vmul.f32 v31, v0;
	v56 =	vadd.f32 v54, v53  }
0x96: {  	v31 =	vld [tilespmem:$0x310];
	v63 =	vmul.f32 v29, v1;
	[tilespmem:$0x980] =	vst v2;
	v2 =	vadd.f32 v59, v3;
	v3 =	vmul.f32 v28, v0  }
0x97: {  	v10 =	vld [tilespmem:$0x6E0];
	v54 =	vmul.f32 v13, v1;
	v60 =	vadd.f32 v58, v57;
	v58 =	vmul.f32 v38, v1  }
0x98: {  	v13 =	vld [tilespmem:$0x6F0];
	v38 =	vmul.f32 v22, v1;
	[tilespmem:$0x9A0] =	vst v2;
	v2 =	vadd.f32 v63, v3;
	v3 =	vmul.f32 v21, v0  }
0x99: {  	v52 =	vadd.f32 v50, v49;
	v49 =	vmul.f32 v62, v1;
	v53 =	vmul.f32 v15, v0;
	v15 =	vld [tilespmem:$0x300]  }
0x9a: {  	v62 =	vmul.f32 v32, v1;
	[tilespmem:$0x9C0] =	vst v2;
	v2 =	vadd.f32 v38, v3;
	v3 =	vld [tilespmem:$0x1FF60]  }
0x9b: {  	v9 =	vmul.f32 v9, v0;
	v50 =	vadd.f32 v49, v48;
	v48 =	vmul.f32 v16, v1;
	v16 =	vld [tilespmem:$0x730]  }
0x9c: {  	v6 =	vmul.f32 v6, v1;
	v32 =	vadd.f32 v62, v61;
	v61 =	vmul.f32 v14, v0;
	v14 =	vld [tilespmem:$0x770]  }
0x9d: {  	v62 =	vmul.f32 v17, v1;
	v17 =	vld [tilespmem:$0x380]  }
0x9e: {  	[tilespmem:$0x8D0] =	vst v52;
	v52 =	vadd.f32 v6, v9;
	v42 =	vmul.f32 v19, v0;
	v19 =	vld [tilespmem:$0x330]  }
0x9f: {  	[tilespmem:$0x930] =	vst v50;
	v50 =	vld [tilespmem:$0x1FF70];
	v3 =	vmul.f32 v3, v0  }
0xa0: {  	[tilespmem:$0x950] =	vst v52;
	v52 =	vld [tilespmem:$0x1FFA0]  }
0xa1: {  	[tilespmem:$0x9E0] =	vst v2;
	v2 =	vadd.f32 v48, v3;
	v3 =	vld [tilespmem:$0x1FF90]  }
0xa2: {  	v22 =	vld [tilespmem:$0x740]  }
0xa3: {  	[tilespmem:$0x8F0] =	vst v56;
	v56 =	vadd.f32 v54, v53;
	v54 =	vld [tilespmem:$0x1FFB0]  }
0xa4: {  	v57 =	vmul.f32 v37, v0;
	v37 =	vmul.f32 v26, v1;
	v26 =	vld [tilespmem:$0x350]  }
0xa5: {  	[tilespmem:$0x9B0] =	vst v32;
	v32 =	vmul.f32 v27, v1;
	v27 =	vld [tilespmem:$0x3A0];
	v36 =	vmul.f32 v25, v0  }
0xa6: {  	v25 =	vld [tilespmem:$0x320];
	v5 =	vmul.f32 v52, v1;
	v3 =	vmul.f32 v3, v0  }
0xa7: {  	[tilespmem:$0x970] =	vst v56;
	v56 =	vld [tilespmem:$0x1FFE0]  }
0xa8: {  	[tilespmem:$0xA00] =	vst v2;
	v2 =	vadd.f32 v5, v3;
	v3 =	vld [tilespmem:$0x1FFD0]  }
0xa9: {  	[tilespmem:$0x910] =	vst v60;
	v60 =	vadd.f32 v58, v57;
	v51 =	vld [tilespmem:$0x1FF80]  }
0xaa: {  	v24 =	vmul.f32 v24, v0;
	[tilespmem:$0x850] =	vst v4;
	v49 =	vadd.f32 v45, v42;
	v29 =	vld [tilespmem:$0x750]  }
0xab: {  	[tilespmem:$0x990] =	vst v60;
	v41 =	vadd.f32 v37, v36;
	v55 =	vld [tilespmem:$0x1FFC0]  }
0xac: {  	v58 =	vld [tilespmem:$0x1FFF0];
	[tilespmem:$0x9F0] =	vst v49;
	v6 =	vmul.f32 v50, v0;
	v37 =	vadd.f32 v32, v24  }
0xad: {  	v45 =	vld [tilespmem:$0x7A0];
	[tilespmem:$0x9D0] =	vst v41;
	v5 =	vmul.f32 v56, v1;
	v3 =	vmul.f32 v3, v0  }
0xae: {  	v12 =	vld [tilespmem:$0x2F0];
	[tilespmem:$0xA90] =	vst v37;
	v9 =	vmul.f32 v51, v1;
	v63 =	vmul.f32 v23, v1;
	v23 =	vadd.f32 v62, v61  }
0xaf: {  	v49 =	vld [tilespmem:$0x3B0];
	v59 =	vmul.f32 v11, v1;
	[tilespmem:$0xA20] =	vst v2;
	v2 =	vadd.f32 v5, v3;
	v3 =	vmul.f32 v8, v0  }
0xb0: {  	v24 =	vld [tilespmem:$0x790];
	v53 =	vadd.f32 v9, v6;
	v6 =	vmul.f32 v54, v0;
	v9 =	vmul.f32 v55, v1;
	[tilespmem:$0xA70] =	vst v23  }
0xb1: {  	v39 =	vmul.f32 v39, v1;
	v28 =	vld [tilespmem:$0x710];
	[tilespmem:$0xA40] =	vst v2;
	v2 =	vadd.f32 v59, v3;
	v3 =	vmul.f32 v18, v0  }
0xb2: {  	v36 =	vmul.f32 v33, v1;
	v33 =	vld [tilespmem:$0x7E0];
	v38 =	vmul.f32 v34, v0;
	[tilespmem:$0xA10] =	vst v53;
	v57 =	vadd.f32 v9, v6  }
0xb3: {  	v7 =	vmul.f32 v7, v1;
	v35 =	vld [tilespmem:$0x700];
	[tilespmem:$0xA60] =	vst v2;
	v2 =	vadd.f32 v63, v3;
	v3 =	vmul.f32 v30, v0  }
0xb4: {  	v42 =	vmul.f32 v47, v0;
	v37 =	vld [tilespmem:$0x3F0];
	v6 =	vmul.f32 v58, v0;
	v41 =	vadd.f32 v39, v38;
	[tilespmem:$0xA30] =	vst v57  }
0xb5: {  	v51 =	vld [tilespmem:$0x7B0];
	[tilespmem:$0xA80] =	vst v2;
	v2 =	vadd.f32 v36, v3;
	v3 =	vmul.f32 v40, v0;
	v40 =	vmul.f32 v43, v1  }
0xb6: {  	v21 =	vld [tilespmem:$0x720];
	v53 =	vmul.f32 v31, v0;
	v54 =	vmul.f32 v28, v1;
	v60 =	vadd.f32 v7, v6;
	[tilespmem:$0xAB0] =	vst v41  }
0xb7: {  	v11 =	vld [tilespmem:$0x370];
	[tilespmem:$0xAA0] =	vst v2;
	v2 =	vadd.f32 v40, v3;
	v3 =	vmul.f32 v44, v0;
	v44 =	vmul.f32 v10, v1  }
0xb8: {  	v47 =	vmul.f32 v12, v0;
	v61 =	vld [tilespmem:$0x3D0];
	v58 =	vadd.f32 v54, v53;
	[tilespmem:$0xA50] =	vst v60;
	v48 =	vmul.f32 v13, v1  }
0xb9: {  	v50 =	vmul.f32 v35, v1;
	v9 =	vld [tilespmem:$0x360];
	[tilespmem:$0xAC0] =	vst v2;
	v2 =	vadd.f32 v44, v3;
	v3 =	vmul.f32 v15, v0  }
0xba: {  	[tilespmem:$0xB10] =	vst v58;
	v52 =	vadd.f32 v48, v47;
	v47 =	vmul.f32 v49, v0;
	v48 =	vmul.f32 v51, v1;
	v8 =	vld [tilespmem:$0x760]  }
0xbb: {  	v55 =	vld [tilespmem:$0x3C0];
	v56 =	vmul.f32 v21, v1;
	[tilespmem:$0xAE0] =	vst v2;
	v2 =	vadd.f32 v50, v3;
	v3 =	vmul.f32 v25, v0  }
0xbc: {  	v28 =	vmul.f32 v26, v0;
	[tilespmem:$0xAF0] =	vst v52;
	v52 =	vadd.f32 v48, v47;
	v18 =	vld [tilespmem:$0x780];
	v30 =	vmul.f32 v29, v1  }
0xbd: {  	v62 =	vmul.f32 v22, v1;
	v23 =	vld [tilespmem:$0x390];
	[tilespmem:$0xB00] =	vst v2;
	v2 =	vadd.f32 v56, v3;
	v3 =	vmul.f32 v20, v0  }
0xbe: {  	v31 =	vld [tilespmem:$0x3E0];
	[tilespmem:$0xBB0] =	vst v52;
	v43 =	vmul.f32 v46, v1;
	v34 =	vadd.f32 v30, v28  }
0xbf: {  	v39 =	vld [tilespmem:$0x7F0];
	v32 =	vmul.f32 v8, v1;
	[tilespmem:$0xB20] =	vst v2;
	v2 =	vadd.f32 v62, v3;
	v3 =	vmul.f32 v9, v0  }
0xc0: {  	v35 =	vmul.f32 v11, v0;
	v57 =	vld [tilespmem:$0x7C0];
	v36 =	vmul.f32 v14, v1;
	v46 =	vadd.f32 v43, v42;
	[tilespmem:$0xB50] =	vst v34  }
0xc1: {  	v63 =	vld [tilespmem:$0x7D0];
	v38 =	vmul.f32 v18, v1;
	[tilespmem:$0xB40] =	vst v2;
	v2 =	vadd.f32 v32, v3;
	v3 =	vmul.f32 v17, v0  }
0xc2: {  	v41 =	vmul.f32 v23, v0;
	v49 =	vld [tilespmem:$0x410];
	v40 =	vadd.f32 v36, v35;
	v42 =	vmul.f32 v24, v1;
	[tilespmem:$0xAD0] =	vst v46  }
0xc3: {  	v43 =	vld [tilespmem:$0x400];
	v44 =	vmul.f32 v45, v1;
	[tilespmem:$0xB60] =	vst v2;
	v2 =	vadd.f32 v38, v3;
	v3 =	vmul.f32 v27, v0  }
0xc4: {  	v60 =	vmul.f32 v16, v1;
	v59 =	vmul.f32 v19, v0;
	v45 =	vld [tilespmem:$0x800];
	[tilespmem:$0xB70] =	vst v40;
	v46 =	vadd.f32 v42, v41  }
0xc5: {  	v51 =	vld [tilespmem:$0x810];
	v50 =	vmul.f32 v57, v1;
	[tilespmem:$0xB80] =	vst v2;
	v2 =	vadd.f32 v44, v3;
	v3 =	vmul.f32 v55, v0  }
0xc6: {  	v53 =	vmul.f32 v61, v0;
	v54 =	vmul.f32 v63, v1;
	v25 =	vadd.f32 v60, v59;
	[tilespmem:$0xB90] =	vst v46  }
0xc7: {  	v55 =	vmul.f32 v33, v1;
	[tilespmem:$0xBA0] =	vst v2;
	v2 =	vadd.f32 v50, v3;
	v3 =	vmul.f32 v31, v0  }
0xc8: {  	v58 =	vmul.f32 v39, v1;
	v57 =	vmul.f32 v37, v0;
	[tilespmem:$0xB30] =	vst v25;
	v56 =	vadd.f32 v54, v53  }
0xc9: {  	v59 =	vmul.f32 v45, v1;
	[tilespmem:$0xBC0] =	vst v2;
	v2 =	vadd.f32 v55, v3;
	v3 =	vmul.f32 v43, v0  }
0xca: {  	v60 =	vadd.f32 v58, v57;
	[tilespmem:$0xBD0] =	vst v56;
	v1 =	vmul.f32 v51, v1;
	v0 =	vmul.f32 v49, v0  }
0xcb: {  	[tilespmem:$0xBE0] =	vst v2;
	v2 =	vadd.f32 v59, v3  }
0xcc: {  	[tilespmem:$0xBF0] =	vst v60;
	v0 =	vadd.f32 v1, v0  }
0xcd: {  	[tilespmem:$0xC00] =	vst v2  }
0xce: {  	[tilespmem:$0xC10] =	vst v0  }
0xcf: {  	_ =	swait.ge [sflag:s18], $0x1840  }
0xd0: {  	[sflag:s18] =	ssyncset.done $0x0  }
0xd1: {  	[sflag:s18] =	ssyncadd.s32 $0xFFFFE7C0  }
0xd2: {  	_ =	swait.ge [sflag:s19], $0x1840  }
0xd3: {  	[sflag:s19] =	ssyncset.done $0x0  }
0xd4: {  	s30 =	simm.s32 $0x0;
	[sflag:s19] =	ssyncadd.s32 $0xFFFFE7C0  }
0xd5: {  	v1 =	vld [tilespmem:s30+$0x3CA0];
	_ =	sdelay $0x2  }
0xd6: {  	v2 =	vld [tilespmem:s30+$0x2460];
	_ =	sdelay $0x3  }
0xd7: {  	v0 =	vmov s29  }
0xd8: {  	v2 =	vsub.f32 v2, v0;
	v1 =	vld.idx.msk [tilespmem:v1+s20+$0x0], $0xffff;
	_ =	sdelay $0x1  }
0xd9: {  	v2 =	vmul.f32 $1.442695020e+00, v2;
	_ =	sdelay $0x1  }
0xda: {  	(erf) = vpow2.f32 v2  }
0xdb: {  	(erf) = vrcp.f32 v1;
	_ =	sdelay $0x7  }
0xdc: {  	v1 =	vpop (erf)  }
0xdd: {  	v2 =	vld [tilespmem:s30+$0x3CB0];
	v3 =	vpop (erf)  }
0xde: {  	v1 =	vmul.f32 v1, v3;
	_ =	sdelay $0x1  }
0xdf: {  	v61 =	vld [tilespmem:s30+$0x2470];
	v3 =	vsub.f32 $1.000000000e+00, v1;
	_ =	sdelay $0x1  }
0xe0: {  	v1 =	vadd.f32 v3, v1;
	_ =	sdelay $0x1  }
0xe1: {  	[tilespmem:s30+$0x54E0] =	vst v1  }
0xe2: {  	v1 =	vld.idx.msk [tilespmem:v2+s20+$0x0], $0xffff;
	v2 =	vsub.f32 v61, v0;
	_ =	sdelay $0x1  }
0xe3: {  	v2 =	vmul.f32 $1.442695020e+00, v2;
	_ =	sdelay $0x1  }
0xe4: {  	(erf) = vpow2.f32 v2  }
0xe5: {  	(erf) = vrcp.f32 v1;
	_ =	sdelay $0x7  }
0xe6: {  	v1 =	vpop (erf)  }
0xe7: {  	v2 =	vld [tilespmem:s30+$0x3CC0];
	v3 =	vpop (erf)  }
0xe8: {  	v1 =	vmul.f32 v1, v3;
	_ =	sdelay $0x1  }
0xe9: {  	v62 =	vld [tilespmem:s30+$0x2480];
	v3 =	vsub.f32 $1.000000000e+00, v1;
	_ =	sdelay $0x1  }
0xea: {  	v1 =	vadd.f32 v3, v1;
	_ =	sdelay $0x1  }
0xeb: {  	[tilespmem:s30+$0x54F0] =	vst v1  }
0xec: {  	v1 =	vld.idx.msk [tilespmem:v2+s20+$0x0], $0xffff;
	v2 =	vsub.f32 v62, v0;
	_ =	sdelay $0x1  }
0xed: {  	v2 =	vmul.f32 $1.442695020e+00, v2;
	_ =	sdelay $0x1  }
0xee: {  	(erf) = vpow2.f32 v2  }
0xef: {  	(erf) = vrcp.f32 v1;
	_ =	sdelay $0x4  }
0xf0: {  	v1 =	vld [tilespmem:s30+$0x2490];
	_ =	sdelay $0x2  }
0xf1: {  	v2 =	vpop (erf)  }
0xf2: {  	v3 =	vld [tilespmem:s30+$0x3CD0];
	v63 =	vpop (erf)  }
0xf3: {  	v1 =	vsub.f32 v1, v0;
	v2 =	vmul.f32 v2, v63;
	_ =	sdelay $0x1  }
0xf4: {  	v1 =	vmul.f32 $1.442695020e+00, v1;
	v4 =	vsub.f32 $1.000000000e+00, v2;
	_ =	sdelay $0x1  }
0xf5: {  	(erf) = vpow2.f32 v1;
	v1 =	vadd.f32 v4, v2;
	_ =	sdelay $0x1  }
0xf6: {  	[tilespmem:s30+$0x5500] =	vst v1  }
0xf7: {  	v1 =	vld.idx.msk [tilespmem:v3+s20+$0x0], $0xffff;
	_ =	sdelay $0x4  }
0xf8: {  	(erf) = vrcp.f32 v1;
	_ =	sdelay $0x7  }
0xf9: {  	s31 =	simm.s32 $0x40;
	s29 =	simm.s32 $0x200;
	v1 =	vpop (erf)  }
.LBB2_2:
0xfa: {  	p1 =	sne.s32 s29, $0x6000;
	v2 =	vld [tilespmem:s31+$0x3CA0];
	v3 =	vpop (erf)  }
0xfb: {  	v1 =	vmul.f32 v1, v3;
	_ =	sdelay $0x1  }
0xfc: {  	v3 =	vsub.f32 $1.000000000e+00, v1  }
0xfd: {  	v4 =	vld [tilespmem:s31+$0x2460]  }
0xfe: {  	v1 =	vadd.f32 v3, v1;
	_ =	sdelay $0x1  }
0xff: {  	[tilespmem:s30+$0x5510] =	vst v1;
	s30 =	smov.u32 s31  }
0x100: {  	v1 =	vld.idx.msk [tilespmem:v2+s20+$0x0], $0xffff  }
0x101: {  	v2 =	vsub.f32 v4, v0;
	_ =	sdelay $0x1  }
0x102: {  	v2 =	vmul.f32 $1.442695020e+00, v2;
	_ =	sdelay $0x1  }
0x103: {  	(erf) = vpow2.f32 v2  }
0x104: {  	(erf) = vrcp.f32 v1;
	_ =	sdelay $0x7  }
0x105: {  	v1 =	vpop (erf)  }
0x106: {  	v2 =	vld [tilespmem:s30+$0x3CB0];
	v3 =	vpop (erf)  }
0x107: {  	v1 =	vmul.f32 v1, v3;
	_ =	sdelay $0x1  }
0x108: {  	v3 =	vsub.f32 $1.000000000e+00, v1  }
0x109: {  	v4 =	vld [tilespmem:s30+$0x2470]  }
0x10a: {  	v1 =	vadd.f32 v3, v1;
	_ =	sdelay $0x1  }
0x10b: {  	[tilespmem:s30+$0x54E0] =	vst v1  }
0x10c: {  	v1 =	vld.idx.msk [tilespmem:v2+s20+$0x0], $0xffff  }
0x10d: {  	v2 =	vsub.f32 v4, v0;
	_ =	sdelay $0x1  }
0x10e: {  	v2 =	vmul.f32 $1.442695020e+00, v2;
	_ =	sdelay $0x1  }
0x10f: {  	(erf) = vpow2.f32 v2  }
0x110: {  	(erf) = vrcp.f32 v1;
	_ =	sdelay $0x7  }
0x111: {  	v1 =	vpop (erf)  }
0x112: {  	v2 =	vld [tilespmem:s30+$0x3CC0];
	v3 =	vpop (erf)  }
0x113: {  	v1 =	vmul.f32 v1, v3;
	_ =	sdelay $0x1  }
0x114: {  	v3 =	vsub.f32 $1.000000000e+00, v1  }
0x115: {  	v4 =	vld [tilespmem:s30+$0x2480]  }
0x116: {  	v1 =	vadd.f32 v3, v1;
	_ =	sdelay $0x1  }
0x117: {  	[tilespmem:s30+$0x54F0] =	vst v1  }
0x118: {  	v1 =	vld.idx.msk [tilespmem:v2+s20+$0x0], $0xffff  }
0x119: {  	v2 =	vsub.f32 v4, v0;
	_ =	sdelay $0x1  }
0x11a: {  	v2 =	vmul.f32 $1.442695020e+00, v2;
	_ =	sdelay $0x1  }
0x11b: {  	(erf) = vpow2.f32 v2  }
0x11c: {  	(erf) = vrcp.f32 v1;
	_ =	sdelay $0x7  }
0x11d: {  	v1 =	vpop (erf)  }
0x11e: {  	v2 =	vld [tilespmem:s30+$0x3CD0];
	v3 =	vpop (erf)  }
0x11f: {  	v1 =	vmul.f32 v1, v3;
	_ =	sdelay $0x1  }
0x120: {  	v3 =	vsub.f32 $1.000000000e+00, v1  }
0x121: {  	v4 =	vld [tilespmem:s30+$0x2490]  }
0x122: {  	v1 =	vadd.f32 v3, v1;
	_ =	sdelay $0x1  }
0x123: {  	[tilespmem:s30+$0x5500] =	vst v1  }
0x124: {  	v1 =	vld.idx.msk [tilespmem:v2+s20+$0x0], $0xffff  }
0x125: {  	v2 =	vsub.f32 v4, v0;
	_ =	sdelay $0x1  }
0x126: {  	v2 =	vmul.f32 $1.442695020e+00, v2;
	_ =	sdelay $0x1  }
0x127: {  	(erf) = vpow2.f32 v2  }
0x128: {  	(erf) = vrcp.f32 v1;
	_ =	sdelay $0x3  }
.Ltmp2:
0x129: {  	(pc) =	sbr.rel @p1 .LBB2_2-.Ltmp2, $2  }
0x12a: {  	_ =	sdelay $0x2  }
0x12b: {  	s31 =	sshra.s32 s29, $0x2;
	s29 =	sadd.s32 $0x100, s29;
	v1 =	vpop (erf)  }
0x12c: {  	v2 =	vld [tilespmem:s31+$0x3CA0];
	v3 =	vpop (erf)  }
0x12d: {  	v1 =	vmul.f32 v1, v3;
	_ =	sdelay $0x1  }
0x12e: {  	v4 =	vld [tilespmem:s31+$0x2460];
	v3 =	vsub.f32 $1.000000000e+00, v1;
	_ =	sdelay $0x1  }
0x12f: {  	v1 =	vadd.f32 v3, v1;
	_ =	sdelay $0x1  }
0x130: {  	[tilespmem:s30+$0x5510] =	vst v1  }
0x131: {  	v1 =	vld.idx.msk [tilespmem:v2+s20+$0x0], $0xffff;
	v2 =	vsub.f32 v4, v0;
	_ =	sdelay $0x1  }
0x132: {  	v2 =	vmul.f32 $1.442695020e+00, v2;
	_ =	sdelay $0x1  }
0x133: {  	(erf) = vpow2.f32 v2  }
0x134: {  	(erf) = vrcp.f32 v1;
	_ =	sdelay $0x7  }
0x135: {  	v1 =	vpop (erf)  }
0x136: {  	v2 =	vld [tilespmem:s31+$0x3CB0];
	v3 =	vpop (erf)  }
0x137: {  	v1 =	vmul.f32 v1, v3;
	_ =	sdelay $0x1  }
0x138: {  	v61 =	vld [tilespmem:s31+$0x2470];
	v3 =	vsub.f32 $1.000000000e+00, v1;
	_ =	sdelay $0x1  }
0x139: {  	v1 =	vadd.f32 v3, v1;
	_ =	sdelay $0x1  }
0x13a: {  	[tilespmem:s31+$0x54E0] =	vst v1  }
0x13b: {  	v1 =	vld.idx.msk [tilespmem:v2+s20+$0x0], $0xffff;
	v2 =	vsub.f32 v61, v0;
	_ =	sdelay $0x1  }
0x13c: {  	v2 =	vmul.f32 $1.442695020e+00, v2;
	_ =	sdelay $0x1  }
0x13d: {  	(erf) = vpow2.f32 v2  }
0x13e: {  	(erf) = vrcp.f32 v1;
	_ =	sdelay $0x7  }
0x13f: {  	v1 =	vpop (erf)  }
0x140: {  	v2 =	vld [tilespmem:s31+$0x3CC0];
	v3 =	vpop (erf)  }
0x141: {  	v1 =	vmul.f32 v1, v3;
	_ =	sdelay $0x1  }
0x142: {  	v62 =	vld [tilespmem:s31+$0x2480];
	v3 =	vsub.f32 $1.000000000e+00, v1;
	_ =	sdelay $0x1  }
0x143: {  	v1 =	vadd.f32 v3, v1;
	_ =	sdelay $0x1  }
0x144: {  	[tilespmem:s31+$0x54F0] =	vst v1  }
0x145: {  	v1 =	vld.idx.msk [tilespmem:v2+s20+$0x0], $0xffff;
	v2 =	vsub.f32 v62, v0;
	_ =	sdelay $0x1  }
0x146: {  	v2 =	vmul.f32 $1.442695020e+00, v2;
	_ =	sdelay $0x1  }
0x147: {  	(erf) = vpow2.f32 v2  }
0x148: {  	(erf) = vrcp.f32 v1;
	_ =	sdelay $0x7  }
0x149: {  	v1 =	vpop (erf)  }
0x14a: {  	v2 =	vld [tilespmem:s31+$0x3CD0];
	v3 =	vpop (erf)  }
0x14b: {  	v1 =	vmul.f32 v1, v3;
	_ =	sdelay $0x1  }
0x14c: {  	v63 =	vld [tilespmem:s31+$0x2490];
	v3 =	vsub.f32 $1.000000000e+00, v1;
	_ =	sdelay $0x1  }
0x14d: {  	v1 =	vadd.f32 v3, v1;
	_ =	sdelay $0x1  }
0x14e: {  	[tilespmem:s31+$0x5500] =	vst v1  }
0x14f: {  	v1 =	vld.idx.msk [tilespmem:v2+s20+$0x0], $0xffff;
	v2 =	vsub.f32 v63, v0;
	_ =	sdelay $0x1  }
0x150: {  	v2 =	vmul.f32 $1.442695020e+00, v2;
	_ =	sdelay $0x1  }
0x151: {  	(erf) = vpow2.f32 v2  }
0x152: {  	(erf) = vrcp.f32 v1;
	_ =	sdelay $0x7  }
0x153: {  	v1 =	vpop (erf)  }
0x154: {  	v2 =	vpop (erf)  }
0x155: {  	v1 =	vmul.f32 v1, v2;
	_ =	sdelay $0x1  }
0x156: {  	v2 =	vsub.f32 $1.000000000e+00, v1;
	_ =	sdelay $0x1  }
0x157: {  	v1 =	vadd.f32 v2, v1;
	_ =	sdelay $0x1  }
.Ltmp3:
0x158: {  	[tilespmem:s31+$0x5510] =	vst v1;
	(pc) =	sbr.rel @p0 .LBB2_5-.Ltmp3, $4  }
0x159: {  	[hbm4b:s8+s2] =	stream.linear.scatter [tilespmem:s21], [sflag:$0x3], $0x1840, $0x38;
	[tilespmem:$0x6E20] =	vst v63  }
0x15a: {  	_ =	swait.ge [sflag:s13], $0x1840  }
0x15b: {  	[sflag:s13] =	ssyncset.done $0x0  }
0x15c: {  	[sflag:s13] =	ssyncadd.s32 $0xFFFFE7C0  }
0x15d: {  	[tilespmem:s22], [sflag:$0x3] =	stream.linear.gather [hbm4b:s9+s2], $0x40, $0x38;
	[tilespmem:$0x6E20] =	vst v63  }
0x15e: {  	_ =	swait.ge [sflag:s13], $0x40  }
0x15f: {  	[sflag:s13] =	ssyncset.done $0x0  }
0x160: {  	[sflag:s13] =	ssyncadd.s32 $0xFFFFFFC0  }
0x161: {  	[tilespmem:s24], [sflag:$0x3] =	stream.indirect.gather [hbm4b:s3+s23], $0x1, s22, s23, $0xb8;
	[tilespmem:$0x6E20] =	vst v63  }
0x162: {  	_ =	swait.ge [sflag:s13], $0x40  }
0x163: {  	[sflag:s13] =	ssyncset.done $0x0  }
0x164: {  	[sflag:s13] =	ssyncadd.s32 $0xFFFFFFC0  }
0x165: {  	[tilespmem:s25], [sflag:$0x3] =	stream.indirect.gather [hbm4b:s4+s23], $0x1, s22, s23, $0xb8;
	[tilespmem:$0x6E20] =	vst v63  }
0x166: {  	_ =	swait.ge [sflag:s13], $0x40  }
0x167: {  	[sflag:s13] =	ssyncset.done $0x0  }
0x168: {  	[sflag:s13] =	ssyncadd.s32 $0xFFFFFFC0  }
0x169: {  	v1 =	vld [tilespmem:$0x6DA0];
	_ =	sdelay $0x2  }
0x16a: {  	v2 =	vld [tilespmem:$0x6D60];
	_ =	sdelay $0x4  }
0x16b: {  	v2 =	vsub.f32 v2, v0;
	v1 =	vld.idx.msk [tilespmem:v1+s20+$0x0], $0xffff;
	_ =	sdelay $0x1  }
0x16c: {  	v2 =	vmul.f32 $1.442695020e+00, v2;
	_ =	sdelay $0x1  }
0x16d: {  	(erf) = vpow2.f32 v2  }
0x16e: {  	(erf) = vrcp.f32 v1;
	_ =	sdelay $0x7  }
0x16f: {  	v51 =	vpop (erf)  }
0x170: {  	v3 =	vld [tilespmem:$0x6DB0];
	v52 =	vpop (erf)  }
0x171: {  	v1 =	vmul.f32 v51, v52;
	_ =	sdelay $0x1  }
0x172: {  	v4 =	vld [tilespmem:$0x6D70];
	v2 =	vsub.f32 $1.000000000e+00, v1;
	_ =	sdelay $0x1  }
0x173: {  	v1 =	vadd.f32 v2, v1;
	_ =	sdelay $0x1  }
0x174: {  	[tilespmem:$0x6DE0] =	vst v1  }
0x175: {  	v53 =	vsub.f32 v4, v0;
	v1 =	vld.idx.msk [tilespmem:v3+s20+$0x0], $0xffff;
	_ =	sdelay $0x1  }
0x176: {  	v2 =	vmul.f32 $1.442695020e+00, v53;
	_ =	sdelay $0x1  }
0x177: {  	(erf) = vpow2.f32 v2  }
0x178: {  	(erf) = vrcp.f32 v1;
	_ =	sdelay $0x7  }
0x179: {  	v54 =	vpop (erf)  }
0x17a: {  	v56 =	vld [tilespmem:$0x6DC0];
	v55 =	vpop (erf)  }
0x17b: {  	v1 =	vmul.f32 v54, v55;
	_ =	sdelay $0x1  }
0x17c: {  	v57 =	vld [tilespmem:$0x6D80];
	v2 =	vsub.f32 $1.000000000e+00, v1;
	_ =	sdelay $0x1  }
0x17d: {  	v1 =	vadd.f32 v2, v1;
	_ =	sdelay $0x1  }
0x17e: {  	[tilespmem:$0x6DF0] =	vst v1  }
0x17f: {  	v58 =	vsub.f32 v57, v0;
	v1 =	vld.idx.msk [tilespmem:v56+s20+$0x0], $0xffff;
	_ =	sdelay $0x1  }
0x180: {  	v2 =	vmul.f32 $1.442695020e+00, v58;
	_ =	sdelay $0x1  }
0x181: {  	(erf) = vpow2.f32 v2  }
0x182: {  	(erf) = vrcp.f32 v1;
	_ =	sdelay $0x7  }
0x183: {  	v59 =	vpop (erf)  }
0x184: {  	v61 =	vld [tilespmem:$0x6DD0];
	v60 =	vpop (erf)  }
0x185: {  	v1 =	vmul.f32 v59, v60;
	_ =	sdelay $0x1  }
0x186: {  	v62 =	vld [tilespmem:$0x6D90];
	v2 =	vsub.f32 $1.000000000e+00, v1;
	_ =	sdelay $0x1  }
0x187: {  	v1 =	vadd.f32 v2, v1;
	_ =	sdelay $0x1  }
0x188: {  	[tilespmem:$0x6E00] =	vst v1  }
0x189: {  	v63 =	vsub.f32 v62, v0;
	v1 =	vld.idx.msk [tilespmem:v61+s20+$0x0], $0xffff;
	_ =	sdelay $0x1  }
0x18a: {  	v0 =	vmul.f32 $1.442695020e+00, v63;
	_ =	sdelay $0x1  }
0x18b: {  	(erf) = vpow2.f32 v0  }
0x18c: {  	(erf) = vrcp.f32 v1;
	_ =	sdelay $0x7  }
0x18d: {  	v0 =	vpop (erf)  }
0x18e: {  	v1 =	vpop (erf)  }
0x18f: {  	v0 =	vmul.f32 v0, v1;
	_ =	sdelay $0x1  }
0x190: {  	v1 =	vsub.f32 $1.000000000e+00, v0;
	_ =	sdelay $0x1  }
0x191: {  	v0 =	vadd.f32 v1, v0;
	_ =	sdelay $0x1  }
.Ltmp4:
0x192: {  	[tilespmem:$0x6E10] =	vst v0;
	(pc) =	sbr.rel .LBB2_5-.Ltmp4, $4  }
0x193: {  	[hbm4b:s10+s2] =	stream.linear.scatter [tilespmem:s26], [sflag:$0x3], $0x40, $0x38;
	[tilespmem:$0x6E20] =	vst v63  }
0x194: {  	_ =	swait.ge [sflag:s13], $0x40  }
0x195: {  	[sflag:s13] =	ssyncset.done $0x0  }
0x196: {  	[sflag:s13] =	ssyncadd.s32 $0xFFFFFFC0  }
.LBB2_6:
0x197: {  	_ =	sfence.sel $0x180000  }
0x198: {  	[bflag:$0x0] =	sbarrier.arrive $0xFFFF  }
0x199: {  	p0 =	sne.s32 s1, $0x0;
	_ =	strace $0x9000004A  }
0x19a: {  	s0 =	sadd.s32 @!p0 $0x100000, s0;
	[bflag:$0x2] =	sbarrier.arrive $0xFFFF  }
0x19b: {  	[sflag:s0] =	ssyncadd.tile.s32 @!p0 $0x1;
	_ =	shalt  }
.Lfunc_end2:
_tile_overlayer_lowered:
.L_overlay_start_2:
0x19c: {  	(tag) =	ssettag $0x2  }
0x19d: {  	s0 =	rddreg [dreg:$0x0];
	s2 =	stileid.u32  }
0x19e: {  	s1 =	rddreg [dreg:$0x1];
	p0 =	sne.s32 s2, $0x0  }
0x19f: {  	s3 =	rddreg [dreg:$0x2];
	[bflag:$0x3] =	sbarrier.arrive $0xFFFF;
	s2 =	simm.s32 @!p0 $0x1C03  }
0x1a0: {  	[timem:s3], [sflag:s2] =	dma.local @!p0 [hbm:s0], s1  }
0x1a1: {  	s0 =	simm.s32 @!p0 $0x3  }
0x1a2: {  	_ =	swait.ge @!p0 [sflag:s0], s1  }
0x1a3: {  	s1 =	ssub.s32 @!p0 $0x0, s1;
	[sflag:s0] =	ssyncset.done @!p0 $0x0  }
0x1a4: {  	[sflag:s0] =	ssyncadd.s32 @!p0 s1  }
0x1a5: {  	[bflag:$0x3] =	sbarrier.arrive $0xFFFF  }
0x1a6: {  	_ =	shalt  }

</sc_bundles>
